<compile_context>
chip_gen: v7x
topology: tpu7x:2x2x1
jax: 0.10.2.dev20260603
libtpu: 0.0.44.dev20260713+nightly
codegen_flags: <defaults>
</compile_context>

<pallas_src>
import functools

import jax
import jax.numpy as jnp
from jax.experimental import pallas as pl
from jax.experimental.pallas import tpu as pltpu
from jax.experimental.pallas import tpu_sc as plsc

_D = 128

_smesh = plsc.ScalarSubcoreMesh(axis_name="c", num_cores=1)


@functools.partial(
    pl.kernel,
    out_type=jax.ShapeDtypeStruct((2, _D), jnp.float32),
    mesh=_smesh,
    scratch_types=[
        pltpu.SMEM((8, _D), jnp.float32),
        pltpu.SMEM((2, _D), jnp.float32),
    ],
)
def _bag_scs(x_hbm, out_hbm, rows_s, out_s):
    pltpu.sync_copy(x_hbm.at[pl.ds(0, 8)], rows_s)
    for i in range(_D):
        r1 = rows_s[1, i]
        r2 = rows_s[2, i]
        r3 = rows_s[3, i]
        r4 = rows_s[4, i]
        t = r1 + r3
        out_s[0, i] = t + r2
        out_s[1, i] = t + r4
    pltpu.sync_copy(out_s, out_hbm)


def kernel(x):
    return _bag_scs(x)

# --- scband reference (transcript-rebuilt; emitter-appended) ---
"""Pipeline reference for scband-model-56547539419613 (READ-ONLY COPY).

The authoritative reference and input builder live on the scoring server;
editing this copy changes nothing except your own understanding.
"""

import jax, jax.numpy as jnp
import numpy as np

_IDX = jnp.array([[1, 3, 2], [1, 4, 3]], dtype=jnp.int64)

def setup_inputs(seed: int = 0) -> dict:
    key = jax.random.key(seed)
    x = jax.random.normal(key, (100000, 128), dtype=jnp.float32)
    return {"x": x}

def reference(x):
    # torch: torch.sum(x[self.idx], dim=1)
    gathered = x[_IDX]  # shape [2, 3, 128]
    return jnp.sum(gathered, axis=1)  # shape [2, 128]

if __name__ == "__main__":
    import jax
    _d = setup_inputs()
    print(jax.jit(kernel)(*tuple(_d.values())))

</pallas_src>

<mosaic_0001>
#map = affine_map<(d0) -> (0, 0)>
module attributes {stable_mosaic.version = 14 : i64} {
  func.func @_bag_scs(%arg0: i32, %arg1: memref<100000x128xf32, #tpu.memory_space<hbm>>, %arg2: memref<2x128xf32, #tpu.memory_space<hbm>>, %arg3: memref<8x128xf32, #tpu.memory_space<smem>>, %arg4: memref<2x128xf32, #tpu.memory_space<smem>>) attributes {dimension_semantics = [#tpu.dimension_semantics<core_parallel>], iteration_bounds = array<i64: 1>, scalar_prefetch = 0 : i64, scratch_operands = 2 : i64, tpu.core_type = #tpu.core_type<sc_scalar_subcore>, window_params = [{transform_indices = #map}, {transform_indices = #map}]} {
    "tpu.region"() ({
      %run_scoped3A = tpu.sem_alloc : memref<!tpu.dma_semaphore, #tpu.memory_space<semaphore_mem>>
      %dma_start3A = arith.constant 0 : i32
      %dma_start3A_4221 = arith.constant 0 : i32
      %dma_start3A_4222 = tpu.memref_slice %arg1[%dma_start3A, %dma_start3A_4221] : memref<100000x128xf32, #tpu.memory_space<hbm>> -> memref<8x128xf32, #tpu.memory_space<hbm>>
      tpu.enqueue_dma source(%dma_start3A_4222 : memref<8x128xf32, #tpu.memory_space<hbm>>) target(%arg3 : memref<8x128xf32, #tpu.memory_space<smem>>) target_semaphore(%run_scoped3A : memref<!tpu.dma_semaphore, #tpu.memory_space<semaphore_mem>>)
      %dma_wait3A = arith.constant 0 : i32
      %dma_wait3A_4223 = arith.constant 0 : i32
      %dma_wait3A_4224 = tpu.memref_slice %arg1[%dma_wait3A, %dma_wait3A_4223] : memref<100000x128xf32, #tpu.memory_space<hbm>> -> memref<8x128xf32, #tpu.memory_space<hbm>>
      tpu.wait_dma2 semaphore(%run_scoped3A : memref<!tpu.dma_semaphore, #tpu.memory_space<semaphore_mem>>) src(%dma_wait3A_4224 : memref<8x128xf32, #tpu.memory_space<hbm>>) dst(%arg3 : memref<8x128xf32, #tpu.memory_space<smem>>)
      tpu.yield
    }) : () -> ()
    %get3A = arith.constant 1 : i32
    %get3A_0 = arith.constant 0 : i32
    %get3A_1 = arith.index_cast %get3A : i32 to index
    %get3A_2 = arith.index_cast %get3A_0 : i32 to index
    %get3A_3 = memref.load %arg3[%get3A_1, %get3A_2] : memref<8x128xf32, #tpu.memory_space<smem>>
    %get3A_4 = arith.constant 2 : i32
    %get3A_5 = arith.constant 0 : i32
    %get3A_6 = arith.index_cast %get3A_4 : i32 to index
    %get3A_7 = arith.index_cast %get3A_5 : i32 to index
    %get3A_8 = memref.load %arg3[%get3A_6, %get3A_7] : memref<8x128xf32, #tpu.memory_space<smem>>
    %get3A_9 = arith.constant 3 : i32
    %get3A_10 = arith.constant 0 : i32
    %get3A_11 = arith.index_cast %get3A_9 : i32 to index
    %get3A_12 = arith.index_cast %get3A_10 : i32 to index
    %get3A_13 = memref.load %arg3[%get3A_11, %get3A_12] : memref<8x128xf32, #tpu.memory_space<smem>>
    %get3A_14 = arith.constant 4 : i32
    %get3A_15 = arith.constant 0 : i32
    %get3A_16 = arith.index_cast %get3A_14 : i32 to index
    %get3A_17 = arith.index_cast %get3A_15 : i32 to index
    %get3A_18 = memref.load %arg3[%get3A_16, %get3A_17] : memref<8x128xf32, #tpu.memory_space<smem>>
    %add3A = arith.addf %get3A_3, %get3A_13 : f32
    %add3A_19 = arith.addf %add3A, %get3A_8 : f32
    %swap3A = arith.constant 0 : i32
    %swap3A_20 = arith.constant 0 : i32
    %swap3A_21 = arith.index_cast %swap3A : i32 to index
    %swap3A_22 = arith.index_cast %swap3A_20 : i32 to index
    %swap3A_23 = memref.load %arg4[%swap3A_21, %swap3A_22] : memref<2x128xf32, #tpu.memory_space<smem>>
    memref.store %add3A_19, %arg4[%swap3A_21, %swap3A_22] : memref<2x128xf32, #tpu.memory_space<smem>>
    %add3A_24 = arith.addf %add3A, %get3A_18 : f32
    %swap3A_25 = arith.constant 1 : i32
    %swap3A_26 = arith.constant 0 : i32
    %swap3A_27 = arith.index_cast %swap3A_25 : i32 to index
    %swap3A_28 = arith.index_cast %swap3A_26 : i32 to index
    %swap3A_29 = memref.load %arg4[%swap3A_27, %swap3A_28] : memref<2x128xf32, #tpu.memory_space<smem>>
    memref.store %add3A_24, %arg4[%swap3A_27, %swap3A_28] : memref<2x128xf32, #tpu.memory_space<smem>>
    %get3A_30 = arith.constant 1 : i32
    %get3A_31 = arith.constant 1 : i32
    %get3A_32 = arith.index_cast %get3A_30 : i32 to index
    %get3A_33 = arith.index_cast %get3A_31 : i32 to index
    %get3A_34 = memref.load %arg3[%get3A_32, %get3A_33] : memref<8x128xf32, #tpu.memory_space<smem>>
    %get3A_35 = arith.constant 2 : i32
    %get3A_36 = arith.constant 1 : i32
    %get3A_37 = arith.index_cast %get3A_35 : i32 to index
    %get3A_38 = arith.index_cast %get3A_36 : i32 to index
    %get3A_39 = memref.load %arg3[%get3A_37, %get3A_38] : memref<8x128xf32, #tpu.memory_space<smem>>
    %get3A_40 = arith.constant 3 : i32
    %get3A_41 = arith.constant 1 : i32
    %get3A_42 = arith.index_cast %get3A_40 : i32 to index
    %get3A_43 = arith.index_cast %get3A_41 : i32 to index
    %get3A_44 = memref.load %arg3[%get3A_42, %get3A_43] : memref<8x128xf32, #tpu.memory_space<smem>>
    %get3A_45 = arith.constant 4 : i32
    %get3A_46 = arith.constant 1 : i32
    %get3A_47 = arith.index_cast %get3A_45 : i32 to index
    %get3A_48 = arith.index_cast %get3A_46 : i32 to index
    %get3A_49 = memref.load %arg3[%get3A_47, %get3A_48] : memref<8x128xf32, #tpu.memory_space<smem>>
    %add3A_50 = arith.addf %get3A_34, %get3A_44 : f32
    %add3A_51 = arith.addf %add3A_50, %get3A_39 : f32
    %swap3A_52 = arith.constant 0 : i32
    %swap3A_53 = arith.constant 1 : i32
    %swap3A_54 = arith.index_cast %swap3A_52 : i32 to index
    %swap3A_55 = arith.index_cast %swap3A_53 : i32 to index
    %swap3A_56 = memref.load %arg4[%swap3A_54, %swap3A_55] : memref<2x128xf32, #tpu.memory_space<smem>>
    memref.store %add3A_51, %arg4[%swap3A_54, %swap3A_55] : memref<2x128xf32, #tpu.memory_space<smem>>
    %add3A_57 = arith.addf %add3A_50, %get3A_49 : f32
    %swap3A_58 = arith.constant 1 : i32
    %swap3A_59 = arith.constant 1 : i32
    %swap3A_60 = arith.index_cast %swap3A_58 : i32 to index
    %swap3A_61 = arith.index_cast %swap3A_59 : i32 to index
    %swap3A_62 = memref.load %arg4[%swap3A_60, %swap3A_61] : memref<2x128xf32, #tpu.memory_space<smem>>
    memref.store %add3A_57, %arg4[%swap3A_60, %swap3A_61] : memref<2x128xf32, #tpu.memory_space<smem>>
    %get3A_63 = arith.constant 1 : i32
    %get3A_64 = arith.constant 2 : i32
    %get3A_65 = arith.index_cast %get3A_63 : i32 to index
    %get3A_66 = arith.index_cast %get3A_64 : i32 to index
    %get3A_67 = memref.load %arg3[%get3A_65, %get3A_66] : memref<8x128xf32, #tpu.memory_space<smem>>
    %get3A_68 = arith.constant 2 : i32
    %get3A_69 = arith.constant 2 : i32
    %get3A_70 = arith.index_cast %get3A_68 : i32 to index
    %get3A_71 = arith.index_cast %get3A_69 : i32 to index
    %get3A_72 = memref.load %arg3[%get3A_70, %get3A_71] : memref<8x128xf32, #tpu.memory_space<smem>>
    %get3A_73 = arith.constant 3 : i32
    %get3A_74 = arith.constant 2 : i32
    %get3A_75 = arith.index_cast %get3A_73 : i32 to index
    %get3A_76 = arith.index_cast %get3A_74 : i32 to index
    %get3A_77 = memref.load %arg3[%get3A_75, %get3A_76] : memref<8x128xf32, #tpu.memory_space<smem>>
    %get3A_78 = arith.constant 4 : i32
    %get3A_79 = arith.constant 2 : i32
    %get3A_80 = arith.index_cast %get3A_78 : i32 to index
    %get3A_81 = arith.index_cast %get3A_79 : i32 to index
    %get3A_82 = memref.load %arg3[%get3A_80, %get3A_81] : memref<8x128xf32, #tpu.memory_space<smem>>
    %add3A_83 = arith.addf %get3A_67, %get3A_77 : f32
    %add3A_84 = arith.addf %add3A_83, %get3A_72 : f32
    %swap3A_85 = arith.constant 0 : i32
    %swap3A_86 = arith.constant 2 : i32
    %swap3A_87 = arith.index_cast %swap3A_85 : i32 to index
    %swap3A_88 = arith.index_cast %swap3A_86 : i32 to index
    %swap3A_89 = memref.load %arg4[%swap3A_87, %swap3A_88] : memref<2x128xf32, #tpu.memory_space<smem>>
    memref.store %add3A_84, %arg4[%swap3A_87, %swap3A_88] : memref<2x128xf32, #tpu.memory_space<smem>>
    %add3A_90 = arith.addf %add3A_83, %get3A_82 : f32
    %swap3A_91 = arith.constant 1 : i32
    %swap3A_92 = arith.constant 2 : i32
    %swap3A_93 = arith.index_cast %swap3A_91 : i32 to index
    %swap3A_94 = arith.index_cast %swap3A_92 : i32 to index
    %swap3A_95 = memref.load %arg4[%swap3A_93, %swap3A_94] : memref<2x128xf32, #tpu.memory_space<smem>>
    memref.store %add3A_90, %arg4[%swap3A_93, %swap3A_94] : memref<2x128xf32, #tpu.memory_space<smem>>
    %get3A_96 = arith.constant 1 : i32
    %get3A_97 = arith.constant 3 : i32
    %get3A_98 = arith.index_cast %get3A_96 : i32 to index
    %get3A_99 = arith.index_cast %get3A_97 : i32 to index
    %get3A_100 = memref.load %arg3[%get3A_98, %get3A_99] : memref<8x128xf32, #tpu.memory_space<smem>>
    %get3A_101 = arith.constant 2 : i32
    %get3A_102 = arith.constant 3 : i32
    %get3A_103 = arith.index_cast %get3A_101 : i32 to index
    %get3A_104 = arith.index_cast %get3A_102 : i32 to index
    %get3A_105 = memref.load %arg3[%get3A_103, %get3A_104] : memref<8x128xf32, #tpu.memory_space<smem>>
    %get3A_106 = arith.constant 3 : i32
    %get3A_107 = arith.constant 3 : i32
    %get3A_108 = arith.index_cast %get3A_106 : i32 to index
    %get3A_109 = arith.index_cast %get3A_107 : i32 to index
    %get3A_110 = memref.load %arg3[%get3A_108, %get3A_109] : memref<8x128xf32, #tpu.memory_space<smem>>
    %get3A_111 = arith.constant 4 : i32
    %get3A_112 = arith.constant 3 : i32
    %get3A_113 = arith.index_cast %get3A_111 : i32 to index
    %get3A_114 = arith.index_cast %get3A_112 : i32 to index
    %get3A_115 = memref.load %arg3[%get3A_113, %get3A_114] : memref<8x128xf32, #tpu.memory_space<smem>>
    %add3A_116 = arith.addf %get3A_100, %get3A_110 : f32
    %add3A_117 = arith.addf %add3A_116, %get3A_105 : f32
    %swap3A_118 = arith.constant 0 : i32
    %swap3A_119 = arith.constant 3 : i32
    %swap3A_120 = arith.index_cast %swap3A_118 : i32 to index
    %swap3A_121 = arith.index_cast %swap3A_119 : i32 to index
    %swap3A_122 = memref.load %arg4[%swap3A_120, %swap3A_121] : memref<2x128xf32, #tpu.memory_space<smem>>
    memref.store %add3A_117, %arg4[%swap3A_120, %swap3A_121] : memref<2x128xf32, #tpu.memory_space<smem>>
    %add3A_123 = arith.addf %add3A_116, %get3A_115 : f32
    %swap3A_124 = arith.constant 1 : i32
    %swap3A_125 = arith.constant 3 : i32
    %swap3A_126 = arith.index_cast %swap3A_124 : i32 to index
    %swap3A_127 = arith.index_cast %swap3A_125 : i32 to index
    %swap3A_128 = memref.load %arg4[%swap3A_126, %swap3A_127] : memref<2x128xf32, #tpu.memory_space<smem>>
    memref.store %add3A_123, %arg4[%swap3A_126, %swap3A_127] : memref<2x128xf32, #tpu.memory_space<smem>>
    %get3A_129 = arith.constant 1 : i32
    %get3A_130 = arith.constant 4 : i32
    %get3A_131 = arith.index_cast %get3A_129 : i32 to index
    %get3A_132 = arith.index_cast %get3A_130 : i32 to index
    %get3A_133 = memref.load %arg3[%get3A_131, %get3A_132] : memref<8x128xf32, #tpu.memory_space<smem>>
    %get3A_134 = arith.constant 2 : i32
    %get3A_135 = arith.constant 4 : i32
    %get3A_136 = arith.index_cast %get3A_134 : i32 to index
    %get3A_137 = arith.index_cast %get3A_135 : i32 to index
    %get3A_138 = memref.load %arg3[%get3A_136, %get3A_137] : memref<8x128xf32, #tpu.memory_space<smem>>
    %get3A_139 = arith.constant 3 : i32
    %get3A_140 = arith.constant 4 : i32
    %get3A_141 = arith.index_cast %get3A_139 : i32 to index
    %get3A_142 = arith.index_cast %get3A_140 : i32 to index
    %get3A_143 = memref.load %arg3[%get3A_141, %get3A_142] : memref<8x128xf32, #tpu.memory_space<smem>>
    %get3A_144 = arith.constant 4 : i32
    %get3A_145 = arith.constant 4 : i32
    %get3A_146 = arith.index_cast %get3A_144 : i32 to index
    %get3A_147 = arith.index_cast %get3A_145 : i32 to index
    %get3A_148 = memref.load %arg3[%get3A_146, %get3A_147] : memref<8x128xf32, #tpu.memory_space<smem>>
    %add3A_149 = arith.addf %get3A_133, %get3A_143 : f32
    %add3A_150 = arith.addf %add3A_149, %get3A_138 : f32
    %swap3A_151 = arith.constant 0 : i32
    %swap3A_152 = arith.constant 4 : i32
    %swap3A_153 = arith.index_cast %swap3A_151 : i32 to index
    %swap3A_154 = arith.index_cast %swap3A_152 : i32 to index
    %swap3A_155 = memref.load %arg4[%swap3A_153, %swap3A_154] : memref<2x128xf32, #tpu.memory_space<smem>>
    memref.store %add3A_150, %arg4[%swap3A_153, %swap3A_154] : memref<2x128xf32, #tpu.memory_space<smem>>
    %add3A_156 = arith.addf %add3A_149, %get3A_148 : f32
    %swap3A_157 = arith.constant 1 : i32
    %swap3A_158 = arith.constant 4 : i32
    %swap3A_159 = arith.index_cast %swap3A_157 : i32 to index
    %swap3A_160 = arith.index_cast %swap3A_158 : i32 to index
    %swap3A_161 = memref.load %arg4[%swap3A_159, %swap3A_160] : memref<2x128xf32, #tpu.memory_space<smem>>
    memref.store %add3A_156, %arg4[%swap3A_159, %swap3A_160] : memref<2x128xf32, #tpu.memory_space<smem>>
    %get3A_162 = arith.constant 1 : i32
    %get3A_163 = arith.constant 5 : i32
    %get3A_164 = arith.index_cast %get3A_162 : i32 to index
    %get3A_165 = arith.index_cast %get3A_163 : i32 to index
    %get3A_166 = memref.load %arg3[%get3A_164, %get3A_165] : memref<8x128xf32, #tpu.memory_space<smem>>
    %get3A_167 = arith.constant 2 : i32
    %get3A_168 = arith.constant 5 : i32
    %get3A_169 = arith.index_cast %get3A_167 : i32 to index
    %get3A_170 = arith.index_cast %get3A_168 : i32 to index
    %get3A_171 = memref.load %arg3[%get3A_169, %get3A_170] : memref<8x128xf32, #tpu.memory_space<smem>>
    %get3A_172 = arith.constant 3 : i32
    %get3A_173 = arith.constant 5 : i32
    %get3A_174 = arith.index_cast %get3A_172 : i32 to index
    %get3A_175 = arith.index_cast %get3A_173 : i32 to index
    %get3A_176 = memref.load %arg3[%get3A_174, %get3A_175] : memref<8x128xf32, #tpu.memory_space<smem>>
    %get3A_177 = arith.constant 4 : i32
    %get3A_178 = arith.constant 5 : i32
    %get3A_179 = arith.index_cast %get3A_177 : i32 to index
    %get3A_180 = arith.index_cast %get3A_178 : i32 to index
    %get3A_181 = memref.load %arg3[%get3A_179, %get3A_180] : memref<8x128xf32, #tpu.memory_space<smem>>
    %add3A_182 = arith.addf %get3A_166, %get3A_176 : f32
    %add3A_183 = arith.addf %add3A_182, %get3A_171 : f32
    %swap3A_184 = arith.constant 0 : i32
    %swap3A_185 = arith.constant 5 : i32
    %swap3A_186 = arith.index_cast %swap3A_184 : i32 to index
    %swap3A_187 = arith.index_cast %swap3A_185 : i32 to index
    %swap3A_188 = memref.load %arg4[%swap3A_186, %swap3A_187] : memref<2x128xf32, #tpu.memory_space<smem>>
    memref.store %add3A_183, %arg4[%swap3A_186, %swap3A_187] : memref<2x128xf32, #tpu.memory_space<smem>>
    %add3A_189 = arith.addf %add3A_182, %get3A_181 : f32
    %swap3A_190 = arith.constant 1 : i32
    %swap3A_191 = arith.constant 5 : i32
    %swap3A_192 = arith.index_cast %swap3A_190 : i32 to index
    %swap3A_193 = arith.index_cast %swap3A_191 : i32 to index
    %swap3A_194 = memref.load %arg4[%swap3A_192, %swap3A_193] : memref<2x128xf32, #tpu.memory_space<smem>>
    memref.store %add3A_189, %arg4[%swap3A_192, %swap3A_193] : memref<2x128xf32, #tpu.memory_space<smem>>
    %get3A_195 = arith.constant 1 : i32
    %get3A_196 = arith.constant 6 : i32
    %get3A_197 = arith.index_cast %get3A_195 : i32 to index
    %get3A_198 = arith.index_cast %get3A_196 : i32 to index
    %get3A_199 = memref.load %arg3[%get3A_197, %get3A_198] : memref<8x128xf32, #tpu.memory_space<smem>>
    %get3A_200 = arith.constant 2 : i32
    %get3A_201 = arith.constant 6 : i32
    %get3A_202 = arith.index_cast %get3A_200 : i32 to index
    %get3A_203 = arith.index_cast %get3A_201 : i32 to index
    %get3A_204 = memref.load %arg3[%get3A_202, %get3A_203] : memref<8x128xf32, #tpu.memory_space<smem>>
    %get3A_205 = arith.constant 3 : i32
    %get3A_206 = arith.constant 6 : i32
    %get3A_207 = arith.index_cast %get3A_205 : i32 to index
    %get3A_208 = arith.index_cast %get3A_206 : i32 to index
    %get3A_209 = memref.load %arg3[%get3A_207, %get3A_208] : memref<8x128xf32, #tpu.memory_space<smem>>
    %get3A_210 = arith.constant 4 : i32
    %get3A_211 = arith.constant 6 : i32
    %get3A_212 = arith.index_cast %get3A_210 : i32 to index
    %get3A_213 = arith.index_cast %get3A_211 : i32 to index
    %get3A_214 = memref.load %arg3[%get3A_212, %get3A_213] : memref<8x128xf32, #tpu.memory_space<smem>>
    %add3A_215 = arith.addf %get3A_199, %get3A_209 : f32
    %add3A_216 = arith.addf %add3A_215, %get3A_204 : f32
    %swap3A_217 = arith.constant 0 : i32
    %swap3A_218 = arith.constant 6 : i32
    %swap3A_219 = arith.index_cast %swap3A_217 : i32 to index
    %swap3A_220 = arith.index_cast %swap3A_218 : i32 to index
    %swap3A_221 = memref.load %arg4[%swap3A_219, %swap3A_220] : memref<2x128xf32, #tpu.memory_space<smem>>
    memref.store %add3A_216, %arg4[%swap3A_219, %swap3A_220] : memref<2x128xf32, #tpu.memory_space<smem>>
    %add3A_222 = arith.addf %add3A_215, %get3A_214 : f32
    %swap3A_223 = arith.constant 1 : i32
    %swap3A_224 = arith.constant 6 : i32
    %swap3A_225 = arith.index_cast %swap3A_223 : i32 to index
    %swap3A_226 = arith.index_cast %swap3A_224 : i32 to index
    %swap3A_227 = memref.load %arg4[%swap3A_225, %swap3A_226] : memref<2x128xf32, #tpu.memory_space<smem>>
    memref.store %add3A_222, %arg4[%swap3A_225, %swap3A_226] : memref<2x128xf32, #tpu.memory_space<smem>>
    %get3A_228 = arith.constant 1 : i32
    %get3A_229 = arith.constant 7 : i32
    %get3A_230 = arith.index_cast %get3A_228 : i32 to index
    %get3A_231 = arith.index_cast %get3A_229 : i32 to index
    %get3A_232 = memref.load %arg3[%get3A_230, %get3A_231] : memref<8x128xf32, #tpu.memory_space<smem>>
    %get3A_233 = arith.constant 2 : i32
    %get3A_234 = arith.constant 7 : i32
    %get3A_235 = arith.index_cast %get3A_233 : i32 to index
    %get3A_236 = arith.index_cast %get3A_234 : i32 to index
    %get3A_237 = memref.load %arg3[%get3A_235, %get3A_236] : memref<8x128xf32, #tpu.memory_space<smem>>
    %get3A_238 = arith.constant 3 : i32
    %get3A_239 = arith.constant 7 : i32
    %get3A_240 = arith.index_cast %get3A_238 : i32 to index
    %get3A_241 = arith.index_cast %get3A_239 : i32 to index
    %get3A_242 = memref.load %arg3[%get3A_240, %get3A_241] : memref<8x128xf32, #tpu.memory_space<smem>>
    %get3A_243 = arith.constant 4 : i32
    %get3A_244 = arith.constant 7 : i32
    %get3A_245 = arith.index_cast %get3A_243 : i32 to index
    %get3A_246 = arith.index_cast %get3A_244 : i32 to index
    %get3A_247 = memref.load %arg3[%get3A_245, %get3A_246] : memref<8x128xf32, #tpu.memory_space<smem>>
    %add3A_248 = arith.addf %get3A_232, %get3A_242 : f32
    %add3A_249 = arith.addf %add3A_248, %get3A_237 : f32
    %swap3A_250 = arith.constant 0 : i32
    %swap3A_251 = arith.constant 7 : i32
    %swap3A_252 = arith.index_cast %swap3A_250 : i32 to index
    %swap3A_253 = arith.index_cast %swap3A_251 : i32 to index
    %swap3A_254 = memref.load %arg4[%swap3A_252, %swap3A_253] : memref<2x128xf32, #tpu.memory_space<smem>>
    memref.store %add3A_249, %arg4[%swap3A_252, %swap3A_253] : memref<2x128xf32, #tpu.memory_space<smem>>
    %add3A_255 = arith.addf %add3A_248, %get3A_247 : f32
    %swap3A_256 = arith.constant 1 : i32
    %swap3A_257 = arith.constant 7 : i32
    %swap3A_258 = arith.index_cast %swap3A_256 : i32 to index
    %swap3A_259 = arith.index_cast %swap3A_257 : i32 to index
    %swap3A_260 = memref.load %arg4[%swap3A_258, %swap3A_259] : memref<2x128xf32, #tpu.memory_space<smem>>
    memref.store %add3A_255, %arg4[%swap3A_258, %swap3A_259] : memref<2x128xf32, #tpu.memory_space<smem>>
    %get3A_261 = arith.constant 1 : i32
    %get3A_262 = arith.constant 8 : i32
    %get3A_263 = arith.index_cast %get3A_261 : i32 to index
    %get3A_264 = arith.index_cast %get3A_262 : i32 to index
    %get3A_265 = memref.load %arg3[%get3A_263, %get3A_264] : memref<8x128xf32, #tpu.memory_space<smem>>
    %get3A_266 = arith.constant 2 : i32
    %get3A_267 = arith.constant 8 : i32
    %get3A_268 = arith.index_cast %get3A_266 : i32 to index
    %get3A_269 = arith.index_cast %get3A_267 : i32 to index
    %get3A_270 = memref.load %arg3[%get3A_268, %get3A_269] : memref<8x128xf32, #tpu.memory_space<smem>>
    %get3A_271 = arith.constant 3 : i32
    %get3A_272 = arith.constant 8 : i32
    %get3A_273 = arith.index_cast %get3A_271 : i32 to index
    %get3A_274 = arith.index_cast %get3A_272 : i32 to index
    %get3A_275 = memref.load %arg3[%get3A_273, %get3A_274] : memref<8x128xf32, #tpu.memory_space<smem>>
    %get3A_276 = arith.constant 4 : i32
    %get3A_277 = arith.constant 8 : i32
    %get3A_278 = arith.index_cast %get3A_276 : i32 to index
    %get3A_279 = arith.index_cast %get3A_277 : i32 to index
    %get3A_280 = memref.load %arg3[%get3A_278, %get3A_279] : memref<8x128xf32, #tpu.memory_space<smem>>
    %add3A_281 = arith.addf %get3A_265, %get3A_275 : f32
    %add3A_282 = arith.addf %add3A_281, %get3A_270 : f32
    %swap3A_283 = arith.constant 0 : i32
    %swap3A_284 = arith.constant 8 : i32
    %swap3A_285 = arith.index_cast %swap3A_283 : i32 to index
    %swap3A_286 = arith.index_cast %swap3A_284 : i32 to index
    %swap3A_287 = memref.load %arg4[%swap3A_285, %swap3A_286] : memref<2x128xf32, #tpu.memory_space<smem>>
    memref.store %add3A_282, %arg4[%swap3A_285, %swap3A_286] : memref<2x128xf32, #tpu.memory_space<smem>>
    %add3A_288 = arith.addf %add3A_281, %get3A_280 : f32
    %swap3A_289 = arith.constant 1 : i32
    %swap3A_290 = arith.constant 8 : i32
    %swap3A_291 = arith.index_cast %swap3A_289 : i32 to index
    %swap3A_292 = arith.index_cast %swap3A_290 : i32 to index
    %swap3A_293 = memref.load %arg4[%swap3A_291, %swap3A_292] : memref<2x128xf32, #tpu.memory_space<smem>>
    memref.store %add3A_288, %arg4[%swap3A_291, %swap3A_292] : memref<2x128xf32, #tpu.memory_space<smem>>
    %get3A_294 = arith.constant 1 : i32
    %get3A_295 = arith.constant 9 : i32
    %get3A_296 = arith.index_cast %get3A_294 : i32 to index
    %get3A_297 = arith.index_cast %get3A_295 : i32 to index
    %get3A_298 = memref.load %arg3[%get3A_296, %get3A_297] : memref<8x128xf32, #tpu.memory_space<smem>>
    %get3A_299 = arith.constant 2 : i32
    %get3A_300 = arith.constant 9 : i32
    %get3A_301 = arith.index_cast %get3A_299 : i32 to index
    %get3A_302 = arith.index_cast %get3A_300 : i32 to index
    %get3A_303 = memref.load %arg3[%get3A_301, %get3A_302] : memref<8x128xf32, #tpu.memory_space<smem>>
    %get3A_304 = arith.constant 3 : i32
    %get3A_305 = arith.constant 9 : i32
    %get3A_306 = arith.index_cast %get3A_304 : i32 to index
    %get3A_307 = arith.index_cast %get3A_305 : i32 to index
    %get3A_308 = memref.load %arg3[%get3A_306, %get3A_307] : memref<8x128xf32, #tpu.memory_space<smem>>
    %get3A_309 = arith.constant 4 : i32
    %get3A_310 = arith.constant 9 : i32
    %get3A_311 = arith.index_cast %get3A_309 : i32 to index
    %get3A_312 = arith.index_cast %get3A_310 : i32 to index
    %get3A_313 = memref.load %arg3[%get3A_311, %get3A_312] : memref<8x128xf32, #tpu.memory_space<smem>>
    %add3A_314 = arith.addf %get3A_298, %get3A_308 : f32
    %add3A_315 = arith.addf %add3A_314, %get3A_303 : f32
    %swap3A_316 = arith.constant 0 : i32
    %swap3A_317 = arith.constant 9 : i32
    %swap3A_318 = arith.index_cast %swap3A_316 : i32 to index
    %swap3A_319 = arith.index_cast %swap3A_317 : i32 to index
    %swap3A_320 = memref.load %arg4[%swap3A_318, %swap3A_319] : memref<2x128xf32, #tpu.memory_space<smem>>
    memref.store %add3A_315, %arg4[%swap3A_318, %swap3A_319] : memref<2x128xf32, #tpu.memory_space<smem>>
    %add3A_321 = arith.addf %add3A_314, %get3A_313 : f32
    %swap3A_322 = arith.constant 1 : i32
    %swap3A_323 = arith.constant 9 : i32
    %swap3A_324 = arith.index_cast %swap3A_322 : i32 to index
    %swap3A_325 = arith.index_cast %swap3A_323 : i32 to index
    %swap3A_326 = memref.load %arg4[%swap3A_324, %swap3A_325] : memref<2x128xf32, #tpu.memory_space<smem>>
    memref.store %add3A_321, %arg4[%swap3A_324, %swap3A_325] : memref<2x128xf32, #tpu.memory_space<smem>>
    %get3A_327 = arith.constant 1 : i32
    %get3A_328 = arith.constant 10 : i32
    %get3A_329 = arith.index_cast %get3A_327 : i32 to index
    %get3A_330 = arith.index_cast %get3A_328 : i32 to index
    %get3A_331 = memref.load %arg3[%get3A_329, %get3A_330] : memref<8x128xf32, #tpu.memory_space<smem>>
    %get3A_332 = arith.constant 2 : i32
    %get3A_333 = arith.constant 10 : i32
    %get3A_334 = arith.index_cast %get3A_332 : i32 to index
    %get3A_335 = arith.index_cast %get3A_333 : i32 to index
    %get3A_336 = memref.load %arg3[%get3A_334, %get3A_335] : memref<8x128xf32, #tpu.memory_space<smem>>
    %get3A_337 = arith.constant 3 : i32
    %get3A_338 = arith.constant 10 : i32
    %get3A_339 = arith.index_cast %get3A_337 : i32 to index
    %get3A_340 = arith.index_cast %get3A_338 : i32 to index
    %get3A_341 = memref.load %arg3[%get3A_339, %get3A_340] : memref<8x128xf32, #tpu.memory_space<smem>>
    %get3A_342 = arith.constant 4 : i32
    %get3A_343 = arith.constant 10 : i32
    %get3A_344 = arith.index_cast %get3A_342 : i32 to index
    %get3A_345 = arith.index_cast %get3A_343 : i32 to index
    %get3A_346 = memref.load %arg3[%get3A_344, %get3A_345] : memref<8x128xf32, #tpu.memory_space<smem>>
    %add3A_347 = arith.addf %get3A_331, %get3A_341 : f32
    %add3A_348 = arith.addf %add3A_347, %get3A_336 : f32
    %swap3A_349 = arith.constant 0 : i32
    %swap3A_350 = arith.constant 10 : i32
    %swap3A_351 = arith.index_cast %swap3A_349 : i32 to index
    %swap3A_352 = arith.index_cast %swap3A_350 : i32 to index
    %swap3A_353 = memref.load %arg4[%swap3A_351, %swap3A_352] : memref<2x128xf32, #tpu.memory_space<smem>>
    memref.store %add3A_348, %arg4[%swap3A_351, %swap3A_352] : memref<2x128xf32, #tpu.memory_space<smem>>
    %add3A_354 = arith.addf %add3A_347, %get3A_346 : f32
    %swap3A_355 = arith.constant 1 : i32
    %swap3A_356 = arith.constant 10 : i32
    %swap3A_357 = arith.index_cast %swap3A_355 : i32 to index
    %swap3A_358 = arith.index_cast %swap3A_356 : i32 to index
    %swap3A_359 = memref.load %arg4[%swap3A_357, %swap3A_358] : memref<2x128xf32, #tpu.memory_space<smem>>
    memref.store %add3A_354, %arg4[%swap3A_357, %swap3A_358] : memref<2x128xf32, #tpu.memory_space<smem>>
    %get3A_360 = arith.constant 1 : i32
    %get3A_361 = arith.constant 11 : i32
    %get3A_362 = arith.index_cast %get3A_360 : i32 to index
    %get3A_363 = arith.index_cast %get3A_361 : i32 to index
    %get3A_364 = memref.load %arg3[%get3A_362, %get3A_363] : memref<8x128xf32, #tpu.memory_space<smem>>
    %get3A_365 = arith.constant 2 : i32
    %get3A_366 = arith.constant 11 : i32
    %get3A_367 = arith.index_cast %get3A_365 : i32 to index
    %get3A_368 = arith.index_cast %get3A_366 : i32 to index
    %get3A_369 = memref.load %arg3[%get3A_367, %get3A_368] : memref<8x128xf32, #tpu.memory_space<smem>>
    %get3A_370 = arith.constant 3 : i32
    %get3A_371 = arith.constant 11 : i32
    %get3A_372 = arith.index_cast %get3A_370 : i32 to index
    %get3A_373 = arith.index_cast %get3A_371 : i32 to index
    %get3A_374 = memref.load %arg3[%get3A_372, %get3A_373] : memref<8x128xf32, #tpu.memory_space<smem>>
    %get3A_375 = arith.constant 4 : i32
    %get3A_376 = arith.constant 11 : i32
    %get3A_377 = arith.index_cast %get3A_375 : i32 to index
    %get3A_378 = arith.index_cast %get3A_376 : i32 to index
    %get3A_379 = memref.load %arg3[%get3A_377, %get3A_378] : memref<8x128xf32, #tpu.memory_space<smem>>
    %add3A_380 = arith.addf %get3A_364, %get3A_374 : f32
    %add3A_381 = arith.addf %add3A_380, %get3A_369 : f32
    %swap3A_382 = arith.constant 0 : i32
    %swap3A_383 = arith.constant 11 : i32
    %swap3A_384 = arith.index_cast %swap3A_382 : i32 to index
    %swap3A_385 = arith.index_cast %swap3A_383 : i32 to index
    %swap3A_386 = memref.load %arg4[%swap3A_384, %swap3A_385] : memref<2x128xf32, #tpu.memory_space<smem>>
    memref.store %add3A_381, %arg4[%swap3A_384, %swap3A_385] : memref<2x128xf32, #tpu.memory_space<smem>>
    %add3A_387 = arith.addf %add3A_380, %get3A_379 : f32
    %swap3A_388 = arith.constant 1 : i32
    %swap3A_389 = arith.constant 11 : i32
    %swap3A_390 = arith.index_cast %swap3A_388 : i32 to index
    %swap3A_391 = arith.index_cast %swap3A_389 : i32 to index
    %swap3A_392 = memref.load %arg4[%swap3A_390, %swap3A_391] : memref<2x128xf32, #tpu.memory_space<smem>>
    memref.store %add3A_387, %arg4[%swap3A_390, %swap3A_391] : memref<2x128xf32, #tpu.memory_space<smem>>
    %get3A_393 = arith.constant 1 : i32
    %get3A_394 = arith.constant 12 : i32
    %get3A_395 = arith.index_cast %get3A_393 : i32 to index
    %get3A_396 = arith.index_cast %get3A_394 : i32 to index
    %get3A_397 = memref.load %arg3[%get3A_395, %get3A_396] : memref<8x128xf32, #tpu.memory_space<smem>>
    %get3A_398 = arith.constant 2 : i32
    %get3A_399 = arith.constant 12 : i32
    %get3A_400 = arith.index_cast %get3A_398 : i32 to index
    %get3A_401 = arith.index_cast %get3A_399 : i32 to index
    %get3A_402 = memref.load %arg3[%get3A_400, %get3A_401] : memref<8x128xf32, #tpu.memory_space<smem>>
    %get3A_403 = arith.constant 3 : i32
    %get3A_404 = arith.constant 12 : i32
    %get3A_405 = arith.index_cast %get3A_403 : i32 to index
    %get3A_406 = arith.index_cast %get3A_404 : i32 to index
    %get3A_407 = memref.load %arg3[%get3A_405, %get3A_406] : memref<8x128xf32, #tpu.memory_space<smem>>
    %get3A_408 = arith.constant 4 : i32
    %get3A_409 = arith.constant 12 : i32
    %get3A_410 = arith.index_cast %get3A_408 : i32 to index
    %get3A_411 = arith.index_cast %get3A_409 : i32 to index
    %get3A_412 = memref.load %arg3[%get3A_410, %get3A_411] : memref<8x128xf32, #tpu.memory_space<smem>>
    %add3A_413 = arith.addf %get3A_397, %get3A_407 : f32
    %add3A_414 = arith.addf %add3A_413, %get3A_402 : f32
    %swap3A_415 = arith.constant 0 : i32
    %swap3A_416 = arith.constant 12 : i32
    %swap3A_417 = arith.index_cast %swap3A_415 : i32 to index
    %swap3A_418 = arith.index_cast %swap3A_416 : i32 to index
    %swap3A_419 = memref.load %arg4[%swap3A_417, %swap3A_418] : memref<2x128xf32, #tpu.memory_space<smem>>
    memref.store %add3A_414, %arg4[%swap3A_417, %swap3A_418] : memref<2x128xf32, #tpu.memory_space<smem>>
    %add3A_420 = arith.addf %add3A_413, %get3A_412 : f32
    %swap3A_421 = arith.constant 1 : i32
    %swap3A_422 = arith.constant 12 : i32
    %swap3A_423 = arith.index_cast %swap3A_421 : i32 to index
    %swap3A_424 = arith.index_cast %swap3A_422 : i32 to index
    %swap3A_425 = memref.load %arg4[%swap3A_423, %swap3A_424] : memref<2x128xf32, #tpu.memory_space<smem>>
    memref.store %add3A_420, %arg4[%swap3A_423, %swap3A_424] : memref<2x128xf32, #tpu.memory_space<smem>>
    %get3A_426 = arith.constant 1 : i32
    %get3A_427 = arith.constant 13 : i32
    %get3A_428 = arith.index_cast %get3A_426 : i32 to index
    %get3A_429 = arith.index_cast %get3A_427 : i32 to index
    %get3A_430 = memref.load %arg3[%get3A_428, %get3A_429] : memref<8x128xf32, #tpu.memory_space<smem>>
    %get3A_431 = arith.constant 2 : i32
    %get3A_432 = arith.constant 13 : i32
    %get3A_433 = arith.index_cast %get3A_431 : i32 to index
    %get3A_434 = arith.index_cast %get3A_432 : i32 to index
    %get3A_435 = memref.load %arg3[%get3A_433, %get3A_434] : memref<8x128xf32, #tpu.memory_space<smem>>
    %get3A_436 = arith.constant 3 : i32
    %get3A_437 = arith.constant 13 : i32
    %get3A_438 = arith.index_cast %get3A_436 : i32 to index
    %get3A_439 = arith.index_cast %get3A_437 : i32 to index
    %get3A_440 = memref.load %arg3[%get3A_438, %get3A_439] : memref<8x128xf32, #tpu.memory_space<smem>>
    %get3A_441 = arith.constant 4 : i32
    %get3A_442 = arith.constant 13 : i32
    %get3A_443 = arith.index_cast %get3A_441 : i32 to index
    %get3A_444 = arith.index_cast %get3A_442 : i32 to index
    %get3A_445 = memref.load %arg3[%get3A_443, %get3A_444] : memref<8x128xf32, #tpu.memory_space<smem>>
    %add3A_446 = arith.addf %get3A_430, %get3A_440 : f32
    %add3A_447 = arith.addf %add3A_446, %get3A_435 : f32
    %swap3A_448 = arith.constant 0 : i32
    %swap3A_449 = arith.constant 13 : i32
    %swap3A_450 = arith.index_cast %swap3A_448 : i32 to index
    %swap3A_451 = arith.index_cast %swap3A_449 : i32 to index
    %swap3A_452 = memref.load %arg4[%swap3A_450, %swap3A_451] : memref<2x128xf32, #tpu.memory_space<smem>>
    memref.store %add3A_447, %arg4[%swap3A_450, %swap3A_451] : memref<2x128xf32, #tpu.memory_space<smem>>
    %add3A_453 = arith.addf %add3A_446, %get3A_445 : f32
    %swap3A_454 = arith.constant 1 : i32
    %swap3A_455 = arith.constant 13 : i32
    %swap3A_456 = arith.index_cast %swap3A_454 : i32 to index
    %swap3A_457 = arith.index_cast %swap3A_455 : i32 to index
    %swap3A_458 = memref.load %arg4[%swap3A_456, %swap3A_457] : memref<2x128xf32, #tpu.memory_space<smem>>
    memref.store %add3A_453, %arg4[%swap3A_456, %swap3A_457] : memref<2x128xf32, #tpu.memory_space<smem>>
    %get3A_459 = arith.constant 1 : i32
    %get3A_460 = arith.constant 14 : i32
    %get3A_461 = arith.index_cast %get3A_459 : i32 to index
    %get3A_462 = arith.index_cast %get3A_460 : i32 to index
    %get3A_463 = memref.load %arg3[%get3A_461, %get3A_462] : memref<8x128xf32, #tpu.memory_space<smem>>
    %get3A_464 = arith.constant 2 : i32
    %get3A_465 = arith.constant 14 : i32
    %get3A_466 = arith.index_cast %get3A_464 : i32 to index
    %get3A_467 = arith.index_cast %get3A_465 : i32 to index
    %get3A_468 = memref.load %arg3[%get3A_466, %get3A_467] : memref<8x128xf32, #tpu.memory_space<smem>>
    %get3A_469 = arith.constant 3 : i32
    %get3A_470 = arith.constant 14 : i32
    %get3A_471 = arith.index_cast %get3A_469 : i32 to index
    %get3A_472 = arith.index_cast %get3A_470 : i32 to index
    %get3A_473 = memref.load %arg3[%get3A_471, %get3A_472] : memref<8x128xf32, #tpu.memory_space<smem>>
    %get3A_474 = arith.constant 4 : i32
    %get3A_475 = arith.constant 14 : i32
    %get3A_476 = arith.index_cast %get3A_474 : i32 to index
    %get3A_477 = arith.index_cast %get3A_475 : i32 to index
    %get3A_478 = memref.load %arg3[%get3A_476, %get3A_477] : memref<8x128xf32, #tpu.memory_space<smem>>
    %add3A_479 = arith.addf %get3A_463, %get3A_473 : f32
    %add3A_480 = arith.addf %add3A_479, %get3A_468 : f32
    %swap3A_481 = arith.constant 0 : i32
    %swap3A_482 = arith.constant 14 : i32
    %swap3A_483 = arith.index_cast %swap3A_481 : i32 to index
    %swap3A_484 = arith.index_cast %swap3A_482 : i32 to index
    %swap3A_485 = memref.load %arg4[%swap3A_483, %swap3A_484] : memref<2x128xf32, #tpu.memory_space<smem>>
    memref.store %add3A_480, %arg4[%swap3A_483, %swap3A_484] : memref<2x128xf32, #tpu.memory_space<smem>>
    %add3A_486 = arith.addf %add3A_479, %get3A_478 : f32
    %swap3A_487 = arith.constant 1 : i32
    %swap3A_488 = arith.constant 14 : i32
    %swap3A_489 = arith.index_cast %swap3A_487 : i32 to index
    %swap3A_490 = arith.index_cast %swap3A_488 : i32 to index
    %swap3A_491 = memref.load %arg4[%swap3A_489, %swap3A_490] : memref<2x128xf32, #tpu.memory_space<smem>>
    memref.store %add3A_486, %arg4[%swap3A_489, %swap3A_490] : memref<2x128xf32, #tpu.memory_space<smem>>
    %get3A_492 = arith.constant 1 : i32
    %get3A_493 = arith.constant 15 : i32
    %get3A_494 = arith.index_cast %get3A_492 : i32 to index
    %get3A_495 = arith.index_cast %get3A_493 : i32 to index
    %get3A_496 = memref.load %arg3[%get3A_494, %get3A_495] : memref<8x128xf32, #tpu.memory_space<smem>>
    %get3A_497 = arith.constant 2 : i32
    %get3A_498 = arith.constant 15 : i32
    %get3A_499 = arith.index_cast %get3A_497 : i32 to index
    %get3A_500 = arith.index_cast %get3A_498 : i32 to index
    %get3A_501 = memref.load %arg3[%get3A_499, %get3A_500] : memref<8x128xf32, #tpu.memory_space<smem>>
    %get3A_502 = arith.constant 3 : i32
    %get3A_503 = arith.constant 15 : i32
    %get3A_504 = arith.index_cast %get3A_502 : i32 to index
    %get3A_505 = arith.index_cast %get3A_503 : i32 to index
    %get3A_506 = memref.load %arg3[%get3A_504, %get3A_505] : memref<8x128xf32, #tpu.memory_space<smem>>
    %get3A_507 = arith.constant 4 : i32
    %get3A_508 = arith.constant 15 : i32
    %get3A_509 = arith.index_cast %get3A_507 : i32 to index
    %get3A_510 = arith.index_cast %get3A_508 : i32 to index
    %get3A_511 = memref.load %arg3[%get3A_509, %get3A_510] : memref<8x128xf32, #tpu.memory_space<smem>>
    %add3A_512 = arith.addf %get3A_496, %get3A_506 : f32
    %add3A_513 = arith.addf %add3A_512, %get3A_501 : f32
    %swap3A_514 = arith.constant 0 : i32
    %swap3A_515 = arith.constant 15 : i32
    %swap3A_516 = arith.index_cast %swap3A_514 : i32 to index
    %swap3A_517 = arith.index_cast %swap3A_515 : i32 to index
    %swap3A_518 = memref.load %arg4[%swap3A_516, %swap3A_517] : memref<2x128xf32, #tpu.memory_space<smem>>
    memref.store %add3A_513, %arg4[%swap3A_516, %swap3A_517] : memref<2x128xf32, #tpu.memory_space<smem>>
    %add3A_519 = arith.addf %add3A_512, %get3A_511 : f32
    %swap3A_520 = arith.constant 1 : i32
    %swap3A_521 = arith.constant 15 : i32
    %swap3A_522 = arith.index_cast %swap3A_520 : i32 to index
    %swap3A_523 = arith.index_cast %swap3A_521 : i32 to index
    %swap3A_524 = memref.load %arg4[%swap3A_522, %swap3A_523] : memref<2x128xf32, #tpu.memory_space<smem>>
    memref.store %add3A_519, %arg4[%swap3A_522, %swap3A_523] : memref<2x128xf32, #tpu.memory_space<smem>>
    %get3A_525 = arith.constant 1 : i32
    %get3A_526 = arith.constant 16 : i32
    %get3A_527 = arith.index_cast %get3A_525 : i32 to index
    %get3A_528 = arith.index_cast %get3A_526 : i32 to index
    %get3A_529 = memref.load %arg3[%get3A_527, %get3A_528] : memref<8x128xf32, #tpu.memory_space<smem>>
    %get3A_530 = arith.constant 2 : i32
    %get3A_531 = arith.constant 16 : i32
    %get3A_532 = arith.index_cast %get3A_530 : i32 to index
    %get3A_533 = arith.index_cast %get3A_531 : i32 to index
    %get3A_534 = memref.load %arg3[%get3A_532, %get3A_533] : memref<8x128xf32, #tpu.memory_space<smem>>
    %get3A_535 = arith.constant 3 : i32
    %get3A_536 = arith.constant 16 : i32
    %get3A_537 = arith.index_cast %get3A_535 : i32 to index
    %get3A_538 = arith.index_cast %get3A_536 : i32 to index
    %get3A_539 = memref.load %arg3[%get3A_537, %get3A_538] : memref<8x128xf32, #tpu.memory_space<smem>>
    %get3A_540 = arith.constant 4 : i32
    %get3A_541 = arith.constant 16 : i32
    %get3A_542 = arith.index_cast %get3A_540 : i32 to index
    %get3A_543 = arith.index_cast %get3A_541 : i32 to index
    %get3A_544 = memref.load %arg3[%get3A_542, %get3A_543] : memref<8x128xf32, #tpu.memory_space<smem>>
    %add3A_545 = arith.addf %get3A_529, %get3A_539 : f32
    %add3A_546 = arith.addf %add3A_545, %get3A_534 : f32
    %swap3A_547 = arith.constant 0 : i32
    %swap3A_548 = arith.constant 16 : i32
    %swap3A_549 = arith.index_cast %swap3A_547 : i32 to index
    %swap3A_550 = arith.index_cast %swap3A_548 : i32 to index
    %swap3A_551 = memref.load %arg4[%swap3A_549, %swap3A_550] : memref<2x128xf32, #tpu.memory_space<smem>>
    memref.store %add3A_546, %arg4[%swap3A_549, %swap3A_550] : memref<2x128xf32, #tpu.memory_space<smem>>
    %add3A_552 = arith.addf %add3A_545, %get3A_544 : f32
    %swap3A_553 = arith.constant 1 : i32
    %swap3A_554 = arith.constant 16 : i32
    %swap3A_555 = arith.index_cast %swap3A_553 : i32 to index
    %swap3A_556 = arith.index_cast %swap3A_554 : i32 to index
    %swap3A_557 = memref.load %arg4[%swap3A_555, %swap3A_556] : memref<2x128xf32, #tpu.memory_space<smem>>
    memref.store %add3A_552, %arg4[%swap3A_555, %swap3A_556] : memref<2x128xf32, #tpu.memory_space<smem>>
    %get3A_558 = arith.constant 1 : i32
    %get3A_559 = arith.constant 17 : i32
    %get3A_560 = arith.index_cast %get3A_558 : i32 to index
    %get3A_561 = arith.index_cast %get3A_559 : i32 to index
    %get3A_562 = memref.load %arg3[%get3A_560, %get3A_561] : memref<8x128xf32, #tpu.memory_space<smem>>
    %get3A_563 = arith.constant 2 : i32
    %get3A_564 = arith.constant 17 : i32
    %get3A_565 = arith.index_cast %get3A_563 : i32 to index
    %get3A_566 = arith.index_cast %get3A_564 : i32 to index
    %get3A_567 = memref.load %arg3[%get3A_565, %get3A_566] : memref<8x128xf32, #tpu.memory_space<smem>>
    %get3A_568 = arith.constant 3 : i32
    %get3A_569 = arith.constant 17 : i32
    %get3A_570 = arith.index_cast %get3A_568 : i32 to index
    %get3A_571 = arith.index_cast %get3A_569 : i32 to index
    %get3A_572 = memref.load %arg3[%get3A_570, %get3A_571] : memref<8x128xf32, #tpu.memory_space<smem>>
    %get3A_573 = arith.constant 4 : i32
    %get3A_574 = arith.constant 17 : i32
    %get3A_575 = arith.index_cast %get3A_573 : i32 to index
    %get3A_576 = arith.index_cast %get3A_574 : i32 to index
    %get3A_577 = memref.load %arg3[%get3A_575, %get3A_576] : memref<8x128xf32, #tpu.memory_space<smem>>
    %add3A_578 = arith.addf %get3A_562, %get3A_572 : f32
    %add3A_579 = arith.addf %add3A_578, %get3A_567 : f32
    %swap3A_580 = arith.constant 0 : i32
    %swap3A_581 = arith.constant 17 : i32
    %swap3A_582 = arith.index_cast %swap3A_580 : i32 to index
    %swap3A_583 = arith.index_cast %swap3A_581 : i32 to index
    %swap3A_584 = memref.load %arg4[%swap3A_582, %swap3A_583] : memref<2x128xf32, #tpu.memory_space<smem>>
    memref.store %add3A_579, %arg4[%swap3A_582, %swap3A_583] : memref<2x128xf32, #tpu.memory_space<smem>>
    %add3A_585 = arith.addf %add3A_578, %get3A_577 : f32
    %swap3A_586 = arith.constant 1 : i32
    %swap3A_587 = arith.constant 17 : i32
    %swap3A_588 = arith.index_cast %swap3A_586 : i32 to index
    %swap3A_589 = arith.index_cast %swap3A_587 : i32 to index
    %swap3A_590 = memref.load %arg4[%swap3A_588, %swap3A_589] : memref<2x128xf32, #tpu.memory_space<smem>>
    memref.store %add3A_585, %arg4[%swap3A_588, %swap3A_589] : memref<2x128xf32, #tpu.memory_space<smem>>
    %get3A_591 = arith.constant 1 : i32
    %get3A_592 = arith.constant 18 : i32
    %get3A_593 = arith.index_cast %get3A_591 : i32 to index
    %get3A_594 = arith.index_cast %get3A_592 : i32 to index
    %get3A_595 = memref.load %arg3[%get3A_593, %get3A_594] : memref<8x128xf32, #tpu.memory_space<smem>>
    %get3A_596 = arith.constant 2 : i32
    %get3A_597 = arith.constant 18 : i32
    %get3A_598 = arith.index_cast %get3A_596 : i32 to index
    %get3A_599 = arith.index_cast %get3A_597 : i32 to index
    %get3A_600 = memref.load %arg3[%get3A_598, %get3A_599] : memref<8x128xf32, #tpu.memory_space<smem>>
    %get3A_601 = arith.constant 3 : i32
    %get3A_602 = arith.constant 18 : i32
    %get3A_603 = arith.index_cast %get3A_601 : i32 to index
    %get3A_604 = arith.index_cast %get3A_602 : i32 to index
    %get3A_605 = memref.load %arg3[%get3A_603, %get3A_604] : memref<8x128xf32, #tpu.memory_space<smem>>
    %get3A_606 = arith.constant 4 : i32
    %get3A_607 = arith.constant 18 : i32
    %get3A_608 = arith.index_cast %get3A_606 : i32 to index
    %get3A_609 = arith.index_cast %get3A_607 : i32 to index
    %get3A_610 = memref.load %arg3[%get3A_608, %get3A_609] : memref<8x128xf32, #tpu.memory_space<smem>>
    %add3A_611 = arith.addf %get3A_595, %get3A_605 : f32
    %add3A_612 = arith.addf %add3A_611, %get3A_600 : f32
    %swap3A_613 = arith.constant 0 : i32
    %swap3A_614 = arith.constant 18 : i32
    %swap3A_615 = arith.index_cast %swap3A_613 : i32 to index
    %swap3A_616 = arith.index_cast %swap3A_614 : i32 to index
    %swap3A_617 = memref.load %arg4[%swap3A_615, %swap3A_616] : memref<2x128xf32, #tpu.memory_space<smem>>
    memref.store %add3A_612, %arg4[%swap3A_615, %swap3A_616] : memref<2x128xf32, #tpu.memory_space<smem>>
    %add3A_618 = arith.addf %add3A_611, %get3A_610 : f32
    %swap3A_619 = arith.constant 1 : i32
    %swap3A_620 = arith.constant 18 : i32
    %swap3A_621 = arith.index_cast %swap3A_619 : i32 to index
    %swap3A_622 = arith.index_cast %swap3A_620 : i32 to index
    %swap3A_623 = memref.load %arg4[%swap3A_621, %swap3A_622] : memref<2x128xf32, #tpu.memory_space<smem>>
    memref.store %add3A_618, %arg4[%swap3A_621, %swap3A_622] : memref<2x128xf32, #tpu.memory_space<smem>>
    %get3A_624 = arith.constant 1 : i32
    %get3A_625 = arith.constant 19 : i32
    %get3A_626 = arith.index_cast %get3A_624 : i32 to index
    %get3A_627 = arith.index_cast %get3A_625 : i32 to index
    %get3A_628 = memref.load %arg3[%get3A_626, %get3A_627] : memref<8x128xf32, #tpu.memory_space<smem>>
    %get3A_629 = arith.constant 2 : i32
    %get3A_630 = arith.constant 19 : i32
    %get3A_631 = arith.index_cast %get3A_629 : i32 to index
    %get3A_632 = arith.index_cast %get3A_630 : i32 to index
    %get3A_633 = memref.load %arg3[%get3A_631, %get3A_632] : memref<8x128xf32, #tpu.memory_space<smem>>
    %get3A_634 = arith.constant 3 : i32
    %get3A_635 = arith.constant 19 : i32
    %get3A_636 = arith.index_cast %get3A_634 : i32 to index
    %get3A_637 = arith.index_cast %get3A_635 : i32 to index
    %get3A_638 = memref.load %arg3[%get3A_636, %get3A_637] : memref<8x128xf32, #tpu.memory_space<smem>>
    %get3A_639 = arith.constant 4 : i32
    %get3A_640 = arith.constant 19 : i32
    %get3A_641 = arith.index_cast %get3A_639 : i32 to index
    %get3A_642 = arith.index_cast %get3A_640 : i32 to index
    %get3A_643 = memref.load %arg3[%get3A_641, %get3A_642] : memref<8x128xf32, #tpu.memory_space<smem>>
    %add3A_644 = arith.addf %get3A_628, %get3A_638 : f32
    %add3A_645 = arith.addf %add3A_644, %get3A_633 : f32
    %swap3A_646 = arith.constant 0 : i32
    %swap3A_647 = arith.constant 19 : i32
    %swap3A_648 = arith.index_cast %swap3A_646 : i32 to index
    %swap3A_649 = arith.index_cast %swap3A_647 : i32 to index
    %swap3A_650 = memref.load %arg4[%swap3A_648, %swap3A_649] : memref<2x128xf32, #tpu.memory_space<smem>>
    memref.store %add3A_645, %arg4[%swap3A_648, %swap3A_649] : memref<2x128xf32, #tpu.memory_space<smem>>
    %add3A_651 = arith.addf %add3A_644, %get3A_643 : f32
    %swap3A_652 = arith.constant 1 : i32
    %swap3A_653 = arith.constant 19 : i32
    %swap3A_654 = arith.index_cast %swap3A_652 : i32 to index
    %swap3A_655 = arith.index_cast %swap3A_653 : i32 to index
    %swap3A_656 = memref.load %arg4[%swap3A_654, %swap3A_655] : memref<2x128xf32, #tpu.memory_space<smem>>
    memref.store %add3A_651, %arg4[%swap3A_654, %swap3A_655] : memref<2x128xf32, #tpu.memory_space<smem>>
    %get3A_657 = arith.constant 1 : i32
    %get3A_658 = arith.constant 20 : i32
    %get3A_659 = arith.index_cast %get3A_657 : i32 to index
    %get3A_660 = arith.index_cast %get3A_658 : i32 to index
    %get3A_661 = memref.load %arg3[%get3A_659, %get3A_660] : memref<8x128xf32, #tpu.memory_space<smem>>
    %get3A_662 = arith.constant 2 : i32
    %get3A_663 = arith.constant 20 : i32
    %get3A_664 = arith.index_cast %get3A_662 : i32 to index
    %get3A_665 = arith.index_cast %get3A_663 : i32 to index
    %get3A_666 = memref.load %arg3[%get3A_664, %get3A_665] : memref<8x128xf32, #tpu.memory_space<smem>>
    %get3A_667 = arith.constant 3 : i32
    %get3A_668 = arith.constant 20 : i32
    %get3A_669 = arith.index_cast %get3A_667 : i32 to index
    %get3A_670 = arith.index_cast %get3A_668 : i32 to index
    %get3A_671 = memref.load %arg3[%get3A_669, %get3A_670] : memref<8x128xf32, #tpu.memory_space<smem>>
    %get3A_672 = arith.constant 4 : i32
    %get3A_673 = arith.constant 20 : i32
    %get3A_674 = arith.index_cast %get3A_672 : i32 to index
    %get3A_675 = arith.index_cast %get3A_673 : i32 to index
    %get3A_676 = memref.load %arg3[%get3A_674, %get3A_675] : memref<8x128xf32, #tpu.memory_space<smem>>
    %add3A_677 = arith.addf %get3A_661, %get3A_671 : f32
    %add3A_678 = arith.addf %add3A_677, %get3A_666 : f32
    %swap3A_679 = arith.constant 0 : i32
    %swap3A_680 = arith.constant 20 : i32
    %swap3A_681 = arith.index_cast %swap3A_679 : i32 to index
    %swap3A_682 = arith.index_cast %swap3A_680 : i32 to index
    %swap3A_683 = memref.load %arg4[%swap3A_681, %swap3A_682] : memref<2x128xf32, #tpu.memory_space<smem>>
    memref.store %add3A_678, %arg4[%swap3A_681, %swap3A_682] : memref<2x128xf32, #tpu.memory_space<smem>>
    %add3A_684 = arith.addf %add3A_677, %get3A_676 : f32
    %swap3A_685 = arith.constant 1 : i32
    %swap3A_686 = arith.constant 20 : i32
    %swap3A_687 = arith.index_cast %swap3A_685 : i32 to index
    %swap3A_688 = arith.index_cast %swap3A_686 : i32 to index
    %swap3A_689 = memref.load %arg4[%swap3A_687, %swap3A_688] : memref<2x128xf32, #tpu.memory_space<smem>>
    memref.store %add3A_684, %arg4[%swap3A_687, %swap3A_688] : memref<2x128xf32, #tpu.memory_space<smem>>
    %get3A_690 = arith.constant 1 : i32
    %get3A_691 = arith.constant 21 : i32
    %get3A_692 = arith.index_cast %get3A_690 : i32 to index
    %get3A_693 = arith.index_cast %get3A_691 : i32 to index
    %get3A_694 = memref.load %arg3[%get3A_692, %get3A_693] : memref<8x128xf32, #tpu.memory_space<smem>>
    %get3A_695 = arith.constant 2 : i32
    %get3A_696 = arith.constant 21 : i32
    %get3A_697 = arith.index_cast %get3A_695 : i32 to index
    %get3A_698 = arith.index_cast %get3A_696 : i32 to index
    %get3A_699 = memref.load %arg3[%get3A_697, %get3A_698] : memref<8x128xf32, #tpu.memory_space<smem>>
    %get3A_700 = arith.constant 3 : i32
    %get3A_701 = arith.constant 21 : i32
    %get3A_702 = arith.index_cast %get3A_700 : i32 to index
    %get3A_703 = arith.index_cast %get3A_701 : i32 to index
    %get3A_704 = memref.load %arg3[%get3A_702, %get3A_703] : memref<8x128xf32, #tpu.memory_space<smem>>
    %get3A_705 = arith.constant 4 : i32
    %get3A_706 = arith.constant 21 : i32
    %get3A_707 = arith.index_cast %get3A_705 : i32 to index
    %get3A_708 = arith.index_cast %get3A_706 : i32 to index
    %get3A_709 = memref.load %arg3[%get3A_707, %get3A_708] : memref<8x128xf32, #tpu.memory_space<smem>>
    %add3A_710 = arith.addf %get3A_694, %get3A_704 : f32
    %add3A_711 = arith.addf %add3A_710, %get3A_699 : f32
    %swap3A_712 = arith.constant 0 : i32
    %swap3A_713 = arith.constant 21 : i32
    %swap3A_714 = arith.index_cast %swap3A_712 : i32 to index
    %swap3A_715 = arith.index_cast %swap3A_713 : i32 to index
    %swap3A_716 = memref.load %arg4[%swap3A_714, %swap3A_715] : memref<2x128xf32, #tpu.memory_space<smem>>
    memref.store %add3A_711, %arg4[%swap3A_714, %swap3A_715] : memref<2x128xf32, #tpu.memory_space<smem>>
    %add3A_717 = arith.addf %add3A_710, %get3A_709 : f32
    %swap3A_718 = arith.constant 1 : i32
    %swap3A_719 = arith.constant 21 : i32
    %swap3A_720 = arith.index_cast %swap3A_718 : i32 to index
    %swap3A_721 = arith.index_cast %swap3A_719 : i32 to index
    %swap3A_722 = memref.load %arg4[%swap3A_720, %swap3A_721] : memref<2x128xf32, #tpu.memory_space<smem>>
    memref.store %add3A_717, %arg4[%swap3A_720, %swap3A_721] : memref<2x128xf32, #tpu.memory_space<smem>>
    %get3A_723 = arith.constant 1 : i32
    %get3A_724 = arith.constant 22 : i32
    %get3A_725 = arith.index_cast %get3A_723 : i32 to index
    %get3A_726 = arith.index_cast %get3A_724 : i32 to index
    %get3A_727 = memref.load %arg3[%get3A_725, %get3A_726] : memref<8x128xf32, #tpu.memory_space<smem>>
    %get3A_728 = arith.constant 2 : i32
    %get3A_729 = arith.constant 22 : i32
    %get3A_730 = arith.index_cast %get3A_728 : i32 to index
    %get3A_731 = arith.index_cast %get3A_729 : i32 to index
    %get3A_732 = memref.load %arg3[%get3A_730, %get3A_731] : memref<8x128xf32, #tpu.memory_space<smem>>
    %get3A_733 = arith.constant 3 : i32
    %get3A_734 = arith.constant 22 : i32
    %get3A_735 = arith.index_cast %get3A_733 : i32 to index
    %get3A_736 = arith.index_cast %get3A_734 : i32 to index
    %get3A_737 = memref.load %arg3[%get3A_735, %get3A_736] : memref<8x128xf32, #tpu.memory_space<smem>>
    %get3A_738 = arith.constant 4 : i32
    %get3A_739 = arith.constant 22 : i32
    %get3A_740 = arith.index_cast %get3A_738 : i32 to index
    %get3A_741 = arith.index_cast %get3A_739 : i32 to index
    %get3A_742 = memref.load %arg3[%get3A_740, %get3A_741] : memref<8x128xf32, #tpu.memory_space<smem>>
    %add3A_743 = arith.addf %get3A_727, %get3A_737 : f32
    %add3A_744 = arith.addf %add3A_743, %get3A_732 : f32
    %swap3A_745 = arith.constant 0 : i32
    %swap3A_746 = arith.constant 22 : i32
    %swap3A_747 = arith.index_cast %swap3A_745 : i32 to index
    %swap3A_748 = arith.index_cast %swap3A_746 : i32 to index
    %swap3A_749 = memref.load %arg4[%swap3A_747, %swap3A_748] : memref<2x128xf32, #tpu.memory_space<smem>>
    memref.store %add3A_744, %arg4[%swap3A_747, %swap3A_748] : memref<2x128xf32, #tpu.memory_space<smem>>
    %add3A_750 = arith.addf %add3A_743, %get3A_742 : f32
    %swap3A_751 = arith.constant 1 : i32
    %swap3A_752 = arith.constant 22 : i32
    %swap3A_753 = arith.index_cast %swap3A_751 : i32 to index
    %swap3A_754 = arith.index_cast %swap3A_752 : i32 to index
    %swap3A_755 = memref.load %arg4[%swap3A_753, %swap3A_754] : memref<2x128xf32, #tpu.memory_space<smem>>
    memref.store %add3A_750, %arg4[%swap3A_753, %swap3A_754] : memref<2x128xf32, #tpu.memory_space<smem>>
    %get3A_756 = arith.constant 1 : i32
    %get3A_757 = arith.constant 23 : i32
    %get3A_758 = arith.index_cast %get3A_756 : i32 to index
    %get3A_759 = arith.index_cast %get3A_757 : i32 to index
    %get3A_760 = memref.load %arg3[%get3A_758, %get3A_759] : memref<8x128xf32, #tpu.memory_space<smem>>
    %get3A_761 = arith.constant 2 : i32
    %get3A_762 = arith.constant 23 : i32
    %get3A_763 = arith.index_cast %get3A_761 : i32 to index
    %get3A_764 = arith.index_cast %get3A_762 : i32 to index
    %get3A_765 = memref.load %arg3[%get3A_763, %get3A_764] : memref<8x128xf32, #tpu.memory_space<smem>>
    %get3A_766 = arith.constant 3 : i32
    %get3A_767 = arith.constant 23 : i32
    %get3A_768 = arith.index_cast %get3A_766 : i32 to index
    %get3A_769 = arith.index_cast %get3A_767 : i32 to index
    %get3A_770 = memref.load %arg3[%get3A_768, %get3A_769] : memref<8x128xf32, #tpu.memory_space<smem>>
    %get3A_771 = arith.constant 4 : i32
    %get3A_772 = arith.constant 23 : i32
    %get3A_773 = arith.index_cast %get3A_771 : i32 to index
    %get3A_774 = arith.index_cast %get3A_772 : i32 to index
    %get3A_775 = memref.load %arg3[%get3A_773, %get3A_774] : memref<8x128xf32, #tpu.memory_space<smem>>
    %add3A_776 = arith.addf %get3A_760, %get3A_770 : f32
    %add3A_777 = arith.addf %add3A_776, %get3A_765 : f32
    %swap3A_778 = arith.constant 0 : i32
    %swap3A_779 = arith.constant 23 : i32
    %swap3A_780 = arith.index_cast %swap3A_778 : i32 to index
    %swap3A_781 = arith.index_cast %swap3A_779 : i32 to index
    %swap3A_782 = memref.load %arg4[%swap3A_780, %swap3A_781] : memref<2x128xf32, #tpu.memory_space<smem>>
    memref.store %add3A_777, %arg4[%swap3A_780, %swap3A_781] : memref<2x128xf32, #tpu.memory_space<smem>>
    %add3A_783 = arith.addf %add3A_776, %get3A_775 : f32
    %swap3A_784 = arith.constant 1 : i32
    %swap3A_785 = arith.constant 23 : i32
    %swap3A_786 = arith.index_cast %swap3A_784 : i32 to index
    %swap3A_787 = arith.index_cast %swap3A_785 : i32 to index
    %swap3A_788 = memref.load %arg4[%swap3A_786, %swap3A_787] : memref<2x128xf32, #tpu.memory_space<smem>>
    memref.store %add3A_783, %arg4[%swap3A_786, %swap3A_787] : memref<2x128xf32, #tpu.memory_space<smem>>
    %get3A_789 = arith.constant 1 : i32
    %get3A_790 = arith.constant 24 : i32
    %get3A_791 = arith.index_cast %get3A_789 : i32 to index
    %get3A_792 = arith.index_cast %get3A_790 : i32 to index
    %get3A_793 = memref.load %arg3[%get3A_791, %get3A_792] : memref<8x128xf32, #tpu.memory_space<smem>>
    %get3A_794 = arith.constant 2 : i32
    %get3A_795 = arith.constant 24 : i32
    %get3A_796 = arith.index_cast %get3A_794 : i32 to index
    %get3A_797 = arith.index_cast %get3A_795 : i32 to index
    %get3A_798 = memref.load %arg3[%get3A_796, %get3A_797] : memref<8x128xf32, #tpu.memory_space<smem>>
    %get3A_799 = arith.constant 3 : i32
    %get3A_800 = arith.constant 24 : i32
    %get3A_801 = arith.index_cast %get3A_799 : i32 to index
    %get3A_802 = arith.index_cast %get3A_800 : i32 to index
    %get3A_803 = memref.load %arg3[%get3A_801, %get3A_802] : memref<8x128xf32, #tpu.memory_space<smem>>
    %get3A_804 = arith.constant 4 : i32
    %get3A_805 = arith.constant 24 : i32
    %get3A_806 = arith.index_cast %get3A_804 : i32 to index
    %get3A_807 = arith.index_cast %get3A_805 : i32 to index
    %get3A_808 = memref.load %arg3[%get3A_806, %get3A_807] : memref<8x128xf32, #tpu.memory_space<smem>>
    %add3A_809 = arith.addf %get3A_793, %get3A_803 : f32
    %add3A_810 = arith.addf %add3A_809, %get3A_798 : f32
    %swap3A_811 = arith.constant 0 : i32
    %swap3A_812 = arith.constant 24 : i32
    %swap3A_813 = arith.index_cast %swap3A_811 : i32 to index
    %swap3A_814 = arith.index_cast %swap3A_812 : i32 to index
    %swap3A_815 = memref.load %arg4[%swap3A_813, %swap3A_814] : memref<2x128xf32, #tpu.memory_space<smem>>
    memref.store %add3A_810, %arg4[%swap3A_813, %swap3A_814] : memref<2x128xf32, #tpu.memory_space<smem>>
    %add3A_816 = arith.addf %add3A_809, %get3A_808 : f32
    %swap3A_817 = arith.constant 1 : i32
    %swap3A_818 = arith.constant 24 : i32
    %swap3A_819 = arith.index_cast %swap3A_817 : i32 to index
    %swap3A_820 = arith.index_cast %swap3A_818 : i32 to index
    %swap3A_821 = memref.load %arg4[%swap3A_819, %swap3A_820] : memref<2x128xf32, #tpu.memory_space<smem>>
    memref.store %add3A_816, %arg4[%swap3A_819, %swap3A_820] : memref<2x128xf32, #tpu.memory_space<smem>>
    %get3A_822 = arith.constant 1 : i32
    %get3A_823 = arith.constant 25 : i32
    %get3A_824 = arith.index_cast %get3A_822 : i32 to index
    %get3A_825 = arith.index_cast %get3A_823 : i32 to index
    %get3A_826 = memref.load %arg3[%get3A_824, %get3A_825] : memref<8x128xf32, #tpu.memory_space<smem>>
    %get3A_827 = arith.constant 2 : i32
    %get3A_828 = arith.constant 25 : i32
    %get3A_829 = arith.index_cast %get3A_827 : i32 to index
    %get3A_830 = arith.index_cast %get3A_828 : i32 to index
    %get3A_831 = memref.load %arg3[%get3A_829, %get3A_830] : memref<8x128xf32, #tpu.memory_space<smem>>
    %get3A_832 = arith.constant 3 : i32
    %get3A_833 = arith.constant 25 : i32
    %get3A_834 = arith.index_cast %get3A_832 : i32 to index
    %get3A_835 = arith.index_cast %get3A_833 : i32 to index
    %get3A_836 = memref.load %arg3[%get3A_834, %get3A_835] : memref<8x128xf32, #tpu.memory_space<smem>>
    %get3A_837 = arith.constant 4 : i32
    %get3A_838 = arith.constant 25 : i32
    %get3A_839 = arith.index_cast %get3A_837 : i32 to index
    %get3A_840 = arith.index_cast %get3A_838 : i32 to index
    %get3A_841 = memref.load %arg3[%get3A_839, %get3A_840] : memref<8x128xf32, #tpu.memory_space<smem>>
    %add3A_842 = arith.addf %get3A_826, %get3A_836 : f32
    %add3A_843 = arith.addf %add3A_842, %get3A_831 : f32
    %swap3A_844 = arith.constant 0 : i32
    %swap3A_845 = arith.constant 25 : i32
    %swap3A_846 = arith.index_cast %swap3A_844 : i32 to index
    %swap3A_847 = arith.index_cast %swap3A_845 : i32 to index
    %swap3A_848 = memref.load %arg4[%swap3A_846, %swap3A_847] : memref<2x128xf32, #tpu.memory_space<smem>>
    memref.store %add3A_843, %arg4[%swap3A_846, %swap3A_847] : memref<2x128xf32, #tpu.memory_space<smem>>
    %add3A_849 = arith.addf %add3A_842, %get3A_841 : f32
    %swap3A_850 = arith.constant 1 : i32
    %swap3A_851 = arith.constant 25 : i32
    %swap3A_852 = arith.index_cast %swap3A_850 : i32 to index
    %swap3A_853 = arith.index_cast %swap3A_851 : i32 to index
    %swap3A_854 = memref.load %arg4[%swap3A_852, %swap3A_853] : memref<2x128xf32, #tpu.memory_space<smem>>
    memref.store %add3A_849, %arg4[%swap3A_852, %swap3A_853] : memref<2x128xf32, #tpu.memory_space<smem>>
    %get3A_855 = arith.constant 1 : i32
    %get3A_856 = arith.constant 26 : i32
    %get3A_857 = arith.index_cast %get3A_855 : i32 to index
    %get3A_858 = arith.index_cast %get3A_856 : i32 to index
    %get3A_859 = memref.load %arg3[%get3A_857, %get3A_858] : memref<8x128xf32, #tpu.memory_space<smem>>
    %get3A_860 = arith.constant 2 : i32
    %get3A_861 = arith.constant 26 : i32
    %get3A_862 = arith.index_cast %get3A_860 : i32 to index
    %get3A_863 = arith.index_cast %get3A_861 : i32 to index
    %get3A_864 = memref.load %arg3[%get3A_862, %get3A_863] : memref<8x128xf32, #tpu.memory_space<smem>>
    %get3A_865 = arith.constant 3 : i32
    %get3A_866 = arith.constant 26 : i32
    %get3A_867 = arith.index_cast %get3A_865 : i32 to index
    %get3A_868 = arith.index_cast %get3A_866 : i32 to index
    %get3A_869 = memref.load %arg3[%get3A_867, %get3A_868] : memref<8x128xf32, #tpu.memory_space<smem>>
    %get3A_870 = arith.constant 4 : i32
    %get3A_871 = arith.constant 26 : i32
    %get3A_872 = arith.index_cast %get3A_870 : i32 to index
    %get3A_873 = arith.index_cast %get3A_871 : i32 to index
    %get3A_874 = memref.load %arg3[%get3A_872, %get3A_873] : memref<8x128xf32, #tpu.memory_space<smem>>
    %add3A_875 = arith.addf %get3A_859, %get3A_869 : f32
    %add3A_876 = arith.addf %add3A_875, %get3A_864 : f32
    %swap3A_877 = arith.constant 0 : i32
    %swap3A_878 = arith.constant 26 : i32
    %swap3A_879 = arith.index_cast %swap3A_877 : i32 to index
    %swap3A_880 = arith.index_cast %swap3A_878 : i32 to index
    %swap3A_881 = memref.load %arg4[%swap3A_879, %swap3A_880] : memref<2x128xf32, #tpu.memory_space<smem>>
    memref.store %add3A_876, %arg4[%swap3A_879, %swap3A_880] : memref<2x128xf32, #tpu.memory_space<smem>>
    %add3A_882 = arith.addf %add3A_875, %get3A_874 : f32
    %swap3A_883 = arith.constant 1 : i32
    %swap3A_884 = arith.constant 26 : i32
    %swap3A_885 = arith.index_cast %swap3A_883 : i32 to index
    %swap3A_886 = arith.index_cast %swap3A_884 : i32 to index
    %swap3A_887 = memref.load %arg4[%swap3A_885, %swap3A_886] : memref<2x128xf32, #tpu.memory_space<smem>>
    memref.store %add3A_882, %arg4[%swap3A_885, %swap3A_886] : memref<2x128xf32, #tpu.memory_space<smem>>
    %get3A_888 = arith.constant 1 : i32
    %get3A_889 = arith.constant 27 : i32
    %get3A_890 = arith.index_cast %get3A_888 : i32 to index
    %get3A_891 = arith.index_cast %get3A_889 : i32 to index
    %get3A_892 = memref.load %arg3[%get3A_890, %get3A_891] : memref<8x128xf32, #tpu.memory_space<smem>>
    %get3A_893 = arith.constant 2 : i32
    %get3A_894 = arith.constant 27 : i32
    %get3A_895 = arith.index_cast %get3A_893 : i32 to index
    %get3A_896 = arith.index_cast %get3A_894 : i32 to index
    %get3A_897 = memref.load %arg3[%get3A_895, %get3A_896] : memref<8x128xf32, #tpu.memory_space<smem>>
    %get3A_898 = arith.constant 3 : i32
    %get3A_899 = arith.constant 27 : i32
    %get3A_900 = arith.index_cast %get3A_898 : i32 to index
    %get3A_901 = arith.index_cast %get3A_899 : i32 to index
    %get3A_902 = memref.load %arg3[%get3A_900, %get3A_901] : memref<8x128xf32, #tpu.memory_space<smem>>
    %get3A_903 = arith.constant 4 : i32
    %get3A_904 = arith.constant 27 : i32
    %get3A_905 = arith.index_cast %get3A_903 : i32 to index
    %get3A_906 = arith.index_cast %get3A_904 : i32 to index
    %get3A_907 = memref.load %arg3[%get3A_905, %get3A_906] : memref<8x128xf32, #tpu.memory_space<smem>>
    %add3A_908 = arith.addf %get3A_892, %get3A_902 : f32
    %add3A_909 = arith.addf %add3A_908, %get3A_897 : f32
    %swap3A_910 = arith.constant 0 : i32
    %swap3A_911 = arith.constant 27 : i32
    %swap3A_912 = arith.index_cast %swap3A_910 : i32 to index
    %swap3A_913 = arith.index_cast %swap3A_911 : i32 to index
    %swap3A_914 = memref.load %arg4[%swap3A_912, %swap3A_913] : memref<2x128xf32, #tpu.memory_space<smem>>
    memref.store %add3A_909, %arg4[%swap3A_912, %swap3A_913] : memref<2x128xf32, #tpu.memory_space<smem>>
    %add3A_915 = arith.addf %add3A_908, %get3A_907 : f32
    %swap3A_916 = arith.constant 1 : i32
    %swap3A_917 = arith.constant 27 : i32
    %swap3A_918 = arith.index_cast %swap3A_916 : i32 to index
    %swap3A_919 = arith.index_cast %swap3A_917 : i32 to index
    %swap3A_920 = memref.load %arg4[%swap3A_918, %swap3A_919] : memref<2x128xf32, #tpu.memory_space<smem>>
    memref.store %add3A_915, %arg4[%swap3A_918, %swap3A_919] : memref<2x128xf32, #tpu.memory_space<smem>>
    %get3A_921 = arith.constant 1 : i32
    %get3A_922 = arith.constant 28 : i32
    %get3A_923 = arith.index_cast %get3A_921 : i32 to index
    %get3A_924 = arith.index_cast %get3A_922 : i32 to index
    %get3A_925 = memref.load %arg3[%get3A_923, %get3A_924] : memref<8x128xf32, #tpu.memory_space<smem>>
    %get3A_926 = arith.constant 2 : i32
    %get3A_927 = arith.constant 28 : i32
    %get3A_928 = arith.index_cast %get3A_926 : i32 to index
    %get3A_929 = arith.index_cast %get3A_927 : i32 to index
    %get3A_930 = memref.load %arg3[%get3A_928, %get3A_929] : memref<8x128xf32, #tpu.memory_space<smem>>
    %get3A_931 = arith.constant 3 : i32
    %get3A_932 = arith.constant 28 : i32
    %get3A_933 = arith.index_cast %get3A_931 : i32 to index
    %get3A_934 = arith.index_cast %get3A_932 : i32 to index
    %get3A_935 = memref.load %arg3[%get3A_933, %get3A_934] : memref<8x128xf32, #tpu.memory_space<smem>>
    %get3A_936 = arith.constant 4 : i32
    %get3A_937 = arith.constant 28 : i32
    %get3A_938 = arith.index_cast %get3A_936 : i32 to index
    %get3A_939 = arith.index_cast %get3A_937 : i32 to index
    %get3A_940 = memref.load %arg3[%get3A_938, %get3A_939] : memref<8x128xf32, #tpu.memory_space<smem>>
    %add3A_941 = arith.addf %get3A_925, %get3A_935 : f32
    %add3A_942 = arith.addf %add3A_941, %get3A_930 : f32
    %swap3A_943 = arith.constant 0 : i32
    %swap3A_944 = arith.constant 28 : i32
    %swap3A_945 = arith.index_cast %swap3A_943 : i32 to index
    %swap3A_946 = arith.index_cast %swap3A_944 : i32 to index
    %swap3A_947 = memref.load %arg4[%swap3A_945, %swap3A_946] : memref<2x128xf32, #tpu.memory_space<smem>>
    memref.store %add3A_942, %arg4[%swap3A_945, %swap3A_946] : memref<2x128xf32, #tpu.memory_space<smem>>
    %add3A_948 = arith.addf %add3A_941, %get3A_940 : f32
    %swap3A_949 = arith.constant 1 : i32
    %swap3A_950 = arith.constant 28 : i32
    %swap3A_951 = arith.index_cast %swap3A_949 : i32 to index
    %swap3A_952 = arith.index_cast %swap3A_950 : i32 to index
    %swap3A_953 = memref.load %arg4[%swap3A_951, %swap3A_952] : memref<2x128xf32, #tpu.memory_space<smem>>
    memref.store %add3A_948, %arg4[%swap3A_951, %swap3A_952] : memref<2x128xf32, #tpu.memory_space<smem>>
    %get3A_954 = arith.constant 1 : i32
    %get3A_955 = arith.constant 29 : i32
    %get3A_956 = arith.index_cast %get3A_954 : i32 to index
    %get3A_957 = arith.index_cast %get3A_955 : i32 to index
    %get3A_958 = memref.load %arg3[%get3A_956, %get3A_957] : memref<8x128xf32, #tpu.memory_space<smem>>
    %get3A_959 = arith.constant 2 : i32
    %get3A_960 = arith.constant 29 : i32
    %get3A_961 = arith.index_cast %get3A_959 : i32 to index
    %get3A_962 = arith.index_cast %get3A_960 : i32 to index
    %get3A_963 = memref.load %arg3[%get3A_961, %get3A_962] : memref<8x128xf32, #tpu.memory_space<smem>>
    %get3A_964 = arith.constant 3 : i32
    %get3A_965 = arith.constant 29 : i32
    %get3A_966 = arith.index_cast %get3A_964 : i32 to index
    %get3A_967 = arith.index_cast %get3A_965 : i32 to index
    %get3A_968 = memref.load %arg3[%get3A_966, %get3A_967] : memref<8x128xf32, #tpu.memory_space<smem>>
    %get3A_969 = arith.constant 4 : i32
    %get3A_970 = arith.constant 29 : i32
    %get3A_971 = arith.index_cast %get3A_969 : i32 to index
    %get3A_972 = arith.index_cast %get3A_970 : i32 to index
    %get3A_973 = memref.load %arg3[%get3A_971, %get3A_972] : memref<8x128xf32, #tpu.memory_space<smem>>
    %add3A_974 = arith.addf %get3A_958, %get3A_968 : f32
    %add3A_975 = arith.addf %add3A_974, %get3A_963 : f32
    %swap3A_976 = arith.constant 0 : i32
    %swap3A_977 = arith.constant 29 : i32
    %swap3A_978 = arith.index_cast %swap3A_976 : i32 to index
    %swap3A_979 = arith.index_cast %swap3A_977 : i32 to index
    %swap3A_980 = memref.load %arg4[%swap3A_978, %swap3A_979] : memref<2x128xf32, #tpu.memory_space<smem>>
    memref.store %add3A_975, %arg4[%swap3A_978, %swap3A_979] : memref<2x128xf32, #tpu.memory_space<smem>>
    %add3A_981 = arith.addf %add3A_974, %get3A_973 : f32
    %swap3A_982 = arith.constant 1 : i32
    %swap3A_983 = arith.constant 29 : i32
    %swap3A_984 = arith.index_cast %swap3A_982 : i32 to index
    %swap3A_985 = arith.index_cast %swap3A_983 : i32 to index
    %swap3A_986 = memref.load %arg4[%swap3A_984, %swap3A_985] : memref<2x128xf32, #tpu.memory_space<smem>>
    memref.store %add3A_981, %arg4[%swap3A_984, %swap3A_985] : memref<2x128xf32, #tpu.memory_space<smem>>
    %get3A_987 = arith.constant 1 : i32
    %get3A_988 = arith.constant 30 : i32
    %get3A_989 = arith.index_cast %get3A_987 : i32 to index
    %get3A_990 = arith.index_cast %get3A_988 : i32 to index
    %get3A_991 = memref.load %arg3[%get3A_989, %get3A_990] : memref<8x128xf32, #tpu.memory_space<smem>>
    %get3A_992 = arith.constant 2 : i32
    %get3A_993 = arith.constant 30 : i32
    %get3A_994 = arith.index_cast %get3A_992 : i32 to index
    %get3A_995 = arith.index_cast %get3A_993 : i32 to index
    %get3A_996 = memref.load %arg3[%get3A_994, %get3A_995] : memref<8x128xf32, #tpu.memory_space<smem>>
    %get3A_997 = arith.constant 3 : i32
    %get3A_998 = arith.constant 30 : i32
    %get3A_999 = arith.index_cast %get3A_997 : i32 to index
    %get3A_1000 = arith.index_cast %get3A_998 : i32 to index
    %get3A_1001 = memref.load %arg3[%get3A_999, %get3A_1000] : memref<8x128xf32, #tpu.memory_space<smem>>
    %get3A_1002 = arith.constant 4 : i32
    %get3A_1003 = arith.constant 30 : i32
    %get3A_1004 = arith.index_cast %get3A_1002 : i32 to index
    %get3A_1005 = arith.index_cast %get3A_1003 : i32 to index
    %get3A_1006 = memref.load %arg3[%get3A_1004, %get3A_1005] : memref<8x128xf32, #tpu.memory_space<smem>>
    %add3A_1007 = arith.addf %get3A_991, %get3A_1001 : f32
    %add3A_1008 = arith.addf %add3A_1007, %get3A_996 : f32
    %swap3A_1009 = arith.constant 0 : i32
    %swap3A_1010 = arith.constant 30 : i32
    %swap3A_1011 = arith.index_cast %swap3A_1009 : i32 to index
    %swap3A_1012 = arith.index_cast %swap3A_1010 : i32 to index
    %swap3A_1013 = memref.load %arg4[%swap3A_1011, %swap3A_1012] : memref<2x128xf32, #tpu.memory_space<smem>>
    memref.store %add3A_1008, %arg4[%swap3A_1011, %swap3A_1012] : memref<2x128xf32, #tpu.memory_space<smem>>
    %add3A_1014 = arith.addf %add3A_1007, %get3A_1006 : f32
    %swap3A_1015 = arith.constant 1 : i32
    %swap3A_1016 = arith.constant 30 : i32
    %swap3A_1017 = arith.index_cast %swap3A_1015 : i32 to index
    %swap3A_1018 = arith.index_cast %swap3A_1016 : i32 to index
    %swap3A_1019 = memref.load %arg4[%swap3A_1017, %swap3A_1018] : memref<2x128xf32, #tpu.memory_space<smem>>
    memref.store %add3A_1014, %arg4[%swap3A_1017, %swap3A_1018] : memref<2x128xf32, #tpu.memory_space<smem>>
    %get3A_1020 = arith.constant 1 : i32
    %get3A_1021 = arith.constant 31 : i32
    %get3A_1022 = arith.index_cast %get3A_1020 : i32 to index
    %get3A_1023 = arith.index_cast %get3A_1021 : i32 to index
    %get3A_1024 = memref.load %arg3[%get3A_1022, %get3A_1023] : memref<8x128xf32, #tpu.memory_space<smem>>
    %get3A_1025 = arith.constant 2 : i32
    %get3A_1026 = arith.constant 31 : i32
    %get3A_1027 = arith.index_cast %get3A_1025 : i32 to index
    %get3A_1028 = arith.index_cast %get3A_1026 : i32 to index
    %get3A_1029 = memref.load %arg3[%get3A_1027, %get3A_1028] : memref<8x128xf32, #tpu.memory_space<smem>>
    %get3A_1030 = arith.constant 3 : i32
    %get3A_1031 = arith.constant 31 : i32
    %get3A_1032 = arith.index_cast %get3A_1030 : i32 to index
    %get3A_1033 = arith.index_cast %get3A_1031 : i32 to index
    %get3A_1034 = memref.load %arg3[%get3A_1032, %get3A_1033] : memref<8x128xf32, #tpu.memory_space<smem>>
    %get3A_1035 = arith.constant 4 : i32
    %get3A_1036 = arith.constant 31 : i32
    %get3A_1037 = arith.index_cast %get3A_1035 : i32 to index
    %get3A_1038 = arith.index_cast %get3A_1036 : i32 to index
    %get3A_1039 = memref.load %arg3[%get3A_1037, %get3A_1038] : memref<8x128xf32, #tpu.memory_space<smem>>
    %add3A_1040 = arith.addf %get3A_1024, %get3A_1034 : f32
    %add3A_1041 = arith.addf %add3A_1040, %get3A_1029 : f32
    %swap3A_1042 = arith.constant 0 : i32
    %swap3A_1043 = arith.constant 31 : i32
    %swap3A_1044 = arith.index_cast %swap3A_1042 : i32 to index
    %swap3A_1045 = arith.index_cast %swap3A_1043 : i32 to index
    %swap3A_1046 = memref.load %arg4[%swap3A_1044, %swap3A_1045] : memref<2x128xf32, #tpu.memory_space<smem>>
    memref.store %add3A_1041, %arg4[%swap3A_1044, %swap3A_1045] : memref<2x128xf32, #tpu.memory_space<smem>>
    %add3A_1047 = arith.addf %add3A_1040, %get3A_1039 : f32
    %swap3A_1048 = arith.constant 1 : i32
    %swap3A_1049 = arith.constant 31 : i32
    %swap3A_1050 = arith.index_cast %swap3A_1048 : i32 to index
    %swap3A_1051 = arith.index_cast %swap3A_1049 : i32 to index
    %swap3A_1052 = memref.load %arg4[%swap3A_1050, %swap3A_1051] : memref<2x128xf32, #tpu.memory_space<smem>>
    memref.store %add3A_1047, %arg4[%swap3A_1050, %swap3A_1051] : memref<2x128xf32, #tpu.memory_space<smem>>
    %get3A_1053 = arith.constant 1 : i32
    %get3A_1054 = arith.constant 32 : i32
    %get3A_1055 = arith.index_cast %get3A_1053 : i32 to index
    %get3A_1056 = arith.index_cast %get3A_1054 : i32 to index
    %get3A_1057 = memref.load %arg3[%get3A_1055, %get3A_1056] : memref<8x128xf32, #tpu.memory_space<smem>>
    %get3A_1058 = arith.constant 2 : i32
    %get3A_1059 = arith.constant 32 : i32
    %get3A_1060 = arith.index_cast %get3A_1058 : i32 to index
    %get3A_1061 = arith.index_cast %get3A_1059 : i32 to index
    %get3A_1062 = memref.load %arg3[%get3A_1060, %get3A_1061] : memref<8x128xf32, #tpu.memory_space<smem>>
    %get3A_1063 = arith.constant 3 : i32
    %get3A_1064 = arith.constant 32 : i32
    %get3A_1065 = arith.index_cast %get3A_1063 : i32 to index
    %get3A_1066 = arith.index_cast %get3A_1064 : i32 to index
    %get3A_1067 = memref.load %arg3[%get3A_1065, %get3A_1066] : memref<8x128xf32, #tpu.memory_space<smem>>
    %get3A_1068 = arith.constant 4 : i32
    %get3A_1069 = arith.constant 32 : i32
    %get3A_1070 = arith.index_cast %get3A_1068 : i32 to index
    %get3A_1071 = arith.index_cast %get3A_1069 : i32 to index
    %get3A_1072 = memref.load %arg3[%get3A_1070, %get3A_1071] : memref<8x128xf32, #tpu.memory_space<smem>>
    %add3A_1073 = arith.addf %get3A_1057, %get3A_1067 : f32
    %add3A_1074 = arith.addf %add3A_1073, %get3A_1062 : f32
    %swap3A_1075 = arith.constant 0 : i32
    %swap3A_1076 = arith.constant 32 : i32
    %swap3A_1077 = arith.index_cast %swap3A_1075 : i32 to index
    %swap3A_1078 = arith.index_cast %swap3A_1076 : i32 to index
    %swap3A_1079 = memref.load %arg4[%swap3A_1077, %swap3A_1078] : memref<2x128xf32, #tpu.memory_space<smem>>
    memref.store %add3A_1074, %arg4[%swap3A_1077, %swap3A_1078] : memref<2x128xf32, #tpu.memory_space<smem>>
    %add3A_1080 = arith.addf %add3A_1073, %get3A_1072 : f32
    %swap3A_1081 = arith.constant 1 : i32
    %swap3A_1082 = arith.constant 32 : i32
    %swap3A_1083 = arith.index_cast %swap3A_1081 : i32 to index
    %swap3A_1084 = arith.index_cast %swap3A_1082 : i32 to index
    %swap3A_1085 = memref.load %arg4[%swap3A_1083, %swap3A_1084] : memref<2x128xf32, #tpu.memory_space<smem>>
    memref.store %add3A_1080, %arg4[%swap3A_1083, %swap3A_1084] : memref<2x128xf32, #tpu.memory_space<smem>>
    %get3A_1086 = arith.constant 1 : i32
    %get3A_1087 = arith.constant 33 : i32
    %get3A_1088 = arith.index_cast %get3A_1086 : i32 to index
    %get3A_1089 = arith.index_cast %get3A_1087 : i32 to index
    %get3A_1090 = memref.load %arg3[%get3A_1088, %get3A_1089] : memref<8x128xf32, #tpu.memory_space<smem>>
    %get3A_1091 = arith.constant 2 : i32
    %get3A_1092 = arith.constant 33 : i32
    %get3A_1093 = arith.index_cast %get3A_1091 : i32 to index
    %get3A_1094 = arith.index_cast %get3A_1092 : i32 to index
    %get3A_1095 = memref.load %arg3[%get3A_1093, %get3A_1094] : memref<8x128xf32, #tpu.memory_space<smem>>
    %get3A_1096 = arith.constant 3 : i32
    %get3A_1097 = arith.constant 33 : i32
    %get3A_1098 = arith.index_cast %get3A_1096 : i32 to index
    %get3A_1099 = arith.index_cast %get3A_1097 : i32 to index
    %get3A_1100 = memref.load %arg3[%get3A_1098, %get3A_1099] : memref<8x128xf32, #tpu.memory_space<smem>>
    %get3A_1101 = arith.constant 4 : i32
    %get3A_1102 = arith.constant 33 : i32
    %get3A_1103 = arith.index_cast %get3A_1101 : i32 to index
    %get3A_1104 = arith.index_cast %get3A_1102 : i32 to index
    %get3A_1105 = memref.load %arg3[%get3A_1103, %get3A_1104] : memref<8x128xf32, #tpu.memory_space<smem>>
    %add3A_1106 = arith.addf %get3A_1090, %get3A_1100 : f32
    %add3A_1107 = arith.addf %add3A_1106, %get3A_1095 : f32
    %swap3A_1108 = arith.constant 0 : i32
    %swap3A_1109 = arith.constant 33 : i32
    %swap3A_1110 = arith.index_cast %swap3A_1108 : i32 to index
    %swap3A_1111 = arith.index_cast %swap3A_1109 : i32 to index
    %swap3A_1112 = memref.load %arg4[%swap3A_1110, %swap3A_1111] : memref<2x128xf32, #tpu.memory_space<smem>>
    memref.store %add3A_1107, %arg4[%swap3A_1110, %swap3A_1111] : memref<2x128xf32, #tpu.memory_space<smem>>
    %add3A_1113 = arith.addf %add3A_1106, %get3A_1105 : f32
    %swap3A_1114 = arith.constant 1 : i32
    %swap3A_1115 = arith.constant 33 : i32
    %swap3A_1116 = arith.index_cast %swap3A_1114 : i32 to index
    %swap3A_1117 = arith.index_cast %swap3A_1115 : i32 to index
    %swap3A_1118 = memref.load %arg4[%swap3A_1116, %swap3A_1117] : memref<2x128xf32, #tpu.memory_space<smem>>
    memref.store %add3A_1113, %arg4[%swap3A_1116, %swap3A_1117] : memref<2x128xf32, #tpu.memory_space<smem>>
    %get3A_1119 = arith.constant 1 : i32
    %get3A_1120 = arith.constant 34 : i32
    %get3A_1121 = arith.index_cast %get3A_1119 : i32 to index
    %get3A_1122 = arith.index_cast %get3A_1120 : i32 to index
    %get3A_1123 = memref.load %arg3[%get3A_1121, %get3A_1122] : memref<8x128xf32, #tpu.memory_space<smem>>
    %get3A_1124 = arith.constant 2 : i32
    %get3A_1125 = arith.constant 34 : i32
    %get3A_1126 = arith.index_cast %get3A_1124 : i32 to index
    %get3A_1127 = arith.index_cast %get3A_1125 : i32 to index
    %get3A_1128 = memref.load %arg3[%get3A_1126, %get3A_1127] : memref<8x128xf32, #tpu.memory_space<smem>>
    %get3A_1129 = arith.constant 3 : i32
    %get3A_1130 = arith.constant 34 : i32
    %get3A_1131 = arith.index_cast %get3A_1129 : i32 to index
    %get3A_1132 = arith.index_cast %get3A_1130 : i32 to index
    %get3A_1133 = memref.load %arg3[%get3A_1131, %get3A_1132] : memref<8x128xf32, #tpu.memory_space<smem>>
    %get3A_1134 = arith.constant 4 : i32
    %get3A_1135 = arith.constant 34 : i32
    %get3A_1136 = arith.index_cast %get3A_1134 : i32 to index
    %get3A_1137 = arith.index_cast %get3A_1135 : i32 to index
    %get3A_1138 = memref.load %arg3[%get3A_1136, %get3A_1137] : memref<8x128xf32, #tpu.memory_space<smem>>
    %add3A_1139 = arith.addf %get3A_1123, %get3A_1133 : f32
    %add3A_1140 = arith.addf %add3A_1139, %get3A_1128 : f32
    %swap3A_1141 = arith.constant 0 : i32
    %swap3A_1142 = arith.constant 34 : i32
    %swap3A_1143 = arith.index_cast %swap3A_1141 : i32 to index
    %swap3A_1144 = arith.index_cast %swap3A_1142 : i32 to index
    %swap3A_1145 = memref.load %arg4[%swap3A_1143, %swap3A_1144] : memref<2x128xf32, #tpu.memory_space<smem>>
    memref.store %add3A_1140, %arg4[%swap3A_1143, %swap3A_1144] : memref<2x128xf32, #tpu.memory_space<smem>>
    %add3A_1146 = arith.addf %add3A_1139, %get3A_1138 : f32
    %swap3A_1147 = arith.constant 1 : i32
    %swap3A_1148 = arith.constant 34 : i32
    %swap3A_1149 = arith.index_cast %swap3A_1147 : i32 to index
    %swap3A_1150 = arith.index_cast %swap3A_1148 : i32 to index
    %swap3A_1151 = memref.load %arg4[%swap3A_1149, %swap3A_1150] : memref<2x128xf32, #tpu.memory_space<smem>>
    memref.store %add3A_1146, %arg4[%swap3A_1149, %swap3A_1150] : memref<2x128xf32, #tpu.memory_space<smem>>
    %get3A_1152 = arith.constant 1 : i32
    %get3A_1153 = arith.constant 35 : i32
    %get3A_1154 = arith.index_cast %get3A_1152 : i32 to index
    %get3A_1155 = arith.index_cast %get3A_1153 : i32 to index
    %get3A_1156 = memref.load %arg3[%get3A_1154, %get3A_1155] : memref<8x128xf32, #tpu.memory_space<smem>>
    %get3A_1157 = arith.constant 2 : i32
    %get3A_1158 = arith.constant 35 : i32
    %get3A_1159 = arith.index_cast %get3A_1157 : i32 to index
    %get3A_1160 = arith.index_cast %get3A_1158 : i32 to index
    %get3A_1161 = memref.load %arg3[%get3A_1159, %get3A_1160] : memref<8x128xf32, #tpu.memory_space<smem>>
    %get3A_1162 = arith.constant 3 : i32
    %get3A_1163 = arith.constant 35 : i32
    %get3A_1164 = arith.index_cast %get3A_1162 : i32 to index
    %get3A_1165 = arith.index_cast %get3A_1163 : i32 to index
    %get3A_1166 = memref.load %arg3[%get3A_1164, %get3A_1165] : memref<8x128xf32, #tpu.memory_space<smem>>
    %get3A_1167 = arith.constant 4 : i32
    %get3A_1168 = arith.constant 35 : i32
    %get3A_1169 = arith.index_cast %get3A_1167 : i32 to index
    %get3A_1170 = arith.index_cast %get3A_1168 : i32 to index
    %get3A_1171 = memref.load %arg3[%get3A_1169, %get3A_1170] : memref<8x128xf32, #tpu.memory_space<smem>>
    %add3A_1172 = arith.addf %get3A_1156, %get3A_1166 : f32
    %add3A_1173 = arith.addf %add3A_1172, %get3A_1161 : f32
    %swap3A_1174 = arith.constant 0 : i32
    %swap3A_1175 = arith.constant 35 : i32
    %swap3A_1176 = arith.index_cast %swap3A_1174 : i32 to index
    %swap3A_1177 = arith.index_cast %swap3A_1175 : i32 to index
    %swap3A_1178 = memref.load %arg4[%swap3A_1176, %swap3A_1177] : memref<2x128xf32, #tpu.memory_space<smem>>
    memref.store %add3A_1173, %arg4[%swap3A_1176, %swap3A_1177] : memref<2x128xf32, #tpu.memory_space<smem>>
    %add3A_1179 = arith.addf %add3A_1172, %get3A_1171 : f32
    %swap3A_1180 = arith.constant 1 : i32
    %swap3A_1181 = arith.constant 35 : i32
    %swap3A_1182 = arith.index_cast %swap3A_1180 : i32 to index
    %swap3A_1183 = arith.index_cast %swap3A_1181 : i32 to index
    %swap3A_1184 = memref.load %arg4[%swap3A_1182, %swap3A_1183] : memref<2x128xf32, #tpu.memory_space<smem>>
    memref.store %add3A_1179, %arg4[%swap3A_1182, %swap3A_1183] : memref<2x128xf32, #tpu.memory_space<smem>>
    %get3A_1185 = arith.constant 1 : i32
    %get3A_1186 = arith.constant 36 : i32
    %get3A_1187 = arith.index_cast %get3A_1185 : i32 to index
    %get3A_1188 = arith.index_cast %get3A_1186 : i32 to index
    %get3A_1189 = memref.load %arg3[%get3A_1187, %get3A_1188] : memref<8x128xf32, #tpu.memory_space<smem>>
    %get3A_1190 = arith.constant 2 : i32
    %get3A_1191 = arith.constant 36 : i32
    %get3A_1192 = arith.index_cast %get3A_1190 : i32 to index
    %get3A_1193 = arith.index_cast %get3A_1191 : i32 to index
    %get3A_1194 = memref.load %arg3[%get3A_1192, %get3A_1193] : memref<8x128xf32, #tpu.memory_space<smem>>
    %get3A_1195 = arith.constant 3 : i32
    %get3A_1196 = arith.constant 36 : i32
    %get3A_1197 = arith.index_cast %get3A_1195 : i32 to index
    %get3A_1198 = arith.index_cast %get3A_1196 : i32 to index
    %get3A_1199 = memref.load %arg3[%get3A_1197, %get3A_1198] : memref<8x128xf32, #tpu.memory_space<smem>>
    %get3A_1200 = arith.constant 4 : i32
    %get3A_1201 = arith.constant 36 : i32
    %get3A_1202 = arith.index_cast %get3A_1200 : i32 to index
    %get3A_1203 = arith.index_cast %get3A_1201 : i32 to index
    %get3A_1204 = memref.load %arg3[%get3A_1202, %get3A_1203] : memref<8x128xf32, #tpu.memory_space<smem>>
    %add3A_1205 = arith.addf %get3A_1189, %get3A_1199 : f32
    %add3A_1206 = arith.addf %add3A_1205, %get3A_1194 : f32
    %swap3A_1207 = arith.constant 0 : i32
    %swap3A_1208 = arith.constant 36 : i32
    %swap3A_1209 = arith.index_cast %swap3A_1207 : i32 to index
    %swap3A_1210 = arith.index_cast %swap3A_1208 : i32 to index
    %swap3A_1211 = memref.load %arg4[%swap3A_1209, %swap3A_1210] : memref<2x128xf32, #tpu.memory_space<smem>>
    memref.store %add3A_1206, %arg4[%swap3A_1209, %swap3A_1210] : memref<2x128xf32, #tpu.memory_space<smem>>
    %add3A_1212 = arith.addf %add3A_1205, %get3A_1204 : f32
    %swap3A_1213 = arith.constant 1 : i32
    %swap3A_1214 = arith.constant 36 : i32
    %swap3A_1215 = arith.index_cast %swap3A_1213 : i32 to index
    %swap3A_1216 = arith.index_cast %swap3A_1214 : i32 to index
    %swap3A_1217 = memref.load %arg4[%swap3A_1215, %swap3A_1216] : memref<2x128xf32, #tpu.memory_space<smem>>
    memref.store %add3A_1212, %arg4[%swap3A_1215, %swap3A_1216] : memref<2x128xf32, #tpu.memory_space<smem>>
    %get3A_1218 = arith.constant 1 : i32
    %get3A_1219 = arith.constant 37 : i32
    %get3A_1220 = arith.index_cast %get3A_1218 : i32 to index
    %get3A_1221 = arith.index_cast %get3A_1219 : i32 to index
    %get3A_1222 = memref.load %arg3[%get3A_1220, %get3A_1221] : memref<8x128xf32, #tpu.memory_space<smem>>
    %get3A_1223 = arith.constant 2 : i32
    %get3A_1224 = arith.constant 37 : i32
    %get3A_1225 = arith.index_cast %get3A_1223 : i32 to index
    %get3A_1226 = arith.index_cast %get3A_1224 : i32 to index
    %get3A_1227 = memref.load %arg3[%get3A_1225, %get3A_1226] : memref<8x128xf32, #tpu.memory_space<smem>>
    %get3A_1228 = arith.constant 3 : i32
    %get3A_1229 = arith.constant 37 : i32
    %get3A_1230 = arith.index_cast %get3A_1228 : i32 to index
    %get3A_1231 = arith.index_cast %get3A_1229 : i32 to index
    %get3A_1232 = memref.load %arg3[%get3A_1230, %get3A_1231] : memref<8x128xf32, #tpu.memory_space<smem>>
    %get3A_1233 = arith.constant 4 : i32
    %get3A_1234 = arith.constant 37 : i32
    %get3A_1235 = arith.index_cast %get3A_1233 : i32 to index
    %get3A_1236 = arith.index_cast %get3A_1234 : i32 to index
    %get3A_1237 = memref.load %arg3[%get3A_1235, %get3A_1236] : memref<8x128xf32, #tpu.memory_space<smem>>
    %add3A_1238 = arith.addf %get3A_1222, %get3A_1232 : f32
    %add3A_1239 = arith.addf %add3A_1238, %get3A_1227 : f32
    %swap3A_1240 = arith.constant 0 : i32
    %swap3A_1241 = arith.constant 37 : i32
    %swap3A_1242 = arith.index_cast %swap3A_1240 : i32 to index
    %swap3A_1243 = arith.index_cast %swap3A_1241 : i32 to index
    %swap3A_1244 = memref.load %arg4[%swap3A_1242, %swap3A_1243] : memref<2x128xf32, #tpu.memory_space<smem>>
    memref.store %add3A_1239, %arg4[%swap3A_1242, %swap3A_1243] : memref<2x128xf32, #tpu.memory_space<smem>>
    %add3A_1245 = arith.addf %add3A_1238, %get3A_1237 : f32
    %swap3A_1246 = arith.constant 1 : i32
    %swap3A_1247 = arith.constant 37 : i32
    %swap3A_1248 = arith.index_cast %swap3A_1246 : i32 to index
    %swap3A_1249 = arith.index_cast %swap3A_1247 : i32 to index
    %swap3A_1250 = memref.load %arg4[%swap3A_1248, %swap3A_1249] : memref<2x128xf32, #tpu.memory_space<smem>>
    memref.store %add3A_1245, %arg4[%swap3A_1248, %swap3A_1249] : memref<2x128xf32, #tpu.memory_space<smem>>
    %get3A_1251 = arith.constant 1 : i32
    %get3A_1252 = arith.constant 38 : i32
    %get3A_1253 = arith.index_cast %get3A_1251 : i32 to index
    %get3A_1254 = arith.index_cast %get3A_1252 : i32 to index
    %get3A_1255 = memref.load %arg3[%get3A_1253, %get3A_1254] : memref<8x128xf32, #tpu.memory_space<smem>>
    %get3A_1256 = arith.constant 2 : i32
    %get3A_1257 = arith.constant 38 : i32
    %get3A_1258 = arith.index_cast %get3A_1256 : i32 to index
    %get3A_1259 = arith.index_cast %get3A_1257 : i32 to index
    %get3A_1260 = memref.load %arg3[%get3A_1258, %get3A_1259] : memref<8x128xf32, #tpu.memory_space<smem>>
    %get3A_1261 = arith.constant 3 : i32
    %get3A_1262 = arith.constant 38 : i32
    %get3A_1263 = arith.index_cast %get3A_1261 : i32 to index
    %get3A_1264 = arith.index_cast %get3A_1262 : i32 to index
    %get3A_1265 = memref.load %arg3[%get3A_1263, %get3A_1264] : memref<8x128xf32, #tpu.memory_space<smem>>
    %get3A_1266 = arith.constant 4 : i32
    %get3A_1267 = arith.constant 38 : i32
    %get3A_1268 = arith.index_cast %get3A_1266 : i32 to index
    %get3A_1269 = arith.index_cast %get3A_1267 : i32 to index
    %get3A_1270 = memref.load %arg3[%get3A_1268, %get3A_1269] : memref<8x128xf32, #tpu.memory_space<smem>>
    %add3A_1271 = arith.addf %get3A_1255, %get3A_1265 : f32
    %add3A_1272 = arith.addf %add3A_1271, %get3A_1260 : f32
    %swap3A_1273 = arith.constant 0 : i32
    %swap3A_1274 = arith.constant 38 : i32
    %swap3A_1275 = arith.index_cast %swap3A_1273 : i32 to index
    %swap3A_1276 = arith.index_cast %swap3A_1274 : i32 to index
    %swap3A_1277 = memref.load %arg4[%swap3A_1275, %swap3A_1276] : memref<2x128xf32, #tpu.memory_space<smem>>
    memref.store %add3A_1272, %arg4[%swap3A_1275, %swap3A_1276] : memref<2x128xf32, #tpu.memory_space<smem>>
    %add3A_1278 = arith.addf %add3A_1271, %get3A_1270 : f32
    %swap3A_1279 = arith.constant 1 : i32
    %swap3A_1280 = arith.constant 38 : i32
    %swap3A_1281 = arith.index_cast %swap3A_1279 : i32 to index
    %swap3A_1282 = arith.index_cast %swap3A_1280 : i32 to index
    %swap3A_1283 = memref.load %arg4[%swap3A_1281, %swap3A_1282] : memref<2x128xf32, #tpu.memory_space<smem>>
    memref.store %add3A_1278, %arg4[%swap3A_1281, %swap3A_1282] : memref<2x128xf32, #tpu.memory_space<smem>>
    %get3A_1284 = arith.constant 1 : i32
    %get3A_1285 = arith.constant 39 : i32
    %get3A_1286 = arith.index_cast %get3A_1284 : i32 to index
    %get3A_1287 = arith.index_cast %get3A_1285 : i32 to index
    %get3A_1288 = memref.load %arg3[%get3A_1286, %get3A_1287] : memref<8x128xf32, #tpu.memory_space<smem>>
    %get3A_1289 = arith.constant 2 : i32
    %get3A_1290 = arith.constant 39 : i32
    %get3A_1291 = arith.index_cast %get3A_1289 : i32 to index
    %get3A_1292 = arith.index_cast %get3A_1290 : i32 to index
    %get3A_1293 = memref.load %arg3[%get3A_1291, %get3A_1292] : memref<8x128xf32, #tpu.memory_space<smem>>
    %get3A_1294 = arith.constant 3 : i32
    %get3A_1295 = arith.constant 39 : i32
    %get3A_1296 = arith.index_cast %get3A_1294 : i32 to index
    %get3A_1297 = arith.index_cast %get3A_1295 : i32 to index
    %get3A_1298 = memref.load %arg3[%get3A_1296, %get3A_1297] : memref<8x128xf32, #tpu.memory_space<smem>>
    %get3A_1299 = arith.constant 4 : i32
    %get3A_1300 = arith.constant 39 : i32
    %get3A_1301 = arith.index_cast %get3A_1299 : i32 to index
    %get3A_1302 = arith.index_cast %get3A_1300 : i32 to index
    %get3A_1303 = memref.load %arg3[%get3A_1301, %get3A_1302] : memref<8x128xf32, #tpu.memory_space<smem>>
    %add3A_1304 = arith.addf %get3A_1288, %get3A_1298 : f32
    %add3A_1305 = arith.addf %add3A_1304, %get3A_1293 : f32
    %swap3A_1306 = arith.constant 0 : i32
    %swap3A_1307 = arith.constant 39 : i32
    %swap3A_1308 = arith.index_cast %swap3A_1306 : i32 to index
    %swap3A_1309 = arith.index_cast %swap3A_1307 : i32 to index
    %swap3A_1310 = memref.load %arg4[%swap3A_1308, %swap3A_1309] : memref<2x128xf32, #tpu.memory_space<smem>>
    memref.store %add3A_1305, %arg4[%swap3A_1308, %swap3A_1309] : memref<2x128xf32, #tpu.memory_space<smem>>
    %add3A_1311 = arith.addf %add3A_1304, %get3A_1303 : f32
    %swap3A_1312 = arith.constant 1 : i32
    %swap3A_1313 = arith.constant 39 : i32
    %swap3A_1314 = arith.index_cast %swap3A_1312 : i32 to index
    %swap3A_1315 = arith.index_cast %swap3A_1313 : i32 to index
    %swap3A_1316 = memref.load %arg4[%swap3A_1314, %swap3A_1315] : memref<2x128xf32, #tpu.memory_space<smem>>
    memref.store %add3A_1311, %arg4[%swap3A_1314, %swap3A_1315] : memref<2x128xf32, #tpu.memory_space<smem>>
    %get3A_1317 = arith.constant 1 : i32
    %get3A_1318 = arith.constant 40 : i32
    %get3A_1319 = arith.index_cast %get3A_1317 : i32 to index
    %get3A_1320 = arith.index_cast %get3A_1318 : i32 to index
    %get3A_1321 = memref.load %arg3[%get3A_1319, %get3A_1320] : memref<8x128xf32, #tpu.memory_space<smem>>
    %get3A_1322 = arith.constant 2 : i32
    %get3A_1323 = arith.constant 40 : i32
    %get3A_1324 = arith.index_cast %get3A_1322 : i32 to index
    %get3A_1325 = arith.index_cast %get3A_1323 : i32 to index
    %get3A_1326 = memref.load %arg3[%get3A_1324, %get3A_1325] : memref<8x128xf32, #tpu.memory_space<smem>>
    %get3A_1327 = arith.constant 3 : i32
    %get3A_1328 = arith.constant 40 : i32
    %get3A_1329 = arith.index_cast %get3A_1327 : i32 to index
    %get3A_1330 = arith.index_cast %get3A_1328 : i32 to index
    %get3A_1331 = memref.load %arg3[%get3A_1329, %get3A_1330] : memref<8x128xf32, #tpu.memory_space<smem>>
    %get3A_1332 = arith.constant 4 : i32
    %get3A_1333 = arith.constant 40 : i32
    %get3A_1334 = arith.index_cast %get3A_1332 : i32 to index
    %get3A_1335 = arith.index_cast %get3A_1333 : i32 to index
    %get3A_1336 = memref.load %arg3[%get3A_1334, %get3A_1335] : memref<8x128xf32, #tpu.memory_space<smem>>
    %add3A_1337 = arith.addf %get3A_1321, %get3A_1331 : f32
    %add3A_1338 = arith.addf %add3A_1337, %get3A_1326 : f32
    %swap3A_1339 = arith.constant 0 : i32
    %swap3A_1340 = arith.constant 40 : i32
    %swap3A_1341 = arith.index_cast %swap3A_1339 : i32 to index
    %swap3A_1342 = arith.index_cast %swap3A_1340 : i32 to index
    %swap3A_1343 = memref.load %arg4[%swap3A_1341, %swap3A_1342] : memref<2x128xf32, #tpu.memory_space<smem>>
    memref.store %add3A_1338, %arg4[%swap3A_1341, %swap3A_1342] : memref<2x128xf32, #tpu.memory_space<smem>>
    %add3A_1344 = arith.addf %add3A_1337, %get3A_1336 : f32
    %swap3A_1345 = arith.constant 1 : i32
    %swap3A_1346 = arith.constant 40 : i32
    %swap3A_1347 = arith.index_cast %swap3A_1345 : i32 to index
    %swap3A_1348 = arith.index_cast %swap3A_1346 : i32 to index
    %swap3A_1349 = memref.load %arg4[%swap3A_1347, %swap3A_1348] : memref<2x128xf32, #tpu.memory_space<smem>>
    memref.store %add3A_1344, %arg4[%swap3A_1347, %swap3A_1348] : memref<2x128xf32, #tpu.memory_space<smem>>
    %get3A_1350 = arith.constant 1 : i32
    %get3A_1351 = arith.constant 41 : i32
    %get3A_1352 = arith.index_cast %get3A_1350 : i32 to index
    %get3A_1353 = arith.index_cast %get3A_1351 : i32 to index
    %get3A_1354 = memref.load %arg3[%get3A_1352, %get3A_1353] : memref<8x128xf32, #tpu.memory_space<smem>>
    %get3A_1355 = arith.constant 2 : i32
    %get3A_1356 = arith.constant 41 : i32
    %get3A_1357 = arith.index_cast %get3A_1355 : i32 to index
    %get3A_1358 = arith.index_cast %get3A_1356 : i32 to index
    %get3A_1359 = memref.load %arg3[%get3A_1357, %get3A_1358] : memref<8x128xf32, #tpu.memory_space<smem>>
    %get3A_1360 = arith.constant 3 : i32
    %get3A_1361 = arith.constant 41 : i32
    %get3A_1362 = arith.index_cast %get3A_1360 : i32 to index
    %get3A_1363 = arith.index_cast %get3A_1361 : i32 to index
    %get3A_1364 = memref.load %arg3[%get3A_1362, %get3A_1363] : memref<8x128xf32, #tpu.memory_space<smem>>
    %get3A_1365 = arith.constant 4 : i32
    %get3A_1366 = arith.constant 41 : i32
    %get3A_1367 = arith.index_cast %get3A_1365 : i32 to index
    %get3A_1368 = arith.index_cast %get3A_1366 : i32 to index
    %get3A_1369 = memref.load %arg3[%get3A_1367, %get3A_1368] : memref<8x128xf32, #tpu.memory_space<smem>>
    %add3A_1370 = arith.addf %get3A_1354, %get3A_1364 : f32
    %add3A_1371 = arith.addf %add3A_1370, %get3A_1359 : f32
    %swap3A_1372 = arith.constant 0 : i32
    %swap3A_1373 = arith.constant 41 : i32
    %swap3A_1374 = arith.index_cast %swap3A_1372 : i32 to index
    %swap3A_1375 = arith.index_cast %swap3A_1373 : i32 to index
    %swap3A_1376 = memref.load %arg4[%swap3A_1374, %swap3A_1375] : memref<2x128xf32, #tpu.memory_space<smem>>
    memref.store %add3A_1371, %arg4[%swap3A_1374, %swap3A_1375] : memref<2x128xf32, #tpu.memory_space<smem>>
    %add3A_1377 = arith.addf %add3A_1370, %get3A_1369 : f32
    %swap3A_1378 = arith.constant 1 : i32
    %swap3A_1379 = arith.constant 41 : i32
    %swap3A_1380 = arith.index_cast %swap3A_1378 : i32 to index
    %swap3A_1381 = arith.index_cast %swap3A_1379 : i32 to index
    %swap3A_1382 = memref.load %arg4[%swap3A_1380, %swap3A_1381] : memref<2x128xf32, #tpu.memory_space<smem>>
    memref.store %add3A_1377, %arg4[%swap3A_1380, %swap3A_1381] : memref<2x128xf32, #tpu.memory_space<smem>>
    %get3A_1383 = arith.constant 1 : i32
    %get3A_1384 = arith.constant 42 : i32
    %get3A_1385 = arith.index_cast %get3A_1383 : i32 to index
    %get3A_1386 = arith.index_cast %get3A_1384 : i32 to index
    %get3A_1387 = memref.load %arg3[%get3A_1385, %get3A_1386] : memref<8x128xf32, #tpu.memory_space<smem>>
    %get3A_1388 = arith.constant 2 : i32
    %get3A_1389 = arith.constant 42 : i32
    %get3A_1390 = arith.index_cast %get3A_1388 : i32 to index
    %get3A_1391 = arith.index_cast %get3A_1389 : i32 to index
    %get3A_1392 = memref.load %arg3[%get3A_1390, %get3A_1391] : memref<8x128xf32, #tpu.memory_space<smem>>
    %get3A_1393 = arith.constant 3 : i32
    %get3A_1394 = arith.constant 42 : i32
    %get3A_1395 = arith.index_cast %get3A_1393 : i32 to index
    %get3A_1396 = arith.index_cast %get3A_1394 : i32 to index
    %get3A_1397 = memref.load %arg3[%get3A_1395, %get3A_1396] : memref<8x128xf32, #tpu.memory_space<smem>>
    %get3A_1398 = arith.constant 4 : i32
    %get3A_1399 = arith.constant 42 : i32
    %get3A_1400 = arith.index_cast %get3A_1398 : i32 to index
    %get3A_1401 = arith.index_cast %get3A_1399 : i32 to index
    %get3A_1402 = memref.load %arg3[%get3A_1400, %get3A_1401] : memref<8x128xf32, #tpu.memory_space<smem>>
    %add3A_1403 = arith.addf %get3A_1387, %get3A_1397 : f32
    %add3A_1404 = arith.addf %add3A_1403, %get3A_1392 : f32
    %swap3A_1405 = arith.constant 0 : i32
    %swap3A_1406 = arith.constant 42 : i32
    %swap3A_1407 = arith.index_cast %swap3A_1405 : i32 to index
    %swap3A_1408 = arith.index_cast %swap3A_1406 : i32 to index
    %swap3A_1409 = memref.load %arg4[%swap3A_1407, %swap3A_1408] : memref<2x128xf32, #tpu.memory_space<smem>>
    memref.store %add3A_1404, %arg4[%swap3A_1407, %swap3A_1408] : memref<2x128xf32, #tpu.memory_space<smem>>
    %add3A_1410 = arith.addf %add3A_1403, %get3A_1402 : f32
    %swap3A_1411 = arith.constant 1 : i32
    %swap3A_1412 = arith.constant 42 : i32
    %swap3A_1413 = arith.index_cast %swap3A_1411 : i32 to index
    %swap3A_1414 = arith.index_cast %swap3A_1412 : i32 to index
    %swap3A_1415 = memref.load %arg4[%swap3A_1413, %swap3A_1414] : memref<2x128xf32, #tpu.memory_space<smem>>
    memref.store %add3A_1410, %arg4[%swap3A_1413, %swap3A_1414] : memref<2x128xf32, #tpu.memory_space<smem>>
    %get3A_1416 = arith.constant 1 : i32
    %get3A_1417 = arith.constant 43 : i32
    %get3A_1418 = arith.index_cast %get3A_1416 : i32 to index
    %get3A_1419 = arith.index_cast %get3A_1417 : i32 to index
    %get3A_1420 = memref.load %arg3[%get3A_1418, %get3A_1419] : memref<8x128xf32, #tpu.memory_space<smem>>
    %get3A_1421 = arith.constant 2 : i32
    %get3A_1422 = arith.constant 43 : i32
    %get3A_1423 = arith.index_cast %get3A_1421 : i32 to index
    %get3A_1424 = arith.index_cast %get3A_1422 : i32 to index
    %get3A_1425 = memref.load %arg3[%get3A_1423, %get3A_1424] : memref<8x128xf32, #tpu.memory_space<smem>>
    %get3A_1426 = arith.constant 3 : i32
    %get3A_1427 = arith.constant 43 : i32
    %get3A_1428 = arith.index_cast %get3A_1426 : i32 to index
    %get3A_1429 = arith.index_cast %get3A_1427 : i32 to index
    %get3A_1430 = memref.load %arg3[%get3A_1428, %get3A_1429] : memref<8x128xf32, #tpu.memory_space<smem>>
    %get3A_1431 = arith.constant 4 : i32
    %get3A_1432 = arith.constant 43 : i32
    %get3A_1433 = arith.index_cast %get3A_1431 : i32 to index
    %get3A_1434 = arith.index_cast %get3A_1432 : i32 to index
    %get3A_1435 = memref.load %arg3[%get3A_1433, %get3A_1434] : memref<8x128xf32, #tpu.memory_space<smem>>
    %add3A_1436 = arith.addf %get3A_1420, %get3A_1430 : f32
    %add3A_1437 = arith.addf %add3A_1436, %get3A_1425 : f32
    %swap3A_1438 = arith.constant 0 : i32
    %swap3A_1439 = arith.constant 43 : i32
    %swap3A_1440 = arith.index_cast %swap3A_1438 : i32 to index
    %swap3A_1441 = arith.index_cast %swap3A_1439 : i32 to index
    %swap3A_1442 = memref.load %arg4[%swap3A_1440, %swap3A_1441] : memref<2x128xf32, #tpu.memory_space<smem>>
    memref.store %add3A_1437, %arg4[%swap3A_1440, %swap3A_1441] : memref<2x128xf32, #tpu.memory_space<smem>>
    %add3A_1443 = arith.addf %add3A_1436, %get3A_1435 : f32
    %swap3A_1444 = arith.constant 1 : i32
    %swap3A_1445 = arith.constant 43 : i32
    %swap3A_1446 = arith.index_cast %swap3A_1444 : i32 to index
    %swap3A_1447 = arith.index_cast %swap3A_1445 : i32 to index
    %swap3A_1448 = memref.load %arg4[%swap3A_1446, %swap3A_1447] : memref<2x128xf32, #tpu.memory_space<smem>>
    memref.store %add3A_1443, %arg4[%swap3A_1446, %swap3A_1447] : memref<2x128xf32, #tpu.memory_space<smem>>
    %get3A_1449 = arith.constant 1 : i32
    %get3A_1450 = arith.constant 44 : i32
    %get3A_1451 = arith.index_cast %get3A_1449 : i32 to index
    %get3A_1452 = arith.index_cast %get3A_1450 : i32 to index
    %get3A_1453 = memref.load %arg3[%get3A_1451, %get3A_1452] : memref<8x128xf32, #tpu.memory_space<smem>>
    %get3A_1454 = arith.constant 2 : i32
    %get3A_1455 = arith.constant 44 : i32
    %get3A_1456 = arith.index_cast %get3A_1454 : i32 to index
    %get3A_1457 = arith.index_cast %get3A_1455 : i32 to index
    %get3A_1458 = memref.load %arg3[%get3A_1456, %get3A_1457] : memref<8x128xf32, #tpu.memory_space<smem>>
    %get3A_1459 = arith.constant 3 : i32
    %get3A_1460 = arith.constant 44 : i32
    %get3A_1461 = arith.index_cast %get3A_1459 : i32 to index
    %get3A_1462 = arith.index_cast %get3A_1460 : i32 to index
    %get3A_1463 = memref.load %arg3[%get3A_1461, %get3A_1462] : memref<8x128xf32, #tpu.memory_space<smem>>
    %get3A_1464 = arith.constant 4 : i32
    %get3A_1465 = arith.constant 44 : i32
    %get3A_1466 = arith.index_cast %get3A_1464 : i32 to index
    %get3A_1467 = arith.index_cast %get3A_1465 : i32 to index
    %get3A_1468 = memref.load %arg3[%get3A_1466, %get3A_1467] : memref<8x128xf32, #tpu.memory_space<smem>>
    %add3A_1469 = arith.addf %get3A_1453, %get3A_1463 : f32
    %add3A_1470 = arith.addf %add3A_1469, %get3A_1458 : f32
    %swap3A_1471 = arith.constant 0 : i32
    %swap3A_1472 = arith.constant 44 : i32
    %swap3A_1473 = arith.index_cast %swap3A_1471 : i32 to index
    %swap3A_1474 = arith.index_cast %swap3A_1472 : i32 to index
    %swap3A_1475 = memref.load %arg4[%swap3A_1473, %swap3A_1474] : memref<2x128xf32, #tpu.memory_space<smem>>
    memref.store %add3A_1470, %arg4[%swap3A_1473, %swap3A_1474] : memref<2x128xf32, #tpu.memory_space<smem>>
    %add3A_1476 = arith.addf %add3A_1469, %get3A_1468 : f32
    %swap3A_1477 = arith.constant 1 : i32
    %swap3A_1478 = arith.constant 44 : i32
    %swap3A_1479 = arith.index_cast %swap3A_1477 : i32 to index
    %swap3A_1480 = arith.index_cast %swap3A_1478 : i32 to index
    %swap3A_1481 = memref.load %arg4[%swap3A_1479, %swap3A_1480] : memref<2x128xf32, #tpu.memory_space<smem>>
    memref.store %add3A_1476, %arg4[%swap3A_1479, %swap3A_1480] : memref<2x128xf32, #tpu.memory_space<smem>>
    %get3A_1482 = arith.constant 1 : i32
    %get3A_1483 = arith.constant 45 : i32
    %get3A_1484 = arith.index_cast %get3A_1482 : i32 to index
    %get3A_1485 = arith.index_cast %get3A_1483 : i32 to index
    %get3A_1486 = memref.load %arg3[%get3A_1484, %get3A_1485] : memref<8x128xf32, #tpu.memory_space<smem>>
    %get3A_1487 = arith.constant 2 : i32
    %get3A_1488 = arith.constant 45 : i32
    %get3A_1489 = arith.index_cast %get3A_1487 : i32 to index
    %get3A_1490 = arith.index_cast %get3A_1488 : i32 to index
    %get3A_1491 = memref.load %arg3[%get3A_1489, %get3A_1490] : memref<8x128xf32, #tpu.memory_space<smem>>
    %get3A_1492 = arith.constant 3 : i32
    %get3A_1493 = arith.constant 45 : i32
    %get3A_1494 = arith.index_cast %get3A_1492 : i32 to index
    %get3A_1495 = arith.index_cast %get3A_1493 : i32 to index
    %get3A_1496 = memref.load %arg3[%get3A_1494, %get3A_1495] : memref<8x128xf32, #tpu.memory_space<smem>>
    %get3A_1497 = arith.constant 4 : i32
    %get3A_1498 = arith.constant 45 : i32
    %get3A_1499 = arith.index_cast %get3A_1497 : i32 to index
    %get3A_1500 = arith.index_cast %get3A_1498 : i32 to index
    %get3A_1501 = memref.load %arg3[%get3A_1499, %get3A_1500] : memref<8x128xf32, #tpu.memory_space<smem>>
    %add3A_1502 = arith.addf %get3A_1486, %get3A_1496 : f32
    %add3A_1503 = arith.addf %add3A_1502, %get3A_1491 : f32
    %swap3A_1504 = arith.constant 0 : i32
    %swap3A_1505 = arith.constant 45 : i32
    %swap3A_1506 = arith.index_cast %swap3A_1504 : i32 to index
    %swap3A_1507 = arith.index_cast %swap3A_1505 : i32 to index
    %swap3A_1508 = memref.load %arg4[%swap3A_1506, %swap3A_1507] : memref<2x128xf32, #tpu.memory_space<smem>>
    memref.store %add3A_1503, %arg4[%swap3A_1506, %swap3A_1507] : memref<2x128xf32, #tpu.memory_space<smem>>
    %add3A_1509 = arith.addf %add3A_1502, %get3A_1501 : f32
    %swap3A_1510 = arith.constant 1 : i32
    %swap3A_1511 = arith.constant 45 : i32
    %swap3A_1512 = arith.index_cast %swap3A_1510 : i32 to index
    %swap3A_1513 = arith.index_cast %swap3A_1511 : i32 to index
    %swap3A_1514 = memref.load %arg4[%swap3A_1512, %swap3A_1513] : memref<2x128xf32, #tpu.memory_space<smem>>
    memref.store %add3A_1509, %arg4[%swap3A_1512, %swap3A_1513] : memref<2x128xf32, #tpu.memory_space<smem>>
    %get3A_1515 = arith.constant 1 : i32
    %get3A_1516 = arith.constant 46 : i32
    %get3A_1517 = arith.index_cast %get3A_1515 : i32 to index
    %get3A_1518 = arith.index_cast %get3A_1516 : i32 to index
    %get3A_1519 = memref.load %arg3[%get3A_1517, %get3A_1518] : memref<8x128xf32, #tpu.memory_space<smem>>
    %get3A_1520 = arith.constant 2 : i32
    %get3A_1521 = arith.constant 46 : i32
    %get3A_1522 = arith.index_cast %get3A_1520 : i32 to index
    %get3A_1523 = arith.index_cast %get3A_1521 : i32 to index
    %get3A_1524 = memref.load %arg3[%get3A_1522, %get3A_1523] : memref<8x128xf32, #tpu.memory_space<smem>>
    %get3A_1525 = arith.constant 3 : i32
    %get3A_1526 = arith.constant 46 : i32
    %get3A_1527 = arith.index_cast %get3A_1525 : i32 to index
    %get3A_1528 = arith.index_cast %get3A_1526 : i32 to index
    %get3A_1529 = memref.load %arg3[%get3A_1527, %get3A_1528] : memref<8x128xf32, #tpu.memory_space<smem>>
    %get3A_1530 = arith.constant 4 : i32
    %get3A_1531 = arith.constant 46 : i32
    %get3A_1532 = arith.index_cast %get3A_1530 : i32 to index
    %get3A_1533 = arith.index_cast %get3A_1531 : i32 to index
    %get3A_1534 = memref.load %arg3[%get3A_1532, %get3A_1533] : memref<8x128xf32, #tpu.memory_space<smem>>
    %add3A_1535 = arith.addf %get3A_1519, %get3A_1529 : f32
    %add3A_1536 = arith.addf %add3A_1535, %get3A_1524 : f32
    %swap3A_1537 = arith.constant 0 : i32
    %swap3A_1538 = arith.constant 46 : i32
    %swap3A_1539 = arith.index_cast %swap3A_1537 : i32 to index
    %swap3A_1540 = arith.index_cast %swap3A_1538 : i32 to index
    %swap3A_1541 = memref.load %arg4[%swap3A_1539, %swap3A_1540] : memref<2x128xf32, #tpu.memory_space<smem>>
    memref.store %add3A_1536, %arg4[%swap3A_1539, %swap3A_1540] : memref<2x128xf32, #tpu.memory_space<smem>>
    %add3A_1542 = arith.addf %add3A_1535, %get3A_1534 : f32
    %swap3A_1543 = arith.constant 1 : i32
    %swap3A_1544 = arith.constant 46 : i32
    %swap3A_1545 = arith.index_cast %swap3A_1543 : i32 to index
    %swap3A_1546 = arith.index_cast %swap3A_1544 : i32 to index
    %swap3A_1547 = memref.load %arg4[%swap3A_1545, %swap3A_1546] : memref<2x128xf32, #tpu.memory_space<smem>>
    memref.store %add3A_1542, %arg4[%swap3A_1545, %swap3A_1546] : memref<2x128xf32, #tpu.memory_space<smem>>
    %get3A_1548 = arith.constant 1 : i32
    %get3A_1549 = arith.constant 47 : i32
    %get3A_1550 = arith.index_cast %get3A_1548 : i32 to index
    %get3A_1551 = arith.index_cast %get3A_1549 : i32 to index
    %get3A_1552 = memref.load %arg3[%get3A_1550, %get3A_1551] : memref<8x128xf32, #tpu.memory_space<smem>>
    %get3A_1553 = arith.constant 2 : i32
    %get3A_1554 = arith.constant 47 : i32
    %get3A_1555 = arith.index_cast %get3A_1553 : i32 to index
    %get3A_1556 = arith.index_cast %get3A_1554 : i32 to index
    %get3A_1557 = memref.load %arg3[%get3A_1555, %get3A_1556] : memref<8x128xf32, #tpu.memory_space<smem>>
    %get3A_1558 = arith.constant 3 : i32
    %get3A_1559 = arith.constant 47 : i32
    %get3A_1560 = arith.index_cast %get3A_1558 : i32 to index
    %get3A_1561 = arith.index_cast %get3A_1559 : i32 to index
    %get3A_1562 = memref.load %arg3[%get3A_1560, %get3A_1561] : memref<8x128xf32, #tpu.memory_space<smem>>
    %get3A_1563 = arith.constant 4 : i32
    %get3A_1564 = arith.constant 47 : i32
    %get3A_1565 = arith.index_cast %get3A_1563 : i32 to index
    %get3A_1566 = arith.index_cast %get3A_1564 : i32 to index
    %get3A_1567 = memref.load %arg3[%get3A_1565, %get3A_1566] : memref<8x128xf32, #tpu.memory_space<smem>>
    %add3A_1568 = arith.addf %get3A_1552, %get3A_1562 : f32
    %add3A_1569 = arith.addf %add3A_1568, %get3A_1557 : f32
    %swap3A_1570 = arith.constant 0 : i32
    %swap3A_1571 = arith.constant 47 : i32
    %swap3A_1572 = arith.index_cast %swap3A_1570 : i32 to index
    %swap3A_1573 = arith.index_cast %swap3A_1571 : i32 to index
    %swap3A_1574 = memref.load %arg4[%swap3A_1572, %swap3A_1573] : memref<2x128xf32, #tpu.memory_space<smem>>
    memref.store %add3A_1569, %arg4[%swap3A_1572, %swap3A_1573] : memref<2x128xf32, #tpu.memory_space<smem>>
    %add3A_1575 = arith.addf %add3A_1568, %get3A_1567 : f32
    %swap3A_1576 = arith.constant 1 : i32
    %swap3A_1577 = arith.constant 47 : i32
    %swap3A_1578 = arith.index_cast %swap3A_1576 : i32 to index
    %swap3A_1579 = arith.index_cast %swap3A_1577 : i32 to index
    %swap3A_1580 = memref.load %arg4[%swap3A_1578, %swap3A_1579] : memref<2x128xf32, #tpu.memory_space<smem>>
    memref.store %add3A_1575, %arg4[%swap3A_1578, %swap3A_1579] : memref<2x128xf32, #tpu.memory_space<smem>>
    %get3A_1581 = arith.constant 1 : i32
    %get3A_1582 = arith.constant 48 : i32
    %get3A_1583 = arith.index_cast %get3A_1581 : i32 to index
    %get3A_1584 = arith.index_cast %get3A_1582 : i32 to index
    %get3A_1585 = memref.load %arg3[%get3A_1583, %get3A_1584] : memref<8x128xf32, #tpu.memory_space<smem>>
    %get3A_1586 = arith.constant 2 : i32
    %get3A_1587 = arith.constant 48 : i32
    %get3A_1588 = arith.index_cast %get3A_1586 : i32 to index
    %get3A_1589 = arith.index_cast %get3A_1587 : i32 to index
    %get3A_1590 = memref.load %arg3[%get3A_1588, %get3A_1589] : memref<8x128xf32, #tpu.memory_space<smem>>
    %get3A_1591 = arith.constant 3 : i32
    %get3A_1592 = arith.constant 48 : i32
    %get3A_1593 = arith.index_cast %get3A_1591 : i32 to index
    %get3A_1594 = arith.index_cast %get3A_1592 : i32 to index
    %get3A_1595 = memref.load %arg3[%get3A_1593, %get3A_1594] : memref<8x128xf32, #tpu.memory_space<smem>>
    %get3A_1596 = arith.constant 4 : i32
    %get3A_1597 = arith.constant 48 : i32
    %get3A_1598 = arith.index_cast %get3A_1596 : i32 to index
    %get3A_1599 = arith.index_cast %get3A_1597 : i32 to index
    %get3A_1600 = memref.load %arg3[%get3A_1598, %get3A_1599] : memref<8x128xf32, #tpu.memory_space<smem>>
    %add3A_1601 = arith.addf %get3A_1585, %get3A_1595 : f32
    %add3A_1602 = arith.addf %add3A_1601, %get3A_1590 : f32
    %swap3A_1603 = arith.constant 0 : i32
    %swap3A_1604 = arith.constant 48 : i32
    %swap3A_1605 = arith.index_cast %swap3A_1603 : i32 to index
    %swap3A_1606 = arith.index_cast %swap3A_1604 : i32 to index
    %swap3A_1607 = memref.load %arg4[%swap3A_1605, %swap3A_1606] : memref<2x128xf32, #tpu.memory_space<smem>>
    memref.store %add3A_1602, %arg4[%swap3A_1605, %swap3A_1606] : memref<2x128xf32, #tpu.memory_space<smem>>
    %add3A_1608 = arith.addf %add3A_1601, %get3A_1600 : f32
    %swap3A_1609 = arith.constant 1 : i32
    %swap3A_1610 = arith.constant 48 : i32
    %swap3A_1611 = arith.index_cast %swap3A_1609 : i32 to index
    %swap3A_1612 = arith.index_cast %swap3A_1610 : i32 to index
    %swap3A_1613 = memref.load %arg4[%swap3A_1611, %swap3A_1612] : memref<2x128xf32, #tpu.memory_space<smem>>
    memref.store %add3A_1608, %arg4[%swap3A_1611, %swap3A_1612] : memref<2x128xf32, #tpu.memory_space<smem>>
    %get3A_1614 = arith.constant 1 : i32
    %get3A_1615 = arith.constant 49 : i32
    %get3A_1616 = arith.index_cast %get3A_1614 : i32 to index
    %get3A_1617 = arith.index_cast %get3A_1615 : i32 to index
    %get3A_1618 = memref.load %arg3[%get3A_1616, %get3A_1617] : memref<8x128xf32, #tpu.memory_space<smem>>
    %get3A_1619 = arith.constant 2 : i32
    %get3A_1620 = arith.constant 49 : i32
    %get3A_1621 = arith.index_cast %get3A_1619 : i32 to index
    %get3A_1622 = arith.index_cast %get3A_1620 : i32 to index
    %get3A_1623 = memref.load %arg3[%get3A_1621, %get3A_1622] : memref<8x128xf32, #tpu.memory_space<smem>>
    %get3A_1624 = arith.constant 3 : i32
    %get3A_1625 = arith.constant 49 : i32
    %get3A_1626 = arith.index_cast %get3A_1624 : i32 to index
    %get3A_1627 = arith.index_cast %get3A_1625 : i32 to index
    %get3A_1628 = memref.load %arg3[%get3A_1626, %get3A_1627] : memref<8x128xf32, #tpu.memory_space<smem>>
    %get3A_1629 = arith.constant 4 : i32
    %get3A_1630 = arith.constant 49 : i32
    %get3A_1631 = arith.index_cast %get3A_1629 : i32 to index
    %get3A_1632 = arith.index_cast %get3A_1630 : i32 to index
    %get3A_1633 = memref.load %arg3[%get3A_1631, %get3A_1632] : memref<8x128xf32, #tpu.memory_space<smem>>
    %add3A_1634 = arith.addf %get3A_1618, %get3A_1628 : f32
    %add3A_1635 = arith.addf %add3A_1634, %get3A_1623 : f32
    %swap3A_1636 = arith.constant 0 : i32
    %swap3A_1637 = arith.constant 49 : i32
    %swap3A_1638 = arith.index_cast %swap3A_1636 : i32 to index
    %swap3A_1639 = arith.index_cast %swap3A_1637 : i32 to index
    %swap3A_1640 = memref.load %arg4[%swap3A_1638, %swap3A_1639] : memref<2x128xf32, #tpu.memory_space<smem>>
    memref.store %add3A_1635, %arg4[%swap3A_1638, %swap3A_1639] : memref<2x128xf32, #tpu.memory_space<smem>>
    %add3A_1641 = arith.addf %add3A_1634, %get3A_1633 : f32
    %swap3A_1642 = arith.constant 1 : i32
    %swap3A_1643 = arith.constant 49 : i32
    %swap3A_1644 = arith.index_cast %swap3A_1642 : i32 to index
    %swap3A_1645 = arith.index_cast %swap3A_1643 : i32 to index
    %swap3A_1646 = memref.load %arg4[%swap3A_1644, %swap3A_1645] : memref<2x128xf32, #tpu.memory_space<smem>>
    memref.store %add3A_1641, %arg4[%swap3A_1644, %swap3A_1645] : memref<2x128xf32, #tpu.memory_space<smem>>
    %get3A_1647 = arith.constant 1 : i32
    %get3A_1648 = arith.constant 50 : i32
    %get3A_1649 = arith.index_cast %get3A_1647 : i32 to index
    %get3A_1650 = arith.index_cast %get3A_1648 : i32 to index
    %get3A_1651 = memref.load %arg3[%get3A_1649, %get3A_1650] : memref<8x128xf32, #tpu.memory_space<smem>>
    %get3A_1652 = arith.constant 2 : i32
    %get3A_1653 = arith.constant 50 : i32
    %get3A_1654 = arith.index_cast %get3A_1652 : i32 to index
    %get3A_1655 = arith.index_cast %get3A_1653 : i32 to index
    %get3A_1656 = memref.load %arg3[%get3A_1654, %get3A_1655] : memref<8x128xf32, #tpu.memory_space<smem>>
    %get3A_1657 = arith.constant 3 : i32
    %get3A_1658 = arith.constant 50 : i32
    %get3A_1659 = arith.index_cast %get3A_1657 : i32 to index
    %get3A_1660 = arith.index_cast %get3A_1658 : i32 to index
    %get3A_1661 = memref.load %arg3[%get3A_1659, %get3A_1660] : memref<8x128xf32, #tpu.memory_space<smem>>
    %get3A_1662 = arith.constant 4 : i32
    %get3A_1663 = arith.constant 50 : i32
    %get3A_1664 = arith.index_cast %get3A_1662 : i32 to index
    %get3A_1665 = arith.index_cast %get3A_1663 : i32 to index
    %get3A_1666 = memref.load %arg3[%get3A_1664, %get3A_1665] : memref<8x128xf32, #tpu.memory_space<smem>>
    %add3A_1667 = arith.addf %get3A_1651, %get3A_1661 : f32
    %add3A_1668 = arith.addf %add3A_1667, %get3A_1656 : f32
    %swap3A_1669 = arith.constant 0 : i32
    %swap3A_1670 = arith.constant 50 : i32
    %swap3A_1671 = arith.index_cast %swap3A_1669 : i32 to index
    %swap3A_1672 = arith.index_cast %swap3A_1670 : i32 to index
    %swap3A_1673 = memref.load %arg4[%swap3A_1671, %swap3A_1672] : memref<2x128xf32, #tpu.memory_space<smem>>
    memref.store %add3A_1668, %arg4[%swap3A_1671, %swap3A_1672] : memref<2x128xf32, #tpu.memory_space<smem>>
    %add3A_1674 = arith.addf %add3A_1667, %get3A_1666 : f32
    %swap3A_1675 = arith.constant 1 : i32
    %swap3A_1676 = arith.constant 50 : i32
    %swap3A_1677 = arith.index_cast %swap3A_1675 : i32 to index
    %swap3A_1678 = arith.index_cast %swap3A_1676 : i32 to index
    %swap3A_1679 = memref.load %arg4[%swap3A_1677, %swap3A_1678] : memref<2x128xf32, #tpu.memory_space<smem>>
    memref.store %add3A_1674, %arg4[%swap3A_1677, %swap3A_1678] : memref<2x128xf32, #tpu.memory_space<smem>>
    %get3A_1680 = arith.constant 1 : i32
    %get3A_1681 = arith.constant 51 : i32
    %get3A_1682 = arith.index_cast %get3A_1680 : i32 to index
    %get3A_1683 = arith.index_cast %get3A_1681 : i32 to index
    %get3A_1684 = memref.load %arg3[%get3A_1682, %get3A_1683] : memref<8x128xf32, #tpu.memory_space<smem>>
    %get3A_1685 = arith.constant 2 : i32
    %get3A_1686 = arith.constant 51 : i32
    %get3A_1687 = arith.index_cast %get3A_1685 : i32 to index
    %get3A_1688 = arith.index_cast %get3A_1686 : i32 to index
    %get3A_1689 = memref.load %arg3[%get3A_1687, %get3A_1688] : memref<8x128xf32, #tpu.memory_space<smem>>
    %get3A_1690 = arith.constant 3 : i32
    %get3A_1691 = arith.constant 51 : i32
    %get3A_1692 = arith.index_cast %get3A_1690 : i32 to index
    %get3A_1693 = arith.index_cast %get3A_1691 : i32 to index
    %get3A_1694 = memref.load %arg3[%get3A_1692, %get3A_1693] : memref<8x128xf32, #tpu.memory_space<smem>>
    %get3A_1695 = arith.constant 4 : i32
    %get3A_1696 = arith.constant 51 : i32
    %get3A_1697 = arith.index_cast %get3A_1695 : i32 to index
    %get3A_1698 = arith.index_cast %get3A_1696 : i32 to index
    %get3A_1699 = memref.load %arg3[%get3A_1697, %get3A_1698] : memref<8x128xf32, #tpu.memory_space<smem>>
    %add3A_1700 = arith.addf %get3A_1684, %get3A_1694 : f32
    %add3A_1701 = arith.addf %add3A_1700, %get3A_1689 : f32
    %swap3A_1702 = arith.constant 0 : i32
    %swap3A_1703 = arith.constant 51 : i32
    %swap3A_1704 = arith.index_cast %swap3A_1702 : i32 to index
    %swap3A_1705 = arith.index_cast %swap3A_1703 : i32 to index
    %swap3A_1706 = memref.load %arg4[%swap3A_1704, %swap3A_1705] : memref<2x128xf32, #tpu.memory_space<smem>>
    memref.store %add3A_1701, %arg4[%swap3A_1704, %swap3A_1705] : memref<2x128xf32, #tpu.memory_space<smem>>
    %add3A_1707 = arith.addf %add3A_1700, %get3A_1699 : f32
    %swap3A_1708 = arith.constant 1 : i32
    %swap3A_1709 = arith.constant 51 : i32
    %swap3A_1710 = arith.index_cast %swap3A_1708 : i32 to index
    %swap3A_1711 = arith.index_cast %swap3A_1709 : i32 to index
    %swap3A_1712 = memref.load %arg4[%swap3A_1710, %swap3A_1711] : memref<2x128xf32, #tpu.memory_space<smem>>
    memref.store %add3A_1707, %arg4[%swap3A_1710, %swap3A_1711] : memref<2x128xf32, #tpu.memory_space<smem>>
    %get3A_1713 = arith.constant 1 : i32
    %get3A_1714 = arith.constant 52 : i32
    %get3A_1715 = arith.index_cast %get3A_1713 : i32 to index
    %get3A_1716 = arith.index_cast %get3A_1714 : i32 to index
    %get3A_1717 = memref.load %arg3[%get3A_1715, %get3A_1716] : memref<8x128xf32, #tpu.memory_space<smem>>
    %get3A_1718 = arith.constant 2 : i32
    %get3A_1719 = arith.constant 52 : i32
    %get3A_1720 = arith.index_cast %get3A_1718 : i32 to index
    %get3A_1721 = arith.index_cast %get3A_1719 : i32 to index
    %get3A_1722 = memref.load %arg3[%get3A_1720, %get3A_1721] : memref<8x128xf32, #tpu.memory_space<smem>>
    %get3A_1723 = arith.constant 3 : i32
    %get3A_1724 = arith.constant 52 : i32
    %get3A_1725 = arith.index_cast %get3A_1723 : i32 to index
    %get3A_1726 = arith.index_cast %get3A_1724 : i32 to index
    %get3A_1727 = memref.load %arg3[%get3A_1725, %get3A_1726] : memref<8x128xf32, #tpu.memory_space<smem>>
    %get3A_1728 = arith.constant 4 : i32
    %get3A_1729 = arith.constant 52 : i32
    %get3A_1730 = arith.index_cast %get3A_1728 : i32 to index
    %get3A_1731 = arith.index_cast %get3A_1729 : i32 to index
    %get3A_1732 = memref.load %arg3[%get3A_1730, %get3A_1731] : memref<8x128xf32, #tpu.memory_space<smem>>
    %add3A_1733 = arith.addf %get3A_1717, %get3A_1727 : f32
    %add3A_1734 = arith.addf %add3A_1733, %get3A_1722 : f32
    %swap3A_1735 = arith.constant 0 : i32
    %swap3A_1736 = arith.constant 52 : i32
    %swap3A_1737 = arith.index_cast %swap3A_1735 : i32 to index
    %swap3A_1738 = arith.index_cast %swap3A_1736 : i32 to index
    %swap3A_1739 = memref.load %arg4[%swap3A_1737, %swap3A_1738] : memref<2x128xf32, #tpu.memory_space<smem>>
    memref.store %add3A_1734, %arg4[%swap3A_1737, %swap3A_1738] : memref<2x128xf32, #tpu.memory_space<smem>>
    %add3A_1740 = arith.addf %add3A_1733, %get3A_1732 : f32
    %swap3A_1741 = arith.constant 1 : i32
    %swap3A_1742 = arith.constant 52 : i32
    %swap3A_1743 = arith.index_cast %swap3A_1741 : i32 to index
    %swap3A_1744 = arith.index_cast %swap3A_1742 : i32 to index
    %swap3A_1745 = memref.load %arg4[%swap3A_1743, %swap3A_1744] : memref<2x128xf32, #tpu.memory_space<smem>>
    memref.store %add3A_1740, %arg4[%swap3A_1743, %swap3A_1744] : memref<2x128xf32, #tpu.memory_space<smem>>
    %get3A_1746 = arith.constant 1 : i32
    %get3A_1747 = arith.constant 53 : i32
    %get3A_1748 = arith.index_cast %get3A_1746 : i32 to index
    %get3A_1749 = arith.index_cast %get3A_1747 : i32 to index
    %get3A_1750 = memref.load %arg3[%get3A_1748, %get3A_1749] : memref<8x128xf32, #tpu.memory_space<smem>>
    %get3A_1751 = arith.constant 2 : i32
    %get3A_1752 = arith.constant 53 : i32
    %get3A_1753 = arith.index_cast %get3A_1751 : i32 to index
    %get3A_1754 = arith.index_cast %get3A_1752 : i32 to index
    %get3A_1755 = memref.load %arg3[%get3A_1753, %get3A_1754] : memref<8x128xf32, #tpu.memory_space<smem>>
    %get3A_1756 = arith.constant 3 : i32
    %get3A_1757 = arith.constant 53 : i32
    %get3A_1758 = arith.index_cast %get3A_1756 : i32 to index
    %get3A_1759 = arith.index_cast %get3A_1757 : i32 to index
    %get3A_1760 = memref.load %arg3[%get3A_1758, %get3A_1759] : memref<8x128xf32, #tpu.memory_space<smem>>
    %get3A_1761 = arith.constant 4 : i32
    %get3A_1762 = arith.constant 53 : i32
    %get3A_1763 = arith.index_cast %get3A_1761 : i32 to index
    %get3A_1764 = arith.index_cast %get3A_1762 : i32 to index
    %get3A_1765 = memref.load %arg3[%get3A_1763, %get3A_1764] : memref<8x128xf32, #tpu.memory_space<smem>>
    %add3A_1766 = arith.addf %get3A_1750, %get3A_1760 : f32
    %add3A_1767 = arith.addf %add3A_1766, %get3A_1755 : f32
    %swap3A_1768 = arith.constant 0 : i32
    %swap3A_1769 = arith.constant 53 : i32
    %swap3A_1770 = arith.index_cast %swap3A_1768 : i32 to index
    %swap3A_1771 = arith.index_cast %swap3A_1769 : i32 to index
    %swap3A_1772 = memref.load %arg4[%swap3A_1770, %swap3A_1771] : memref<2x128xf32, #tpu.memory_space<smem>>
    memref.store %add3A_1767, %arg4[%swap3A_1770, %swap3A_1771] : memref<2x128xf32, #tpu.memory_space<smem>>
    %add3A_1773 = arith.addf %add3A_1766, %get3A_1765 : f32
    %swap3A_1774 = arith.constant 1 : i32
    %swap3A_1775 = arith.constant 53 : i32
    %swap3A_1776 = arith.index_cast %swap3A_1774 : i32 to index
    %swap3A_1777 = arith.index_cast %swap3A_1775 : i32 to index
    %swap3A_1778 = memref.load %arg4[%swap3A_1776, %swap3A_1777] : memref<2x128xf32, #tpu.memory_space<smem>>
    memref.store %add3A_1773, %arg4[%swap3A_1776, %swap3A_1777] : memref<2x128xf32, #tpu.memory_space<smem>>
    %get3A_1779 = arith.constant 1 : i32
    %get3A_1780 = arith.constant 54 : i32
    %get3A_1781 = arith.index_cast %get3A_1779 : i32 to index
    %get3A_1782 = arith.index_cast %get3A_1780 : i32 to index
    %get3A_1783 = memref.load %arg3[%get3A_1781, %get3A_1782] : memref<8x128xf32, #tpu.memory_space<smem>>
    %get3A_1784 = arith.constant 2 : i32
    %get3A_1785 = arith.constant 54 : i32
    %get3A_1786 = arith.index_cast %get3A_1784 : i32 to index
    %get3A_1787 = arith.index_cast %get3A_1785 : i32 to index
    %get3A_1788 = memref.load %arg3[%get3A_1786, %get3A_1787] : memref<8x128xf32, #tpu.memory_space<smem>>
    %get3A_1789 = arith.constant 3 : i32
    %get3A_1790 = arith.constant 54 : i32
    %get3A_1791 = arith.index_cast %get3A_1789 : i32 to index
    %get3A_1792 = arith.index_cast %get3A_1790 : i32 to index
    %get3A_1793 = memref.load %arg3[%get3A_1791, %get3A_1792] : memref<8x128xf32, #tpu.memory_space<smem>>
    %get3A_1794 = arith.constant 4 : i32
    %get3A_1795 = arith.constant 54 : i32
    %get3A_1796 = arith.index_cast %get3A_1794 : i32 to index
    %get3A_1797 = arith.index_cast %get3A_1795 : i32 to index
    %get3A_1798 = memref.load %arg3[%get3A_1796, %get3A_1797] : memref<8x128xf32, #tpu.memory_space<smem>>
    %add3A_1799 = arith.addf %get3A_1783, %get3A_1793 : f32
    %add3A_1800 = arith.addf %add3A_1799, %get3A_1788 : f32
    %swap3A_1801 = arith.constant 0 : i32
    %swap3A_1802 = arith.constant 54 : i32
    %swap3A_1803 = arith.index_cast %swap3A_1801 : i32 to index
    %swap3A_1804 = arith.index_cast %swap3A_1802 : i32 to index
    %swap3A_1805 = memref.load %arg4[%swap3A_1803, %swap3A_1804] : memref<2x128xf32, #tpu.memory_space<smem>>
    memref.store %add3A_1800, %arg4[%swap3A_1803, %swap3A_1804] : memref<2x128xf32, #tpu.memory_space<smem>>
    %add3A_1806 = arith.addf %add3A_1799, %get3A_1798 : f32
    %swap3A_1807 = arith.constant 1 : i32
    %swap3A_1808 = arith.constant 54 : i32
    %swap3A_1809 = arith.index_cast %swap3A_1807 : i32 to index
    %swap3A_1810 = arith.index_cast %swap3A_1808 : i32 to index
    %swap3A_1811 = memref.load %arg4[%swap3A_1809, %swap3A_1810] : memref<2x128xf32, #tpu.memory_space<smem>>
    memref.store %add3A_1806, %arg4[%swap3A_1809, %swap3A_1810] : memref<2x128xf32, #tpu.memory_space<smem>>
    %get3A_1812 = arith.constant 1 : i32
    %get3A_1813 = arith.constant 55 : i32
    %get3A_1814 = arith.index_cast %get3A_1812 : i32 to index
    %get3A_1815 = arith.index_cast %get3A_1813 : i32 to index
    %get3A_1816 = memref.load %arg3[%get3A_1814, %get3A_1815] : memref<8x128xf32, #tpu.memory_space<smem>>
    %get3A_1817 = arith.constant 2 : i32
    %get3A_1818 = arith.constant 55 : i32
    %get3A_1819 = arith.index_cast %get3A_1817 : i32 to index
    %get3A_1820 = arith.index_cast %get3A_1818 : i32 to index
    %get3A_1821 = memref.load %arg3[%get3A_1819, %get3A_1820] : memref<8x128xf32, #tpu.memory_space<smem>>
    %get3A_1822 = arith.constant 3 : i32
    %get3A_1823 = arith.constant 55 : i32
    %get3A_1824 = arith.index_cast %get3A_1822 : i32 to index
    %get3A_1825 = arith.index_cast %get3A_1823 : i32 to index
    %get3A_1826 = memref.load %arg3[%get3A_1824, %get3A_1825] : memref<8x128xf32, #tpu.memory_space<smem>>
    %get3A_1827 = arith.constant 4 : i32
    %get3A_1828 = arith.constant 55 : i32
    %get3A_1829 = arith.index_cast %get3A_1827 : i32 to index
    %get3A_1830 = arith.index_cast %get3A_1828 : i32 to index
    %get3A_1831 = memref.load %arg3[%get3A_1829, %get3A_1830] : memref<8x128xf32, #tpu.memory_space<smem>>
    %add3A_1832 = arith.addf %get3A_1816, %get3A_1826 : f32
    %add3A_1833 = arith.addf %add3A_1832, %get3A_1821 : f32
    %swap3A_1834 = arith.constant 0 : i32
    %swap3A_1835 = arith.constant 55 : i32
    %swap3A_1836 = arith.index_cast %swap3A_1834 : i32 to index
    %swap3A_1837 = arith.index_cast %swap3A_1835 : i32 to index
    %swap3A_1838 = memref.load %arg4[%swap3A_1836, %swap3A_1837] : memref<2x128xf32, #tpu.memory_space<smem>>
    memref.store %add3A_1833, %arg4[%swap3A_1836, %swap3A_1837] : memref<2x128xf32, #tpu.memory_space<smem>>
    %add3A_1839 = arith.addf %add3A_1832, %get3A_1831 : f32
    %swap3A_1840 = arith.constant 1 : i32
    %swap3A_1841 = arith.constant 55 : i32
    %swap3A_1842 = arith.index_cast %swap3A_1840 : i32 to index
    %swap3A_1843 = arith.index_cast %swap3A_1841 : i32 to index
    %swap3A_1844 = memref.load %arg4[%swap3A_1842, %swap3A_1843] : memref<2x128xf32, #tpu.memory_space<smem>>
    memref.store %add3A_1839, %arg4[%swap3A_1842, %swap3A_1843] : memref<2x128xf32, #tpu.memory_space<smem>>
    %get3A_1845 = arith.constant 1 : i32
    %get3A_1846 = arith.constant 56 : i32
    %get3A_1847 = arith.index_cast %get3A_1845 : i32 to index
    %get3A_1848 = arith.index_cast %get3A_1846 : i32 to index
    %get3A_1849 = memref.load %arg3[%get3A_1847, %get3A_1848] : memref<8x128xf32, #tpu.memory_space<smem>>
    %get3A_1850 = arith.constant 2 : i32
    %get3A_1851 = arith.constant 56 : i32
    %get3A_1852 = arith.index_cast %get3A_1850 : i32 to index
    %get3A_1853 = arith.index_cast %get3A_1851 : i32 to index
    %get3A_1854 = memref.load %arg3[%get3A_1852, %get3A_1853] : memref<8x128xf32, #tpu.memory_space<smem>>
    %get3A_1855 = arith.constant 3 : i32
    %get3A_1856 = arith.constant 56 : i32
    %get3A_1857 = arith.index_cast %get3A_1855 : i32 to index
    %get3A_1858 = arith.index_cast %get3A_1856 : i32 to index
    %get3A_1859 = memref.load %arg3[%get3A_1857, %get3A_1858] : memref<8x128xf32, #tpu.memory_space<smem>>
    %get3A_1860 = arith.constant 4 : i32
    %get3A_1861 = arith.constant 56 : i32
    %get3A_1862 = arith.index_cast %get3A_1860 : i32 to index
    %get3A_1863 = arith.index_cast %get3A_1861 : i32 to index
    %get3A_1864 = memref.load %arg3[%get3A_1862, %get3A_1863] : memref<8x128xf32, #tpu.memory_space<smem>>
    %add3A_1865 = arith.addf %get3A_1849, %get3A_1859 : f32
    %add3A_1866 = arith.addf %add3A_1865, %get3A_1854 : f32
    %swap3A_1867 = arith.constant 0 : i32
    %swap3A_1868 = arith.constant 56 : i32
    %swap3A_1869 = arith.index_cast %swap3A_1867 : i32 to index
    %swap3A_1870 = arith.index_cast %swap3A_1868 : i32 to index
    %swap3A_1871 = memref.load %arg4[%swap3A_1869, %swap3A_1870] : memref<2x128xf32, #tpu.memory_space<smem>>
    memref.store %add3A_1866, %arg4[%swap3A_1869, %swap3A_1870] : memref<2x128xf32, #tpu.memory_space<smem>>
    %add3A_1872 = arith.addf %add3A_1865, %get3A_1864 : f32
    %swap3A_1873 = arith.constant 1 : i32
    %swap3A_1874 = arith.constant 56 : i32
    %swap3A_1875 = arith.index_cast %swap3A_1873 : i32 to index
    %swap3A_1876 = arith.index_cast %swap3A_1874 : i32 to index
    %swap3A_1877 = memref.load %arg4[%swap3A_1875, %swap3A_1876] : memref<2x128xf32, #tpu.memory_space<smem>>
    memref.store %add3A_1872, %arg4[%swap3A_1875, %swap3A_1876] : memref<2x128xf32, #tpu.memory_space<smem>>
    %get3A_1878 = arith.constant 1 : i32
    %get3A_1879 = arith.constant 57 : i32
    %get3A_1880 = arith.index_cast %get3A_1878 : i32 to index
    %get3A_1881 = arith.index_cast %get3A_1879 : i32 to index
    %get3A_1882 = memref.load %arg3[%get3A_1880, %get3A_1881] : memref<8x128xf32, #tpu.memory_space<smem>>
    %get3A_1883 = arith.constant 2 : i32
    %get3A_1884 = arith.constant 57 : i32
    %get3A_1885 = arith.index_cast %get3A_1883 : i32 to index
    %get3A_1886 = arith.index_cast %get3A_1884 : i32 to index
    %get3A_1887 = memref.load %arg3[%get3A_1885, %get3A_1886] : memref<8x128xf32, #tpu.memory_space<smem>>
    %get3A_1888 = arith.constant 3 : i32
    %get3A_1889 = arith.constant 57 : i32
    %get3A_1890 = arith.index_cast %get3A_1888 : i32 to index
    %get3A_1891 = arith.index_cast %get3A_1889 : i32 to index
    %get3A_1892 = memref.load %arg3[%get3A_1890, %get3A_1891] : memref<8x128xf32, #tpu.memory_space<smem>>
    %get3A_1893 = arith.constant 4 : i32
    %get3A_1894 = arith.constant 57 : i32
    %get3A_1895 = arith.index_cast %get3A_1893 : i32 to index
    %get3A_1896 = arith.index_cast %get3A_1894 : i32 to index
    %get3A_1897 = memref.load %arg3[%get3A_1895, %get3A_1896] : memref<8x128xf32, #tpu.memory_space<smem>>
    %add3A_1898 = arith.addf %get3A_1882, %get3A_1892 : f32
    %add3A_1899 = arith.addf %add3A_1898, %get3A_1887 : f32
    %swap3A_1900 = arith.constant 0 : i32
    %swap3A_1901 = arith.constant 57 : i32
    %swap3A_1902 = arith.index_cast %swap3A_1900 : i32 to index
    %swap3A_1903 = arith.index_cast %swap3A_1901 : i32 to index
    %swap3A_1904 = memref.load %arg4[%swap3A_1902, %swap3A_1903] : memref<2x128xf32, #tpu.memory_space<smem>>
    memref.store %add3A_1899, %arg4[%swap3A_1902, %swap3A_1903] : memref<2x128xf32, #tpu.memory_space<smem>>
    %add3A_1905 = arith.addf %add3A_1898, %get3A_1897 : f32
    %swap3A_1906 = arith.constant 1 : i32
    %swap3A_1907 = arith.constant 57 : i32
    %swap3A_1908 = arith.index_cast %swap3A_1906 : i32 to index
    %swap3A_1909 = arith.index_cast %swap3A_1907 : i32 to index
    %swap3A_1910 = memref.load %arg4[%swap3A_1908, %swap3A_1909] : memref<2x128xf32, #tpu.memory_space<smem>>
    memref.store %add3A_1905, %arg4[%swap3A_1908, %swap3A_1909] : memref<2x128xf32, #tpu.memory_space<smem>>
    %get3A_1911 = arith.constant 1 : i32
    %get3A_1912 = arith.constant 58 : i32
    %get3A_1913 = arith.index_cast %get3A_1911 : i32 to index
    %get3A_1914 = arith.index_cast %get3A_1912 : i32 to index
    %get3A_1915 = memref.load %arg3[%get3A_1913, %get3A_1914] : memref<8x128xf32, #tpu.memory_space<smem>>
    %get3A_1916 = arith.constant 2 : i32
    %get3A_1917 = arith.constant 58 : i32
    %get3A_1918 = arith.index_cast %get3A_1916 : i32 to index
    %get3A_1919 = arith.index_cast %get3A_1917 : i32 to index
    %get3A_1920 = memref.load %arg3[%get3A_1918, %get3A_1919] : memref<8x128xf32, #tpu.memory_space<smem>>
    %get3A_1921 = arith.constant 3 : i32
    %get3A_1922 = arith.constant 58 : i32
    %get3A_1923 = arith.index_cast %get3A_1921 : i32 to index
    %get3A_1924 = arith.index_cast %get3A_1922 : i32 to index
    %get3A_1925 = memref.load %arg3[%get3A_1923, %get3A_1924] : memref<8x128xf32, #tpu.memory_space<smem>>
    %get3A_1926 = arith.constant 4 : i32
    %get3A_1927 = arith.constant 58 : i32
    %get3A_1928 = arith.index_cast %get3A_1926 : i32 to index
    %get3A_1929 = arith.index_cast %get3A_1927 : i32 to index
    %get3A_1930 = memref.load %arg3[%get3A_1928, %get3A_1929] : memref<8x128xf32, #tpu.memory_space<smem>>
    %add3A_1931 = arith.addf %get3A_1915, %get3A_1925 : f32
    %add3A_1932 = arith.addf %add3A_1931, %get3A_1920 : f32
    %swap3A_1933 = arith.constant 0 : i32
    %swap3A_1934 = arith.constant 58 : i32
    %swap3A_1935 = arith.index_cast %swap3A_1933 : i32 to index
    %swap3A_1936 = arith.index_cast %swap3A_1934 : i32 to index
    %swap3A_1937 = memref.load %arg4[%swap3A_1935, %swap3A_1936] : memref<2x128xf32, #tpu.memory_space<smem>>
    memref.store %add3A_1932, %arg4[%swap3A_1935, %swap3A_1936] : memref<2x128xf32, #tpu.memory_space<smem>>
    %add3A_1938 = arith.addf %add3A_1931, %get3A_1930 : f32
    %swap3A_1939 = arith.constant 1 : i32
    %swap3A_1940 = arith.constant 58 : i32
    %swap3A_1941 = arith.index_cast %swap3A_1939 : i32 to index
    %swap3A_1942 = arith.index_cast %swap3A_1940 : i32 to index
    %swap3A_1943 = memref.load %arg4[%swap3A_1941, %swap3A_1942] : memref<2x128xf32, #tpu.memory_space<smem>>
    memref.store %add3A_1938, %arg4[%swap3A_1941, %swap3A_1942] : memref<2x128xf32, #tpu.memory_space<smem>>
    %get3A_1944 = arith.constant 1 : i32
    %get3A_1945 = arith.constant 59 : i32
    %get3A_1946 = arith.index_cast %get3A_1944 : i32 to index
    %get3A_1947 = arith.index_cast %get3A_1945 : i32 to index
    %get3A_1948 = memref.load %arg3[%get3A_1946, %get3A_1947] : memref<8x128xf32, #tpu.memory_space<smem>>
    %get3A_1949 = arith.constant 2 : i32
    %get3A_1950 = arith.constant 59 : i32
    %get3A_1951 = arith.index_cast %get3A_1949 : i32 to index
    %get3A_1952 = arith.index_cast %get3A_1950 : i32 to index
    %get3A_1953 = memref.load %arg3[%get3A_1951, %get3A_1952] : memref<8x128xf32, #tpu.memory_space<smem>>
    %get3A_1954 = arith.constant 3 : i32
    %get3A_1955 = arith.constant 59 : i32
    %get3A_1956 = arith.index_cast %get3A_1954 : i32 to index
    %get3A_1957 = arith.index_cast %get3A_1955 : i32 to index
    %get3A_1958 = memref.load %arg3[%get3A_1956, %get3A_1957] : memref<8x128xf32, #tpu.memory_space<smem>>
    %get3A_1959 = arith.constant 4 : i32
    %get3A_1960 = arith.constant 59 : i32
    %get3A_1961 = arith.index_cast %get3A_1959 : i32 to index
    %get3A_1962 = arith.index_cast %get3A_1960 : i32 to index
    %get3A_1963 = memref.load %arg3[%get3A_1961, %get3A_1962] : memref<8x128xf32, #tpu.memory_space<smem>>
    %add3A_1964 = arith.addf %get3A_1948, %get3A_1958 : f32
    %add3A_1965 = arith.addf %add3A_1964, %get3A_1953 : f32
    %swap3A_1966 = arith.constant 0 : i32
    %swap3A_1967 = arith.constant 59 : i32
    %swap3A_1968 = arith.index_cast %swap3A_1966 : i32 to index
    %swap3A_1969 = arith.index_cast %swap3A_1967 : i32 to index
    %swap3A_1970 = memref.load %arg4[%swap3A_1968, %swap3A_1969] : memref<2x128xf32, #tpu.memory_space<smem>>
    memref.store %add3A_1965, %arg4[%swap3A_1968, %swap3A_1969] : memref<2x128xf32, #tpu.memory_space<smem>>
    %add3A_1971 = arith.addf %add3A_1964, %get3A_1963 : f32
    %swap3A_1972 = arith.constant 1 : i32
    %swap3A_1973 = arith.constant 59 : i32
    %swap3A_1974 = arith.index_cast %swap3A_1972 : i32 to index
    %swap3A_1975 = arith.index_cast %swap3A_1973 : i32 to index
    %swap3A_1976 = memref.load %arg4[%swap3A_1974, %swap3A_1975] : memref<2x128xf32, #tpu.memory_space<smem>>
    memref.store %add3A_1971, %arg4[%swap3A_1974, %swap3A_1975] : memref<2x128xf32, #tpu.memory_space<smem>>
    %get3A_1977 = arith.constant 1 : i32
    %get3A_1978 = arith.constant 60 : i32
    %get3A_1979 = arith.index_cast %get3A_1977 : i32 to index
    %get3A_1980 = arith.index_cast %get3A_1978 : i32 to index
    %get3A_1981 = memref.load %arg3[%get3A_1979, %get3A_1980] : memref<8x128xf32, #tpu.memory_space<smem>>
    %get3A_1982 = arith.constant 2 : i32
    %get3A_1983 = arith.constant 60 : i32
    %get3A_1984 = arith.index_cast %get3A_1982 : i32 to index
    %get3A_1985 = arith.index_cast %get3A_1983 : i32 to index
    %get3A_1986 = memref.load %arg3[%get3A_1984, %get3A_1985] : memref<8x128xf32, #tpu.memory_space<smem>>
    %get3A_1987 = arith.constant 3 : i32
    %get3A_1988 = arith.constant 60 : i32
    %get3A_1989 = arith.index_cast %get3A_1987 : i32 to index
    %get3A_1990 = arith.index_cast %get3A_1988 : i32 to index
    %get3A_1991 = memref.load %arg3[%get3A_1989, %get3A_1990] : memref<8x128xf32, #tpu.memory_space<smem>>
    %get3A_1992 = arith.constant 4 : i32
    %get3A_1993 = arith.constant 60 : i32
    %get3A_1994 = arith.index_cast %get3A_1992 : i32 to index
    %get3A_1995 = arith.index_cast %get3A_1993 : i32 to index
    %get3A_1996 = memref.load %arg3[%get3A_1994, %get3A_1995] : memref<8x128xf32, #tpu.memory_space<smem>>
    %add3A_1997 = arith.addf %get3A_1981, %get3A_1991 : f32
    %add3A_1998 = arith.addf %add3A_1997, %get3A_1986 : f32
    %swap3A_1999 = arith.constant 0 : i32
    %swap3A_2000 = arith.constant 60 : i32
    %swap3A_2001 = arith.index_cast %swap3A_1999 : i32 to index
    %swap3A_2002 = arith.index_cast %swap3A_2000 : i32 to index
    %swap3A_2003 = memref.load %arg4[%swap3A_2001, %swap3A_2002] : memref<2x128xf32, #tpu.memory_space<smem>>
    memref.store %add3A_1998, %arg4[%swap3A_2001, %swap3A_2002] : memref<2x128xf32, #tpu.memory_space<smem>>
    %add3A_2004 = arith.addf %add3A_1997, %get3A_1996 : f32
    %swap3A_2005 = arith.constant 1 : i32
    %swap3A_2006 = arith.constant 60 : i32
    %swap3A_2007 = arith.index_cast %swap3A_2005 : i32 to index
    %swap3A_2008 = arith.index_cast %swap3A_2006 : i32 to index
    %swap3A_2009 = memref.load %arg4[%swap3A_2007, %swap3A_2008] : memref<2x128xf32, #tpu.memory_space<smem>>
    memref.store %add3A_2004, %arg4[%swap3A_2007, %swap3A_2008] : memref<2x128xf32, #tpu.memory_space<smem>>
    %get3A_2010 = arith.constant 1 : i32
    %get3A_2011 = arith.constant 61 : i32
    %get3A_2012 = arith.index_cast %get3A_2010 : i32 to index
    %get3A_2013 = arith.index_cast %get3A_2011 : i32 to index
    %get3A_2014 = memref.load %arg3[%get3A_2012, %get3A_2013] : memref<8x128xf32, #tpu.memory_space<smem>>
    %get3A_2015 = arith.constant 2 : i32
    %get3A_2016 = arith.constant 61 : i32
    %get3A_2017 = arith.index_cast %get3A_2015 : i32 to index
    %get3A_2018 = arith.index_cast %get3A_2016 : i32 to index
    %get3A_2019 = memref.load %arg3[%get3A_2017, %get3A_2018] : memref<8x128xf32, #tpu.memory_space<smem>>
    %get3A_2020 = arith.constant 3 : i32
    %get3A_2021 = arith.constant 61 : i32
    %get3A_2022 = arith.index_cast %get3A_2020 : i32 to index
    %get3A_2023 = arith.index_cast %get3A_2021 : i32 to index
    %get3A_2024 = memref.load %arg3[%get3A_2022, %get3A_2023] : memref<8x128xf32, #tpu.memory_space<smem>>
    %get3A_2025 = arith.constant 4 : i32
    %get3A_2026 = arith.constant 61 : i32
    %get3A_2027 = arith.index_cast %get3A_2025 : i32 to index
    %get3A_2028 = arith.index_cast %get3A_2026 : i32 to index
    %get3A_2029 = memref.load %arg3[%get3A_2027, %get3A_2028] : memref<8x128xf32, #tpu.memory_space<smem>>
    %add3A_2030 = arith.addf %get3A_2014, %get3A_2024 : f32
    %add3A_2031 = arith.addf %add3A_2030, %get3A_2019 : f32
    %swap3A_2032 = arith.constant 0 : i32
    %swap3A_2033 = arith.constant 61 : i32
    %swap3A_2034 = arith.index_cast %swap3A_2032 : i32 to index
    %swap3A_2035 = arith.index_cast %swap3A_2033 : i32 to index
    %swap3A_2036 = memref.load %arg4[%swap3A_2034, %swap3A_2035] : memref<2x128xf32, #tpu.memory_space<smem>>
    memref.store %add3A_2031, %arg4[%swap3A_2034, %swap3A_2035] : memref<2x128xf32, #tpu.memory_space<smem>>
    %add3A_2037 = arith.addf %add3A_2030, %get3A_2029 : f32
    %swap3A_2038 = arith.constant 1 : i32
    %swap3A_2039 = arith.constant 61 : i32
    %swap3A_2040 = arith.index_cast %swap3A_2038 : i32 to index
    %swap3A_2041 = arith.index_cast %swap3A_2039 : i32 to index
    %swap3A_2042 = memref.load %arg4[%swap3A_2040, %swap3A_2041] : memref<2x128xf32, #tpu.memory_space<smem>>
    memref.store %add3A_2037, %arg4[%swap3A_2040, %swap3A_2041] : memref<2x128xf32, #tpu.memory_space<smem>>
    %get3A_2043 = arith.constant 1 : i32
    %get3A_2044 = arith.constant 62 : i32
    %get3A_2045 = arith.index_cast %get3A_2043 : i32 to index
    %get3A_2046 = arith.index_cast %get3A_2044 : i32 to index
    %get3A_2047 = memref.load %arg3[%get3A_2045, %get3A_2046] : memref<8x128xf32, #tpu.memory_space<smem>>
    %get3A_2048 = arith.constant 2 : i32
    %get3A_2049 = arith.constant 62 : i32
    %get3A_2050 = arith.index_cast %get3A_2048 : i32 to index
    %get3A_2051 = arith.index_cast %get3A_2049 : i32 to index
    %get3A_2052 = memref.load %arg3[%get3A_2050, %get3A_2051] : memref<8x128xf32, #tpu.memory_space<smem>>
    %get3A_2053 = arith.constant 3 : i32
    %get3A_2054 = arith.constant 62 : i32
    %get3A_2055 = arith.index_cast %get3A_2053 : i32 to index
    %get3A_2056 = arith.index_cast %get3A_2054 : i32 to index
    %get3A_2057 = memref.load %arg3[%get3A_2055, %get3A_2056] : memref<8x128xf32, #tpu.memory_space<smem>>
    %get3A_2058 = arith.constant 4 : i32
    %get3A_2059 = arith.constant 62 : i32
    %get3A_2060 = arith.index_cast %get3A_2058 : i32 to index
    %get3A_2061 = arith.index_cast %get3A_2059 : i32 to index
    %get3A_2062 = memref.load %arg3[%get3A_2060, %get3A_2061] : memref<8x128xf32, #tpu.memory_space<smem>>
    %add3A_2063 = arith.addf %get3A_2047, %get3A_2057 : f32
    %add3A_2064 = arith.addf %add3A_2063, %get3A_2052 : f32
    %swap3A_2065 = arith.constant 0 : i32
    %swap3A_2066 = arith.constant 62 : i32
    %swap3A_2067 = arith.index_cast %swap3A_2065 : i32 to index
    %swap3A_2068 = arith.index_cast %swap3A_2066 : i32 to index
    %swap3A_2069 = memref.load %arg4[%swap3A_2067, %swap3A_2068] : memref<2x128xf32, #tpu.memory_space<smem>>
    memref.store %add3A_2064, %arg4[%swap3A_2067, %swap3A_2068] : memref<2x128xf32, #tpu.memory_space<smem>>
    %add3A_2070 = arith.addf %add3A_2063, %get3A_2062 : f32
    %swap3A_2071 = arith.constant 1 : i32
    %swap3A_2072 = arith.constant 62 : i32
    %swap3A_2073 = arith.index_cast %swap3A_2071 : i32 to index
    %swap3A_2074 = arith.index_cast %swap3A_2072 : i32 to index
    %swap3A_2075 = memref.load %arg4[%swap3A_2073, %swap3A_2074] : memref<2x128xf32, #tpu.memory_space<smem>>
    memref.store %add3A_2070, %arg4[%swap3A_2073, %swap3A_2074] : memref<2x128xf32, #tpu.memory_space<smem>>
    %get3A_2076 = arith.constant 1 : i32
    %get3A_2077 = arith.constant 63 : i32
    %get3A_2078 = arith.index_cast %get3A_2076 : i32 to index
    %get3A_2079 = arith.index_cast %get3A_2077 : i32 to index
    %get3A_2080 = memref.load %arg3[%get3A_2078, %get3A_2079] : memref<8x128xf32, #tpu.memory_space<smem>>
    %get3A_2081 = arith.constant 2 : i32
    %get3A_2082 = arith.constant 63 : i32
    %get3A_2083 = arith.index_cast %get3A_2081 : i32 to index
    %get3A_2084 = arith.index_cast %get3A_2082 : i32 to index
    %get3A_2085 = memref.load %arg3[%get3A_2083, %get3A_2084] : memref<8x128xf32, #tpu.memory_space<smem>>
    %get3A_2086 = arith.constant 3 : i32
    %get3A_2087 = arith.constant 63 : i32
    %get3A_2088 = arith.index_cast %get3A_2086 : i32 to index
    %get3A_2089 = arith.index_cast %get3A_2087 : i32 to index
    %get3A_2090 = memref.load %arg3[%get3A_2088, %get3A_2089] : memref<8x128xf32, #tpu.memory_space<smem>>
    %get3A_2091 = arith.constant 4 : i32
    %get3A_2092 = arith.constant 63 : i32
    %get3A_2093 = arith.index_cast %get3A_2091 : i32 to index
    %get3A_2094 = arith.index_cast %get3A_2092 : i32 to index
    %get3A_2095 = memref.load %arg3[%get3A_2093, %get3A_2094] : memref<8x128xf32, #tpu.memory_space<smem>>
    %add3A_2096 = arith.addf %get3A_2080, %get3A_2090 : f32
    %add3A_2097 = arith.addf %add3A_2096, %get3A_2085 : f32
    %swap3A_2098 = arith.constant 0 : i32
    %swap3A_2099 = arith.constant 63 : i32
    %swap3A_2100 = arith.index_cast %swap3A_2098 : i32 to index
    %swap3A_2101 = arith.index_cast %swap3A_2099 : i32 to index
    %swap3A_2102 = memref.load %arg4[%swap3A_2100, %swap3A_2101] : memref<2x128xf32, #tpu.memory_space<smem>>
    memref.store %add3A_2097, %arg4[%swap3A_2100, %swap3A_2101] : memref<2x128xf32, #tpu.memory_space<smem>>
    %add3A_2103 = arith.addf %add3A_2096, %get3A_2095 : f32
    %swap3A_2104 = arith.constant 1 : i32
    %swap3A_2105 = arith.constant 63 : i32
    %swap3A_2106 = arith.index_cast %swap3A_2104 : i32 to index
    %swap3A_2107 = arith.index_cast %swap3A_2105 : i32 to index
    %swap3A_2108 = memref.load %arg4[%swap3A_2106, %swap3A_2107] : memref<2x128xf32, #tpu.memory_space<smem>>
    memref.store %add3A_2103, %arg4[%swap3A_2106, %swap3A_2107] : memref<2x128xf32, #tpu.memory_space<smem>>
    %get3A_2109 = arith.constant 1 : i32
    %get3A_2110 = arith.constant 64 : i32
    %get3A_2111 = arith.index_cast %get3A_2109 : i32 to index
    %get3A_2112 = arith.index_cast %get3A_2110 : i32 to index
    %get3A_2113 = memref.load %arg3[%get3A_2111, %get3A_2112] : memref<8x128xf32, #tpu.memory_space<smem>>
    %get3A_2114 = arith.constant 2 : i32
    %get3A_2115 = arith.constant 64 : i32
    %get3A_2116 = arith.index_cast %get3A_2114 : i32 to index
    %get3A_2117 = arith.index_cast %get3A_2115 : i32 to index
    %get3A_2118 = memref.load %arg3[%get3A_2116, %get3A_2117] : memref<8x128xf32, #tpu.memory_space<smem>>
    %get3A_2119 = arith.constant 3 : i32
    %get3A_2120 = arith.constant 64 : i32
    %get3A_2121 = arith.index_cast %get3A_2119 : i32 to index
    %get3A_2122 = arith.index_cast %get3A_2120 : i32 to index
    %get3A_2123 = memref.load %arg3[%get3A_2121, %get3A_2122] : memref<8x128xf32, #tpu.memory_space<smem>>
    %get3A_2124 = arith.constant 4 : i32
    %get3A_2125 = arith.constant 64 : i32
    %get3A_2126 = arith.index_cast %get3A_2124 : i32 to index
    %get3A_2127 = arith.index_cast %get3A_2125 : i32 to index
    %get3A_2128 = memref.load %arg3[%get3A_2126, %get3A_2127] : memref<8x128xf32, #tpu.memory_space<smem>>
    %add3A_2129 = arith.addf %get3A_2113, %get3A_2123 : f32
    %add3A_2130 = arith.addf %add3A_2129, %get3A_2118 : f32
    %swap3A_2131 = arith.constant 0 : i32
    %swap3A_2132 = arith.constant 64 : i32
    %swap3A_2133 = arith.index_cast %swap3A_2131 : i32 to index
    %swap3A_2134 = arith.index_cast %swap3A_2132 : i32 to index
    %swap3A_2135 = memref.load %arg4[%swap3A_2133, %swap3A_2134] : memref<2x128xf32, #tpu.memory_space<smem>>
    memref.store %add3A_2130, %arg4[%swap3A_2133, %swap3A_2134] : memref<2x128xf32, #tpu.memory_space<smem>>
    %add3A_2136 = arith.addf %add3A_2129, %get3A_2128 : f32
    %swap3A_2137 = arith.constant 1 : i32
    %swap3A_2138 = arith.constant 64 : i32
    %swap3A_2139 = arith.index_cast %swap3A_2137 : i32 to index
    %swap3A_2140 = arith.index_cast %swap3A_2138 : i32 to index
    %swap3A_2141 = memref.load %arg4[%swap3A_2139, %swap3A_2140] : memref<2x128xf32, #tpu.memory_space<smem>>
    memref.store %add3A_2136, %arg4[%swap3A_2139, %swap3A_2140] : memref<2x128xf32, #tpu.memory_space<smem>>
    %get3A_2142 = arith.constant 1 : i32
    %get3A_2143 = arith.constant 65 : i32
    %get3A_2144 = arith.index_cast %get3A_2142 : i32 to index
    %get3A_2145 = arith.index_cast %get3A_2143 : i32 to index
    %get3A_2146 = memref.load %arg3[%get3A_2144, %get3A_2145] : memref<8x128xf32, #tpu.memory_space<smem>>
    %get3A_2147 = arith.constant 2 : i32
    %get3A_2148 = arith.constant 65 : i32
    %get3A_2149 = arith.index_cast %get3A_2147 : i32 to index
    %get3A_2150 = arith.index_cast %get3A_2148 : i32 to index
    %get3A_2151 = memref.load %arg3[%get3A_2149, %get3A_2150] : memref<8x128xf32, #tpu.memory_space<smem>>
    %get3A_2152 = arith.constant 3 : i32
    %get3A_2153 = arith.constant 65 : i32
    %get3A_2154 = arith.index_cast %get3A_2152 : i32 to index
    %get3A_2155 = arith.index_cast %get3A_2153 : i32 to index
    %get3A_2156 = memref.load %arg3[%get3A_2154, %get3A_2155] : memref<8x128xf32, #tpu.memory_space<smem>>
    %get3A_2157 = arith.constant 4 : i32
    %get3A_2158 = arith.constant 65 : i32
    %get3A_2159 = arith.index_cast %get3A_2157 : i32 to index
    %get3A_2160 = arith.index_cast %get3A_2158 : i32 to index
    %get3A_2161 = memref.load %arg3[%get3A_2159, %get3A_2160] : memref<8x128xf32, #tpu.memory_space<smem>>
    %add3A_2162 = arith.addf %get3A_2146, %get3A_2156 : f32
    %add3A_2163 = arith.addf %add3A_2162, %get3A_2151 : f32
    %swap3A_2164 = arith.constant 0 : i32
    %swap3A_2165 = arith.constant 65 : i32
    %swap3A_2166 = arith.index_cast %swap3A_2164 : i32 to index
    %swap3A_2167 = arith.index_cast %swap3A_2165 : i32 to index
    %swap3A_2168 = memref.load %arg4[%swap3A_2166, %swap3A_2167] : memref<2x128xf32, #tpu.memory_space<smem>>
    memref.store %add3A_2163, %arg4[%swap3A_2166, %swap3A_2167] : memref<2x128xf32, #tpu.memory_space<smem>>
    %add3A_2169 = arith.addf %add3A_2162, %get3A_2161 : f32
    %swap3A_2170 = arith.constant 1 : i32
    %swap3A_2171 = arith.constant 65 : i32
    %swap3A_2172 = arith.index_cast %swap3A_2170 : i32 to index
    %swap3A_2173 = arith.index_cast %swap3A_2171 : i32 to index
    %swap3A_2174 = memref.load %arg4[%swap3A_2172, %swap3A_2173] : memref<2x128xf32, #tpu.memory_space<smem>>
    memref.store %add3A_2169, %arg4[%swap3A_2172, %swap3A_2173] : memref<2x128xf32, #tpu.memory_space<smem>>
    %get3A_2175 = arith.constant 1 : i32
    %get3A_2176 = arith.constant 66 : i32
    %get3A_2177 = arith.index_cast %get3A_2175 : i32 to index
    %get3A_2178 = arith.index_cast %get3A_2176 : i32 to index
    %get3A_2179 = memref.load %arg3[%get3A_2177, %get3A_2178] : memref<8x128xf32, #tpu.memory_space<smem>>
    %get3A_2180 = arith.constant 2 : i32
    %get3A_2181 = arith.constant 66 : i32
    %get3A_2182 = arith.index_cast %get3A_2180 : i32 to index
    %get3A_2183 = arith.index_cast %get3A_2181 : i32 to index
    %get3A_2184 = memref.load %arg3[%get3A_2182, %get3A_2183] : memref<8x128xf32, #tpu.memory_space<smem>>
    %get3A_2185 = arith.constant 3 : i32
    %get3A_2186 = arith.constant 66 : i32
    %get3A_2187 = arith.index_cast %get3A_2185 : i32 to index
    %get3A_2188 = arith.index_cast %get3A_2186 : i32 to index
    %get3A_2189 = memref.load %arg3[%get3A_2187, %get3A_2188] : memref<8x128xf32, #tpu.memory_space<smem>>
    %get3A_2190 = arith.constant 4 : i32
    %get3A_2191 = arith.constant 66 : i32
    %get3A_2192 = arith.index_cast %get3A_2190 : i32 to index
    %get3A_2193 = arith.index_cast %get3A_2191 : i32 to index
    %get3A_2194 = memref.load %arg3[%get3A_2192, %get3A_2193] : memref<8x128xf32, #tpu.memory_space<smem>>
    %add3A_2195 = arith.addf %get3A_2179, %get3A_2189 : f32
    %add3A_2196 = arith.addf %add3A_2195, %get3A_2184 : f32
    %swap3A_2197 = arith.constant 0 : i32
    %swap3A_2198 = arith.constant 66 : i32
    %swap3A_2199 = arith.index_cast %swap3A_2197 : i32 to index
    %swap3A_2200 = arith.index_cast %swap3A_2198 : i32 to index
    %swap3A_2201 = memref.load %arg4[%swap3A_2199, %swap3A_2200] : memref<2x128xf32, #tpu.memory_space<smem>>
    memref.store %add3A_2196, %arg4[%swap3A_2199, %swap3A_2200] : memref<2x128xf32, #tpu.memory_space<smem>>
    %add3A_2202 = arith.addf %add3A_2195, %get3A_2194 : f32
    %swap3A_2203 = arith.constant 1 : i32
    %swap3A_2204 = arith.constant 66 : i32
    %swap3A_2205 = arith.index_cast %swap3A_2203 : i32 to index
    %swap3A_2206 = arith.index_cast %swap3A_2204 : i32 to index
    %swap3A_2207 = memref.load %arg4[%swap3A_2205, %swap3A_2206] : memref<2x128xf32, #tpu.memory_space<smem>>
    memref.store %add3A_2202, %arg4[%swap3A_2205, %swap3A_2206] : memref<2x128xf32, #tpu.memory_space<smem>>
    %get3A_2208 = arith.constant 1 : i32
    %get3A_2209 = arith.constant 67 : i32
    %get3A_2210 = arith.index_cast %get3A_2208 : i32 to index
    %get3A_2211 = arith.index_cast %get3A_2209 : i32 to index
    %get3A_2212 = memref.load %arg3[%get3A_2210, %get3A_2211] : memref<8x128xf32, #tpu.memory_space<smem>>
    %get3A_2213 = arith.constant 2 : i32
    %get3A_2214 = arith.constant 67 : i32
    %get3A_2215 = arith.index_cast %get3A_2213 : i32 to index
    %get3A_2216 = arith.index_cast %get3A_2214 : i32 to index
    %get3A_2217 = memref.load %arg3[%get3A_2215, %get3A_2216] : memref<8x128xf32, #tpu.memory_space<smem>>
    %get3A_2218 = arith.constant 3 : i32
    %get3A_2219 = arith.constant 67 : i32
    %get3A_2220 = arith.index_cast %get3A_2218 : i32 to index
    %get3A_2221 = arith.index_cast %get3A_2219 : i32 to index
    %get3A_2222 = memref.load %arg3[%get3A_2220, %get3A_2221] : memref<8x128xf32, #tpu.memory_space<smem>>
    %get3A_2223 = arith.constant 4 : i32
    %get3A_2224 = arith.constant 67 : i32
    %get3A_2225 = arith.index_cast %get3A_2223 : i32 to index
    %get3A_2226 = arith.index_cast %get3A_2224 : i32 to index
    %get3A_2227 = memref.load %arg3[%get3A_2225, %get3A_2226] : memref<8x128xf32, #tpu.memory_space<smem>>
    %add3A_2228 = arith.addf %get3A_2212, %get3A_2222 : f32
    %add3A_2229 = arith.addf %add3A_2228, %get3A_2217 : f32
    %swap3A_2230 = arith.constant 0 : i32
    %swap3A_2231 = arith.constant 67 : i32
    %swap3A_2232 = arith.index_cast %swap3A_2230 : i32 to index
    %swap3A_2233 = arith.index_cast %swap3A_2231 : i32 to index
    %swap3A_2234 = memref.load %arg4[%swap3A_2232, %swap3A_2233] : memref<2x128xf32, #tpu.memory_space<smem>>
    memref.store %add3A_2229, %arg4[%swap3A_2232, %swap3A_2233] : memref<2x128xf32, #tpu.memory_space<smem>>
    %add3A_2235 = arith.addf %add3A_2228, %get3A_2227 : f32
    %swap3A_2236 = arith.constant 1 : i32
    %swap3A_2237 = arith.constant 67 : i32
    %swap3A_2238 = arith.index_cast %swap3A_2236 : i32 to index
    %swap3A_2239 = arith.index_cast %swap3A_2237 : i32 to index
    %swap3A_2240 = memref.load %arg4[%swap3A_2238, %swap3A_2239] : memref<2x128xf32, #tpu.memory_space<smem>>
    memref.store %add3A_2235, %arg4[%swap3A_2238, %swap3A_2239] : memref<2x128xf32, #tpu.memory_space<smem>>
    %get3A_2241 = arith.constant 1 : i32
    %get3A_2242 = arith.constant 68 : i32
    %get3A_2243 = arith.index_cast %get3A_2241 : i32 to index
    %get3A_2244 = arith.index_cast %get3A_2242 : i32 to index
    %get3A_2245 = memref.load %arg3[%get3A_2243, %get3A_2244] : memref<8x128xf32, #tpu.memory_space<smem>>
    %get3A_2246 = arith.constant 2 : i32
    %get3A_2247 = arith.constant 68 : i32
    %get3A_2248 = arith.index_cast %get3A_2246 : i32 to index
    %get3A_2249 = arith.index_cast %get3A_2247 : i32 to index
    %get3A_2250 = memref.load %arg3[%get3A_2248, %get3A_2249] : memref<8x128xf32, #tpu.memory_space<smem>>
    %get3A_2251 = arith.constant 3 : i32
    %get3A_2252 = arith.constant 68 : i32
    %get3A_2253 = arith.index_cast %get3A_2251 : i32 to index
    %get3A_2254 = arith.index_cast %get3A_2252 : i32 to index
    %get3A_2255 = memref.load %arg3[%get3A_2253, %get3A_2254] : memref<8x128xf32, #tpu.memory_space<smem>>
    %get3A_2256 = arith.constant 4 : i32
    %get3A_2257 = arith.constant 68 : i32
    %get3A_2258 = arith.index_cast %get3A_2256 : i32 to index
    %get3A_2259 = arith.index_cast %get3A_2257 : i32 to index
    %get3A_2260 = memref.load %arg3[%get3A_2258, %get3A_2259] : memref<8x128xf32, #tpu.memory_space<smem>>
    %add3A_2261 = arith.addf %get3A_2245, %get3A_2255 : f32
    %add3A_2262 = arith.addf %add3A_2261, %get3A_2250 : f32
    %swap3A_2263 = arith.constant 0 : i32
    %swap3A_2264 = arith.constant 68 : i32
    %swap3A_2265 = arith.index_cast %swap3A_2263 : i32 to index
    %swap3A_2266 = arith.index_cast %swap3A_2264 : i32 to index
    %swap3A_2267 = memref.load %arg4[%swap3A_2265, %swap3A_2266] : memref<2x128xf32, #tpu.memory_space<smem>>
    memref.store %add3A_2262, %arg4[%swap3A_2265, %swap3A_2266] : memref<2x128xf32, #tpu.memory_space<smem>>
    %add3A_2268 = arith.addf %add3A_2261, %get3A_2260 : f32
    %swap3A_2269 = arith.constant 1 : i32
    %swap3A_2270 = arith.constant 68 : i32
    %swap3A_2271 = arith.index_cast %swap3A_2269 : i32 to index
    %swap3A_2272 = arith.index_cast %swap3A_2270 : i32 to index
    %swap3A_2273 = memref.load %arg4[%swap3A_2271, %swap3A_2272] : memref<2x128xf32, #tpu.memory_space<smem>>
    memref.store %add3A_2268, %arg4[%swap3A_2271, %swap3A_2272] : memref<2x128xf32, #tpu.memory_space<smem>>
    %get3A_2274 = arith.constant 1 : i32
    %get3A_2275 = arith.constant 69 : i32
    %get3A_2276 = arith.index_cast %get3A_2274 : i32 to index
    %get3A_2277 = arith.index_cast %get3A_2275 : i32 to index
    %get3A_2278 = memref.load %arg3[%get3A_2276, %get3A_2277] : memref<8x128xf32, #tpu.memory_space<smem>>
    %get3A_2279 = arith.constant 2 : i32
    %get3A_2280 = arith.constant 69 : i32
    %get3A_2281 = arith.index_cast %get3A_2279 : i32 to index
    %get3A_2282 = arith.index_cast %get3A_2280 : i32 to index
    %get3A_2283 = memref.load %arg3[%get3A_2281, %get3A_2282] : memref<8x128xf32, #tpu.memory_space<smem>>
    %get3A_2284 = arith.constant 3 : i32
    %get3A_2285 = arith.constant 69 : i32
    %get3A_2286 = arith.index_cast %get3A_2284 : i32 to index
    %get3A_2287 = arith.index_cast %get3A_2285 : i32 to index
    %get3A_2288 = memref.load %arg3[%get3A_2286, %get3A_2287] : memref<8x128xf32, #tpu.memory_space<smem>>
    %get3A_2289 = arith.constant 4 : i32
    %get3A_2290 = arith.constant 69 : i32
    %get3A_2291 = arith.index_cast %get3A_2289 : i32 to index
    %get3A_2292 = arith.index_cast %get3A_2290 : i32 to index
    %get3A_2293 = memref.load %arg3[%get3A_2291, %get3A_2292] : memref<8x128xf32, #tpu.memory_space<smem>>
    %add3A_2294 = arith.addf %get3A_2278, %get3A_2288 : f32
    %add3A_2295 = arith.addf %add3A_2294, %get3A_2283 : f32
    %swap3A_2296 = arith.constant 0 : i32
    %swap3A_2297 = arith.constant 69 : i32
    %swap3A_2298 = arith.index_cast %swap3A_2296 : i32 to index
    %swap3A_2299 = arith.index_cast %swap3A_2297 : i32 to index
    %swap3A_2300 = memref.load %arg4[%swap3A_2298, %swap3A_2299] : memref<2x128xf32, #tpu.memory_space<smem>>
    memref.store %add3A_2295, %arg4[%swap3A_2298, %swap3A_2299] : memref<2x128xf32, #tpu.memory_space<smem>>
    %add3A_2301 = arith.addf %add3A_2294, %get3A_2293 : f32
    %swap3A_2302 = arith.constant 1 : i32
    %swap3A_2303 = arith.constant 69 : i32
    %swap3A_2304 = arith.index_cast %swap3A_2302 : i32 to index
    %swap3A_2305 = arith.index_cast %swap3A_2303 : i32 to index
    %swap3A_2306 = memref.load %arg4[%swap3A_2304, %swap3A_2305] : memref<2x128xf32, #tpu.memory_space<smem>>
    memref.store %add3A_2301, %arg4[%swap3A_2304, %swap3A_2305] : memref<2x128xf32, #tpu.memory_space<smem>>
    %get3A_2307 = arith.constant 1 : i32
    %get3A_2308 = arith.constant 70 : i32
    %get3A_2309 = arith.index_cast %get3A_2307 : i32 to index
    %get3A_2310 = arith.index_cast %get3A_2308 : i32 to index
    %get3A_2311 = memref.load %arg3[%get3A_2309, %get3A_2310] : memref<8x128xf32, #tpu.memory_space<smem>>
    %get3A_2312 = arith.constant 2 : i32
    %get3A_2313 = arith.constant 70 : i32
    %get3A_2314 = arith.index_cast %get3A_2312 : i32 to index
    %get3A_2315 = arith.index_cast %get3A_2313 : i32 to index
    %get3A_2316 = memref.load %arg3[%get3A_2314, %get3A_2315] : memref<8x128xf32, #tpu.memory_space<smem>>
    %get3A_2317 = arith.constant 3 : i32
    %get3A_2318 = arith.constant 70 : i32
    %get3A_2319 = arith.index_cast %get3A_2317 : i32 to index
    %get3A_2320 = arith.index_cast %get3A_2318 : i32 to index
    %get3A_2321 = memref.load %arg3[%get3A_2319, %get3A_2320] : memref<8x128xf32, #tpu.memory_space<smem>>
    %get3A_2322 = arith.constant 4 : i32
    %get3A_2323 = arith.constant 70 : i32
    %get3A_2324 = arith.index_cast %get3A_2322 : i32 to index
    %get3A_2325 = arith.index_cast %get3A_2323 : i32 to index
    %get3A_2326 = memref.load %arg3[%get3A_2324, %get3A_2325] : memref<8x128xf32, #tpu.memory_space<smem>>
    %add3A_2327 = arith.addf %get3A_2311, %get3A_2321 : f32
    %add3A_2328 = arith.addf %add3A_2327, %get3A_2316 : f32
    %swap3A_2329 = arith.constant 0 : i32
    %swap3A_2330 = arith.constant 70 : i32
    %swap3A_2331 = arith.index_cast %swap3A_2329 : i32 to index
    %swap3A_2332 = arith.index_cast %swap3A_2330 : i32 to index
    %swap3A_2333 = memref.load %arg4[%swap3A_2331, %swap3A_2332] : memref<2x128xf32, #tpu.memory_space<smem>>
    memref.store %add3A_2328, %arg4[%swap3A_2331, %swap3A_2332] : memref<2x128xf32, #tpu.memory_space<smem>>
    %add3A_2334 = arith.addf %add3A_2327, %get3A_2326 : f32
    %swap3A_2335 = arith.constant 1 : i32
    %swap3A_2336 = arith.constant 70 : i32
    %swap3A_2337 = arith.index_cast %swap3A_2335 : i32 to index
    %swap3A_2338 = arith.index_cast %swap3A_2336 : i32 to index
    %swap3A_2339 = memref.load %arg4[%swap3A_2337, %swap3A_2338] : memref<2x128xf32, #tpu.memory_space<smem>>
    memref.store %add3A_2334, %arg4[%swap3A_2337, %swap3A_2338] : memref<2x128xf32, #tpu.memory_space<smem>>
    %get3A_2340 = arith.constant 1 : i32
    %get3A_2341 = arith.constant 71 : i32
    %get3A_2342 = arith.index_cast %get3A_2340 : i32 to index
    %get3A_2343 = arith.index_cast %get3A_2341 : i32 to index
    %get3A_2344 = memref.load %arg3[%get3A_2342, %get3A_2343] : memref<8x128xf32, #tpu.memory_space<smem>>
    %get3A_2345 = arith.constant 2 : i32
    %get3A_2346 = arith.constant 71 : i32
    %get3A_2347 = arith.index_cast %get3A_2345 : i32 to index
    %get3A_2348 = arith.index_cast %get3A_2346 : i32 to index
    %get3A_2349 = memref.load %arg3[%get3A_2347, %get3A_2348] : memref<8x128xf32, #tpu.memory_space<smem>>
    %get3A_2350 = arith.constant 3 : i32
    %get3A_2351 = arith.constant 71 : i32
    %get3A_2352 = arith.index_cast %get3A_2350 : i32 to index
    %get3A_2353 = arith.index_cast %get3A_2351 : i32 to index
    %get3A_2354 = memref.load %arg3[%get3A_2352, %get3A_2353] : memref<8x128xf32, #tpu.memory_space<smem>>
    %get3A_2355 = arith.constant 4 : i32
    %get3A_2356 = arith.constant 71 : i32
    %get3A_2357 = arith.index_cast %get3A_2355 : i32 to index
    %get3A_2358 = arith.index_cast %get3A_2356 : i32 to index
    %get3A_2359 = memref.load %arg3[%get3A_2357, %get3A_2358] : memref<8x128xf32, #tpu.memory_space<smem>>
    %add3A_2360 = arith.addf %get3A_2344, %get3A_2354 : f32
    %add3A_2361 = arith.addf %add3A_2360, %get3A_2349 : f32
    %swap3A_2362 = arith.constant 0 : i32
    %swap3A_2363 = arith.constant 71 : i32
    %swap3A_2364 = arith.index_cast %swap3A_2362 : i32 to index
    %swap3A_2365 = arith.index_cast %swap3A_2363 : i32 to index
    %swap3A_2366 = memref.load %arg4[%swap3A_2364, %swap3A_2365] : memref<2x128xf32, #tpu.memory_space<smem>>
    memref.store %add3A_2361, %arg4[%swap3A_2364, %swap3A_2365] : memref<2x128xf32, #tpu.memory_space<smem>>
    %add3A_2367 = arith.addf %add3A_2360, %get3A_2359 : f32
    %swap3A_2368 = arith.constant 1 : i32
    %swap3A_2369 = arith.constant 71 : i32
    %swap3A_2370 = arith.index_cast %swap3A_2368 : i32 to index
    %swap3A_2371 = arith.index_cast %swap3A_2369 : i32 to index
    %swap3A_2372 = memref.load %arg4[%swap3A_2370, %swap3A_2371] : memref<2x128xf32, #tpu.memory_space<smem>>
    memref.store %add3A_2367, %arg4[%swap3A_2370, %swap3A_2371] : memref<2x128xf32, #tpu.memory_space<smem>>
    %get3A_2373 = arith.constant 1 : i32
    %get3A_2374 = arith.constant 72 : i32
    %get3A_2375 = arith.index_cast %get3A_2373 : i32 to index
    %get3A_2376 = arith.index_cast %get3A_2374 : i32 to index
    %get3A_2377 = memref.load %arg3[%get3A_2375, %get3A_2376] : memref<8x128xf32, #tpu.memory_space<smem>>
    %get3A_2378 = arith.constant 2 : i32
    %get3A_2379 = arith.constant 72 : i32
    %get3A_2380 = arith.index_cast %get3A_2378 : i32 to index
    %get3A_2381 = arith.index_cast %get3A_2379 : i32 to index
    %get3A_2382 = memref.load %arg3[%get3A_2380, %get3A_2381] : memref<8x128xf32, #tpu.memory_space<smem>>
    %get3A_2383 = arith.constant 3 : i32
    %get3A_2384 = arith.constant 72 : i32
    %get3A_2385 = arith.index_cast %get3A_2383 : i32 to index
    %get3A_2386 = arith.index_cast %get3A_2384 : i32 to index
    %get3A_2387 = memref.load %arg3[%get3A_2385, %get3A_2386] : memref<8x128xf32, #tpu.memory_space<smem>>
    %get3A_2388 = arith.constant 4 : i32
    %get3A_2389 = arith.constant 72 : i32
    %get3A_2390 = arith.index_cast %get3A_2388 : i32 to index
    %get3A_2391 = arith.index_cast %get3A_2389 : i32 to index
    %get3A_2392 = memref.load %arg3[%get3A_2390, %get3A_2391] : memref<8x128xf32, #tpu.memory_space<smem>>
    %add3A_2393 = arith.addf %get3A_2377, %get3A_2387 : f32
    %add3A_2394 = arith.addf %add3A_2393, %get3A_2382 : f32
    %swap3A_2395 = arith.constant 0 : i32
    %swap3A_2396 = arith.constant 72 : i32
    %swap3A_2397 = arith.index_cast %swap3A_2395 : i32 to index
    %swap3A_2398 = arith.index_cast %swap3A_2396 : i32 to index
    %swap3A_2399 = memref.load %arg4[%swap3A_2397, %swap3A_2398] : memref<2x128xf32, #tpu.memory_space<smem>>
    memref.store %add3A_2394, %arg4[%swap3A_2397, %swap3A_2398] : memref<2x128xf32, #tpu.memory_space<smem>>
    %add3A_2400 = arith.addf %add3A_2393, %get3A_2392 : f32
    %swap3A_2401 = arith.constant 1 : i32
    %swap3A_2402 = arith.constant 72 : i32
    %swap3A_2403 = arith.index_cast %swap3A_2401 : i32 to index
    %swap3A_2404 = arith.index_cast %swap3A_2402 : i32 to index
    %swap3A_2405 = memref.load %arg4[%swap3A_2403, %swap3A_2404] : memref<2x128xf32, #tpu.memory_space<smem>>
    memref.store %add3A_2400, %arg4[%swap3A_2403, %swap3A_2404] : memref<2x128xf32, #tpu.memory_space<smem>>
    %get3A_2406 = arith.constant 1 : i32
    %get3A_2407 = arith.constant 73 : i32
    %get3A_2408 = arith.index_cast %get3A_2406 : i32 to index
    %get3A_2409 = arith.index_cast %get3A_2407 : i32 to index
    %get3A_2410 = memref.load %arg3[%get3A_2408, %get3A_2409] : memref<8x128xf32, #tpu.memory_space<smem>>
    %get3A_2411 = arith.constant 2 : i32
    %get3A_2412 = arith.constant 73 : i32
    %get3A_2413 = arith.index_cast %get3A_2411 : i32 to index
    %get3A_2414 = arith.index_cast %get3A_2412 : i32 to index
    %get3A_2415 = memref.load %arg3[%get3A_2413, %get3A_2414] : memref<8x128xf32, #tpu.memory_space<smem>>
    %get3A_2416 = arith.constant 3 : i32
    %get3A_2417 = arith.constant 73 : i32
    %get3A_2418 = arith.index_cast %get3A_2416 : i32 to index
    %get3A_2419 = arith.index_cast %get3A_2417 : i32 to index
    %get3A_2420 = memref.load %arg3[%get3A_2418, %get3A_2419] : memref<8x128xf32, #tpu.memory_space<smem>>
    %get3A_2421 = arith.constant 4 : i32
    %get3A_2422 = arith.constant 73 : i32
    %get3A_2423 = arith.index_cast %get3A_2421 : i32 to index
    %get3A_2424 = arith.index_cast %get3A_2422 : i32 to index
    %get3A_2425 = memref.load %arg3[%get3A_2423, %get3A_2424] : memref<8x128xf32, #tpu.memory_space<smem>>
    %add3A_2426 = arith.addf %get3A_2410, %get3A_2420 : f32
    %add3A_2427 = arith.addf %add3A_2426, %get3A_2415 : f32
    %swap3A_2428 = arith.constant 0 : i32
    %swap3A_2429 = arith.constant 73 : i32
    %swap3A_2430 = arith.index_cast %swap3A_2428 : i32 to index
    %swap3A_2431 = arith.index_cast %swap3A_2429 : i32 to index
    %swap3A_2432 = memref.load %arg4[%swap3A_2430, %swap3A_2431] : memref<2x128xf32, #tpu.memory_space<smem>>
    memref.store %add3A_2427, %arg4[%swap3A_2430, %swap3A_2431] : memref<2x128xf32, #tpu.memory_space<smem>>
    %add3A_2433 = arith.addf %add3A_2426, %get3A_2425 : f32
    %swap3A_2434 = arith.constant 1 : i32
    %swap3A_2435 = arith.constant 73 : i32
    %swap3A_2436 = arith.index_cast %swap3A_2434 : i32 to index
    %swap3A_2437 = arith.index_cast %swap3A_2435 : i32 to index
    %swap3A_2438 = memref.load %arg4[%swap3A_2436, %swap3A_2437] : memref<2x128xf32, #tpu.memory_space<smem>>
    memref.store %add3A_2433, %arg4[%swap3A_2436, %swap3A_2437] : memref<2x128xf32, #tpu.memory_space<smem>>
    %get3A_2439 = arith.constant 1 : i32
    %get3A_2440 = arith.constant 74 : i32
    %get3A_2441 = arith.index_cast %get3A_2439 : i32 to index
    %get3A_2442 = arith.index_cast %get3A_2440 : i32 to index
    %get3A_2443 = memref.load %arg3[%get3A_2441, %get3A_2442] : memref<8x128xf32, #tpu.memory_space<smem>>
    %get3A_2444 = arith.constant 2 : i32
    %get3A_2445 = arith.constant 74 : i32
    %get3A_2446 = arith.index_cast %get3A_2444 : i32 to index
    %get3A_2447 = arith.index_cast %get3A_2445 : i32 to index
    %get3A_2448 = memref.load %arg3[%get3A_2446, %get3A_2447] : memref<8x128xf32, #tpu.memory_space<smem>>
    %get3A_2449 = arith.constant 3 : i32
    %get3A_2450 = arith.constant 74 : i32
    %get3A_2451 = arith.index_cast %get3A_2449 : i32 to index
    %get3A_2452 = arith.index_cast %get3A_2450 : i32 to index
    %get3A_2453 = memref.load %arg3[%get3A_2451, %get3A_2452] : memref<8x128xf32, #tpu.memory_space<smem>>
    %get3A_2454 = arith.constant 4 : i32
    %get3A_2455 = arith.constant 74 : i32
    %get3A_2456 = arith.index_cast %get3A_2454 : i32 to index
    %get3A_2457 = arith.index_cast %get3A_2455 : i32 to index
    %get3A_2458 = memref.load %arg3[%get3A_2456, %get3A_2457] : memref<8x128xf32, #tpu.memory_space<smem>>
    %add3A_2459 = arith.addf %get3A_2443, %get3A_2453 : f32
    %add3A_2460 = arith.addf %add3A_2459, %get3A_2448 : f32
    %swap3A_2461 = arith.constant 0 : i32
    %swap3A_2462 = arith.constant 74 : i32
    %swap3A_2463 = arith.index_cast %swap3A_2461 : i32 to index
    %swap3A_2464 = arith.index_cast %swap3A_2462 : i32 to index
    %swap3A_2465 = memref.load %arg4[%swap3A_2463, %swap3A_2464] : memref<2x128xf32, #tpu.memory_space<smem>>
    memref.store %add3A_2460, %arg4[%swap3A_2463, %swap3A_2464] : memref<2x128xf32, #tpu.memory_space<smem>>
    %add3A_2466 = arith.addf %add3A_2459, %get3A_2458 : f32
    %swap3A_2467 = arith.constant 1 : i32
    %swap3A_2468 = arith.constant 74 : i32
    %swap3A_2469 = arith.index_cast %swap3A_2467 : i32 to index
    %swap3A_2470 = arith.index_cast %swap3A_2468 : i32 to index
    %swap3A_2471 = memref.load %arg4[%swap3A_2469, %swap3A_2470] : memref<2x128xf32, #tpu.memory_space<smem>>
    memref.store %add3A_2466, %arg4[%swap3A_2469, %swap3A_2470] : memref<2x128xf32, #tpu.memory_space<smem>>
    %get3A_2472 = arith.constant 1 : i32
    %get3A_2473 = arith.constant 75 : i32
    %get3A_2474 = arith.index_cast %get3A_2472 : i32 to index
    %get3A_2475 = arith.index_cast %get3A_2473 : i32 to index
    %get3A_2476 = memref.load %arg3[%get3A_2474, %get3A_2475] : memref<8x128xf32, #tpu.memory_space<smem>>
    %get3A_2477 = arith.constant 2 : i32
    %get3A_2478 = arith.constant 75 : i32
    %get3A_2479 = arith.index_cast %get3A_2477 : i32 to index
    %get3A_2480 = arith.index_cast %get3A_2478 : i32 to index
    %get3A_2481 = memref.load %arg3[%get3A_2479, %get3A_2480] : memref<8x128xf32, #tpu.memory_space<smem>>
    %get3A_2482 = arith.constant 3 : i32
    %get3A_2483 = arith.constant 75 : i32
    %get3A_2484 = arith.index_cast %get3A_2482 : i32 to index
    %get3A_2485 = arith.index_cast %get3A_2483 : i32 to index
    %get3A_2486 = memref.load %arg3[%get3A_2484, %get3A_2485] : memref<8x128xf32, #tpu.memory_space<smem>>
    %get3A_2487 = arith.constant 4 : i32
    %get3A_2488 = arith.constant 75 : i32
    %get3A_2489 = arith.index_cast %get3A_2487 : i32 to index
    %get3A_2490 = arith.index_cast %get3A_2488 : i32 to index
    %get3A_2491 = memref.load %arg3[%get3A_2489, %get3A_2490] : memref<8x128xf32, #tpu.memory_space<smem>>
    %add3A_2492 = arith.addf %get3A_2476, %get3A_2486 : f32
    %add3A_2493 = arith.addf %add3A_2492, %get3A_2481 : f32
    %swap3A_2494 = arith.constant 0 : i32
    %swap3A_2495 = arith.constant 75 : i32
    %swap3A_2496 = arith.index_cast %swap3A_2494 : i32 to index
    %swap3A_2497 = arith.index_cast %swap3A_2495 : i32 to index
    %swap3A_2498 = memref.load %arg4[%swap3A_2496, %swap3A_2497] : memref<2x128xf32, #tpu.memory_space<smem>>
    memref.store %add3A_2493, %arg4[%swap3A_2496, %swap3A_2497] : memref<2x128xf32, #tpu.memory_space<smem>>
    %add3A_2499 = arith.addf %add3A_2492, %get3A_2491 : f32
    %swap3A_2500 = arith.constant 1 : i32
    %swap3A_2501 = arith.constant 75 : i32
    %swap3A_2502 = arith.index_cast %swap3A_2500 : i32 to index
    %swap3A_2503 = arith.index_cast %swap3A_2501 : i32 to index
    %swap3A_2504 = memref.load %arg4[%swap3A_2502, %swap3A_2503] : memref<2x128xf32, #tpu.memory_space<smem>>
    memref.store %add3A_2499, %arg4[%swap3A_2502, %swap3A_2503] : memref<2x128xf32, #tpu.memory_space<smem>>
    %get3A_2505 = arith.constant 1 : i32
    %get3A_2506 = arith.constant 76 : i32
    %get3A_2507 = arith.index_cast %get3A_2505 : i32 to index
    %get3A_2508 = arith.index_cast %get3A_2506 : i32 to index
    %get3A_2509 = memref.load %arg3[%get3A_2507, %get3A_2508] : memref<8x128xf32, #tpu.memory_space<smem>>
    %get3A_2510 = arith.constant 2 : i32
    %get3A_2511 = arith.constant 76 : i32
    %get3A_2512 = arith.index_cast %get3A_2510 : i32 to index
    %get3A_2513 = arith.index_cast %get3A_2511 : i32 to index
    %get3A_2514 = memref.load %arg3[%get3A_2512, %get3A_2513] : memref<8x128xf32, #tpu.memory_space<smem>>
    %get3A_2515 = arith.constant 3 : i32
    %get3A_2516 = arith.constant 76 : i32
    %get3A_2517 = arith.index_cast %get3A_2515 : i32 to index
    %get3A_2518 = arith.index_cast %get3A_2516 : i32 to index
    %get3A_2519 = memref.load %arg3[%get3A_2517, %get3A_2518] : memref<8x128xf32, #tpu.memory_space<smem>>
    %get3A_2520 = arith.constant 4 : i32
    %get3A_2521 = arith.constant 76 : i32
    %get3A_2522 = arith.index_cast %get3A_2520 : i32 to index
    %get3A_2523 = arith.index_cast %get3A_2521 : i32 to index
    %get3A_2524 = memref.load %arg3[%get3A_2522, %get3A_2523] : memref<8x128xf32, #tpu.memory_space<smem>>
    %add3A_2525 = arith.addf %get3A_2509, %get3A_2519 : f32
    %add3A_2526 = arith.addf %add3A_2525, %get3A_2514 : f32
    %swap3A_2527 = arith.constant 0 : i32
    %swap3A_2528 = arith.constant 76 : i32
    %swap3A_2529 = arith.index_cast %swap3A_2527 : i32 to index
    %swap3A_2530 = arith.index_cast %swap3A_2528 : i32 to index
    %swap3A_2531 = memref.load %arg4[%swap3A_2529, %swap3A_2530] : memref<2x128xf32, #tpu.memory_space<smem>>
    memref.store %add3A_2526, %arg4[%swap3A_2529, %swap3A_2530] : memref<2x128xf32, #tpu.memory_space<smem>>
    %add3A_2532 = arith.addf %add3A_2525, %get3A_2524 : f32
    %swap3A_2533 = arith.constant 1 : i32
    %swap3A_2534 = arith.constant 76 : i32
    %swap3A_2535 = arith.index_cast %swap3A_2533 : i32 to index
    %swap3A_2536 = arith.index_cast %swap3A_2534 : i32 to index
    %swap3A_2537 = memref.load %arg4[%swap3A_2535, %swap3A_2536] : memref<2x128xf32, #tpu.memory_space<smem>>
    memref.store %add3A_2532, %arg4[%swap3A_2535, %swap3A_2536] : memref<2x128xf32, #tpu.memory_space<smem>>
    %get3A_2538 = arith.constant 1 : i32
    %get3A_2539 = arith.constant 77 : i32
    %get3A_2540 = arith.index_cast %get3A_2538 : i32 to index
    %get3A_2541 = arith.index_cast %get3A_2539 : i32 to index
    %get3A_2542 = memref.load %arg3[%get3A_2540, %get3A_2541] : memref<8x128xf32, #tpu.memory_space<smem>>
    %get3A_2543 = arith.constant 2 : i32
    %get3A_2544 = arith.constant 77 : i32
    %get3A_2545 = arith.index_cast %get3A_2543 : i32 to index
    %get3A_2546 = arith.index_cast %get3A_2544 : i32 to index
    %get3A_2547 = memref.load %arg3[%get3A_2545, %get3A_2546] : memref<8x128xf32, #tpu.memory_space<smem>>
    %get3A_2548 = arith.constant 3 : i32
    %get3A_2549 = arith.constant 77 : i32
    %get3A_2550 = arith.index_cast %get3A_2548 : i32 to index
    %get3A_2551 = arith.index_cast %get3A_2549 : i32 to index
    %get3A_2552 = memref.load %arg3[%get3A_2550, %get3A_2551] : memref<8x128xf32, #tpu.memory_space<smem>>
    %get3A_2553 = arith.constant 4 : i32
    %get3A_2554 = arith.constant 77 : i32
    %get3A_2555 = arith.index_cast %get3A_2553 : i32 to index
    %get3A_2556 = arith.index_cast %get3A_2554 : i32 to index
    %get3A_2557 = memref.load %arg3[%get3A_2555, %get3A_2556] : memref<8x128xf32, #tpu.memory_space<smem>>
    %add3A_2558 = arith.addf %get3A_2542, %get3A_2552 : f32
    %add3A_2559 = arith.addf %add3A_2558, %get3A_2547 : f32
    %swap3A_2560 = arith.constant 0 : i32
    %swap3A_2561 = arith.constant 77 : i32
    %swap3A_2562 = arith.index_cast %swap3A_2560 : i32 to index
    %swap3A_2563 = arith.index_cast %swap3A_2561 : i32 to index
    %swap3A_2564 = memref.load %arg4[%swap3A_2562, %swap3A_2563] : memref<2x128xf32, #tpu.memory_space<smem>>
    memref.store %add3A_2559, %arg4[%swap3A_2562, %swap3A_2563] : memref<2x128xf32, #tpu.memory_space<smem>>
    %add3A_2565 = arith.addf %add3A_2558, %get3A_2557 : f32
    %swap3A_2566 = arith.constant 1 : i32
    %swap3A_2567 = arith.constant 77 : i32
    %swap3A_2568 = arith.index_cast %swap3A_2566 : i32 to index
    %swap3A_2569 = arith.index_cast %swap3A_2567 : i32 to index
    %swap3A_2570 = memref.load %arg4[%swap3A_2568, %swap3A_2569] : memref<2x128xf32, #tpu.memory_space<smem>>
    memref.store %add3A_2565, %arg4[%swap3A_2568, %swap3A_2569] : memref<2x128xf32, #tpu.memory_space<smem>>
    %get3A_2571 = arith.constant 1 : i32
    %get3A_2572 = arith.constant 78 : i32
    %get3A_2573 = arith.index_cast %get3A_2571 : i32 to index
    %get3A_2574 = arith.index_cast %get3A_2572 : i32 to index
    %get3A_2575 = memref.load %arg3[%get3A_2573, %get3A_2574] : memref<8x128xf32, #tpu.memory_space<smem>>
    %get3A_2576 = arith.constant 2 : i32
    %get3A_2577 = arith.constant 78 : i32
    %get3A_2578 = arith.index_cast %get3A_2576 : i32 to index
    %get3A_2579 = arith.index_cast %get3A_2577 : i32 to index
    %get3A_2580 = memref.load %arg3[%get3A_2578, %get3A_2579] : memref<8x128xf32, #tpu.memory_space<smem>>
    %get3A_2581 = arith.constant 3 : i32
    %get3A_2582 = arith.constant 78 : i32
    %get3A_2583 = arith.index_cast %get3A_2581 : i32 to index
    %get3A_2584 = arith.index_cast %get3A_2582 : i32 to index
    %get3A_2585 = memref.load %arg3[%get3A_2583, %get3A_2584] : memref<8x128xf32, #tpu.memory_space<smem>>
    %get3A_2586 = arith.constant 4 : i32
    %get3A_2587 = arith.constant 78 : i32
    %get3A_2588 = arith.index_cast %get3A_2586 : i32 to index
    %get3A_2589 = arith.index_cast %get3A_2587 : i32 to index
    %get3A_2590 = memref.load %arg3[%get3A_2588, %get3A_2589] : memref<8x128xf32, #tpu.memory_space<smem>>
    %add3A_2591 = arith.addf %get3A_2575, %get3A_2585 : f32
    %add3A_2592 = arith.addf %add3A_2591, %get3A_2580 : f32
    %swap3A_2593 = arith.constant 0 : i32
    %swap3A_2594 = arith.constant 78 : i32
    %swap3A_2595 = arith.index_cast %swap3A_2593 : i32 to index
    %swap3A_2596 = arith.index_cast %swap3A_2594 : i32 to index
    %swap3A_2597 = memref.load %arg4[%swap3A_2595, %swap3A_2596] : memref<2x128xf32, #tpu.memory_space<smem>>
    memref.store %add3A_2592, %arg4[%swap3A_2595, %swap3A_2596] : memref<2x128xf32, #tpu.memory_space<smem>>
    %add3A_2598 = arith.addf %add3A_2591, %get3A_2590 : f32
    %swap3A_2599 = arith.constant 1 : i32
    %swap3A_2600 = arith.constant 78 : i32
    %swap3A_2601 = arith.index_cast %swap3A_2599 : i32 to index
    %swap3A_2602 = arith.index_cast %swap3A_2600 : i32 to index
    %swap3A_2603 = memref.load %arg4[%swap3A_2601, %swap3A_2602] : memref<2x128xf32, #tpu.memory_space<smem>>
    memref.store %add3A_2598, %arg4[%swap3A_2601, %swap3A_2602] : memref<2x128xf32, #tpu.memory_space<smem>>
    %get3A_2604 = arith.constant 1 : i32
    %get3A_2605 = arith.constant 79 : i32
    %get3A_2606 = arith.index_cast %get3A_2604 : i32 to index
    %get3A_2607 = arith.index_cast %get3A_2605 : i32 to index
    %get3A_2608 = memref.load %arg3[%get3A_2606, %get3A_2607] : memref<8x128xf32, #tpu.memory_space<smem>>
    %get3A_2609 = arith.constant 2 : i32
    %get3A_2610 = arith.constant 79 : i32
    %get3A_2611 = arith.index_cast %get3A_2609 : i32 to index
    %get3A_2612 = arith.index_cast %get3A_2610 : i32 to index
    %get3A_2613 = memref.load %arg3[%get3A_2611, %get3A_2612] : memref<8x128xf32, #tpu.memory_space<smem>>
    %get3A_2614 = arith.constant 3 : i32
    %get3A_2615 = arith.constant 79 : i32
    %get3A_2616 = arith.index_cast %get3A_2614 : i32 to index
    %get3A_2617 = arith.index_cast %get3A_2615 : i32 to index
    %get3A_2618 = memref.load %arg3[%get3A_2616, %get3A_2617] : memref<8x128xf32, #tpu.memory_space<smem>>
    %get3A_2619 = arith.constant 4 : i32
    %get3A_2620 = arith.constant 79 : i32
    %get3A_2621 = arith.index_cast %get3A_2619 : i32 to index
    %get3A_2622 = arith.index_cast %get3A_2620 : i32 to index
    %get3A_2623 = memref.load %arg3[%get3A_2621, %get3A_2622] : memref<8x128xf32, #tpu.memory_space<smem>>
    %add3A_2624 = arith.addf %get3A_2608, %get3A_2618 : f32
    %add3A_2625 = arith.addf %add3A_2624, %get3A_2613 : f32
    %swap3A_2626 = arith.constant 0 : i32
    %swap3A_2627 = arith.constant 79 : i32
    %swap3A_2628 = arith.index_cast %swap3A_2626 : i32 to index
    %swap3A_2629 = arith.index_cast %swap3A_2627 : i32 to index
    %swap3A_2630 = memref.load %arg4[%swap3A_2628, %swap3A_2629] : memref<2x128xf32, #tpu.memory_space<smem>>
    memref.store %add3A_2625, %arg4[%swap3A_2628, %swap3A_2629] : memref<2x128xf32, #tpu.memory_space<smem>>
    %add3A_2631 = arith.addf %add3A_2624, %get3A_2623 : f32
    %swap3A_2632 = arith.constant 1 : i32
    %swap3A_2633 = arith.constant 79 : i32
    %swap3A_2634 = arith.index_cast %swap3A_2632 : i32 to index
    %swap3A_2635 = arith.index_cast %swap3A_2633 : i32 to index
    %swap3A_2636 = memref.load %arg4[%swap3A_2634, %swap3A_2635] : memref<2x128xf32, #tpu.memory_space<smem>>
    memref.store %add3A_2631, %arg4[%swap3A_2634, %swap3A_2635] : memref<2x128xf32, #tpu.memory_space<smem>>
    %get3A_2637 = arith.constant 1 : i32
    %get3A_2638 = arith.constant 80 : i32
    %get3A_2639 = arith.index_cast %get3A_2637 : i32 to index
    %get3A_2640 = arith.index_cast %get3A_2638 : i32 to index
    %get3A_2641 = memref.load %arg3[%get3A_2639, %get3A_2640] : memref<8x128xf32, #tpu.memory_space<smem>>
    %get3A_2642 = arith.constant 2 : i32
    %get3A_2643 = arith.constant 80 : i32
    %get3A_2644 = arith.index_cast %get3A_2642 : i32 to index
    %get3A_2645 = arith.index_cast %get3A_2643 : i32 to index
    %get3A_2646 = memref.load %arg3[%get3A_2644, %get3A_2645] : memref<8x128xf32, #tpu.memory_space<smem>>
    %get3A_2647 = arith.constant 3 : i32
    %get3A_2648 = arith.constant 80 : i32
    %get3A_2649 = arith.index_cast %get3A_2647 : i32 to index
    %get3A_2650 = arith.index_cast %get3A_2648 : i32 to index
    %get3A_2651 = memref.load %arg3[%get3A_2649, %get3A_2650] : memref<8x128xf32, #tpu.memory_space<smem>>
    %get3A_2652 = arith.constant 4 : i32
    %get3A_2653 = arith.constant 80 : i32
    %get3A_2654 = arith.index_cast %get3A_2652 : i32 to index
    %get3A_2655 = arith.index_cast %get3A_2653 : i32 to index
    %get3A_2656 = memref.load %arg3[%get3A_2654, %get3A_2655] : memref<8x128xf32, #tpu.memory_space<smem>>
    %add3A_2657 = arith.addf %get3A_2641, %get3A_2651 : f32
    %add3A_2658 = arith.addf %add3A_2657, %get3A_2646 : f32
    %swap3A_2659 = arith.constant 0 : i32
    %swap3A_2660 = arith.constant 80 : i32
    %swap3A_2661 = arith.index_cast %swap3A_2659 : i32 to index
    %swap3A_2662 = arith.index_cast %swap3A_2660 : i32 to index
    %swap3A_2663 = memref.load %arg4[%swap3A_2661, %swap3A_2662] : memref<2x128xf32, #tpu.memory_space<smem>>
    memref.store %add3A_2658, %arg4[%swap3A_2661, %swap3A_2662] : memref<2x128xf32, #tpu.memory_space<smem>>
    %add3A_2664 = arith.addf %add3A_2657, %get3A_2656 : f32
    %swap3A_2665 = arith.constant 1 : i32
    %swap3A_2666 = arith.constant 80 : i32
    %swap3A_2667 = arith.index_cast %swap3A_2665 : i32 to index
    %swap3A_2668 = arith.index_cast %swap3A_2666 : i32 to index
    %swap3A_2669 = memref.load %arg4[%swap3A_2667, %swap3A_2668] : memref<2x128xf32, #tpu.memory_space<smem>>
    memref.store %add3A_2664, %arg4[%swap3A_2667, %swap3A_2668] : memref<2x128xf32, #tpu.memory_space<smem>>
    %get3A_2670 = arith.constant 1 : i32
    %get3A_2671 = arith.constant 81 : i32
    %get3A_2672 = arith.index_cast %get3A_2670 : i32 to index
    %get3A_2673 = arith.index_cast %get3A_2671 : i32 to index
    %get3A_2674 = memref.load %arg3[%get3A_2672, %get3A_2673] : memref<8x128xf32, #tpu.memory_space<smem>>
    %get3A_2675 = arith.constant 2 : i32
    %get3A_2676 = arith.constant 81 : i32
    %get3A_2677 = arith.index_cast %get3A_2675 : i32 to index
    %get3A_2678 = arith.index_cast %get3A_2676 : i32 to index
    %get3A_2679 = memref.load %arg3[%get3A_2677, %get3A_2678] : memref<8x128xf32, #tpu.memory_space<smem>>
    %get3A_2680 = arith.constant 3 : i32
    %get3A_2681 = arith.constant 81 : i32
    %get3A_2682 = arith.index_cast %get3A_2680 : i32 to index
    %get3A_2683 = arith.index_cast %get3A_2681 : i32 to index
    %get3A_2684 = memref.load %arg3[%get3A_2682, %get3A_2683] : memref<8x128xf32, #tpu.memory_space<smem>>
    %get3A_2685 = arith.constant 4 : i32
    %get3A_2686 = arith.constant 81 : i32
    %get3A_2687 = arith.index_cast %get3A_2685 : i32 to index
    %get3A_2688 = arith.index_cast %get3A_2686 : i32 to index
    %get3A_2689 = memref.load %arg3[%get3A_2687, %get3A_2688] : memref<8x128xf32, #tpu.memory_space<smem>>
    %add3A_2690 = arith.addf %get3A_2674, %get3A_2684 : f32
    %add3A_2691 = arith.addf %add3A_2690, %get3A_2679 : f32
    %swap3A_2692 = arith.constant 0 : i32
    %swap3A_2693 = arith.constant 81 : i32
    %swap3A_2694 = arith.index_cast %swap3A_2692 : i32 to index
    %swap3A_2695 = arith.index_cast %swap3A_2693 : i32 to index
    %swap3A_2696 = memref.load %arg4[%swap3A_2694, %swap3A_2695] : memref<2x128xf32, #tpu.memory_space<smem>>
    memref.store %add3A_2691, %arg4[%swap3A_2694, %swap3A_2695] : memref<2x128xf32, #tpu.memory_space<smem>>
    %add3A_2697 = arith.addf %add3A_2690, %get3A_2689 : f32
    %swap3A_2698 = arith.constant 1 : i32
    %swap3A_2699 = arith.constant 81 : i32
    %swap3A_2700 = arith.index_cast %swap3A_2698 : i32 to index
    %swap3A_2701 = arith.index_cast %swap3A_2699 : i32 to index
    %swap3A_2702 = memref.load %arg4[%swap3A_2700, %swap3A_2701] : memref<2x128xf32, #tpu.memory_space<smem>>
    memref.store %add3A_2697, %arg4[%swap3A_2700, %swap3A_2701] : memref<2x128xf32, #tpu.memory_space<smem>>
    %get3A_2703 = arith.constant 1 : i32
    %get3A_2704 = arith.constant 82 : i32
    %get3A_2705 = arith.index_cast %get3A_2703 : i32 to index
    %get3A_2706 = arith.index_cast %get3A_2704 : i32 to index
    %get3A_2707 = memref.load %arg3[%get3A_2705, %get3A_2706] : memref<8x128xf32, #tpu.memory_space<smem>>
    %get3A_2708 = arith.constant 2 : i32
    %get3A_2709 = arith.constant 82 : i32
    %get3A_2710 = arith.index_cast %get3A_2708 : i32 to index
    %get3A_2711 = arith.index_cast %get3A_2709 : i32 to index
    %get3A_2712 = memref.load %arg3[%get3A_2710, %get3A_2711] : memref<8x128xf32, #tpu.memory_space<smem>>
    %get3A_2713 = arith.constant 3 : i32
    %get3A_2714 = arith.constant 82 : i32
    %get3A_2715 = arith.index_cast %get3A_2713 : i32 to index
    %get3A_2716 = arith.index_cast %get3A_2714 : i32 to index
    %get3A_2717 = memref.load %arg3[%get3A_2715, %get3A_2716] : memref<8x128xf32, #tpu.memory_space<smem>>
    %get3A_2718 = arith.constant 4 : i32
    %get3A_2719 = arith.constant 82 : i32
    %get3A_2720 = arith.index_cast %get3A_2718 : i32 to index
    %get3A_2721 = arith.index_cast %get3A_2719 : i32 to index
    %get3A_2722 = memref.load %arg3[%get3A_2720, %get3A_2721] : memref<8x128xf32, #tpu.memory_space<smem>>
    %add3A_2723 = arith.addf %get3A_2707, %get3A_2717 : f32
    %add3A_2724 = arith.addf %add3A_2723, %get3A_2712 : f32
    %swap3A_2725 = arith.constant 0 : i32
    %swap3A_2726 = arith.constant 82 : i32
    %swap3A_2727 = arith.index_cast %swap3A_2725 : i32 to index
    %swap3A_2728 = arith.index_cast %swap3A_2726 : i32 to index
    %swap3A_2729 = memref.load %arg4[%swap3A_2727, %swap3A_2728] : memref<2x128xf32, #tpu.memory_space<smem>>
    memref.store %add3A_2724, %arg4[%swap3A_2727, %swap3A_2728] : memref<2x128xf32, #tpu.memory_space<smem>>
    %add3A_2730 = arith.addf %add3A_2723, %get3A_2722 : f32
    %swap3A_2731 = arith.constant 1 : i32
    %swap3A_2732 = arith.constant 82 : i32
    %swap3A_2733 = arith.index_cast %swap3A_2731 : i32 to index
    %swap3A_2734 = arith.index_cast %swap3A_2732 : i32 to index
    %swap3A_2735 = memref.load %arg4[%swap3A_2733, %swap3A_2734] : memref<2x128xf32, #tpu.memory_space<smem>>
    memref.store %add3A_2730, %arg4[%swap3A_2733, %swap3A_2734] : memref<2x128xf32, #tpu.memory_space<smem>>
    %get3A_2736 = arith.constant 1 : i32
    %get3A_2737 = arith.constant 83 : i32
    %get3A_2738 = arith.index_cast %get3A_2736 : i32 to index
    %get3A_2739 = arith.index_cast %get3A_2737 : i32 to index
    %get3A_2740 = memref.load %arg3[%get3A_2738, %get3A_2739] : memref<8x128xf32, #tpu.memory_space<smem>>
    %get3A_2741 = arith.constant 2 : i32
    %get3A_2742 = arith.constant 83 : i32
    %get3A_2743 = arith.index_cast %get3A_2741 : i32 to index
    %get3A_2744 = arith.index_cast %get3A_2742 : i32 to index
    %get3A_2745 = memref.load %arg3[%get3A_2743, %get3A_2744] : memref<8x128xf32, #tpu.memory_space<smem>>
    %get3A_2746 = arith.constant 3 : i32
    %get3A_2747 = arith.constant 83 : i32
    %get3A_2748 = arith.index_cast %get3A_2746 : i32 to index
    %get3A_2749 = arith.index_cast %get3A_2747 : i32 to index
    %get3A_2750 = memref.load %arg3[%get3A_2748, %get3A_2749] : memref<8x128xf32, #tpu.memory_space<smem>>
    %get3A_2751 = arith.constant 4 : i32
    %get3A_2752 = arith.constant 83 : i32
    %get3A_2753 = arith.index_cast %get3A_2751 : i32 to index
    %get3A_2754 = arith.index_cast %get3A_2752 : i32 to index
    %get3A_2755 = memref.load %arg3[%get3A_2753, %get3A_2754] : memref<8x128xf32, #tpu.memory_space<smem>>
    %add3A_2756 = arith.addf %get3A_2740, %get3A_2750 : f32
    %add3A_2757 = arith.addf %add3A_2756, %get3A_2745 : f32
    %swap3A_2758 = arith.constant 0 : i32
    %swap3A_2759 = arith.constant 83 : i32
    %swap3A_2760 = arith.index_cast %swap3A_2758 : i32 to index
    %swap3A_2761 = arith.index_cast %swap3A_2759 : i32 to index
    %swap3A_2762 = memref.load %arg4[%swap3A_2760, %swap3A_2761] : memref<2x128xf32, #tpu.memory_space<smem>>
    memref.store %add3A_2757, %arg4[%swap3A_2760, %swap3A_2761] : memref<2x128xf32, #tpu.memory_space<smem>>
    %add3A_2763 = arith.addf %add3A_2756, %get3A_2755 : f32
    %swap3A_2764 = arith.constant 1 : i32
    %swap3A_2765 = arith.constant 83 : i32
    %swap3A_2766 = arith.index_cast %swap3A_2764 : i32 to index
    %swap3A_2767 = arith.index_cast %swap3A_2765 : i32 to index
    %swap3A_2768 = memref.load %arg4[%swap3A_2766, %swap3A_2767] : memref<2x128xf32, #tpu.memory_space<smem>>
    memref.store %add3A_2763, %arg4[%swap3A_2766, %swap3A_2767] : memref<2x128xf32, #tpu.memory_space<smem>>
    %get3A_2769 = arith.constant 1 : i32
    %get3A_2770 = arith.constant 84 : i32
    %get3A_2771 = arith.index_cast %get3A_2769 : i32 to index
    %get3A_2772 = arith.index_cast %get3A_2770 : i32 to index
    %get3A_2773 = memref.load %arg3[%get3A_2771, %get3A_2772] : memref<8x128xf32, #tpu.memory_space<smem>>
    %get3A_2774 = arith.constant 2 : i32
    %get3A_2775 = arith.constant 84 : i32
    %get3A_2776 = arith.index_cast %get3A_2774 : i32 to index
    %get3A_2777 = arith.index_cast %get3A_2775 : i32 to index
    %get3A_2778 = memref.load %arg3[%get3A_2776, %get3A_2777] : memref<8x128xf32, #tpu.memory_space<smem>>
    %get3A_2779 = arith.constant 3 : i32
    %get3A_2780 = arith.constant 84 : i32
    %get3A_2781 = arith.index_cast %get3A_2779 : i32 to index
    %get3A_2782 = arith.index_cast %get3A_2780 : i32 to index
    %get3A_2783 = memref.load %arg3[%get3A_2781, %get3A_2782] : memref<8x128xf32, #tpu.memory_space<smem>>
    %get3A_2784 = arith.constant 4 : i32
    %get3A_2785 = arith.constant 84 : i32
    %get3A_2786 = arith.index_cast %get3A_2784 : i32 to index
    %get3A_2787 = arith.index_cast %get3A_2785 : i32 to index
    %get3A_2788 = memref.load %arg3[%get3A_2786, %get3A_2787] : memref<8x128xf32, #tpu.memory_space<smem>>
    %add3A_2789 = arith.addf %get3A_2773, %get3A_2783 : f32
    %add3A_2790 = arith.addf %add3A_2789, %get3A_2778 : f32
    %swap3A_2791 = arith.constant 0 : i32
    %swap3A_2792 = arith.constant 84 : i32
    %swap3A_2793 = arith.index_cast %swap3A_2791 : i32 to index
    %swap3A_2794 = arith.index_cast %swap3A_2792 : i32 to index
    %swap3A_2795 = memref.load %arg4[%swap3A_2793, %swap3A_2794] : memref<2x128xf32, #tpu.memory_space<smem>>
    memref.store %add3A_2790, %arg4[%swap3A_2793, %swap3A_2794] : memref<2x128xf32, #tpu.memory_space<smem>>
    %add3A_2796 = arith.addf %add3A_2789, %get3A_2788 : f32
    %swap3A_2797 = arith.constant 1 : i32
    %swap3A_2798 = arith.constant 84 : i32
    %swap3A_2799 = arith.index_cast %swap3A_2797 : i32 to index
    %swap3A_2800 = arith.index_cast %swap3A_2798 : i32 to index
    %swap3A_2801 = memref.load %arg4[%swap3A_2799, %swap3A_2800] : memref<2x128xf32, #tpu.memory_space<smem>>
    memref.store %add3A_2796, %arg4[%swap3A_2799, %swap3A_2800] : memref<2x128xf32, #tpu.memory_space<smem>>
    %get3A_2802 = arith.constant 1 : i32
    %get3A_2803 = arith.constant 85 : i32
    %get3A_2804 = arith.index_cast %get3A_2802 : i32 to index
    %get3A_2805 = arith.index_cast %get3A_2803 : i32 to index
    %get3A_2806 = memref.load %arg3[%get3A_2804, %get3A_2805] : memref<8x128xf32, #tpu.memory_space<smem>>
    %get3A_2807 = arith.constant 2 : i32
    %get3A_2808 = arith.constant 85 : i32
    %get3A_2809 = arith.index_cast %get3A_2807 : i32 to index
    %get3A_2810 = arith.index_cast %get3A_2808 : i32 to index
    %get3A_2811 = memref.load %arg3[%get3A_2809, %get3A_2810] : memref<8x128xf32, #tpu.memory_space<smem>>
    %get3A_2812 = arith.constant 3 : i32
    %get3A_2813 = arith.constant 85 : i32
    %get3A_2814 = arith.index_cast %get3A_2812 : i32 to index
    %get3A_2815 = arith.index_cast %get3A_2813 : i32 to index
    %get3A_2816 = memref.load %arg3[%get3A_2814, %get3A_2815] : memref<8x128xf32, #tpu.memory_space<smem>>
    %get3A_2817 = arith.constant 4 : i32
    %get3A_2818 = arith.constant 85 : i32
    %get3A_2819 = arith.index_cast %get3A_2817 : i32 to index
    %get3A_2820 = arith.index_cast %get3A_2818 : i32 to index
    %get3A_2821 = memref.load %arg3[%get3A_2819, %get3A_2820] : memref<8x128xf32, #tpu.memory_space<smem>>
    %add3A_2822 = arith.addf %get3A_2806, %get3A_2816 : f32
    %add3A_2823 = arith.addf %add3A_2822, %get3A_2811 : f32
    %swap3A_2824 = arith.constant 0 : i32
    %swap3A_2825 = arith.constant 85 : i32
    %swap3A_2826 = arith.index_cast %swap3A_2824 : i32 to index
    %swap3A_2827 = arith.index_cast %swap3A_2825 : i32 to index
    %swap3A_2828 = memref.load %arg4[%swap3A_2826, %swap3A_2827] : memref<2x128xf32, #tpu.memory_space<smem>>
    memref.store %add3A_2823, %arg4[%swap3A_2826, %swap3A_2827] : memref<2x128xf32, #tpu.memory_space<smem>>
    %add3A_2829 = arith.addf %add3A_2822, %get3A_2821 : f32
    %swap3A_2830 = arith.constant 1 : i32
    %swap3A_2831 = arith.constant 85 : i32
    %swap3A_2832 = arith.index_cast %swap3A_2830 : i32 to index
    %swap3A_2833 = arith.index_cast %swap3A_2831 : i32 to index
    %swap3A_2834 = memref.load %arg4[%swap3A_2832, %swap3A_2833] : memref<2x128xf32, #tpu.memory_space<smem>>
    memref.store %add3A_2829, %arg4[%swap3A_2832, %swap3A_2833] : memref<2x128xf32, #tpu.memory_space<smem>>
    %get3A_2835 = arith.constant 1 : i32
    %get3A_2836 = arith.constant 86 : i32
    %get3A_2837 = arith.index_cast %get3A_2835 : i32 to index
    %get3A_2838 = arith.index_cast %get3A_2836 : i32 to index
    %get3A_2839 = memref.load %arg3[%get3A_2837, %get3A_2838] : memref<8x128xf32, #tpu.memory_space<smem>>
    %get3A_2840 = arith.constant 2 : i32
    %get3A_2841 = arith.constant 86 : i32
    %get3A_2842 = arith.index_cast %get3A_2840 : i32 to index
    %get3A_2843 = arith.index_cast %get3A_2841 : i32 to index
    %get3A_2844 = memref.load %arg3[%get3A_2842, %get3A_2843] : memref<8x128xf32, #tpu.memory_space<smem>>
    %get3A_2845 = arith.constant 3 : i32
    %get3A_2846 = arith.constant 86 : i32
    %get3A_2847 = arith.index_cast %get3A_2845 : i32 to index
    %get3A_2848 = arith.index_cast %get3A_2846 : i32 to index
    %get3A_2849 = memref.load %arg3[%get3A_2847, %get3A_2848] : memref<8x128xf32, #tpu.memory_space<smem>>
    %get3A_2850 = arith.constant 4 : i32
    %get3A_2851 = arith.constant 86 : i32
    %get3A_2852 = arith.index_cast %get3A_2850 : i32 to index
    %get3A_2853 = arith.index_cast %get3A_2851 : i32 to index
    %get3A_2854 = memref.load %arg3[%get3A_2852, %get3A_2853] : memref<8x128xf32, #tpu.memory_space<smem>>
    %add3A_2855 = arith.addf %get3A_2839, %get3A_2849 : f32
    %add3A_2856 = arith.addf %add3A_2855, %get3A_2844 : f32
    %swap3A_2857 = arith.constant 0 : i32
    %swap3A_2858 = arith.constant 86 : i32
    %swap3A_2859 = arith.index_cast %swap3A_2857 : i32 to index
    %swap3A_2860 = arith.index_cast %swap3A_2858 : i32 to index
    %swap3A_2861 = memref.load %arg4[%swap3A_2859, %swap3A_2860] : memref<2x128xf32, #tpu.memory_space<smem>>
    memref.store %add3A_2856, %arg4[%swap3A_2859, %swap3A_2860] : memref<2x128xf32, #tpu.memory_space<smem>>
    %add3A_2862 = arith.addf %add3A_2855, %get3A_2854 : f32
    %swap3A_2863 = arith.constant 1 : i32
    %swap3A_2864 = arith.constant 86 : i32
    %swap3A_2865 = arith.index_cast %swap3A_2863 : i32 to index
    %swap3A_2866 = arith.index_cast %swap3A_2864 : i32 to index
    %swap3A_2867 = memref.load %arg4[%swap3A_2865, %swap3A_2866] : memref<2x128xf32, #tpu.memory_space<smem>>
    memref.store %add3A_2862, %arg4[%swap3A_2865, %swap3A_2866] : memref<2x128xf32, #tpu.memory_space<smem>>
    %get3A_2868 = arith.constant 1 : i32
    %get3A_2869 = arith.constant 87 : i32
    %get3A_2870 = arith.index_cast %get3A_2868 : i32 to index
    %get3A_2871 = arith.index_cast %get3A_2869 : i32 to index
    %get3A_2872 = memref.load %arg3[%get3A_2870, %get3A_2871] : memref<8x128xf32, #tpu.memory_space<smem>>
    %get3A_2873 = arith.constant 2 : i32
    %get3A_2874 = arith.constant 87 : i32
    %get3A_2875 = arith.index_cast %get3A_2873 : i32 to index
    %get3A_2876 = arith.index_cast %get3A_2874 : i32 to index
    %get3A_2877 = memref.load %arg3[%get3A_2875, %get3A_2876] : memref<8x128xf32, #tpu.memory_space<smem>>
    %get3A_2878 = arith.constant 3 : i32
    %get3A_2879 = arith.constant 87 : i32
    %get3A_2880 = arith.index_cast %get3A_2878 : i32 to index
    %get3A_2881 = arith.index_cast %get3A_2879 : i32 to index
    %get3A_2882 = memref.load %arg3[%get3A_2880, %get3A_2881] : memref<8x128xf32, #tpu.memory_space<smem>>
    %get3A_2883 = arith.constant 4 : i32
    %get3A_2884 = arith.constant 87 : i32
    %get3A_2885 = arith.index_cast %get3A_2883 : i32 to index
    %get3A_2886 = arith.index_cast %get3A_2884 : i32 to index
    %get3A_2887 = memref.load %arg3[%get3A_2885, %get3A_2886] : memref<8x128xf32, #tpu.memory_space<smem>>
    %add3A_2888 = arith.addf %get3A_2872, %get3A_2882 : f32
    %add3A_2889 = arith.addf %add3A_2888, %get3A_2877 : f32
    %swap3A_2890 = arith.constant 0 : i32
    %swap3A_2891 = arith.constant 87 : i32
    %swap3A_2892 = arith.index_cast %swap3A_2890 : i32 to index
    %swap3A_2893 = arith.index_cast %swap3A_2891 : i32 to index
    %swap3A_2894 = memref.load %arg4[%swap3A_2892, %swap3A_2893] : memref<2x128xf32, #tpu.memory_space<smem>>
    memref.store %add3A_2889, %arg4[%swap3A_2892, %swap3A_2893] : memref<2x128xf32, #tpu.memory_space<smem>>
    %add3A_2895 = arith.addf %add3A_2888, %get3A_2887 : f32
    %swap3A_2896 = arith.constant 1 : i32
    %swap3A_2897 = arith.constant 87 : i32
    %swap3A_2898 = arith.index_cast %swap3A_2896 : i32 to index
    %swap3A_2899 = arith.index_cast %swap3A_2897 : i32 to index
    %swap3A_2900 = memref.load %arg4[%swap3A_2898, %swap3A_2899] : memref<2x128xf32, #tpu.memory_space<smem>>
    memref.store %add3A_2895, %arg4[%swap3A_2898, %swap3A_2899] : memref<2x128xf32, #tpu.memory_space<smem>>
    %get3A_2901 = arith.constant 1 : i32
    %get3A_2902 = arith.constant 88 : i32
    %get3A_2903 = arith.index_cast %get3A_2901 : i32 to index
    %get3A_2904 = arith.index_cast %get3A_2902 : i32 to index
    %get3A_2905 = memref.load %arg3[%get3A_2903, %get3A_2904] : memref<8x128xf32, #tpu.memory_space<smem>>
    %get3A_2906 = arith.constant 2 : i32
    %get3A_2907 = arith.constant 88 : i32
    %get3A_2908 = arith.index_cast %get3A_2906 : i32 to index
    %get3A_2909 = arith.index_cast %get3A_2907 : i32 to index
    %get3A_2910 = memref.load %arg3[%get3A_2908, %get3A_2909] : memref<8x128xf32, #tpu.memory_space<smem>>
    %get3A_2911 = arith.constant 3 : i32
    %get3A_2912 = arith.constant 88 : i32
    %get3A_2913 = arith.index_cast %get3A_2911 : i32 to index
    %get3A_2914 = arith.index_cast %get3A_2912 : i32 to index
    %get3A_2915 = memref.load %arg3[%get3A_2913, %get3A_2914] : memref<8x128xf32, #tpu.memory_space<smem>>
    %get3A_2916 = arith.constant 4 : i32
    %get3A_2917 = arith.constant 88 : i32
    %get3A_2918 = arith.index_cast %get3A_2916 : i32 to index
    %get3A_2919 = arith.index_cast %get3A_2917 : i32 to index
    %get3A_2920 = memref.load %arg3[%get3A_2918, %get3A_2919] : memref<8x128xf32, #tpu.memory_space<smem>>
    %add3A_2921 = arith.addf %get3A_2905, %get3A_2915 : f32
    %add3A_2922 = arith.addf %add3A_2921, %get3A_2910 : f32
    %swap3A_2923 = arith.constant 0 : i32
    %swap3A_2924 = arith.constant 88 : i32
    %swap3A_2925 = arith.index_cast %swap3A_2923 : i32 to index
    %swap3A_2926 = arith.index_cast %swap3A_2924 : i32 to index
    %swap3A_2927 = memref.load %arg4[%swap3A_2925, %swap3A_2926] : memref<2x128xf32, #tpu.memory_space<smem>>
    memref.store %add3A_2922, %arg4[%swap3A_2925, %swap3A_2926] : memref<2x128xf32, #tpu.memory_space<smem>>
    %add3A_2928 = arith.addf %add3A_2921, %get3A_2920 : f32
    %swap3A_2929 = arith.constant 1 : i32
    %swap3A_2930 = arith.constant 88 : i32
    %swap3A_2931 = arith.index_cast %swap3A_2929 : i32 to index
    %swap3A_2932 = arith.index_cast %swap3A_2930 : i32 to index
    %swap3A_2933 = memref.load %arg4[%swap3A_2931, %swap3A_2932] : memref<2x128xf32, #tpu.memory_space<smem>>
    memref.store %add3A_2928, %arg4[%swap3A_2931, %swap3A_2932] : memref<2x128xf32, #tpu.memory_space<smem>>
    %get3A_2934 = arith.constant 1 : i32
    %get3A_2935 = arith.constant 89 : i32
    %get3A_2936 = arith.index_cast %get3A_2934 : i32 to index
    %get3A_2937 = arith.index_cast %get3A_2935 : i32 to index
    %get3A_2938 = memref.load %arg3[%get3A_2936, %get3A_2937] : memref<8x128xf32, #tpu.memory_space<smem>>
    %get3A_2939 = arith.constant 2 : i32
    %get3A_2940 = arith.constant 89 : i32
    %get3A_2941 = arith.index_cast %get3A_2939 : i32 to index
    %get3A_2942 = arith.index_cast %get3A_2940 : i32 to index
    %get3A_2943 = memref.load %arg3[%get3A_2941, %get3A_2942] : memref<8x128xf32, #tpu.memory_space<smem>>
    %get3A_2944 = arith.constant 3 : i32
    %get3A_2945 = arith.constant 89 : i32
    %get3A_2946 = arith.index_cast %get3A_2944 : i32 to index
    %get3A_2947 = arith.index_cast %get3A_2945 : i32 to index
    %get3A_2948 = memref.load %arg3[%get3A_2946, %get3A_2947] : memref<8x128xf32, #tpu.memory_space<smem>>
    %get3A_2949 = arith.constant 4 : i32
    %get3A_2950 = arith.constant 89 : i32
    %get3A_2951 = arith.index_cast %get3A_2949 : i32 to index
    %get3A_2952 = arith.index_cast %get3A_2950 : i32 to index
    %get3A_2953 = memref.load %arg3[%get3A_2951, %get3A_2952] : memref<8x128xf32, #tpu.memory_space<smem>>
    %add3A_2954 = arith.addf %get3A_2938, %get3A_2948 : f32
    %add3A_2955 = arith.addf %add3A_2954, %get3A_2943 : f32
    %swap3A_2956 = arith.constant 0 : i32
    %swap3A_2957 = arith.constant 89 : i32
    %swap3A_2958 = arith.index_cast %swap3A_2956 : i32 to index
    %swap3A_2959 = arith.index_cast %swap3A_2957 : i32 to index
    %swap3A_2960 = memref.load %arg4[%swap3A_2958, %swap3A_2959] : memref<2x128xf32, #tpu.memory_space<smem>>
    memref.store %add3A_2955, %arg4[%swap3A_2958, %swap3A_2959] : memref<2x128xf32, #tpu.memory_space<smem>>
    %add3A_2961 = arith.addf %add3A_2954, %get3A_2953 : f32
    %swap3A_2962 = arith.constant 1 : i32
    %swap3A_2963 = arith.constant 89 : i32
    %swap3A_2964 = arith.index_cast %swap3A_2962 : i32 to index
    %swap3A_2965 = arith.index_cast %swap3A_2963 : i32 to index
    %swap3A_2966 = memref.load %arg4[%swap3A_2964, %swap3A_2965] : memref<2x128xf32, #tpu.memory_space<smem>>
    memref.store %add3A_2961, %arg4[%swap3A_2964, %swap3A_2965] : memref<2x128xf32, #tpu.memory_space<smem>>
    %get3A_2967 = arith.constant 1 : i32
    %get3A_2968 = arith.constant 90 : i32
    %get3A_2969 = arith.index_cast %get3A_2967 : i32 to index
    %get3A_2970 = arith.index_cast %get3A_2968 : i32 to index
    %get3A_2971 = memref.load %arg3[%get3A_2969, %get3A_2970] : memref<8x128xf32, #tpu.memory_space<smem>>
    %get3A_2972 = arith.constant 2 : i32
    %get3A_2973 = arith.constant 90 : i32
    %get3A_2974 = arith.index_cast %get3A_2972 : i32 to index
    %get3A_2975 = arith.index_cast %get3A_2973 : i32 to index
    %get3A_2976 = memref.load %arg3[%get3A_2974, %get3A_2975] : memref<8x128xf32, #tpu.memory_space<smem>>
    %get3A_2977 = arith.constant 3 : i32
    %get3A_2978 = arith.constant 90 : i32
    %get3A_2979 = arith.index_cast %get3A_2977 : i32 to index
    %get3A_2980 = arith.index_cast %get3A_2978 : i32 to index
    %get3A_2981 = memref.load %arg3[%get3A_2979, %get3A_2980] : memref<8x128xf32, #tpu.memory_space<smem>>
    %get3A_2982 = arith.constant 4 : i32
    %get3A_2983 = arith.constant 90 : i32
    %get3A_2984 = arith.index_cast %get3A_2982 : i32 to index
    %get3A_2985 = arith.index_cast %get3A_2983 : i32 to index
    %get3A_2986 = memref.load %arg3[%get3A_2984, %get3A_2985] : memref<8x128xf32, #tpu.memory_space<smem>>
    %add3A_2987 = arith.addf %get3A_2971, %get3A_2981 : f32
    %add3A_2988 = arith.addf %add3A_2987, %get3A_2976 : f32
    %swap3A_2989 = arith.constant 0 : i32
    %swap3A_2990 = arith.constant 90 : i32
    %swap3A_2991 = arith.index_cast %swap3A_2989 : i32 to index
    %swap3A_2992 = arith.index_cast %swap3A_2990 : i32 to index
    %swap3A_2993 = memref.load %arg4[%swap3A_2991, %swap3A_2992] : memref<2x128xf32, #tpu.memory_space<smem>>
    memref.store %add3A_2988, %arg4[%swap3A_2991, %swap3A_2992] : memref<2x128xf32, #tpu.memory_space<smem>>
    %add3A_2994 = arith.addf %add3A_2987, %get3A_2986 : f32
    %swap3A_2995 = arith.constant 1 : i32
    %swap3A_2996 = arith.constant 90 : i32
    %swap3A_2997 = arith.index_cast %swap3A_2995 : i32 to index
    %swap3A_2998 = arith.index_cast %swap3A_2996 : i32 to index
    %swap3A_2999 = memref.load %arg4[%swap3A_2997, %swap3A_2998] : memref<2x128xf32, #tpu.memory_space<smem>>
    memref.store %add3A_2994, %arg4[%swap3A_2997, %swap3A_2998] : memref<2x128xf32, #tpu.memory_space<smem>>
    %get3A_3000 = arith.constant 1 : i32
    %get3A_3001 = arith.constant 91 : i32
    %get3A_3002 = arith.index_cast %get3A_3000 : i32 to index
    %get3A_3003 = arith.index_cast %get3A_3001 : i32 to index
    %get3A_3004 = memref.load %arg3[%get3A_3002, %get3A_3003] : memref<8x128xf32, #tpu.memory_space<smem>>
    %get3A_3005 = arith.constant 2 : i32
    %get3A_3006 = arith.constant 91 : i32
    %get3A_3007 = arith.index_cast %get3A_3005 : i32 to index
    %get3A_3008 = arith.index_cast %get3A_3006 : i32 to index
    %get3A_3009 = memref.load %arg3[%get3A_3007, %get3A_3008] : memref<8x128xf32, #tpu.memory_space<smem>>
    %get3A_3010 = arith.constant 3 : i32
    %get3A_3011 = arith.constant 91 : i32
    %get3A_3012 = arith.index_cast %get3A_3010 : i32 to index
    %get3A_3013 = arith.index_cast %get3A_3011 : i32 to index
    %get3A_3014 = memref.load %arg3[%get3A_3012, %get3A_3013] : memref<8x128xf32, #tpu.memory_space<smem>>
    %get3A_3015 = arith.constant 4 : i32
    %get3A_3016 = arith.constant 91 : i32
    %get3A_3017 = arith.index_cast %get3A_3015 : i32 to index
    %get3A_3018 = arith.index_cast %get3A_3016 : i32 to index
    %get3A_3019 = memref.load %arg3[%get3A_3017, %get3A_3018] : memref<8x128xf32, #tpu.memory_space<smem>>
    %add3A_3020 = arith.addf %get3A_3004, %get3A_3014 : f32
    %add3A_3021 = arith.addf %add3A_3020, %get3A_3009 : f32
    %swap3A_3022 = arith.constant 0 : i32
    %swap3A_3023 = arith.constant 91 : i32
    %swap3A_3024 = arith.index_cast %swap3A_3022 : i32 to index
    %swap3A_3025 = arith.index_cast %swap3A_3023 : i32 to index
    %swap3A_3026 = memref.load %arg4[%swap3A_3024, %swap3A_3025] : memref<2x128xf32, #tpu.memory_space<smem>>
    memref.store %add3A_3021, %arg4[%swap3A_3024, %swap3A_3025] : memref<2x128xf32, #tpu.memory_space<smem>>
    %add3A_3027 = arith.addf %add3A_3020, %get3A_3019 : f32
    %swap3A_3028 = arith.constant 1 : i32
    %swap3A_3029 = arith.constant 91 : i32
    %swap3A_3030 = arith.index_cast %swap3A_3028 : i32 to index
    %swap3A_3031 = arith.index_cast %swap3A_3029 : i32 to index
    %swap3A_3032 = memref.load %arg4[%swap3A_3030, %swap3A_3031] : memref<2x128xf32, #tpu.memory_space<smem>>
    memref.store %add3A_3027, %arg4[%swap3A_3030, %swap3A_3031] : memref<2x128xf32, #tpu.memory_space<smem>>
    %get3A_3033 = arith.constant 1 : i32
    %get3A_3034 = arith.constant 92 : i32
    %get3A_3035 = arith.index_cast %get3A_3033 : i32 to index
    %get3A_3036 = arith.index_cast %get3A_3034 : i32 to index
    %get3A_3037 = memref.load %arg3[%get3A_3035, %get3A_3036] : memref<8x128xf32, #tpu.memory_space<smem>>
    %get3A_3038 = arith.constant 2 : i32
    %get3A_3039 = arith.constant 92 : i32
    %get3A_3040 = arith.index_cast %get3A_3038 : i32 to index
    %get3A_3041 = arith.index_cast %get3A_3039 : i32 to index
    %get3A_3042 = memref.load %arg3[%get3A_3040, %get3A_3041] : memref<8x128xf32, #tpu.memory_space<smem>>
    %get3A_3043 = arith.constant 3 : i32
    %get3A_3044 = arith.constant 92 : i32
    %get3A_3045 = arith.index_cast %get3A_3043 : i32 to index
    %get3A_3046 = arith.index_cast %get3A_3044 : i32 to index
    %get3A_3047 = memref.load %arg3[%get3A_3045, %get3A_3046] : memref<8x128xf32, #tpu.memory_space<smem>>
    %get3A_3048 = arith.constant 4 : i32
    %get3A_3049 = arith.constant 92 : i32
    %get3A_3050 = arith.index_cast %get3A_3048 : i32 to index
    %get3A_3051 = arith.index_cast %get3A_3049 : i32 to index
    %get3A_3052 = memref.load %arg3[%get3A_3050, %get3A_3051] : memref<8x128xf32, #tpu.memory_space<smem>>
    %add3A_3053 = arith.addf %get3A_3037, %get3A_3047 : f32
    %add3A_3054 = arith.addf %add3A_3053, %get3A_3042 : f32
    %swap3A_3055 = arith.constant 0 : i32
    %swap3A_3056 = arith.constant 92 : i32
    %swap3A_3057 = arith.index_cast %swap3A_3055 : i32 to index
    %swap3A_3058 = arith.index_cast %swap3A_3056 : i32 to index
    %swap3A_3059 = memref.load %arg4[%swap3A_3057, %swap3A_3058] : memref<2x128xf32, #tpu.memory_space<smem>>
    memref.store %add3A_3054, %arg4[%swap3A_3057, %swap3A_3058] : memref<2x128xf32, #tpu.memory_space<smem>>
    %add3A_3060 = arith.addf %add3A_3053, %get3A_3052 : f32
    %swap3A_3061 = arith.constant 1 : i32
    %swap3A_3062 = arith.constant 92 : i32
    %swap3A_3063 = arith.index_cast %swap3A_3061 : i32 to index
    %swap3A_3064 = arith.index_cast %swap3A_3062 : i32 to index
    %swap3A_3065 = memref.load %arg4[%swap3A_3063, %swap3A_3064] : memref<2x128xf32, #tpu.memory_space<smem>>
    memref.store %add3A_3060, %arg4[%swap3A_3063, %swap3A_3064] : memref<2x128xf32, #tpu.memory_space<smem>>
    %get3A_3066 = arith.constant 1 : i32
    %get3A_3067 = arith.constant 93 : i32
    %get3A_3068 = arith.index_cast %get3A_3066 : i32 to index
    %get3A_3069 = arith.index_cast %get3A_3067 : i32 to index
    %get3A_3070 = memref.load %arg3[%get3A_3068, %get3A_3069] : memref<8x128xf32, #tpu.memory_space<smem>>
    %get3A_3071 = arith.constant 2 : i32
    %get3A_3072 = arith.constant 93 : i32
    %get3A_3073 = arith.index_cast %get3A_3071 : i32 to index
    %get3A_3074 = arith.index_cast %get3A_3072 : i32 to index
    %get3A_3075 = memref.load %arg3[%get3A_3073, %get3A_3074] : memref<8x128xf32, #tpu.memory_space<smem>>
    %get3A_3076 = arith.constant 3 : i32
    %get3A_3077 = arith.constant 93 : i32
    %get3A_3078 = arith.index_cast %get3A_3076 : i32 to index
    %get3A_3079 = arith.index_cast %get3A_3077 : i32 to index
    %get3A_3080 = memref.load %arg3[%get3A_3078, %get3A_3079] : memref<8x128xf32, #tpu.memory_space<smem>>
    %get3A_3081 = arith.constant 4 : i32
    %get3A_3082 = arith.constant 93 : i32
    %get3A_3083 = arith.index_cast %get3A_3081 : i32 to index
    %get3A_3084 = arith.index_cast %get3A_3082 : i32 to index
    %get3A_3085 = memref.load %arg3[%get3A_3083, %get3A_3084] : memref<8x128xf32, #tpu.memory_space<smem>>
    %add3A_3086 = arith.addf %get3A_3070, %get3A_3080 : f32
    %add3A_3087 = arith.addf %add3A_3086, %get3A_3075 : f32
    %swap3A_3088 = arith.constant 0 : i32
    %swap3A_3089 = arith.constant 93 : i32
    %swap3A_3090 = arith.index_cast %swap3A_3088 : i32 to index
    %swap3A_3091 = arith.index_cast %swap3A_3089 : i32 to index
    %swap3A_3092 = memref.load %arg4[%swap3A_3090, %swap3A_3091] : memref<2x128xf32, #tpu.memory_space<smem>>
    memref.store %add3A_3087, %arg4[%swap3A_3090, %swap3A_3091] : memref<2x128xf32, #tpu.memory_space<smem>>
    %add3A_3093 = arith.addf %add3A_3086, %get3A_3085 : f32
    %swap3A_3094 = arith.constant 1 : i32
    %swap3A_3095 = arith.constant 93 : i32
    %swap3A_3096 = arith.index_cast %swap3A_3094 : i32 to index
    %swap3A_3097 = arith.index_cast %swap3A_3095 : i32 to index
    %swap3A_3098 = memref.load %arg4[%swap3A_3096, %swap3A_3097] : memref<2x128xf32, #tpu.memory_space<smem>>
    memref.store %add3A_3093, %arg4[%swap3A_3096, %swap3A_3097] : memref<2x128xf32, #tpu.memory_space<smem>>
    %get3A_3099 = arith.constant 1 : i32
    %get3A_3100 = arith.constant 94 : i32
    %get3A_3101 = arith.index_cast %get3A_3099 : i32 to index
    %get3A_3102 = arith.index_cast %get3A_3100 : i32 to index
    %get3A_3103 = memref.load %arg3[%get3A_3101, %get3A_3102] : memref<8x128xf32, #tpu.memory_space<smem>>
    %get3A_3104 = arith.constant 2 : i32
    %get3A_3105 = arith.constant 94 : i32
    %get3A_3106 = arith.index_cast %get3A_3104 : i32 to index
    %get3A_3107 = arith.index_cast %get3A_3105 : i32 to index
    %get3A_3108 = memref.load %arg3[%get3A_3106, %get3A_3107] : memref<8x128xf32, #tpu.memory_space<smem>>
    %get3A_3109 = arith.constant 3 : i32
    %get3A_3110 = arith.constant 94 : i32
    %get3A_3111 = arith.index_cast %get3A_3109 : i32 to index
    %get3A_3112 = arith.index_cast %get3A_3110 : i32 to index
    %get3A_3113 = memref.load %arg3[%get3A_3111, %get3A_3112] : memref<8x128xf32, #tpu.memory_space<smem>>
    %get3A_3114 = arith.constant 4 : i32
    %get3A_3115 = arith.constant 94 : i32
    %get3A_3116 = arith.index_cast %get3A_3114 : i32 to index
    %get3A_3117 = arith.index_cast %get3A_3115 : i32 to index
    %get3A_3118 = memref.load %arg3[%get3A_3116, %get3A_3117] : memref<8x128xf32, #tpu.memory_space<smem>>
    %add3A_3119 = arith.addf %get3A_3103, %get3A_3113 : f32
    %add3A_3120 = arith.addf %add3A_3119, %get3A_3108 : f32
    %swap3A_3121 = arith.constant 0 : i32
    %swap3A_3122 = arith.constant 94 : i32
    %swap3A_3123 = arith.index_cast %swap3A_3121 : i32 to index
    %swap3A_3124 = arith.index_cast %swap3A_3122 : i32 to index
    %swap3A_3125 = memref.load %arg4[%swap3A_3123, %swap3A_3124] : memref<2x128xf32, #tpu.memory_space<smem>>
    memref.store %add3A_3120, %arg4[%swap3A_3123, %swap3A_3124] : memref<2x128xf32, #tpu.memory_space<smem>>
    %add3A_3126 = arith.addf %add3A_3119, %get3A_3118 : f32
    %swap3A_3127 = arith.constant 1 : i32
    %swap3A_3128 = arith.constant 94 : i32
    %swap3A_3129 = arith.index_cast %swap3A_3127 : i32 to index
    %swap3A_3130 = arith.index_cast %swap3A_3128 : i32 to index
    %swap3A_3131 = memref.load %arg4[%swap3A_3129, %swap3A_3130] : memref<2x128xf32, #tpu.memory_space<smem>>
    memref.store %add3A_3126, %arg4[%swap3A_3129, %swap3A_3130] : memref<2x128xf32, #tpu.memory_space<smem>>
    %get3A_3132 = arith.constant 1 : i32
    %get3A_3133 = arith.constant 95 : i32
    %get3A_3134 = arith.index_cast %get3A_3132 : i32 to index
    %get3A_3135 = arith.index_cast %get3A_3133 : i32 to index
    %get3A_3136 = memref.load %arg3[%get3A_3134, %get3A_3135] : memref<8x128xf32, #tpu.memory_space<smem>>
    %get3A_3137 = arith.constant 2 : i32
    %get3A_3138 = arith.constant 95 : i32
    %get3A_3139 = arith.index_cast %get3A_3137 : i32 to index
    %get3A_3140 = arith.index_cast %get3A_3138 : i32 to index
    %get3A_3141 = memref.load %arg3[%get3A_3139, %get3A_3140] : memref<8x128xf32, #tpu.memory_space<smem>>
    %get3A_3142 = arith.constant 3 : i32
    %get3A_3143 = arith.constant 95 : i32
    %get3A_3144 = arith.index_cast %get3A_3142 : i32 to index
    %get3A_3145 = arith.index_cast %get3A_3143 : i32 to index
    %get3A_3146 = memref.load %arg3[%get3A_3144, %get3A_3145] : memref<8x128xf32, #tpu.memory_space<smem>>
    %get3A_3147 = arith.constant 4 : i32
    %get3A_3148 = arith.constant 95 : i32
    %get3A_3149 = arith.index_cast %get3A_3147 : i32 to index
    %get3A_3150 = arith.index_cast %get3A_3148 : i32 to index
    %get3A_3151 = memref.load %arg3[%get3A_3149, %get3A_3150] : memref<8x128xf32, #tpu.memory_space<smem>>
    %add3A_3152 = arith.addf %get3A_3136, %get3A_3146 : f32
    %add3A_3153 = arith.addf %add3A_3152, %get3A_3141 : f32
    %swap3A_3154 = arith.constant 0 : i32
    %swap3A_3155 = arith.constant 95 : i32
    %swap3A_3156 = arith.index_cast %swap3A_3154 : i32 to index
    %swap3A_3157 = arith.index_cast %swap3A_3155 : i32 to index
    %swap3A_3158 = memref.load %arg4[%swap3A_3156, %swap3A_3157] : memref<2x128xf32, #tpu.memory_space<smem>>
    memref.store %add3A_3153, %arg4[%swap3A_3156, %swap3A_3157] : memref<2x128xf32, #tpu.memory_space<smem>>
    %add3A_3159 = arith.addf %add3A_3152, %get3A_3151 : f32
    %swap3A_3160 = arith.constant 1 : i32
    %swap3A_3161 = arith.constant 95 : i32
    %swap3A_3162 = arith.index_cast %swap3A_3160 : i32 to index
    %swap3A_3163 = arith.index_cast %swap3A_3161 : i32 to index
    %swap3A_3164 = memref.load %arg4[%swap3A_3162, %swap3A_3163] : memref<2x128xf32, #tpu.memory_space<smem>>
    memref.store %add3A_3159, %arg4[%swap3A_3162, %swap3A_3163] : memref<2x128xf32, #tpu.memory_space<smem>>
    %get3A_3165 = arith.constant 1 : i32
    %get3A_3166 = arith.constant 96 : i32
    %get3A_3167 = arith.index_cast %get3A_3165 : i32 to index
    %get3A_3168 = arith.index_cast %get3A_3166 : i32 to index
    %get3A_3169 = memref.load %arg3[%get3A_3167, %get3A_3168] : memref<8x128xf32, #tpu.memory_space<smem>>
    %get3A_3170 = arith.constant 2 : i32
    %get3A_3171 = arith.constant 96 : i32
    %get3A_3172 = arith.index_cast %get3A_3170 : i32 to index
    %get3A_3173 = arith.index_cast %get3A_3171 : i32 to index
    %get3A_3174 = memref.load %arg3[%get3A_3172, %get3A_3173] : memref<8x128xf32, #tpu.memory_space<smem>>
    %get3A_3175 = arith.constant 3 : i32
    %get3A_3176 = arith.constant 96 : i32
    %get3A_3177 = arith.index_cast %get3A_3175 : i32 to index
    %get3A_3178 = arith.index_cast %get3A_3176 : i32 to index
    %get3A_3179 = memref.load %arg3[%get3A_3177, %get3A_3178] : memref<8x128xf32, #tpu.memory_space<smem>>
    %get3A_3180 = arith.constant 4 : i32
    %get3A_3181 = arith.constant 96 : i32
    %get3A_3182 = arith.index_cast %get3A_3180 : i32 to index
    %get3A_3183 = arith.index_cast %get3A_3181 : i32 to index
    %get3A_3184 = memref.load %arg3[%get3A_3182, %get3A_3183] : memref<8x128xf32, #tpu.memory_space<smem>>
    %add3A_3185 = arith.addf %get3A_3169, %get3A_3179 : f32
    %add3A_3186 = arith.addf %add3A_3185, %get3A_3174 : f32
    %swap3A_3187 = arith.constant 0 : i32
    %swap3A_3188 = arith.constant 96 : i32
    %swap3A_3189 = arith.index_cast %swap3A_3187 : i32 to index
    %swap3A_3190 = arith.index_cast %swap3A_3188 : i32 to index
    %swap3A_3191 = memref.load %arg4[%swap3A_3189, %swap3A_3190] : memref<2x128xf32, #tpu.memory_space<smem>>
    memref.store %add3A_3186, %arg4[%swap3A_3189, %swap3A_3190] : memref<2x128xf32, #tpu.memory_space<smem>>
    %add3A_3192 = arith.addf %add3A_3185, %get3A_3184 : f32
    %swap3A_3193 = arith.constant 1 : i32
    %swap3A_3194 = arith.constant 96 : i32
    %swap3A_3195 = arith.index_cast %swap3A_3193 : i32 to index
    %swap3A_3196 = arith.index_cast %swap3A_3194 : i32 to index
    %swap3A_3197 = memref.load %arg4[%swap3A_3195, %swap3A_3196] : memref<2x128xf32, #tpu.memory_space<smem>>
    memref.store %add3A_3192, %arg4[%swap3A_3195, %swap3A_3196] : memref<2x128xf32, #tpu.memory_space<smem>>
    %get3A_3198 = arith.constant 1 : i32
    %get3A_3199 = arith.constant 97 : i32
    %get3A_3200 = arith.index_cast %get3A_3198 : i32 to index
    %get3A_3201 = arith.index_cast %get3A_3199 : i32 to index
    %get3A_3202 = memref.load %arg3[%get3A_3200, %get3A_3201] : memref<8x128xf32, #tpu.memory_space<smem>>
    %get3A_3203 = arith.constant 2 : i32
    %get3A_3204 = arith.constant 97 : i32
    %get3A_3205 = arith.index_cast %get3A_3203 : i32 to index
    %get3A_3206 = arith.index_cast %get3A_3204 : i32 to index
    %get3A_3207 = memref.load %arg3[%get3A_3205, %get3A_3206] : memref<8x128xf32, #tpu.memory_space<smem>>
    %get3A_3208 = arith.constant 3 : i32
    %get3A_3209 = arith.constant 97 : i32
    %get3A_3210 = arith.index_cast %get3A_3208 : i32 to index
    %get3A_3211 = arith.index_cast %get3A_3209 : i32 to index
    %get3A_3212 = memref.load %arg3[%get3A_3210, %get3A_3211] : memref<8x128xf32, #tpu.memory_space<smem>>
    %get3A_3213 = arith.constant 4 : i32
    %get3A_3214 = arith.constant 97 : i32
    %get3A_3215 = arith.index_cast %get3A_3213 : i32 to index
    %get3A_3216 = arith.index_cast %get3A_3214 : i32 to index
    %get3A_3217 = memref.load %arg3[%get3A_3215, %get3A_3216] : memref<8x128xf32, #tpu.memory_space<smem>>
    %add3A_3218 = arith.addf %get3A_3202, %get3A_3212 : f32
    %add3A_3219 = arith.addf %add3A_3218, %get3A_3207 : f32
    %swap3A_3220 = arith.constant 0 : i32
    %swap3A_3221 = arith.constant 97 : i32
    %swap3A_3222 = arith.index_cast %swap3A_3220 : i32 to index
    %swap3A_3223 = arith.index_cast %swap3A_3221 : i32 to index
    %swap3A_3224 = memref.load %arg4[%swap3A_3222, %swap3A_3223] : memref<2x128xf32, #tpu.memory_space<smem>>
    memref.store %add3A_3219, %arg4[%swap3A_3222, %swap3A_3223] : memref<2x128xf32, #tpu.memory_space<smem>>
    %add3A_3225 = arith.addf %add3A_3218, %get3A_3217 : f32
    %swap3A_3226 = arith.constant 1 : i32
    %swap3A_3227 = arith.constant 97 : i32
    %swap3A_3228 = arith.index_cast %swap3A_3226 : i32 to index
    %swap3A_3229 = arith.index_cast %swap3A_3227 : i32 to index
    %swap3A_3230 = memref.load %arg4[%swap3A_3228, %swap3A_3229] : memref<2x128xf32, #tpu.memory_space<smem>>
    memref.store %add3A_3225, %arg4[%swap3A_3228, %swap3A_3229] : memref<2x128xf32, #tpu.memory_space<smem>>
    %get3A_3231 = arith.constant 1 : i32
    %get3A_3232 = arith.constant 98 : i32
    %get3A_3233 = arith.index_cast %get3A_3231 : i32 to index
    %get3A_3234 = arith.index_cast %get3A_3232 : i32 to index
    %get3A_3235 = memref.load %arg3[%get3A_3233, %get3A_3234] : memref<8x128xf32, #tpu.memory_space<smem>>
    %get3A_3236 = arith.constant 2 : i32
    %get3A_3237 = arith.constant 98 : i32
    %get3A_3238 = arith.index_cast %get3A_3236 : i32 to index
    %get3A_3239 = arith.index_cast %get3A_3237 : i32 to index
    %get3A_3240 = memref.load %arg3[%get3A_3238, %get3A_3239] : memref<8x128xf32, #tpu.memory_space<smem>>
    %get3A_3241 = arith.constant 3 : i32
    %get3A_3242 = arith.constant 98 : i32
    %get3A_3243 = arith.index_cast %get3A_3241 : i32 to index
    %get3A_3244 = arith.index_cast %get3A_3242 : i32 to index
    %get3A_3245 = memref.load %arg3[%get3A_3243, %get3A_3244] : memref<8x128xf32, #tpu.memory_space<smem>>
    %get3A_3246 = arith.constant 4 : i32
    %get3A_3247 = arith.constant 98 : i32
    %get3A_3248 = arith.index_cast %get3A_3246 : i32 to index
    %get3A_3249 = arith.index_cast %get3A_3247 : i32 to index
    %get3A_3250 = memref.load %arg3[%get3A_3248, %get3A_3249] : memref<8x128xf32, #tpu.memory_space<smem>>
    %add3A_3251 = arith.addf %get3A_3235, %get3A_3245 : f32
    %add3A_3252 = arith.addf %add3A_3251, %get3A_3240 : f32
    %swap3A_3253 = arith.constant 0 : i32
    %swap3A_3254 = arith.constant 98 : i32
    %swap3A_3255 = arith.index_cast %swap3A_3253 : i32 to index
    %swap3A_3256 = arith.index_cast %swap3A_3254 : i32 to index
    %swap3A_3257 = memref.load %arg4[%swap3A_3255, %swap3A_3256] : memref<2x128xf32, #tpu.memory_space<smem>>
    memref.store %add3A_3252, %arg4[%swap3A_3255, %swap3A_3256] : memref<2x128xf32, #tpu.memory_space<smem>>
    %add3A_3258 = arith.addf %add3A_3251, %get3A_3250 : f32
    %swap3A_3259 = arith.constant 1 : i32
    %swap3A_3260 = arith.constant 98 : i32
    %swap3A_3261 = arith.index_cast %swap3A_3259 : i32 to index
    %swap3A_3262 = arith.index_cast %swap3A_3260 : i32 to index
    %swap3A_3263 = memref.load %arg4[%swap3A_3261, %swap3A_3262] : memref<2x128xf32, #tpu.memory_space<smem>>
    memref.store %add3A_3258, %arg4[%swap3A_3261, %swap3A_3262] : memref<2x128xf32, #tpu.memory_space<smem>>
    %get3A_3264 = arith.constant 1 : i32
    %get3A_3265 = arith.constant 99 : i32
    %get3A_3266 = arith.index_cast %get3A_3264 : i32 to index
    %get3A_3267 = arith.index_cast %get3A_3265 : i32 to index
    %get3A_3268 = memref.load %arg3[%get3A_3266, %get3A_3267] : memref<8x128xf32, #tpu.memory_space<smem>>
    %get3A_3269 = arith.constant 2 : i32
    %get3A_3270 = arith.constant 99 : i32
    %get3A_3271 = arith.index_cast %get3A_3269 : i32 to index
    %get3A_3272 = arith.index_cast %get3A_3270 : i32 to index
    %get3A_3273 = memref.load %arg3[%get3A_3271, %get3A_3272] : memref<8x128xf32, #tpu.memory_space<smem>>
    %get3A_3274 = arith.constant 3 : i32
    %get3A_3275 = arith.constant 99 : i32
    %get3A_3276 = arith.index_cast %get3A_3274 : i32 to index
    %get3A_3277 = arith.index_cast %get3A_3275 : i32 to index
    %get3A_3278 = memref.load %arg3[%get3A_3276, %get3A_3277] : memref<8x128xf32, #tpu.memory_space<smem>>
    %get3A_3279 = arith.constant 4 : i32
    %get3A_3280 = arith.constant 99 : i32
    %get3A_3281 = arith.index_cast %get3A_3279 : i32 to index
    %get3A_3282 = arith.index_cast %get3A_3280 : i32 to index
    %get3A_3283 = memref.load %arg3[%get3A_3281, %get3A_3282] : memref<8x128xf32, #tpu.memory_space<smem>>
    %add3A_3284 = arith.addf %get3A_3268, %get3A_3278 : f32
    %add3A_3285 = arith.addf %add3A_3284, %get3A_3273 : f32
    %swap3A_3286 = arith.constant 0 : i32
    %swap3A_3287 = arith.constant 99 : i32
    %swap3A_3288 = arith.index_cast %swap3A_3286 : i32 to index
    %swap3A_3289 = arith.index_cast %swap3A_3287 : i32 to index
    %swap3A_3290 = memref.load %arg4[%swap3A_3288, %swap3A_3289] : memref<2x128xf32, #tpu.memory_space<smem>>
    memref.store %add3A_3285, %arg4[%swap3A_3288, %swap3A_3289] : memref<2x128xf32, #tpu.memory_space<smem>>
    %add3A_3291 = arith.addf %add3A_3284, %get3A_3283 : f32
    %swap3A_3292 = arith.constant 1 : i32
    %swap3A_3293 = arith.constant 99 : i32
    %swap3A_3294 = arith.index_cast %swap3A_3292 : i32 to index
    %swap3A_3295 = arith.index_cast %swap3A_3293 : i32 to index
    %swap3A_3296 = memref.load %arg4[%swap3A_3294, %swap3A_3295] : memref<2x128xf32, #tpu.memory_space<smem>>
    memref.store %add3A_3291, %arg4[%swap3A_3294, %swap3A_3295] : memref<2x128xf32, #tpu.memory_space<smem>>
    %get3A_3297 = arith.constant 1 : i32
    %get3A_3298 = arith.constant 100 : i32
    %get3A_3299 = arith.index_cast %get3A_3297 : i32 to index
    %get3A_3300 = arith.index_cast %get3A_3298 : i32 to index
    %get3A_3301 = memref.load %arg3[%get3A_3299, %get3A_3300] : memref<8x128xf32, #tpu.memory_space<smem>>
    %get3A_3302 = arith.constant 2 : i32
    %get3A_3303 = arith.constant 100 : i32
    %get3A_3304 = arith.index_cast %get3A_3302 : i32 to index
    %get3A_3305 = arith.index_cast %get3A_3303 : i32 to index
    %get3A_3306 = memref.load %arg3[%get3A_3304, %get3A_3305] : memref<8x128xf32, #tpu.memory_space<smem>>
    %get3A_3307 = arith.constant 3 : i32
    %get3A_3308 = arith.constant 100 : i32
    %get3A_3309 = arith.index_cast %get3A_3307 : i32 to index
    %get3A_3310 = arith.index_cast %get3A_3308 : i32 to index
    %get3A_3311 = memref.load %arg3[%get3A_3309, %get3A_3310] : memref<8x128xf32, #tpu.memory_space<smem>>
    %get3A_3312 = arith.constant 4 : i32
    %get3A_3313 = arith.constant 100 : i32
    %get3A_3314 = arith.index_cast %get3A_3312 : i32 to index
    %get3A_3315 = arith.index_cast %get3A_3313 : i32 to index
    %get3A_3316 = memref.load %arg3[%get3A_3314, %get3A_3315] : memref<8x128xf32, #tpu.memory_space<smem>>
    %add3A_3317 = arith.addf %get3A_3301, %get3A_3311 : f32
    %add3A_3318 = arith.addf %add3A_3317, %get3A_3306 : f32
    %swap3A_3319 = arith.constant 0 : i32
    %swap3A_3320 = arith.constant 100 : i32
    %swap3A_3321 = arith.index_cast %swap3A_3319 : i32 to index
    %swap3A_3322 = arith.index_cast %swap3A_3320 : i32 to index
    %swap3A_3323 = memref.load %arg4[%swap3A_3321, %swap3A_3322] : memref<2x128xf32, #tpu.memory_space<smem>>
    memref.store %add3A_3318, %arg4[%swap3A_3321, %swap3A_3322] : memref<2x128xf32, #tpu.memory_space<smem>>
    %add3A_3324 = arith.addf %add3A_3317, %get3A_3316 : f32
    %swap3A_3325 = arith.constant 1 : i32
    %swap3A_3326 = arith.constant 100 : i32
    %swap3A_3327 = arith.index_cast %swap3A_3325 : i32 to index
    %swap3A_3328 = arith.index_cast %swap3A_3326 : i32 to index
    %swap3A_3329 = memref.load %arg4[%swap3A_3327, %swap3A_3328] : memref<2x128xf32, #tpu.memory_space<smem>>
    memref.store %add3A_3324, %arg4[%swap3A_3327, %swap3A_3328] : memref<2x128xf32, #tpu.memory_space<smem>>
    %get3A_3330 = arith.constant 1 : i32
    %get3A_3331 = arith.constant 101 : i32
    %get3A_3332 = arith.index_cast %get3A_3330 : i32 to index
    %get3A_3333 = arith.index_cast %get3A_3331 : i32 to index
    %get3A_3334 = memref.load %arg3[%get3A_3332, %get3A_3333] : memref<8x128xf32, #tpu.memory_space<smem>>
    %get3A_3335 = arith.constant 2 : i32
    %get3A_3336 = arith.constant 101 : i32
    %get3A_3337 = arith.index_cast %get3A_3335 : i32 to index
    %get3A_3338 = arith.index_cast %get3A_3336 : i32 to index
    %get3A_3339 = memref.load %arg3[%get3A_3337, %get3A_3338] : memref<8x128xf32, #tpu.memory_space<smem>>
    %get3A_3340 = arith.constant 3 : i32
    %get3A_3341 = arith.constant 101 : i32
    %get3A_3342 = arith.index_cast %get3A_3340 : i32 to index
    %get3A_3343 = arith.index_cast %get3A_3341 : i32 to index
    %get3A_3344 = memref.load %arg3[%get3A_3342, %get3A_3343] : memref<8x128xf32, #tpu.memory_space<smem>>
    %get3A_3345 = arith.constant 4 : i32
    %get3A_3346 = arith.constant 101 : i32
    %get3A_3347 = arith.index_cast %get3A_3345 : i32 to index
    %get3A_3348 = arith.index_cast %get3A_3346 : i32 to index
    %get3A_3349 = memref.load %arg3[%get3A_3347, %get3A_3348] : memref<8x128xf32, #tpu.memory_space<smem>>
    %add3A_3350 = arith.addf %get3A_3334, %get3A_3344 : f32
    %add3A_3351 = arith.addf %add3A_3350, %get3A_3339 : f32
    %swap3A_3352 = arith.constant 0 : i32
    %swap3A_3353 = arith.constant 101 : i32
    %swap3A_3354 = arith.index_cast %swap3A_3352 : i32 to index
    %swap3A_3355 = arith.index_cast %swap3A_3353 : i32 to index
    %swap3A_3356 = memref.load %arg4[%swap3A_3354, %swap3A_3355] : memref<2x128xf32, #tpu.memory_space<smem>>
    memref.store %add3A_3351, %arg4[%swap3A_3354, %swap3A_3355] : memref<2x128xf32, #tpu.memory_space<smem>>
    %add3A_3357 = arith.addf %add3A_3350, %get3A_3349 : f32
    %swap3A_3358 = arith.constant 1 : i32
    %swap3A_3359 = arith.constant 101 : i32
    %swap3A_3360 = arith.index_cast %swap3A_3358 : i32 to index
    %swap3A_3361 = arith.index_cast %swap3A_3359 : i32 to index
    %swap3A_3362 = memref.load %arg4[%swap3A_3360, %swap3A_3361] : memref<2x128xf32, #tpu.memory_space<smem>>
    memref.store %add3A_3357, %arg4[%swap3A_3360, %swap3A_3361] : memref<2x128xf32, #tpu.memory_space<smem>>
    %get3A_3363 = arith.constant 1 : i32
    %get3A_3364 = arith.constant 102 : i32
    %get3A_3365 = arith.index_cast %get3A_3363 : i32 to index
    %get3A_3366 = arith.index_cast %get3A_3364 : i32 to index
    %get3A_3367 = memref.load %arg3[%get3A_3365, %get3A_3366] : memref<8x128xf32, #tpu.memory_space<smem>>
    %get3A_3368 = arith.constant 2 : i32
    %get3A_3369 = arith.constant 102 : i32
    %get3A_3370 = arith.index_cast %get3A_3368 : i32 to index
    %get3A_3371 = arith.index_cast %get3A_3369 : i32 to index
    %get3A_3372 = memref.load %arg3[%get3A_3370, %get3A_3371] : memref<8x128xf32, #tpu.memory_space<smem>>
    %get3A_3373 = arith.constant 3 : i32
    %get3A_3374 = arith.constant 102 : i32
    %get3A_3375 = arith.index_cast %get3A_3373 : i32 to index
    %get3A_3376 = arith.index_cast %get3A_3374 : i32 to index
    %get3A_3377 = memref.load %arg3[%get3A_3375, %get3A_3376] : memref<8x128xf32, #tpu.memory_space<smem>>
    %get3A_3378 = arith.constant 4 : i32
    %get3A_3379 = arith.constant 102 : i32
    %get3A_3380 = arith.index_cast %get3A_3378 : i32 to index
    %get3A_3381 = arith.index_cast %get3A_3379 : i32 to index
    %get3A_3382 = memref.load %arg3[%get3A_3380, %get3A_3381] : memref<8x128xf32, #tpu.memory_space<smem>>
    %add3A_3383 = arith.addf %get3A_3367, %get3A_3377 : f32
    %add3A_3384 = arith.addf %add3A_3383, %get3A_3372 : f32
    %swap3A_3385 = arith.constant 0 : i32
    %swap3A_3386 = arith.constant 102 : i32
    %swap3A_3387 = arith.index_cast %swap3A_3385 : i32 to index
    %swap3A_3388 = arith.index_cast %swap3A_3386 : i32 to index
    %swap3A_3389 = memref.load %arg4[%swap3A_3387, %swap3A_3388] : memref<2x128xf32, #tpu.memory_space<smem>>
    memref.store %add3A_3384, %arg4[%swap3A_3387, %swap3A_3388] : memref<2x128xf32, #tpu.memory_space<smem>>
    %add3A_3390 = arith.addf %add3A_3383, %get3A_3382 : f32
    %swap3A_3391 = arith.constant 1 : i32
    %swap3A_3392 = arith.constant 102 : i32
    %swap3A_3393 = arith.index_cast %swap3A_3391 : i32 to index
    %swap3A_3394 = arith.index_cast %swap3A_3392 : i32 to index
    %swap3A_3395 = memref.load %arg4[%swap3A_3393, %swap3A_3394] : memref<2x128xf32, #tpu.memory_space<smem>>
    memref.store %add3A_3390, %arg4[%swap3A_3393, %swap3A_3394] : memref<2x128xf32, #tpu.memory_space<smem>>
    %get3A_3396 = arith.constant 1 : i32
    %get3A_3397 = arith.constant 103 : i32
    %get3A_3398 = arith.index_cast %get3A_3396 : i32 to index
    %get3A_3399 = arith.index_cast %get3A_3397 : i32 to index
    %get3A_3400 = memref.load %arg3[%get3A_3398, %get3A_3399] : memref<8x128xf32, #tpu.memory_space<smem>>
    %get3A_3401 = arith.constant 2 : i32
    %get3A_3402 = arith.constant 103 : i32
    %get3A_3403 = arith.index_cast %get3A_3401 : i32 to index
    %get3A_3404 = arith.index_cast %get3A_3402 : i32 to index
    %get3A_3405 = memref.load %arg3[%get3A_3403, %get3A_3404] : memref<8x128xf32, #tpu.memory_space<smem>>
    %get3A_3406 = arith.constant 3 : i32
    %get3A_3407 = arith.constant 103 : i32
    %get3A_3408 = arith.index_cast %get3A_3406 : i32 to index
    %get3A_3409 = arith.index_cast %get3A_3407 : i32 to index
    %get3A_3410 = memref.load %arg3[%get3A_3408, %get3A_3409] : memref<8x128xf32, #tpu.memory_space<smem>>
    %get3A_3411 = arith.constant 4 : i32
    %get3A_3412 = arith.constant 103 : i32
    %get3A_3413 = arith.index_cast %get3A_3411 : i32 to index
    %get3A_3414 = arith.index_cast %get3A_3412 : i32 to index
    %get3A_3415 = memref.load %arg3[%get3A_3413, %get3A_3414] : memref<8x128xf32, #tpu.memory_space<smem>>
    %add3A_3416 = arith.addf %get3A_3400, %get3A_3410 : f32
    %add3A_3417 = arith.addf %add3A_3416, %get3A_3405 : f32
    %swap3A_3418 = arith.constant 0 : i32
    %swap3A_3419 = arith.constant 103 : i32
    %swap3A_3420 = arith.index_cast %swap3A_3418 : i32 to index
    %swap3A_3421 = arith.index_cast %swap3A_3419 : i32 to index
    %swap3A_3422 = memref.load %arg4[%swap3A_3420, %swap3A_3421] : memref<2x128xf32, #tpu.memory_space<smem>>
    memref.store %add3A_3417, %arg4[%swap3A_3420, %swap3A_3421] : memref<2x128xf32, #tpu.memory_space<smem>>
    %add3A_3423 = arith.addf %add3A_3416, %get3A_3415 : f32
    %swap3A_3424 = arith.constant 1 : i32
    %swap3A_3425 = arith.constant 103 : i32
    %swap3A_3426 = arith.index_cast %swap3A_3424 : i32 to index
    %swap3A_3427 = arith.index_cast %swap3A_3425 : i32 to index
    %swap3A_3428 = memref.load %arg4[%swap3A_3426, %swap3A_3427] : memref<2x128xf32, #tpu.memory_space<smem>>
    memref.store %add3A_3423, %arg4[%swap3A_3426, %swap3A_3427] : memref<2x128xf32, #tpu.memory_space<smem>>
    %get3A_3429 = arith.constant 1 : i32
    %get3A_3430 = arith.constant 104 : i32
    %get3A_3431 = arith.index_cast %get3A_3429 : i32 to index
    %get3A_3432 = arith.index_cast %get3A_3430 : i32 to index
    %get3A_3433 = memref.load %arg3[%get3A_3431, %get3A_3432] : memref<8x128xf32, #tpu.memory_space<smem>>
    %get3A_3434 = arith.constant 2 : i32
    %get3A_3435 = arith.constant 104 : i32
    %get3A_3436 = arith.index_cast %get3A_3434 : i32 to index
    %get3A_3437 = arith.index_cast %get3A_3435 : i32 to index
    %get3A_3438 = memref.load %arg3[%get3A_3436, %get3A_3437] : memref<8x128xf32, #tpu.memory_space<smem>>
    %get3A_3439 = arith.constant 3 : i32
    %get3A_3440 = arith.constant 104 : i32
    %get3A_3441 = arith.index_cast %get3A_3439 : i32 to index
    %get3A_3442 = arith.index_cast %get3A_3440 : i32 to index
    %get3A_3443 = memref.load %arg3[%get3A_3441, %get3A_3442] : memref<8x128xf32, #tpu.memory_space<smem>>
    %get3A_3444 = arith.constant 4 : i32
    %get3A_3445 = arith.constant 104 : i32
    %get3A_3446 = arith.index_cast %get3A_3444 : i32 to index
    %get3A_3447 = arith.index_cast %get3A_3445 : i32 to index
    %get3A_3448 = memref.load %arg3[%get3A_3446, %get3A_3447] : memref<8x128xf32, #tpu.memory_space<smem>>
    %add3A_3449 = arith.addf %get3A_3433, %get3A_3443 : f32
    %add3A_3450 = arith.addf %add3A_3449, %get3A_3438 : f32
    %swap3A_3451 = arith.constant 0 : i32
    %swap3A_3452 = arith.constant 104 : i32
    %swap3A_3453 = arith.index_cast %swap3A_3451 : i32 to index
    %swap3A_3454 = arith.index_cast %swap3A_3452 : i32 to index
    %swap3A_3455 = memref.load %arg4[%swap3A_3453, %swap3A_3454] : memref<2x128xf32, #tpu.memory_space<smem>>
    memref.store %add3A_3450, %arg4[%swap3A_3453, %swap3A_3454] : memref<2x128xf32, #tpu.memory_space<smem>>
    %add3A_3456 = arith.addf %add3A_3449, %get3A_3448 : f32
    %swap3A_3457 = arith.constant 1 : i32
    %swap3A_3458 = arith.constant 104 : i32
    %swap3A_3459 = arith.index_cast %swap3A_3457 : i32 to index
    %swap3A_3460 = arith.index_cast %swap3A_3458 : i32 to index
    %swap3A_3461 = memref.load %arg4[%swap3A_3459, %swap3A_3460] : memref<2x128xf32, #tpu.memory_space<smem>>
    memref.store %add3A_3456, %arg4[%swap3A_3459, %swap3A_3460] : memref<2x128xf32, #tpu.memory_space<smem>>
    %get3A_3462 = arith.constant 1 : i32
    %get3A_3463 = arith.constant 105 : i32
    %get3A_3464 = arith.index_cast %get3A_3462 : i32 to index
    %get3A_3465 = arith.index_cast %get3A_3463 : i32 to index
    %get3A_3466 = memref.load %arg3[%get3A_3464, %get3A_3465] : memref<8x128xf32, #tpu.memory_space<smem>>
    %get3A_3467 = arith.constant 2 : i32
    %get3A_3468 = arith.constant 105 : i32
    %get3A_3469 = arith.index_cast %get3A_3467 : i32 to index
    %get3A_3470 = arith.index_cast %get3A_3468 : i32 to index
    %get3A_3471 = memref.load %arg3[%get3A_3469, %get3A_3470] : memref<8x128xf32, #tpu.memory_space<smem>>
    %get3A_3472 = arith.constant 3 : i32
    %get3A_3473 = arith.constant 105 : i32
    %get3A_3474 = arith.index_cast %get3A_3472 : i32 to index
    %get3A_3475 = arith.index_cast %get3A_3473 : i32 to index
    %get3A_3476 = memref.load %arg3[%get3A_3474, %get3A_3475] : memref<8x128xf32, #tpu.memory_space<smem>>
    %get3A_3477 = arith.constant 4 : i32
    %get3A_3478 = arith.constant 105 : i32
    %get3A_3479 = arith.index_cast %get3A_3477 : i32 to index
    %get3A_3480 = arith.index_cast %get3A_3478 : i32 to index
    %get3A_3481 = memref.load %arg3[%get3A_3479, %get3A_3480] : memref<8x128xf32, #tpu.memory_space<smem>>
    %add3A_3482 = arith.addf %get3A_3466, %get3A_3476 : f32
    %add3A_3483 = arith.addf %add3A_3482, %get3A_3471 : f32
    %swap3A_3484 = arith.constant 0 : i32
    %swap3A_3485 = arith.constant 105 : i32
    %swap3A_3486 = arith.index_cast %swap3A_3484 : i32 to index
    %swap3A_3487 = arith.index_cast %swap3A_3485 : i32 to index
    %swap3A_3488 = memref.load %arg4[%swap3A_3486, %swap3A_3487] : memref<2x128xf32, #tpu.memory_space<smem>>
    memref.store %add3A_3483, %arg4[%swap3A_3486, %swap3A_3487] : memref<2x128xf32, #tpu.memory_space<smem>>
    %add3A_3489 = arith.addf %add3A_3482, %get3A_3481 : f32
    %swap3A_3490 = arith.constant 1 : i32
    %swap3A_3491 = arith.constant 105 : i32
    %swap3A_3492 = arith.index_cast %swap3A_3490 : i32 to index
    %swap3A_3493 = arith.index_cast %swap3A_3491 : i32 to index
    %swap3A_3494 = memref.load %arg4[%swap3A_3492, %swap3A_3493] : memref<2x128xf32, #tpu.memory_space<smem>>
    memref.store %add3A_3489, %arg4[%swap3A_3492, %swap3A_3493] : memref<2x128xf32, #tpu.memory_space<smem>>
    %get3A_3495 = arith.constant 1 : i32
    %get3A_3496 = arith.constant 106 : i32
    %get3A_3497 = arith.index_cast %get3A_3495 : i32 to index
    %get3A_3498 = arith.index_cast %get3A_3496 : i32 to index
    %get3A_3499 = memref.load %arg3[%get3A_3497, %get3A_3498] : memref<8x128xf32, #tpu.memory_space<smem>>
    %get3A_3500 = arith.constant 2 : i32
    %get3A_3501 = arith.constant 106 : i32
    %get3A_3502 = arith.index_cast %get3A_3500 : i32 to index
    %get3A_3503 = arith.index_cast %get3A_3501 : i32 to index
    %get3A_3504 = memref.load %arg3[%get3A_3502, %get3A_3503] : memref<8x128xf32, #tpu.memory_space<smem>>
    %get3A_3505 = arith.constant 3 : i32
    %get3A_3506 = arith.constant 106 : i32
    %get3A_3507 = arith.index_cast %get3A_3505 : i32 to index
    %get3A_3508 = arith.index_cast %get3A_3506 : i32 to index
    %get3A_3509 = memref.load %arg3[%get3A_3507, %get3A_3508] : memref<8x128xf32, #tpu.memory_space<smem>>
    %get3A_3510 = arith.constant 4 : i32
    %get3A_3511 = arith.constant 106 : i32
    %get3A_3512 = arith.index_cast %get3A_3510 : i32 to index
    %get3A_3513 = arith.index_cast %get3A_3511 : i32 to index
    %get3A_3514 = memref.load %arg3[%get3A_3512, %get3A_3513] : memref<8x128xf32, #tpu.memory_space<smem>>
    %add3A_3515 = arith.addf %get3A_3499, %get3A_3509 : f32
    %add3A_3516 = arith.addf %add3A_3515, %get3A_3504 : f32
    %swap3A_3517 = arith.constant 0 : i32
    %swap3A_3518 = arith.constant 106 : i32
    %swap3A_3519 = arith.index_cast %swap3A_3517 : i32 to index
    %swap3A_3520 = arith.index_cast %swap3A_3518 : i32 to index
    %swap3A_3521 = memref.load %arg4[%swap3A_3519, %swap3A_3520] : memref<2x128xf32, #tpu.memory_space<smem>>
    memref.store %add3A_3516, %arg4[%swap3A_3519, %swap3A_3520] : memref<2x128xf32, #tpu.memory_space<smem>>
    %add3A_3522 = arith.addf %add3A_3515, %get3A_3514 : f32
    %swap3A_3523 = arith.constant 1 : i32
    %swap3A_3524 = arith.constant 106 : i32
    %swap3A_3525 = arith.index_cast %swap3A_3523 : i32 to index
    %swap3A_3526 = arith.index_cast %swap3A_3524 : i32 to index
    %swap3A_3527 = memref.load %arg4[%swap3A_3525, %swap3A_3526] : memref<2x128xf32, #tpu.memory_space<smem>>
    memref.store %add3A_3522, %arg4[%swap3A_3525, %swap3A_3526] : memref<2x128xf32, #tpu.memory_space<smem>>
    %get3A_3528 = arith.constant 1 : i32
    %get3A_3529 = arith.constant 107 : i32
    %get3A_3530 = arith.index_cast %get3A_3528 : i32 to index
    %get3A_3531 = arith.index_cast %get3A_3529 : i32 to index
    %get3A_3532 = memref.load %arg3[%get3A_3530, %get3A_3531] : memref<8x128xf32, #tpu.memory_space<smem>>
    %get3A_3533 = arith.constant 2 : i32
    %get3A_3534 = arith.constant 107 : i32
    %get3A_3535 = arith.index_cast %get3A_3533 : i32 to index
    %get3A_3536 = arith.index_cast %get3A_3534 : i32 to index
    %get3A_3537 = memref.load %arg3[%get3A_3535, %get3A_3536] : memref<8x128xf32, #tpu.memory_space<smem>>
    %get3A_3538 = arith.constant 3 : i32
    %get3A_3539 = arith.constant 107 : i32
    %get3A_3540 = arith.index_cast %get3A_3538 : i32 to index
    %get3A_3541 = arith.index_cast %get3A_3539 : i32 to index
    %get3A_3542 = memref.load %arg3[%get3A_3540, %get3A_3541] : memref<8x128xf32, #tpu.memory_space<smem>>
    %get3A_3543 = arith.constant 4 : i32
    %get3A_3544 = arith.constant 107 : i32
    %get3A_3545 = arith.index_cast %get3A_3543 : i32 to index
    %get3A_3546 = arith.index_cast %get3A_3544 : i32 to index
    %get3A_3547 = memref.load %arg3[%get3A_3545, %get3A_3546] : memref<8x128xf32, #tpu.memory_space<smem>>
    %add3A_3548 = arith.addf %get3A_3532, %get3A_3542 : f32
    %add3A_3549 = arith.addf %add3A_3548, %get3A_3537 : f32
    %swap3A_3550 = arith.constant 0 : i32
    %swap3A_3551 = arith.constant 107 : i32
    %swap3A_3552 = arith.index_cast %swap3A_3550 : i32 to index
    %swap3A_3553 = arith.index_cast %swap3A_3551 : i32 to index
    %swap3A_3554 = memref.load %arg4[%swap3A_3552, %swap3A_3553] : memref<2x128xf32, #tpu.memory_space<smem>>
    memref.store %add3A_3549, %arg4[%swap3A_3552, %swap3A_3553] : memref<2x128xf32, #tpu.memory_space<smem>>
    %add3A_3555 = arith.addf %add3A_3548, %get3A_3547 : f32
    %swap3A_3556 = arith.constant 1 : i32
    %swap3A_3557 = arith.constant 107 : i32
    %swap3A_3558 = arith.index_cast %swap3A_3556 : i32 to index
    %swap3A_3559 = arith.index_cast %swap3A_3557 : i32 to index
    %swap3A_3560 = memref.load %arg4[%swap3A_3558, %swap3A_3559] : memref<2x128xf32, #tpu.memory_space<smem>>
    memref.store %add3A_3555, %arg4[%swap3A_3558, %swap3A_3559] : memref<2x128xf32, #tpu.memory_space<smem>>
    %get3A_3561 = arith.constant 1 : i32
    %get3A_3562 = arith.constant 108 : i32
    %get3A_3563 = arith.index_cast %get3A_3561 : i32 to index
    %get3A_3564 = arith.index_cast %get3A_3562 : i32 to index
    %get3A_3565 = memref.load %arg3[%get3A_3563, %get3A_3564] : memref<8x128xf32, #tpu.memory_space<smem>>
    %get3A_3566 = arith.constant 2 : i32
    %get3A_3567 = arith.constant 108 : i32
    %get3A_3568 = arith.index_cast %get3A_3566 : i32 to index
    %get3A_3569 = arith.index_cast %get3A_3567 : i32 to index
    %get3A_3570 = memref.load %arg3[%get3A_3568, %get3A_3569] : memref<8x128xf32, #tpu.memory_space<smem>>
    %get3A_3571 = arith.constant 3 : i32
    %get3A_3572 = arith.constant 108 : i32
    %get3A_3573 = arith.index_cast %get3A_3571 : i32 to index
    %get3A_3574 = arith.index_cast %get3A_3572 : i32 to index
    %get3A_3575 = memref.load %arg3[%get3A_3573, %get3A_3574] : memref<8x128xf32, #tpu.memory_space<smem>>
    %get3A_3576 = arith.constant 4 : i32
    %get3A_3577 = arith.constant 108 : i32
    %get3A_3578 = arith.index_cast %get3A_3576 : i32 to index
    %get3A_3579 = arith.index_cast %get3A_3577 : i32 to index
    %get3A_3580 = memref.load %arg3[%get3A_3578, %get3A_3579] : memref<8x128xf32, #tpu.memory_space<smem>>
    %add3A_3581 = arith.addf %get3A_3565, %get3A_3575 : f32
    %add3A_3582 = arith.addf %add3A_3581, %get3A_3570 : f32
    %swap3A_3583 = arith.constant 0 : i32
    %swap3A_3584 = arith.constant 108 : i32
    %swap3A_3585 = arith.index_cast %swap3A_3583 : i32 to index
    %swap3A_3586 = arith.index_cast %swap3A_3584 : i32 to index
    %swap3A_3587 = memref.load %arg4[%swap3A_3585, %swap3A_3586] : memref<2x128xf32, #tpu.memory_space<smem>>
    memref.store %add3A_3582, %arg4[%swap3A_3585, %swap3A_3586] : memref<2x128xf32, #tpu.memory_space<smem>>
    %add3A_3588 = arith.addf %add3A_3581, %get3A_3580 : f32
    %swap3A_3589 = arith.constant 1 : i32
    %swap3A_3590 = arith.constant 108 : i32
    %swap3A_3591 = arith.index_cast %swap3A_3589 : i32 to index
    %swap3A_3592 = arith.index_cast %swap3A_3590 : i32 to index
    %swap3A_3593 = memref.load %arg4[%swap3A_3591, %swap3A_3592] : memref<2x128xf32, #tpu.memory_space<smem>>
    memref.store %add3A_3588, %arg4[%swap3A_3591, %swap3A_3592] : memref<2x128xf32, #tpu.memory_space<smem>>
    %get3A_3594 = arith.constant 1 : i32
    %get3A_3595 = arith.constant 109 : i32
    %get3A_3596 = arith.index_cast %get3A_3594 : i32 to index
    %get3A_3597 = arith.index_cast %get3A_3595 : i32 to index
    %get3A_3598 = memref.load %arg3[%get3A_3596, %get3A_3597] : memref<8x128xf32, #tpu.memory_space<smem>>
    %get3A_3599 = arith.constant 2 : i32
    %get3A_3600 = arith.constant 109 : i32
    %get3A_3601 = arith.index_cast %get3A_3599 : i32 to index
    %get3A_3602 = arith.index_cast %get3A_3600 : i32 to index
    %get3A_3603 = memref.load %arg3[%get3A_3601, %get3A_3602] : memref<8x128xf32, #tpu.memory_space<smem>>
    %get3A_3604 = arith.constant 3 : i32
    %get3A_3605 = arith.constant 109 : i32
    %get3A_3606 = arith.index_cast %get3A_3604 : i32 to index
    %get3A_3607 = arith.index_cast %get3A_3605 : i32 to index
    %get3A_3608 = memref.load %arg3[%get3A_3606, %get3A_3607] : memref<8x128xf32, #tpu.memory_space<smem>>
    %get3A_3609 = arith.constant 4 : i32
    %get3A_3610 = arith.constant 109 : i32
    %get3A_3611 = arith.index_cast %get3A_3609 : i32 to index
    %get3A_3612 = arith.index_cast %get3A_3610 : i32 to index
    %get3A_3613 = memref.load %arg3[%get3A_3611, %get3A_3612] : memref<8x128xf32, #tpu.memory_space<smem>>
    %add3A_3614 = arith.addf %get3A_3598, %get3A_3608 : f32
    %add3A_3615 = arith.addf %add3A_3614, %get3A_3603 : f32
    %swap3A_3616 = arith.constant 0 : i32
    %swap3A_3617 = arith.constant 109 : i32
    %swap3A_3618 = arith.index_cast %swap3A_3616 : i32 to index
    %swap3A_3619 = arith.index_cast %swap3A_3617 : i32 to index
    %swap3A_3620 = memref.load %arg4[%swap3A_3618, %swap3A_3619] : memref<2x128xf32, #tpu.memory_space<smem>>
    memref.store %add3A_3615, %arg4[%swap3A_3618, %swap3A_3619] : memref<2x128xf32, #tpu.memory_space<smem>>
    %add3A_3621 = arith.addf %add3A_3614, %get3A_3613 : f32
    %swap3A_3622 = arith.constant 1 : i32
    %swap3A_3623 = arith.constant 109 : i32
    %swap3A_3624 = arith.index_cast %swap3A_3622 : i32 to index
    %swap3A_3625 = arith.index_cast %swap3A_3623 : i32 to index
    %swap3A_3626 = memref.load %arg4[%swap3A_3624, %swap3A_3625] : memref<2x128xf32, #tpu.memory_space<smem>>
    memref.store %add3A_3621, %arg4[%swap3A_3624, %swap3A_3625] : memref<2x128xf32, #tpu.memory_space<smem>>
    %get3A_3627 = arith.constant 1 : i32
    %get3A_3628 = arith.constant 110 : i32
    %get3A_3629 = arith.index_cast %get3A_3627 : i32 to index
    %get3A_3630 = arith.index_cast %get3A_3628 : i32 to index
    %get3A_3631 = memref.load %arg3[%get3A_3629, %get3A_3630] : memref<8x128xf32, #tpu.memory_space<smem>>
    %get3A_3632 = arith.constant 2 : i32
    %get3A_3633 = arith.constant 110 : i32
    %get3A_3634 = arith.index_cast %get3A_3632 : i32 to index
    %get3A_3635 = arith.index_cast %get3A_3633 : i32 to index
    %get3A_3636 = memref.load %arg3[%get3A_3634, %get3A_3635] : memref<8x128xf32, #tpu.memory_space<smem>>
    %get3A_3637 = arith.constant 3 : i32
    %get3A_3638 = arith.constant 110 : i32
    %get3A_3639 = arith.index_cast %get3A_3637 : i32 to index
    %get3A_3640 = arith.index_cast %get3A_3638 : i32 to index
    %get3A_3641 = memref.load %arg3[%get3A_3639, %get3A_3640] : memref<8x128xf32, #tpu.memory_space<smem>>
    %get3A_3642 = arith.constant 4 : i32
    %get3A_3643 = arith.constant 110 : i32
    %get3A_3644 = arith.index_cast %get3A_3642 : i32 to index
    %get3A_3645 = arith.index_cast %get3A_3643 : i32 to index
    %get3A_3646 = memref.load %arg3[%get3A_3644, %get3A_3645] : memref<8x128xf32, #tpu.memory_space<smem>>
    %add3A_3647 = arith.addf %get3A_3631, %get3A_3641 : f32
    %add3A_3648 = arith.addf %add3A_3647, %get3A_3636 : f32
    %swap3A_3649 = arith.constant 0 : i32
    %swap3A_3650 = arith.constant 110 : i32
    %swap3A_3651 = arith.index_cast %swap3A_3649 : i32 to index
    %swap3A_3652 = arith.index_cast %swap3A_3650 : i32 to index
    %swap3A_3653 = memref.load %arg4[%swap3A_3651, %swap3A_3652] : memref<2x128xf32, #tpu.memory_space<smem>>
    memref.store %add3A_3648, %arg4[%swap3A_3651, %swap3A_3652] : memref<2x128xf32, #tpu.memory_space<smem>>
    %add3A_3654 = arith.addf %add3A_3647, %get3A_3646 : f32
    %swap3A_3655 = arith.constant 1 : i32
    %swap3A_3656 = arith.constant 110 : i32
    %swap3A_3657 = arith.index_cast %swap3A_3655 : i32 to index
    %swap3A_3658 = arith.index_cast %swap3A_3656 : i32 to index
    %swap3A_3659 = memref.load %arg4[%swap3A_3657, %swap3A_3658] : memref<2x128xf32, #tpu.memory_space<smem>>
    memref.store %add3A_3654, %arg4[%swap3A_3657, %swap3A_3658] : memref<2x128xf32, #tpu.memory_space<smem>>
    %get3A_3660 = arith.constant 1 : i32
    %get3A_3661 = arith.constant 111 : i32
    %get3A_3662 = arith.index_cast %get3A_3660 : i32 to index
    %get3A_3663 = arith.index_cast %get3A_3661 : i32 to index
    %get3A_3664 = memref.load %arg3[%get3A_3662, %get3A_3663] : memref<8x128xf32, #tpu.memory_space<smem>>
    %get3A_3665 = arith.constant 2 : i32
    %get3A_3666 = arith.constant 111 : i32
    %get3A_3667 = arith.index_cast %get3A_3665 : i32 to index
    %get3A_3668 = arith.index_cast %get3A_3666 : i32 to index
    %get3A_3669 = memref.load %arg3[%get3A_3667, %get3A_3668] : memref<8x128xf32, #tpu.memory_space<smem>>
    %get3A_3670 = arith.constant 3 : i32
    %get3A_3671 = arith.constant 111 : i32
    %get3A_3672 = arith.index_cast %get3A_3670 : i32 to index
    %get3A_3673 = arith.index_cast %get3A_3671 : i32 to index
    %get3A_3674 = memref.load %arg3[%get3A_3672, %get3A_3673] : memref<8x128xf32, #tpu.memory_space<smem>>
    %get3A_3675 = arith.constant 4 : i32
    %get3A_3676 = arith.constant 111 : i32
    %get3A_3677 = arith.index_cast %get3A_3675 : i32 to index
    %get3A_3678 = arith.index_cast %get3A_3676 : i32 to index
    %get3A_3679 = memref.load %arg3[%get3A_3677, %get3A_3678] : memref<8x128xf32, #tpu.memory_space<smem>>
    %add3A_3680 = arith.addf %get3A_3664, %get3A_3674 : f32
    %add3A_3681 = arith.addf %add3A_3680, %get3A_3669 : f32
    %swap3A_3682 = arith.constant 0 : i32
    %swap3A_3683 = arith.constant 111 : i32
    %swap3A_3684 = arith.index_cast %swap3A_3682 : i32 to index
    %swap3A_3685 = arith.index_cast %swap3A_3683 : i32 to index
    %swap3A_3686 = memref.load %arg4[%swap3A_3684, %swap3A_3685] : memref<2x128xf32, #tpu.memory_space<smem>>
    memref.store %add3A_3681, %arg4[%swap3A_3684, %swap3A_3685] : memref<2x128xf32, #tpu.memory_space<smem>>
    %add3A_3687 = arith.addf %add3A_3680, %get3A_3679 : f32
    %swap3A_3688 = arith.constant 1 : i32
    %swap3A_3689 = arith.constant 111 : i32
    %swap3A_3690 = arith.index_cast %swap3A_3688 : i32 to index
    %swap3A_3691 = arith.index_cast %swap3A_3689 : i32 to index
    %swap3A_3692 = memref.load %arg4[%swap3A_3690, %swap3A_3691] : memref<2x128xf32, #tpu.memory_space<smem>>
    memref.store %add3A_3687, %arg4[%swap3A_3690, %swap3A_3691] : memref<2x128xf32, #tpu.memory_space<smem>>
    %get3A_3693 = arith.constant 1 : i32
    %get3A_3694 = arith.constant 112 : i32
    %get3A_3695 = arith.index_cast %get3A_3693 : i32 to index
    %get3A_3696 = arith.index_cast %get3A_3694 : i32 to index
    %get3A_3697 = memref.load %arg3[%get3A_3695, %get3A_3696] : memref<8x128xf32, #tpu.memory_space<smem>>
    %get3A_3698 = arith.constant 2 : i32
    %get3A_3699 = arith.constant 112 : i32
    %get3A_3700 = arith.index_cast %get3A_3698 : i32 to index
    %get3A_3701 = arith.index_cast %get3A_3699 : i32 to index
    %get3A_3702 = memref.load %arg3[%get3A_3700, %get3A_3701] : memref<8x128xf32, #tpu.memory_space<smem>>
    %get3A_3703 = arith.constant 3 : i32
    %get3A_3704 = arith.constant 112 : i32
    %get3A_3705 = arith.index_cast %get3A_3703 : i32 to index
    %get3A_3706 = arith.index_cast %get3A_3704 : i32 to index
    %get3A_3707 = memref.load %arg3[%get3A_3705, %get3A_3706] : memref<8x128xf32, #tpu.memory_space<smem>>
    %get3A_3708 = arith.constant 4 : i32
    %get3A_3709 = arith.constant 112 : i32
    %get3A_3710 = arith.index_cast %get3A_3708 : i32 to index
    %get3A_3711 = arith.index_cast %get3A_3709 : i32 to index
    %get3A_3712 = memref.load %arg3[%get3A_3710, %get3A_3711] : memref<8x128xf32, #tpu.memory_space<smem>>
    %add3A_3713 = arith.addf %get3A_3697, %get3A_3707 : f32
    %add3A_3714 = arith.addf %add3A_3713, %get3A_3702 : f32
    %swap3A_3715 = arith.constant 0 : i32
    %swap3A_3716 = arith.constant 112 : i32
    %swap3A_3717 = arith.index_cast %swap3A_3715 : i32 to index
    %swap3A_3718 = arith.index_cast %swap3A_3716 : i32 to index
    %swap3A_3719 = memref.load %arg4[%swap3A_3717, %swap3A_3718] : memref<2x128xf32, #tpu.memory_space<smem>>
    memref.store %add3A_3714, %arg4[%swap3A_3717, %swap3A_3718] : memref<2x128xf32, #tpu.memory_space<smem>>
    %add3A_3720 = arith.addf %add3A_3713, %get3A_3712 : f32
    %swap3A_3721 = arith.constant 1 : i32
    %swap3A_3722 = arith.constant 112 : i32
    %swap3A_3723 = arith.index_cast %swap3A_3721 : i32 to index
    %swap3A_3724 = arith.index_cast %swap3A_3722 : i32 to index
    %swap3A_3725 = memref.load %arg4[%swap3A_3723, %swap3A_3724] : memref<2x128xf32, #tpu.memory_space<smem>>
    memref.store %add3A_3720, %arg4[%swap3A_3723, %swap3A_3724] : memref<2x128xf32, #tpu.memory_space<smem>>
    %get3A_3726 = arith.constant 1 : i32
    %get3A_3727 = arith.constant 113 : i32
    %get3A_3728 = arith.index_cast %get3A_3726 : i32 to index
    %get3A_3729 = arith.index_cast %get3A_3727 : i32 to index
    %get3A_3730 = memref.load %arg3[%get3A_3728, %get3A_3729] : memref<8x128xf32, #tpu.memory_space<smem>>
    %get3A_3731 = arith.constant 2 : i32
    %get3A_3732 = arith.constant 113 : i32
    %get3A_3733 = arith.index_cast %get3A_3731 : i32 to index
    %get3A_3734 = arith.index_cast %get3A_3732 : i32 to index
    %get3A_3735 = memref.load %arg3[%get3A_3733, %get3A_3734] : memref<8x128xf32, #tpu.memory_space<smem>>
    %get3A_3736 = arith.constant 3 : i32
    %get3A_3737 = arith.constant 113 : i32
    %get3A_3738 = arith.index_cast %get3A_3736 : i32 to index
    %get3A_3739 = arith.index_cast %get3A_3737 : i32 to index
    %get3A_3740 = memref.load %arg3[%get3A_3738, %get3A_3739] : memref<8x128xf32, #tpu.memory_space<smem>>
    %get3A_3741 = arith.constant 4 : i32
    %get3A_3742 = arith.constant 113 : i32
    %get3A_3743 = arith.index_cast %get3A_3741 : i32 to index
    %get3A_3744 = arith.index_cast %get3A_3742 : i32 to index
    %get3A_3745 = memref.load %arg3[%get3A_3743, %get3A_3744] : memref<8x128xf32, #tpu.memory_space<smem>>
    %add3A_3746 = arith.addf %get3A_3730, %get3A_3740 : f32
    %add3A_3747 = arith.addf %add3A_3746, %get3A_3735 : f32
    %swap3A_3748 = arith.constant 0 : i32
    %swap3A_3749 = arith.constant 113 : i32
    %swap3A_3750 = arith.index_cast %swap3A_3748 : i32 to index
    %swap3A_3751 = arith.index_cast %swap3A_3749 : i32 to index
    %swap3A_3752 = memref.load %arg4[%swap3A_3750, %swap3A_3751] : memref<2x128xf32, #tpu.memory_space<smem>>
    memref.store %add3A_3747, %arg4[%swap3A_3750, %swap3A_3751] : memref<2x128xf32, #tpu.memory_space<smem>>
    %add3A_3753 = arith.addf %add3A_3746, %get3A_3745 : f32
    %swap3A_3754 = arith.constant 1 : i32
    %swap3A_3755 = arith.constant 113 : i32
    %swap3A_3756 = arith.index_cast %swap3A_3754 : i32 to index
    %swap3A_3757 = arith.index_cast %swap3A_3755 : i32 to index
    %swap3A_3758 = memref.load %arg4[%swap3A_3756, %swap3A_3757] : memref<2x128xf32, #tpu.memory_space<smem>>
    memref.store %add3A_3753, %arg4[%swap3A_3756, %swap3A_3757] : memref<2x128xf32, #tpu.memory_space<smem>>
    %get3A_3759 = arith.constant 1 : i32
    %get3A_3760 = arith.constant 114 : i32
    %get3A_3761 = arith.index_cast %get3A_3759 : i32 to index
    %get3A_3762 = arith.index_cast %get3A_3760 : i32 to index
    %get3A_3763 = memref.load %arg3[%get3A_3761, %get3A_3762] : memref<8x128xf32, #tpu.memory_space<smem>>
    %get3A_3764 = arith.constant 2 : i32
    %get3A_3765 = arith.constant 114 : i32
    %get3A_3766 = arith.index_cast %get3A_3764 : i32 to index
    %get3A_3767 = arith.index_cast %get3A_3765 : i32 to index
    %get3A_3768 = memref.load %arg3[%get3A_3766, %get3A_3767] : memref<8x128xf32, #tpu.memory_space<smem>>
    %get3A_3769 = arith.constant 3 : i32
    %get3A_3770 = arith.constant 114 : i32
    %get3A_3771 = arith.index_cast %get3A_3769 : i32 to index
    %get3A_3772 = arith.index_cast %get3A_3770 : i32 to index
    %get3A_3773 = memref.load %arg3[%get3A_3771, %get3A_3772] : memref<8x128xf32, #tpu.memory_space<smem>>
    %get3A_3774 = arith.constant 4 : i32
    %get3A_3775 = arith.constant 114 : i32
    %get3A_3776 = arith.index_cast %get3A_3774 : i32 to index
    %get3A_3777 = arith.index_cast %get3A_3775 : i32 to index
    %get3A_3778 = memref.load %arg3[%get3A_3776, %get3A_3777] : memref<8x128xf32, #tpu.memory_space<smem>>
    %add3A_3779 = arith.addf %get3A_3763, %get3A_3773 : f32
    %add3A_3780 = arith.addf %add3A_3779, %get3A_3768 : f32
    %swap3A_3781 = arith.constant 0 : i32
    %swap3A_3782 = arith.constant 114 : i32
    %swap3A_3783 = arith.index_cast %swap3A_3781 : i32 to index
    %swap3A_3784 = arith.index_cast %swap3A_3782 : i32 to index
    %swap3A_3785 = memref.load %arg4[%swap3A_3783, %swap3A_3784] : memref<2x128xf32, #tpu.memory_space<smem>>
    memref.store %add3A_3780, %arg4[%swap3A_3783, %swap3A_3784] : memref<2x128xf32, #tpu.memory_space<smem>>
    %add3A_3786 = arith.addf %add3A_3779, %get3A_3778 : f32
    %swap3A_3787 = arith.constant 1 : i32
    %swap3A_3788 = arith.constant 114 : i32
    %swap3A_3789 = arith.index_cast %swap3A_3787 : i32 to index
    %swap3A_3790 = arith.index_cast %swap3A_3788 : i32 to index
    %swap3A_3791 = memref.load %arg4[%swap3A_3789, %swap3A_3790] : memref<2x128xf32, #tpu.memory_space<smem>>
    memref.store %add3A_3786, %arg4[%swap3A_3789, %swap3A_3790] : memref<2x128xf32, #tpu.memory_space<smem>>
    %get3A_3792 = arith.constant 1 : i32
    %get3A_3793 = arith.constant 115 : i32
    %get3A_3794 = arith.index_cast %get3A_3792 : i32 to index
    %get3A_3795 = arith.index_cast %get3A_3793 : i32 to index
    %get3A_3796 = memref.load %arg3[%get3A_3794, %get3A_3795] : memref<8x128xf32, #tpu.memory_space<smem>>
    %get3A_3797 = arith.constant 2 : i32
    %get3A_3798 = arith.constant 115 : i32
    %get3A_3799 = arith.index_cast %get3A_3797 : i32 to index
    %get3A_3800 = arith.index_cast %get3A_3798 : i32 to index
    %get3A_3801 = memref.load %arg3[%get3A_3799, %get3A_3800] : memref<8x128xf32, #tpu.memory_space<smem>>
    %get3A_3802 = arith.constant 3 : i32
    %get3A_3803 = arith.constant 115 : i32
    %get3A_3804 = arith.index_cast %get3A_3802 : i32 to index
    %get3A_3805 = arith.index_cast %get3A_3803 : i32 to index
    %get3A_3806 = memref.load %arg3[%get3A_3804, %get3A_3805] : memref<8x128xf32, #tpu.memory_space<smem>>
    %get3A_3807 = arith.constant 4 : i32
    %get3A_3808 = arith.constant 115 : i32
    %get3A_3809 = arith.index_cast %get3A_3807 : i32 to index
    %get3A_3810 = arith.index_cast %get3A_3808 : i32 to index
    %get3A_3811 = memref.load %arg3[%get3A_3809, %get3A_3810] : memref<8x128xf32, #tpu.memory_space<smem>>
    %add3A_3812 = arith.addf %get3A_3796, %get3A_3806 : f32
    %add3A_3813 = arith.addf %add3A_3812, %get3A_3801 : f32
    %swap3A_3814 = arith.constant 0 : i32
    %swap3A_3815 = arith.constant 115 : i32
    %swap3A_3816 = arith.index_cast %swap3A_3814 : i32 to index
    %swap3A_3817 = arith.index_cast %swap3A_3815 : i32 to index
    %swap3A_3818 = memref.load %arg4[%swap3A_3816, %swap3A_3817] : memref<2x128xf32, #tpu.memory_space<smem>>
    memref.store %add3A_3813, %arg4[%swap3A_3816, %swap3A_3817] : memref<2x128xf32, #tpu.memory_space<smem>>
    %add3A_3819 = arith.addf %add3A_3812, %get3A_3811 : f32
    %swap3A_3820 = arith.constant 1 : i32
    %swap3A_3821 = arith.constant 115 : i32
    %swap3A_3822 = arith.index_cast %swap3A_3820 : i32 to index
    %swap3A_3823 = arith.index_cast %swap3A_3821 : i32 to index
    %swap3A_3824 = memref.load %arg4[%swap3A_3822, %swap3A_3823] : memref<2x128xf32, #tpu.memory_space<smem>>
    memref.store %add3A_3819, %arg4[%swap3A_3822, %swap3A_3823] : memref<2x128xf32, #tpu.memory_space<smem>>
    %get3A_3825 = arith.constant 1 : i32
    %get3A_3826 = arith.constant 116 : i32
    %get3A_3827 = arith.index_cast %get3A_3825 : i32 to index
    %get3A_3828 = arith.index_cast %get3A_3826 : i32 to index
    %get3A_3829 = memref.load %arg3[%get3A_3827, %get3A_3828] : memref<8x128xf32, #tpu.memory_space<smem>>
    %get3A_3830 = arith.constant 2 : i32
    %get3A_3831 = arith.constant 116 : i32
    %get3A_3832 = arith.index_cast %get3A_3830 : i32 to index
    %get3A_3833 = arith.index_cast %get3A_3831 : i32 to index
    %get3A_3834 = memref.load %arg3[%get3A_3832, %get3A_3833] : memref<8x128xf32, #tpu.memory_space<smem>>
    %get3A_3835 = arith.constant 3 : i32
    %get3A_3836 = arith.constant 116 : i32
    %get3A_3837 = arith.index_cast %get3A_3835 : i32 to index
    %get3A_3838 = arith.index_cast %get3A_3836 : i32 to index
    %get3A_3839 = memref.load %arg3[%get3A_3837, %get3A_3838] : memref<8x128xf32, #tpu.memory_space<smem>>
    %get3A_3840 = arith.constant 4 : i32
    %get3A_3841 = arith.constant 116 : i32
    %get3A_3842 = arith.index_cast %get3A_3840 : i32 to index
    %get3A_3843 = arith.index_cast %get3A_3841 : i32 to index
    %get3A_3844 = memref.load %arg3[%get3A_3842, %get3A_3843] : memref<8x128xf32, #tpu.memory_space<smem>>
    %add3A_3845 = arith.addf %get3A_3829, %get3A_3839 : f32
    %add3A_3846 = arith.addf %add3A_3845, %get3A_3834 : f32
    %swap3A_3847 = arith.constant 0 : i32
    %swap3A_3848 = arith.constant 116 : i32
    %swap3A_3849 = arith.index_cast %swap3A_3847 : i32 to index
    %swap3A_3850 = arith.index_cast %swap3A_3848 : i32 to index
    %swap3A_3851 = memref.load %arg4[%swap3A_3849, %swap3A_3850] : memref<2x128xf32, #tpu.memory_space<smem>>
    memref.store %add3A_3846, %arg4[%swap3A_3849, %swap3A_3850] : memref<2x128xf32, #tpu.memory_space<smem>>
    %add3A_3852 = arith.addf %add3A_3845, %get3A_3844 : f32
    %swap3A_3853 = arith.constant 1 : i32
    %swap3A_3854 = arith.constant 116 : i32
    %swap3A_3855 = arith.index_cast %swap3A_3853 : i32 to index
    %swap3A_3856 = arith.index_cast %swap3A_3854 : i32 to index
    %swap3A_3857 = memref.load %arg4[%swap3A_3855, %swap3A_3856] : memref<2x128xf32, #tpu.memory_space<smem>>
    memref.store %add3A_3852, %arg4[%swap3A_3855, %swap3A_3856] : memref<2x128xf32, #tpu.memory_space<smem>>
    %get3A_3858 = arith.constant 1 : i32
    %get3A_3859 = arith.constant 117 : i32
    %get3A_3860 = arith.index_cast %get3A_3858 : i32 to index
    %get3A_3861 = arith.index_cast %get3A_3859 : i32 to index
    %get3A_3862 = memref.load %arg3[%get3A_3860, %get3A_3861] : memref<8x128xf32, #tpu.memory_space<smem>>
    %get3A_3863 = arith.constant 2 : i32
    %get3A_3864 = arith.constant 117 : i32
    %get3A_3865 = arith.index_cast %get3A_3863 : i32 to index
    %get3A_3866 = arith.index_cast %get3A_3864 : i32 to index
    %get3A_3867 = memref.load %arg3[%get3A_3865, %get3A_3866] : memref<8x128xf32, #tpu.memory_space<smem>>
    %get3A_3868 = arith.constant 3 : i32
    %get3A_3869 = arith.constant 117 : i32
    %get3A_3870 = arith.index_cast %get3A_3868 : i32 to index
    %get3A_3871 = arith.index_cast %get3A_3869 : i32 to index
    %get3A_3872 = memref.load %arg3[%get3A_3870, %get3A_3871] : memref<8x128xf32, #tpu.memory_space<smem>>
    %get3A_3873 = arith.constant 4 : i32
    %get3A_3874 = arith.constant 117 : i32
    %get3A_3875 = arith.index_cast %get3A_3873 : i32 to index
    %get3A_3876 = arith.index_cast %get3A_3874 : i32 to index
    %get3A_3877 = memref.load %arg3[%get3A_3875, %get3A_3876] : memref<8x128xf32, #tpu.memory_space<smem>>
    %add3A_3878 = arith.addf %get3A_3862, %get3A_3872 : f32
    %add3A_3879 = arith.addf %add3A_3878, %get3A_3867 : f32
    %swap3A_3880 = arith.constant 0 : i32
    %swap3A_3881 = arith.constant 117 : i32
    %swap3A_3882 = arith.index_cast %swap3A_3880 : i32 to index
    %swap3A_3883 = arith.index_cast %swap3A_3881 : i32 to index
    %swap3A_3884 = memref.load %arg4[%swap3A_3882, %swap3A_3883] : memref<2x128xf32, #tpu.memory_space<smem>>
    memref.store %add3A_3879, %arg4[%swap3A_3882, %swap3A_3883] : memref<2x128xf32, #tpu.memory_space<smem>>
    %add3A_3885 = arith.addf %add3A_3878, %get3A_3877 : f32
    %swap3A_3886 = arith.constant 1 : i32
    %swap3A_3887 = arith.constant 117 : i32
    %swap3A_3888 = arith.index_cast %swap3A_3886 : i32 to index
    %swap3A_3889 = arith.index_cast %swap3A_3887 : i32 to index
    %swap3A_3890 = memref.load %arg4[%swap3A_3888, %swap3A_3889] : memref<2x128xf32, #tpu.memory_space<smem>>
    memref.store %add3A_3885, %arg4[%swap3A_3888, %swap3A_3889] : memref<2x128xf32, #tpu.memory_space<smem>>
    %get3A_3891 = arith.constant 1 : i32
    %get3A_3892 = arith.constant 118 : i32
    %get3A_3893 = arith.index_cast %get3A_3891 : i32 to index
    %get3A_3894 = arith.index_cast %get3A_3892 : i32 to index
    %get3A_3895 = memref.load %arg3[%get3A_3893, %get3A_3894] : memref<8x128xf32, #tpu.memory_space<smem>>
    %get3A_3896 = arith.constant 2 : i32
    %get3A_3897 = arith.constant 118 : i32
    %get3A_3898 = arith.index_cast %get3A_3896 : i32 to index
    %get3A_3899 = arith.index_cast %get3A_3897 : i32 to index
    %get3A_3900 = memref.load %arg3[%get3A_3898, %get3A_3899] : memref<8x128xf32, #tpu.memory_space<smem>>
    %get3A_3901 = arith.constant 3 : i32
    %get3A_3902 = arith.constant 118 : i32
    %get3A_3903 = arith.index_cast %get3A_3901 : i32 to index
    %get3A_3904 = arith.index_cast %get3A_3902 : i32 to index
    %get3A_3905 = memref.load %arg3[%get3A_3903, %get3A_3904] : memref<8x128xf32, #tpu.memory_space<smem>>
    %get3A_3906 = arith.constant 4 : i32
    %get3A_3907 = arith.constant 118 : i32
    %get3A_3908 = arith.index_cast %get3A_3906 : i32 to index
    %get3A_3909 = arith.index_cast %get3A_3907 : i32 to index
    %get3A_3910 = memref.load %arg3[%get3A_3908, %get3A_3909] : memref<8x128xf32, #tpu.memory_space<smem>>
    %add3A_3911 = arith.addf %get3A_3895, %get3A_3905 : f32
    %add3A_3912 = arith.addf %add3A_3911, %get3A_3900 : f32
    %swap3A_3913 = arith.constant 0 : i32
    %swap3A_3914 = arith.constant 118 : i32
    %swap3A_3915 = arith.index_cast %swap3A_3913 : i32 to index
    %swap3A_3916 = arith.index_cast %swap3A_3914 : i32 to index
    %swap3A_3917 = memref.load %arg4[%swap3A_3915, %swap3A_3916] : memref<2x128xf32, #tpu.memory_space<smem>>
    memref.store %add3A_3912, %arg4[%swap3A_3915, %swap3A_3916] : memref<2x128xf32, #tpu.memory_space<smem>>
    %add3A_3918 = arith.addf %add3A_3911, %get3A_3910 : f32
    %swap3A_3919 = arith.constant 1 : i32
    %swap3A_3920 = arith.constant 118 : i32
    %swap3A_3921 = arith.index_cast %swap3A_3919 : i32 to index
    %swap3A_3922 = arith.index_cast %swap3A_3920 : i32 to index
    %swap3A_3923 = memref.load %arg4[%swap3A_3921, %swap3A_3922] : memref<2x128xf32, #tpu.memory_space<smem>>
    memref.store %add3A_3918, %arg4[%swap3A_3921, %swap3A_3922] : memref<2x128xf32, #tpu.memory_space<smem>>
    %get3A_3924 = arith.constant 1 : i32
    %get3A_3925 = arith.constant 119 : i32
    %get3A_3926 = arith.index_cast %get3A_3924 : i32 to index
    %get3A_3927 = arith.index_cast %get3A_3925 : i32 to index
    %get3A_3928 = memref.load %arg3[%get3A_3926, %get3A_3927] : memref<8x128xf32, #tpu.memory_space<smem>>
    %get3A_3929 = arith.constant 2 : i32
    %get3A_3930 = arith.constant 119 : i32
    %get3A_3931 = arith.index_cast %get3A_3929 : i32 to index
    %get3A_3932 = arith.index_cast %get3A_3930 : i32 to index
    %get3A_3933 = memref.load %arg3[%get3A_3931, %get3A_3932] : memref<8x128xf32, #tpu.memory_space<smem>>
    %get3A_3934 = arith.constant 3 : i32
    %get3A_3935 = arith.constant 119 : i32
    %get3A_3936 = arith.index_cast %get3A_3934 : i32 to index
    %get3A_3937 = arith.index_cast %get3A_3935 : i32 to index
    %get3A_3938 = memref.load %arg3[%get3A_3936, %get3A_3937] : memref<8x128xf32, #tpu.memory_space<smem>>
    %get3A_3939 = arith.constant 4 : i32
    %get3A_3940 = arith.constant 119 : i32
    %get3A_3941 = arith.index_cast %get3A_3939 : i32 to index
    %get3A_3942 = arith.index_cast %get3A_3940 : i32 to index
    %get3A_3943 = memref.load %arg3[%get3A_3941, %get3A_3942] : memref<8x128xf32, #tpu.memory_space<smem>>
    %add3A_3944 = arith.addf %get3A_3928, %get3A_3938 : f32
    %add3A_3945 = arith.addf %add3A_3944, %get3A_3933 : f32
    %swap3A_3946 = arith.constant 0 : i32
    %swap3A_3947 = arith.constant 119 : i32
    %swap3A_3948 = arith.index_cast %swap3A_3946 : i32 to index
    %swap3A_3949 = arith.index_cast %swap3A_3947 : i32 to index
    %swap3A_3950 = memref.load %arg4[%swap3A_3948, %swap3A_3949] : memref<2x128xf32, #tpu.memory_space<smem>>
    memref.store %add3A_3945, %arg4[%swap3A_3948, %swap3A_3949] : memref<2x128xf32, #tpu.memory_space<smem>>
    %add3A_3951 = arith.addf %add3A_3944, %get3A_3943 : f32
    %swap3A_3952 = arith.constant 1 : i32
    %swap3A_3953 = arith.constant 119 : i32
    %swap3A_3954 = arith.index_cast %swap3A_3952 : i32 to index
    %swap3A_3955 = arith.index_cast %swap3A_3953 : i32 to index
    %swap3A_3956 = memref.load %arg4[%swap3A_3954, %swap3A_3955] : memref<2x128xf32, #tpu.memory_space<smem>>
    memref.store %add3A_3951, %arg4[%swap3A_3954, %swap3A_3955] : memref<2x128xf32, #tpu.memory_space<smem>>
    %get3A_3957 = arith.constant 1 : i32
    %get3A_3958 = arith.constant 120 : i32
    %get3A_3959 = arith.index_cast %get3A_3957 : i32 to index
    %get3A_3960 = arith.index_cast %get3A_3958 : i32 to index
    %get3A_3961 = memref.load %arg3[%get3A_3959, %get3A_3960] : memref<8x128xf32, #tpu.memory_space<smem>>
    %get3A_3962 = arith.constant 2 : i32
    %get3A_3963 = arith.constant 120 : i32
    %get3A_3964 = arith.index_cast %get3A_3962 : i32 to index
    %get3A_3965 = arith.index_cast %get3A_3963 : i32 to index
    %get3A_3966 = memref.load %arg3[%get3A_3964, %get3A_3965] : memref<8x128xf32, #tpu.memory_space<smem>>
    %get3A_3967 = arith.constant 3 : i32
    %get3A_3968 = arith.constant 120 : i32
    %get3A_3969 = arith.index_cast %get3A_3967 : i32 to index
    %get3A_3970 = arith.index_cast %get3A_3968 : i32 to index
    %get3A_3971 = memref.load %arg3[%get3A_3969, %get3A_3970] : memref<8x128xf32, #tpu.memory_space<smem>>
    %get3A_3972 = arith.constant 4 : i32
    %get3A_3973 = arith.constant 120 : i32
    %get3A_3974 = arith.index_cast %get3A_3972 : i32 to index
    %get3A_3975 = arith.index_cast %get3A_3973 : i32 to index
    %get3A_3976 = memref.load %arg3[%get3A_3974, %get3A_3975] : memref<8x128xf32, #tpu.memory_space<smem>>
    %add3A_3977 = arith.addf %get3A_3961, %get3A_3971 : f32
    %add3A_3978 = arith.addf %add3A_3977, %get3A_3966 : f32
    %swap3A_3979 = arith.constant 0 : i32
    %swap3A_3980 = arith.constant 120 : i32
    %swap3A_3981 = arith.index_cast %swap3A_3979 : i32 to index
    %swap3A_3982 = arith.index_cast %swap3A_3980 : i32 to index
    %swap3A_3983 = memref.load %arg4[%swap3A_3981, %swap3A_3982] : memref<2x128xf32, #tpu.memory_space<smem>>
    memref.store %add3A_3978, %arg4[%swap3A_3981, %swap3A_3982] : memref<2x128xf32, #tpu.memory_space<smem>>
    %add3A_3984 = arith.addf %add3A_3977, %get3A_3976 : f32
    %swap3A_3985 = arith.constant 1 : i32
    %swap3A_3986 = arith.constant 120 : i32
    %swap3A_3987 = arith.index_cast %swap3A_3985 : i32 to index
    %swap3A_3988 = arith.index_cast %swap3A_3986 : i32 to index
    %swap3A_3989 = memref.load %arg4[%swap3A_3987, %swap3A_3988] : memref<2x128xf32, #tpu.memory_space<smem>>
    memref.store %add3A_3984, %arg4[%swap3A_3987, %swap3A_3988] : memref<2x128xf32, #tpu.memory_space<smem>>
    %get3A_3990 = arith.constant 1 : i32
    %get3A_3991 = arith.constant 121 : i32
    %get3A_3992 = arith.index_cast %get3A_3990 : i32 to index
    %get3A_3993 = arith.index_cast %get3A_3991 : i32 to index
    %get3A_3994 = memref.load %arg3[%get3A_3992, %get3A_3993] : memref<8x128xf32, #tpu.memory_space<smem>>
    %get3A_3995 = arith.constant 2 : i32
    %get3A_3996 = arith.constant 121 : i32
    %get3A_3997 = arith.index_cast %get3A_3995 : i32 to index
    %get3A_3998 = arith.index_cast %get3A_3996 : i32 to index
    %get3A_3999 = memref.load %arg3[%get3A_3997, %get3A_3998] : memref<8x128xf32, #tpu.memory_space<smem>>
    %get3A_4000 = arith.constant 3 : i32
    %get3A_4001 = arith.constant 121 : i32
    %get3A_4002 = arith.index_cast %get3A_4000 : i32 to index
    %get3A_4003 = arith.index_cast %get3A_4001 : i32 to index
    %get3A_4004 = memref.load %arg3[%get3A_4002, %get3A_4003] : memref<8x128xf32, #tpu.memory_space<smem>>
    %get3A_4005 = arith.constant 4 : i32
    %get3A_4006 = arith.constant 121 : i32
    %get3A_4007 = arith.index_cast %get3A_4005 : i32 to index
    %get3A_4008 = arith.index_cast %get3A_4006 : i32 to index
    %get3A_4009 = memref.load %arg3[%get3A_4007, %get3A_4008] : memref<8x128xf32, #tpu.memory_space<smem>>
    %add3A_4010 = arith.addf %get3A_3994, %get3A_4004 : f32
    %add3A_4011 = arith.addf %add3A_4010, %get3A_3999 : f32
    %swap3A_4012 = arith.constant 0 : i32
    %swap3A_4013 = arith.constant 121 : i32
    %swap3A_4014 = arith.index_cast %swap3A_4012 : i32 to index
    %swap3A_4015 = arith.index_cast %swap3A_4013 : i32 to index
    %swap3A_4016 = memref.load %arg4[%swap3A_4014, %swap3A_4015] : memref<2x128xf32, #tpu.memory_space<smem>>
    memref.store %add3A_4011, %arg4[%swap3A_4014, %swap3A_4015] : memref<2x128xf32, #tpu.memory_space<smem>>
    %add3A_4017 = arith.addf %add3A_4010, %get3A_4009 : f32
    %swap3A_4018 = arith.constant 1 : i32
    %swap3A_4019 = arith.constant 121 : i32
    %swap3A_4020 = arith.index_cast %swap3A_4018 : i32 to index
    %swap3A_4021 = arith.index_cast %swap3A_4019 : i32 to index
    %swap3A_4022 = memref.load %arg4[%swap3A_4020, %swap3A_4021] : memref<2x128xf32, #tpu.memory_space<smem>>
    memref.store %add3A_4017, %arg4[%swap3A_4020, %swap3A_4021] : memref<2x128xf32, #tpu.memory_space<smem>>
    %get3A_4023 = arith.constant 1 : i32
    %get3A_4024 = arith.constant 122 : i32
    %get3A_4025 = arith.index_cast %get3A_4023 : i32 to index
    %get3A_4026 = arith.index_cast %get3A_4024 : i32 to index
    %get3A_4027 = memref.load %arg3[%get3A_4025, %get3A_4026] : memref<8x128xf32, #tpu.memory_space<smem>>
    %get3A_4028 = arith.constant 2 : i32
    %get3A_4029 = arith.constant 122 : i32
    %get3A_4030 = arith.index_cast %get3A_4028 : i32 to index
    %get3A_4031 = arith.index_cast %get3A_4029 : i32 to index
    %get3A_4032 = memref.load %arg3[%get3A_4030, %get3A_4031] : memref<8x128xf32, #tpu.memory_space<smem>>
    %get3A_4033 = arith.constant 3 : i32
    %get3A_4034 = arith.constant 122 : i32
    %get3A_4035 = arith.index_cast %get3A_4033 : i32 to index
    %get3A_4036 = arith.index_cast %get3A_4034 : i32 to index
    %get3A_4037 = memref.load %arg3[%get3A_4035, %get3A_4036] : memref<8x128xf32, #tpu.memory_space<smem>>
    %get3A_4038 = arith.constant 4 : i32
    %get3A_4039 = arith.constant 122 : i32
    %get3A_4040 = arith.index_cast %get3A_4038 : i32 to index
    %get3A_4041 = arith.index_cast %get3A_4039 : i32 to index
    %get3A_4042 = memref.load %arg3[%get3A_4040, %get3A_4041] : memref<8x128xf32, #tpu.memory_space<smem>>
    %add3A_4043 = arith.addf %get3A_4027, %get3A_4037 : f32
    %add3A_4044 = arith.addf %add3A_4043, %get3A_4032 : f32
    %swap3A_4045 = arith.constant 0 : i32
    %swap3A_4046 = arith.constant 122 : i32
    %swap3A_4047 = arith.index_cast %swap3A_4045 : i32 to index
    %swap3A_4048 = arith.index_cast %swap3A_4046 : i32 to index
    %swap3A_4049 = memref.load %arg4[%swap3A_4047, %swap3A_4048] : memref<2x128xf32, #tpu.memory_space<smem>>
    memref.store %add3A_4044, %arg4[%swap3A_4047, %swap3A_4048] : memref<2x128xf32, #tpu.memory_space<smem>>
    %add3A_4050 = arith.addf %add3A_4043, %get3A_4042 : f32
    %swap3A_4051 = arith.constant 1 : i32
    %swap3A_4052 = arith.constant 122 : i32
    %swap3A_4053 = arith.index_cast %swap3A_4051 : i32 to index
    %swap3A_4054 = arith.index_cast %swap3A_4052 : i32 to index
    %swap3A_4055 = memref.load %arg4[%swap3A_4053, %swap3A_4054] : memref<2x128xf32, #tpu.memory_space<smem>>
    memref.store %add3A_4050, %arg4[%swap3A_4053, %swap3A_4054] : memref<2x128xf32, #tpu.memory_space<smem>>
    %get3A_4056 = arith.constant 1 : i32
    %get3A_4057 = arith.constant 123 : i32
    %get3A_4058 = arith.index_cast %get3A_4056 : i32 to index
    %get3A_4059 = arith.index_cast %get3A_4057 : i32 to index
    %get3A_4060 = memref.load %arg3[%get3A_4058, %get3A_4059] : memref<8x128xf32, #tpu.memory_space<smem>>
    %get3A_4061 = arith.constant 2 : i32
    %get3A_4062 = arith.constant 123 : i32
    %get3A_4063 = arith.index_cast %get3A_4061 : i32 to index
    %get3A_4064 = arith.index_cast %get3A_4062 : i32 to index
    %get3A_4065 = memref.load %arg3[%get3A_4063, %get3A_4064] : memref<8x128xf32, #tpu.memory_space<smem>>
    %get3A_4066 = arith.constant 3 : i32
    %get3A_4067 = arith.constant 123 : i32
    %get3A_4068 = arith.index_cast %get3A_4066 : i32 to index
    %get3A_4069 = arith.index_cast %get3A_4067 : i32 to index
    %get3A_4070 = memref.load %arg3[%get3A_4068, %get3A_4069] : memref<8x128xf32, #tpu.memory_space<smem>>
    %get3A_4071 = arith.constant 4 : i32
    %get3A_4072 = arith.constant 123 : i32
    %get3A_4073 = arith.index_cast %get3A_4071 : i32 to index
    %get3A_4074 = arith.index_cast %get3A_4072 : i32 to index
    %get3A_4075 = memref.load %arg3[%get3A_4073, %get3A_4074] : memref<8x128xf32, #tpu.memory_space<smem>>
    %add3A_4076 = arith.addf %get3A_4060, %get3A_4070 : f32
    %add3A_4077 = arith.addf %add3A_4076, %get3A_4065 : f32
    %swap3A_4078 = arith.constant 0 : i32
    %swap3A_4079 = arith.constant 123 : i32
    %swap3A_4080 = arith.index_cast %swap3A_4078 : i32 to index
    %swap3A_4081 = arith.index_cast %swap3A_4079 : i32 to index
    %swap3A_4082 = memref.load %arg4[%swap3A_4080, %swap3A_4081] : memref<2x128xf32, #tpu.memory_space<smem>>
    memref.store %add3A_4077, %arg4[%swap3A_4080, %swap3A_4081] : memref<2x128xf32, #tpu.memory_space<smem>>
    %add3A_4083 = arith.addf %add3A_4076, %get3A_4075 : f32
    %swap3A_4084 = arith.constant 1 : i32
    %swap3A_4085 = arith.constant 123 : i32
    %swap3A_4086 = arith.index_cast %swap3A_4084 : i32 to index
    %swap3A_4087 = arith.index_cast %swap3A_4085 : i32 to index
    %swap3A_4088 = memref.load %arg4[%swap3A_4086, %swap3A_4087] : memref<2x128xf32, #tpu.memory_space<smem>>
    memref.store %add3A_4083, %arg4[%swap3A_4086, %swap3A_4087] : memref<2x128xf32, #tpu.memory_space<smem>>
    %get3A_4089 = arith.constant 1 : i32
    %get3A_4090 = arith.constant 124 : i32
    %get3A_4091 = arith.index_cast %get3A_4089 : i32 to index
    %get3A_4092 = arith.index_cast %get3A_4090 : i32 to index
    %get3A_4093 = memref.load %arg3[%get3A_4091, %get3A_4092] : memref<8x128xf32, #tpu.memory_space<smem>>
    %get3A_4094 = arith.constant 2 : i32
    %get3A_4095 = arith.constant 124 : i32
    %get3A_4096 = arith.index_cast %get3A_4094 : i32 to index
    %get3A_4097 = arith.index_cast %get3A_4095 : i32 to index
    %get3A_4098 = memref.load %arg3[%get3A_4096, %get3A_4097] : memref<8x128xf32, #tpu.memory_space<smem>>
    %get3A_4099 = arith.constant 3 : i32
    %get3A_4100 = arith.constant 124 : i32
    %get3A_4101 = arith.index_cast %get3A_4099 : i32 to index
    %get3A_4102 = arith.index_cast %get3A_4100 : i32 to index
    %get3A_4103 = memref.load %arg3[%get3A_4101, %get3A_4102] : memref<8x128xf32, #tpu.memory_space<smem>>
    %get3A_4104 = arith.constant 4 : i32
    %get3A_4105 = arith.constant 124 : i32
    %get3A_4106 = arith.index_cast %get3A_4104 : i32 to index
    %get3A_4107 = arith.index_cast %get3A_4105 : i32 to index
    %get3A_4108 = memref.load %arg3[%get3A_4106, %get3A_4107] : memref<8x128xf32, #tpu.memory_space<smem>>
    %add3A_4109 = arith.addf %get3A_4093, %get3A_4103 : f32
    %add3A_4110 = arith.addf %add3A_4109, %get3A_4098 : f32
    %swap3A_4111 = arith.constant 0 : i32
    %swap3A_4112 = arith.constant 124 : i32
    %swap3A_4113 = arith.index_cast %swap3A_4111 : i32 to index
    %swap3A_4114 = arith.index_cast %swap3A_4112 : i32 to index
    %swap3A_4115 = memref.load %arg4[%swap3A_4113, %swap3A_4114] : memref<2x128xf32, #tpu.memory_space<smem>>
    memref.store %add3A_4110, %arg4[%swap3A_4113, %swap3A_4114] : memref<2x128xf32, #tpu.memory_space<smem>>
    %add3A_4116 = arith.addf %add3A_4109, %get3A_4108 : f32
    %swap3A_4117 = arith.constant 1 : i32
    %swap3A_4118 = arith.constant 124 : i32
    %swap3A_4119 = arith.index_cast %swap3A_4117 : i32 to index
    %swap3A_4120 = arith.index_cast %swap3A_4118 : i32 to index
    %swap3A_4121 = memref.load %arg4[%swap3A_4119, %swap3A_4120] : memref<2x128xf32, #tpu.memory_space<smem>>
    memref.store %add3A_4116, %arg4[%swap3A_4119, %swap3A_4120] : memref<2x128xf32, #tpu.memory_space<smem>>
    %get3A_4122 = arith.constant 1 : i32
    %get3A_4123 = arith.constant 125 : i32
    %get3A_4124 = arith.index_cast %get3A_4122 : i32 to index
    %get3A_4125 = arith.index_cast %get3A_4123 : i32 to index
    %get3A_4126 = memref.load %arg3[%get3A_4124, %get3A_4125] : memref<8x128xf32, #tpu.memory_space<smem>>
    %get3A_4127 = arith.constant 2 : i32
    %get3A_4128 = arith.constant 125 : i32
    %get3A_4129 = arith.index_cast %get3A_4127 : i32 to index
    %get3A_4130 = arith.index_cast %get3A_4128 : i32 to index
    %get3A_4131 = memref.load %arg3[%get3A_4129, %get3A_4130] : memref<8x128xf32, #tpu.memory_space<smem>>
    %get3A_4132 = arith.constant 3 : i32
    %get3A_4133 = arith.constant 125 : i32
    %get3A_4134 = arith.index_cast %get3A_4132 : i32 to index
    %get3A_4135 = arith.index_cast %get3A_4133 : i32 to index
    %get3A_4136 = memref.load %arg3[%get3A_4134, %get3A_4135] : memref<8x128xf32, #tpu.memory_space<smem>>
    %get3A_4137 = arith.constant 4 : i32
    %get3A_4138 = arith.constant 125 : i32
    %get3A_4139 = arith.index_cast %get3A_4137 : i32 to index
    %get3A_4140 = arith.index_cast %get3A_4138 : i32 to index
    %get3A_4141 = memref.load %arg3[%get3A_4139, %get3A_4140] : memref<8x128xf32, #tpu.memory_space<smem>>
    %add3A_4142 = arith.addf %get3A_4126, %get3A_4136 : f32
    %add3A_4143 = arith.addf %add3A_4142, %get3A_4131 : f32
    %swap3A_4144 = arith.constant 0 : i32
    %swap3A_4145 = arith.constant 125 : i32
    %swap3A_4146 = arith.index_cast %swap3A_4144 : i32 to index
    %swap3A_4147 = arith.index_cast %swap3A_4145 : i32 to index
    %swap3A_4148 = memref.load %arg4[%swap3A_4146, %swap3A_4147] : memref<2x128xf32, #tpu.memory_space<smem>>
    memref.store %add3A_4143, %arg4[%swap3A_4146, %swap3A_4147] : memref<2x128xf32, #tpu.memory_space<smem>>
    %add3A_4149 = arith.addf %add3A_4142, %get3A_4141 : f32
    %swap3A_4150 = arith.constant 1 : i32
    %swap3A_4151 = arith.constant 125 : i32
    %swap3A_4152 = arith.index_cast %swap3A_4150 : i32 to index
    %swap3A_4153 = arith.index_cast %swap3A_4151 : i32 to index
    %swap3A_4154 = memref.load %arg4[%swap3A_4152, %swap3A_4153] : memref<2x128xf32, #tpu.memory_space<smem>>
    memref.store %add3A_4149, %arg4[%swap3A_4152, %swap3A_4153] : memref<2x128xf32, #tpu.memory_space<smem>>
    %get3A_4155 = arith.constant 1 : i32
    %get3A_4156 = arith.constant 126 : i32
    %get3A_4157 = arith.index_cast %get3A_4155 : i32 to index
    %get3A_4158 = arith.index_cast %get3A_4156 : i32 to index
    %get3A_4159 = memref.load %arg3[%get3A_4157, %get3A_4158] : memref<8x128xf32, #tpu.memory_space<smem>>
    %get3A_4160 = arith.constant 2 : i32
    %get3A_4161 = arith.constant 126 : i32
    %get3A_4162 = arith.index_cast %get3A_4160 : i32 to index
    %get3A_4163 = arith.index_cast %get3A_4161 : i32 to index
    %get3A_4164 = memref.load %arg3[%get3A_4162, %get3A_4163] : memref<8x128xf32, #tpu.memory_space<smem>>
    %get3A_4165 = arith.constant 3 : i32
    %get3A_4166 = arith.constant 126 : i32
    %get3A_4167 = arith.index_cast %get3A_4165 : i32 to index
    %get3A_4168 = arith.index_cast %get3A_4166 : i32 to index
    %get3A_4169 = memref.load %arg3[%get3A_4167, %get3A_4168] : memref<8x128xf32, #tpu.memory_space<smem>>
    %get3A_4170 = arith.constant 4 : i32
    %get3A_4171 = arith.constant 126 : i32
    %get3A_4172 = arith.index_cast %get3A_4170 : i32 to index
    %get3A_4173 = arith.index_cast %get3A_4171 : i32 to index
    %get3A_4174 = memref.load %arg3[%get3A_4172, %get3A_4173] : memref<8x128xf32, #tpu.memory_space<smem>>
    %add3A_4175 = arith.addf %get3A_4159, %get3A_4169 : f32
    %add3A_4176 = arith.addf %add3A_4175, %get3A_4164 : f32
    %swap3A_4177 = arith.constant 0 : i32
    %swap3A_4178 = arith.constant 126 : i32
    %swap3A_4179 = arith.index_cast %swap3A_4177 : i32 to index
    %swap3A_4180 = arith.index_cast %swap3A_4178 : i32 to index
    %swap3A_4181 = memref.load %arg4[%swap3A_4179, %swap3A_4180] : memref<2x128xf32, #tpu.memory_space<smem>>
    memref.store %add3A_4176, %arg4[%swap3A_4179, %swap3A_4180] : memref<2x128xf32, #tpu.memory_space<smem>>
    %add3A_4182 = arith.addf %add3A_4175, %get3A_4174 : f32
    %swap3A_4183 = arith.constant 1 : i32
    %swap3A_4184 = arith.constant 126 : i32
    %swap3A_4185 = arith.index_cast %swap3A_4183 : i32 to index
    %swap3A_4186 = arith.index_cast %swap3A_4184 : i32 to index
    %swap3A_4187 = memref.load %arg4[%swap3A_4185, %swap3A_4186] : memref<2x128xf32, #tpu.memory_space<smem>>
    memref.store %add3A_4182, %arg4[%swap3A_4185, %swap3A_4186] : memref<2x128xf32, #tpu.memory_space<smem>>
    %get3A_4188 = arith.constant 1 : i32
    %get3A_4189 = arith.constant 127 : i32
    %get3A_4190 = arith.index_cast %get3A_4188 : i32 to index
    %get3A_4191 = arith.index_cast %get3A_4189 : i32 to index
    %get3A_4192 = memref.load %arg3[%get3A_4190, %get3A_4191] : memref<8x128xf32, #tpu.memory_space<smem>>
    %get3A_4193 = arith.constant 2 : i32
    %get3A_4194 = arith.constant 127 : i32
    %get3A_4195 = arith.index_cast %get3A_4193 : i32 to index
    %get3A_4196 = arith.index_cast %get3A_4194 : i32 to index
    %get3A_4197 = memref.load %arg3[%get3A_4195, %get3A_4196] : memref<8x128xf32, #tpu.memory_space<smem>>
    %get3A_4198 = arith.constant 3 : i32
    %get3A_4199 = arith.constant 127 : i32
    %get3A_4200 = arith.index_cast %get3A_4198 : i32 to index
    %get3A_4201 = arith.index_cast %get3A_4199 : i32 to index
    %get3A_4202 = memref.load %arg3[%get3A_4200, %get3A_4201] : memref<8x128xf32, #tpu.memory_space<smem>>
    %get3A_4203 = arith.constant 4 : i32
    %get3A_4204 = arith.constant 127 : i32
    %get3A_4205 = arith.index_cast %get3A_4203 : i32 to index
    %get3A_4206 = arith.index_cast %get3A_4204 : i32 to index
    %get3A_4207 = memref.load %arg3[%get3A_4205, %get3A_4206] : memref<8x128xf32, #tpu.memory_space<smem>>
    %add3A_4208 = arith.addf %get3A_4192, %get3A_4202 : f32
    %add3A_4209 = arith.addf %add3A_4208, %get3A_4197 : f32
    %swap3A_4210 = arith.constant 0 : i32
    %swap3A_4211 = arith.constant 127 : i32
    %swap3A_4212 = arith.index_cast %swap3A_4210 : i32 to index
    %swap3A_4213 = arith.index_cast %swap3A_4211 : i32 to index
    %swap3A_4214 = memref.load %arg4[%swap3A_4212, %swap3A_4213] : memref<2x128xf32, #tpu.memory_space<smem>>
    memref.store %add3A_4209, %arg4[%swap3A_4212, %swap3A_4213] : memref<2x128xf32, #tpu.memory_space<smem>>
    %add3A_4215 = arith.addf %add3A_4208, %get3A_4207 : f32
    %swap3A_4216 = arith.constant 1 : i32
    %swap3A_4217 = arith.constant 127 : i32
    %swap3A_4218 = arith.index_cast %swap3A_4216 : i32 to index
    %swap3A_4219 = arith.index_cast %swap3A_4217 : i32 to index
    %swap3A_4220 = memref.load %arg4[%swap3A_4218, %swap3A_4219] : memref<2x128xf32, #tpu.memory_space<smem>>
    memref.store %add3A_4215, %arg4[%swap3A_4218, %swap3A_4219] : memref<2x128xf32, #tpu.memory_space<smem>>
    "tpu.region"() ({
      %run_scoped3A = tpu.sem_alloc : memref<!tpu.dma_semaphore, #tpu.memory_space<semaphore_mem>>
      tpu.enqueue_dma source(%arg4 : memref<2x128xf32, #tpu.memory_space<smem>>) target(%arg2 : memref<2x128xf32, #tpu.memory_space<hbm>>) target_semaphore(%run_scoped3A : memref<!tpu.dma_semaphore, #tpu.memory_space<semaphore_mem>>)
      tpu.wait_dma2 semaphore(%run_scoped3A : memref<!tpu.dma_semaphore, #tpu.memory_space<semaphore_mem>>) src(%arg4 : memref<2x128xf32, #tpu.memory_space<smem>>) dst(%arg2 : memref<2x128xf32, #tpu.memory_space<hbm>>)
      tpu.yield
    }) : () -> ()
    return
  }
}

</mosaic_0001>

<sc_bundles>
// kernel: kernel.3.cloned.1.call-start
scs
__scs_entry_jumppad:
0x0: {  	(pc) =	sbr.rel $0x88, $3  }
0x1: {  	(tag) =	ssettag $0x0;
	lr =	simm.s32 $0x1  }
0x2: {  	[smem:$0x3FA0] =	sst lr;
	_ =	strace $0xD0000000  }
0x3: {  	_ = 	snop  }
0x4: {  	_ = 	snop  }
0x5: {  	_ = 	snop  }
0x6: {  	_ = 	snop  }
0x7: {  	_ = 	snop  }
__scs_overlays_trampoline_lowered:
0x8: {  	[smem:$0x3FAF] =	sst s0  }
0x9: {  	[smem:$0x3FB0] =	sst s1  }
0xa: {  	[smem:$0x3FB1] =	sst s2  }
0xb: {  	[smem:$0x3FB2] =	sst s3  }
0xc: {  	[smem:$0x3FB3] =	sst s4  }
0xd: {  	[smem:$0x3FB4] =	sst s5  }
0xe: {  	[smem:$0x3FB5] =	sst s6  }
0xf: {  	[smem:$0x3FB6] =	sst s7  }
0x10: {  	[smem:$0x3FB7] =	sst s8  }
0x11: {  	[smem:$0x3FB8] =	sst s9;
	s0 =	simm.s32 @!p0 $0x0  }
0x12: {  	s1 =	sld [smem:$0x3F9E];
	s0 =	simm.s32 @p0 $0x1  }
0x13: {  	[smem:$0x3FB9] =	sst s0;
	s0 =	simm.s32 @!p1 $0x0  }
0x14: {  	s2 =	sld [smem:$0x3F9D];
	s0 =	simm.s32 @p1 $0x1  }
0x15: {  	[smem:$0x3FBA] =	sst s0;
	s0 =	simm.s32 @!p2 $0x0  }
0x16: {  	s3 =	sld [smem:$0x3FDB];
	s0 =	simm.s32 @p2 $0x1  }
0x17: {  	s4 =	simm.s32 $0x1BF5;
	[smem:$0x3FBC] =	sst s0  }
0x18: {  	s0 =	sld [smem:$0x3F9F];
	_ =	swait.ge [sflag:s4], $0x0  }
0x19: {  	s7 =	sld [smem:$0x3FA0]  }
0x1a: {  	s8 =	sadd.s32 $0xFFFFE003, lr  }
0x1b: {  	s9 =	sadd.s32 $0xFFFFFEF7, lr;
	s5 =	simm.s32 $0xFFFFFFFF;
	p2 =	slt.u32 s8, $0xFFFFF086  }
0x1c: {  	p1 =	slt.u32 s9, $0xF7A;
	s5 =	simm.s32 @!p2 $0x0  }
0x1d: {  	s5 =	simm.s32 @p1 $0x1;
	p0 =	seq.s32 s7, s2  }
0x1e: {  	s7 =	smul.u32 @!p0 $0xF7A, s2;
	p2 =	seq.s32 @!p0 s5, $0x0  }
0x1f: {  	s9 =	smul.u32 $0xF7A, s1;
	s8 =	simm.s32 @!p0 $0x1BF5;
	p2 =	por !p2, p0  }
0x20: {  	[sflag:s8] =	ssyncset.s32 @!p0 $0xFFFFF086;
	s6 =	sadd.s32 @!p0 s3, s7;
	s7 =	simm.s32 @!p0 $0x108  }
0x21: {  	s3 =	sadd.s32 s3, s9;
	s6 =	sadd.s32 @!p0 $0x88, s6;
	s7 =	simm.s32 @p2 $0x1082  }
0x22: {  	[simem:s7], [sflag:s8] =	dma.local @!p0 [hbm:s6], $0xF7A  }
0x23: {  	s9 =	sor.u32 $0xD0000000, s2;
	s6 =	simm.s32 $0x108;
	_ =	swait.ge @!p0 [sflag:s8], $0x0  }
0x24: {  	s3 =	sadd.s32 $0x88, s3;
	s6 =	simm.s32 @!p1 $0x1082;
	[sflag:s4] =	ssyncset.s32 $0xFFFFF086  }
0x25: {  	[simem:s6], [sflag:s4] =	dma.local [hbm:s3], $0xF7A  }
0x26: {  	[smem:$0x3FA0] =	sst s1;
	(tag) =	ssettag s2;
	_ =	strace s9  }
0x27: {  	s1 =	sld [smem:$0x3FB0]  }
0x28: {  	s2 =	sld [smem:$0x3FB1]  }
0x29: {  	s4 =	sld [smem:$0x3FB3]  }
0x2a: {  	p0 =	seq.s32 s5, $0x0;
	s5 =	sld [smem:$0x3FB4]  }
0x2b: {  	s6 =	sld [smem:$0x3FB5]  }
0x2c: {  	s7 =	sld [smem:$0x3FB6]  }
0x2d: {  	s3 =	simm.s32 $0x108;
	s8 =	sld [smem:$0x3FB7]  }
0x2e: {  	s3 =	simm.s32 @!p0 $0x1082;
	s9 =	sld [smem:$0x3FB8]  }
0x2f: {  	lr =	sadd.s32 s0, s3;
	s0 =	sld [smem:$0x3FAF]  }
0x30: {  	s3 =	sld [smem:$0x3FB2]  }
0x31: {  	[smem:$0x3FBB] =	sst s10  }
0x32: {  	s10 =	sld [smem:$0x3FB9];
	_ =	sdelay $0x3  }
0x33: {  	p0 =	seq.s32 s10, $0x1;
	s10 =	sld [smem:$0x3FBB];
	_ =	sdelay $0x3  }
0x34: {  	[smem:$0x3FBB] =	sst s10  }
0x35: {  	s10 =	sld [smem:$0x3FBA];
	_ =	sdelay $0x3  }
0x36: {  	p1 =	seq.s32 s10, $0x1;
	s10 =	sld [smem:$0x3FBB];
	_ =	sdelay $0x3  }
0x37: {  	[smem:$0x3FBB] =	sst s10  }
0x38: {  	s10 =	sld [smem:$0x3FBC]  }
0x39: {  	_ = 	snop;
	(pc) =	sbr.ind lr, $3  }
0x3a: {  	_ = 	snop  }
0x3b: {  	_ = 	snop  }
0x3c: {  	p2 =	seq.s32 s10, $0x1;
	s10 =	sld [smem:$0x3FBB]  }
0x3d: {  	_ =	shalt  }
0x3e: {  	_ =	shalt  }
0x3f: {  	_ =	shalt  }
0x40: {  	_ =	shalt  }
0x41: {  	_ =	shalt  }
0x42: {  	_ =	shalt  }
0x43: {  	_ =	shalt  }
0x44: {  	_ =	shalt  }
0x45: {  	_ =	shalt  }
0x46: {  	_ =	shalt  }
0x47: {  	_ =	shalt  }
0x48: {  	_ =	shalt  }
0x49: {  	_ =	shalt  }
0x4a: {  	_ =	shalt  }
0x4b: {  	_ =	shalt  }
0x4c: {  	_ =	shalt  }
0x4d: {  	_ =	shalt  }
0x4e: {  	_ =	shalt  }
0x4f: {  	_ =	shalt  }
0x50: {  	_ =	shalt  }
0x51: {  	_ =	shalt  }
0x52: {  	_ =	shalt  }
0x53: {  	_ =	shalt  }
0x54: {  	_ =	shalt  }
0x55: {  	_ =	shalt  }
0x56: {  	_ =	shalt  }
0x57: {  	_ =	shalt  }
0x58: {  	_ =	shalt  }
0x59: {  	_ =	shalt  }
0x5a: {  	_ =	shalt  }
0x5b: {  	_ =	shalt  }
0x5c: {  	_ =	shalt  }
0x5d: {  	_ =	shalt  }
0x5e: {  	_ =	shalt  }
0x5f: {  	_ =	shalt  }
0x60: {  	_ =	shalt  }
0x61: {  	_ =	shalt  }
0x62: {  	_ =	shalt  }
0x63: {  	_ =	shalt  }
0x64: {  	_ =	shalt  }
0x65: {  	_ =	shalt  }
0x66: {  	_ =	shalt  }
0x67: {  	_ =	shalt  }
0x68: {  	_ =	shalt  }
0x69: {  	_ =	shalt  }
0x6a: {  	_ =	shalt  }
0x6b: {  	_ =	shalt  }
0x6c: {  	_ =	shalt  }
0x6d: {  	_ =	shalt  }
0x6e: {  	_ =	shalt  }
0x6f: {  	_ =	shalt  }
0x70: {  	_ =	shalt  }
0x71: {  	_ =	shalt  }
0x72: {  	_ =	shalt  }
0x73: {  	_ =	shalt  }
0x74: {  	_ =	shalt  }
0x75: {  	_ =	shalt  }
0x76: {  	_ =	shalt  }
0x77: {  	_ =	shalt  }
0x78: {  	_ =	shalt  }
0x79: {  	_ =	shalt  }
0x7a: {  	_ =	shalt  }
0x7b: {  	_ =	shalt  }
0x7c: {  	_ =	shalt  }
0x7d: {  	_ =	shalt  }
0x7e: {  	_ =	shalt  }
0x7f: {  	_ =	shalt  }
0x80: {  	_ =	shalt  }
0x81: {  	_ =	shalt  }
0x82: {  	_ =	shalt  }
0x83: {  	_ =	shalt  }
0x84: {  	_ =	shalt  }
0x85: {  	_ =	shalt  }
0x86: {  	_ =	shalt  }
0x87: {  	_ =	shalt  }
.Lfunc_end0:
.L_simem_size_0:
called_computation_lowered:
.L_overlay_start_0:
0x88: {  	s0 =	sld [smem:$0x3FD9]  }
0x89: {  	s1 =	sld [smem:$0x3FFE];
	_ =	sdelay $0x3  }
0x8a: {  	s0 =	sadd.s32 s1, s0  }
0x8b: {  	s25 =	simm.s32 $0x0;
	[smem:$0x3FC7] =	sst s0  }
0x8c: {  	[smem:$0xF] =	sst s25  }
0x8d: {  	s2 =	sld [smem:$0x3FC9]  }
0x8e: {  	s0 =	sld [smem:$0x3FD0];
	(tm) =	ssettm $0x1  }
0x8f: {  	s26 =	sld [smem:$0x3FFB];
	_ =	sdelay $0x3  }
0x90: {  	_ =	strace s26  }
0x91: {  	s1 =	sld [smem:$0x3FFC];
	_ =	sdelay $0x3  }
0x92: {  	_ =	strace s1  }
0x93: {  	s1 =	sld [smem:$0x3FFD];
	_ =	sdelay $0x3  }
0x94: {  	_ =	strace s1  }
0x95: {  	s28 =	simm.s32 $0x1B8B;
	_ =	strace $0x8FFFFFFF  }
0x96: {  	_ =	swait.ge [sflag:s28], $0x1  }
0x97: {  	[sflag:s28] =	ssyncset.done $0x0  }
0x98: {  	s29 =	simm.s32 $0x1B8E;
	[sflag:s28] =	ssyncadd.s32 $0xFFFFFFFF  }
0x99: {  	[smem:$0x3FD2] =	sst s29  }
0x9a: {  	s3 =	simm.s32 $0x10;
	s1 =	simm.s32 $0x9;
	_ =	strace $0x80000046  }
0x9b: {  	[smem:s3], [sflag:s1] =	dma.local [hbm:s2], $0x80  }
0x9c: {  	_ =	swait.ge [sflag:s1], $0x80  }
0x9d: {  	[sflag:s1] =	ssyncset.done $0x0  }
0x9e: {  	[sflag:s1] =	ssyncadd.s32 $0xFFFFFF80  }
0x9f: {  	s30 =	sld [smem:$0x90]  }
0xa0: {  	s31 =	sld [smem:$0x190];
	_ =	sdelay $0x1  }
0xa1: {  	s4 =	sld [smem:$0x110]  }
0xa2: {  	s5 =	sld [smem:$0x210]  }
0xa3: {  	s2 =	sadd.f32 s31, s30;
	_ =	sdelay $0x1  }
0xa4: {  	s3 =	sadd.f32 s2, s4  }
0xa5: {  	s2 =	sadd.f32 s5, s2  }
0xa6: {  	[smem:$0x410] =	sst s3  }
0xa7: {  	[smem:$0x490] =	sst s2  }
0xa8: {  	s2 =	sld [smem:$0x91]  }
0xa9: {  	s3 =	sld [smem:$0x191];
	_ =	sdelay $0x1  }
0xaa: {  	s5 =	sld [smem:$0x111]  }
0xab: {  	s6 =	sld [smem:$0x211]  }
0xac: {  	s2 =	sadd.f32 s3, s2;
	_ =	sdelay $0x1  }
0xad: {  	s3 =	sadd.f32 s2, s5  }
0xae: {  	s2 =	sadd.f32 s6, s2  }
0xaf: {  	[smem:$0x411] =	sst s3  }
0xb0: {  	[smem:$0x491] =	sst s2  }
0xb1: {  	s2 =	sld [smem:$0x92]  }
0xb2: {  	s3 =	sld [smem:$0x192];
	_ =	sdelay $0x1  }
0xb3: {  	s7 =	sld [smem:$0x112]  }
0xb4: {  	s8 =	sld [smem:$0x212]  }
0xb5: {  	s2 =	sadd.f32 s3, s2;
	_ =	sdelay $0x1  }
0xb6: {  	s3 =	sadd.f32 s2, s7  }
0xb7: {  	s2 =	sadd.f32 s8, s2  }
0xb8: {  	[smem:$0x412] =	sst s3  }
0xb9: {  	[smem:$0x492] =	sst s2  }
0xba: {  	s2 =	sld [smem:$0x93]  }
0xbb: {  	s3 =	sld [smem:$0x193];
	_ =	sdelay $0x1  }
0xbc: {  	s9 =	sld [smem:$0x113]  }
0xbd: {  	s10 =	sld [smem:$0x213]  }
0xbe: {  	s2 =	sadd.f32 s3, s2;
	_ =	sdelay $0x1  }
0xbf: {  	s3 =	sadd.f32 s2, s9  }
0xc0: {  	s2 =	sadd.f32 s10, s2  }
0xc1: {  	[smem:$0x413] =	sst s3  }
0xc2: {  	[smem:$0x493] =	sst s2  }
0xc3: {  	s2 =	sld [smem:$0x94]  }
0xc4: {  	s3 =	sld [smem:$0x194];
	_ =	sdelay $0x1  }
0xc5: {  	s11 =	sld [smem:$0x114]  }
0xc6: {  	s12 =	sld [smem:$0x214]  }
0xc7: {  	s2 =	sadd.f32 s3, s2;
	_ =	sdelay $0x1  }
0xc8: {  	s3 =	sadd.f32 s2, s11  }
0xc9: {  	s2 =	sadd.f32 s12, s2  }
0xca: {  	[smem:$0x414] =	sst s3  }
0xcb: {  	[smem:$0x494] =	sst s2  }
0xcc: {  	s2 =	sld [smem:$0x95]  }
0xcd: {  	s3 =	sld [smem:$0x195];
	_ =	sdelay $0x1  }
0xce: {  	s13 =	sld [smem:$0x115]  }
0xcf: {  	s14 =	sld [smem:$0x215]  }
0xd0: {  	s2 =	sadd.f32 s3, s2;
	_ =	sdelay $0x1  }
0xd1: {  	s3 =	sadd.f32 s2, s13  }
0xd2: {  	s2 =	sadd.f32 s14, s2  }
0xd3: {  	[smem:$0x415] =	sst s3  }
0xd4: {  	[smem:$0x495] =	sst s2  }
0xd5: {  	s2 =	sld [smem:$0x96]  }
0xd6: {  	s3 =	sld [smem:$0x196];
	_ =	sdelay $0x1  }
0xd7: {  	s15 =	sld [smem:$0x116]  }
0xd8: {  	s16 =	sld [smem:$0x216]  }
0xd9: {  	s2 =	sadd.f32 s3, s2;
	_ =	sdelay $0x1  }
0xda: {  	s3 =	sadd.f32 s2, s15  }
0xdb: {  	s2 =	sadd.f32 s16, s2  }
0xdc: {  	[smem:$0x416] =	sst s3  }
0xdd: {  	[smem:$0x496] =	sst s2  }
0xde: {  	s2 =	sld [smem:$0x97]  }
0xdf: {  	s3 =	sld [smem:$0x197];
	_ =	sdelay $0x1  }
0xe0: {  	s17 =	sld [smem:$0x117]  }
0xe1: {  	s18 =	sld [smem:$0x217]  }
0xe2: {  	s2 =	sadd.f32 s3, s2;
	_ =	sdelay $0x1  }
0xe3: {  	s3 =	sadd.f32 s2, s17  }
0xe4: {  	s2 =	sadd.f32 s18, s2  }
0xe5: {  	[smem:$0x417] =	sst s3  }
0xe6: {  	[smem:$0x497] =	sst s2  }
0xe7: {  	s2 =	sld [smem:$0x98]  }
0xe8: {  	s3 =	sld [smem:$0x198];
	_ =	sdelay $0x1  }
0xe9: {  	s19 =	sld [smem:$0x118]  }
0xea: {  	s20 =	sld [smem:$0x218]  }
0xeb: {  	s2 =	sadd.f32 s3, s2;
	_ =	sdelay $0x1  }
0xec: {  	s3 =	sadd.f32 s2, s19  }
0xed: {  	s2 =	sadd.f32 s20, s2  }
0xee: {  	[smem:$0x418] =	sst s3  }
0xef: {  	[smem:$0x498] =	sst s2  }
0xf0: {  	s2 =	sld [smem:$0x99]  }
0xf1: {  	s3 =	sld [smem:$0x199];
	_ =	sdelay $0x1  }
0xf2: {  	s21 =	sld [smem:$0x119]  }
0xf3: {  	s22 =	sld [smem:$0x219]  }
0xf4: {  	s2 =	sadd.f32 s3, s2;
	_ =	sdelay $0x1  }
0xf5: {  	s3 =	sadd.f32 s2, s21  }
0xf6: {  	s2 =	sadd.f32 s22, s2  }
0xf7: {  	[smem:$0x419] =	sst s3  }
0xf8: {  	[smem:$0x499] =	sst s2  }
0xf9: {  	s2 =	sld [smem:$0x9A]  }
0xfa: {  	s3 =	sld [smem:$0x19A];
	_ =	sdelay $0x1  }
0xfb: {  	s23 =	sld [smem:$0x11A]  }
0xfc: {  	s24 =	sld [smem:$0x21A]  }
0xfd: {  	s2 =	sadd.f32 s3, s2;
	_ =	sdelay $0x1  }
0xfe: {  	s3 =	sadd.f32 s2, s23  }
0xff: {  	s2 =	sadd.f32 s24, s2  }
0x100: {  	[smem:$0x41A] =	sst s3  }
0x101: {  	[smem:$0x49A] =	sst s2  }
0x102: {  	s2 =	sld [smem:$0x9B]  }
0x103: {  	s3 =	sld [smem:$0x19B];
	_ =	sdelay $0x1  }
0x104: {  	s25 =	sld [smem:$0x11B]  }
0x105: {  	s26 =	sld [smem:$0x21B]  }
0x106: {  	s2 =	sadd.f32 s3, s2;
	_ =	sdelay $0x1  }
0x107: {  	s3 =	sadd.f32 s2, s25  }
0x108: {  	s2 =	sadd.f32 s26, s2  }
0x109: {  	[smem:$0x41B] =	sst s3  }
0x10a: {  	[smem:$0x49B] =	sst s2  }
0x10b: {  	s2 =	sld [smem:$0x9C]  }
0x10c: {  	s3 =	sld [smem:$0x19C];
	_ =	sdelay $0x1  }
0x10d: {  	s28 =	sld [smem:$0x11C]  }
0x10e: {  	s29 =	sld [smem:$0x21C]  }
0x10f: {  	s2 =	sadd.f32 s3, s2;
	_ =	sdelay $0x1  }
0x110: {  	s3 =	sadd.f32 s2, s28  }
0x111: {  	s2 =	sadd.f32 s29, s2  }
0x112: {  	[smem:$0x41C] =	sst s3  }
0x113: {  	[smem:$0x49C] =	sst s2  }
0x114: {  	s2 =	sld [smem:$0x9D]  }
0x115: {  	s3 =	sld [smem:$0x19D];
	_ =	sdelay $0x1  }
0x116: {  	s30 =	sld [smem:$0x11D]  }
0x117: {  	s31 =	sld [smem:$0x21D]  }
0x118: {  	s2 =	sadd.f32 s3, s2;
	_ =	sdelay $0x1  }
0x119: {  	s3 =	sadd.f32 s2, s30  }
0x11a: {  	s2 =	sadd.f32 s31, s2  }
0x11b: {  	[smem:$0x41D] =	sst s3  }
0x11c: {  	[smem:$0x49D] =	sst s2  }
0x11d: {  	s2 =	sld [smem:$0x9E]  }
0x11e: {  	s3 =	sld [smem:$0x19E];
	_ =	sdelay $0x1  }
0x11f: {  	s5 =	sld [smem:$0x11E]  }
0x120: {  	s6 =	sld [smem:$0x21E]  }
0x121: {  	s2 =	sadd.f32 s3, s2;
	_ =	sdelay $0x1  }
0x122: {  	s3 =	sadd.f32 s2, s5  }
0x123: {  	s2 =	sadd.f32 s6, s2  }
0x124: {  	[smem:$0x41E] =	sst s3  }
0x125: {  	[smem:$0x49E] =	sst s2  }
0x126: {  	s2 =	sld [smem:$0x9F]  }
0x127: {  	s3 =	sld [smem:$0x19F];
	_ =	sdelay $0x1  }
0x128: {  	s7 =	sld [smem:$0x11F]  }
0x129: {  	s8 =	sld [smem:$0x21F]  }
0x12a: {  	s2 =	sadd.f32 s3, s2;
	_ =	sdelay $0x1  }
0x12b: {  	s3 =	sadd.f32 s2, s7  }
0x12c: {  	s2 =	sadd.f32 s8, s2  }
0x12d: {  	[smem:$0x41F] =	sst s3  }
0x12e: {  	[smem:$0x49F] =	sst s2  }
0x12f: {  	s2 =	sld [smem:$0xA0]  }
0x130: {  	s3 =	sld [smem:$0x1A0];
	_ =	sdelay $0x1  }
0x131: {  	s9 =	sld [smem:$0x120]  }
0x132: {  	s10 =	sld [smem:$0x220]  }
0x133: {  	s2 =	sadd.f32 s3, s2;
	_ =	sdelay $0x1  }
0x134: {  	s3 =	sadd.f32 s2, s9  }
0x135: {  	s2 =	sadd.f32 s10, s2  }
0x136: {  	[smem:$0x420] =	sst s3  }
0x137: {  	[smem:$0x4A0] =	sst s2  }
0x138: {  	s2 =	sld [smem:$0xA1]  }
0x139: {  	s3 =	sld [smem:$0x1A1];
	_ =	sdelay $0x1  }
0x13a: {  	s11 =	sld [smem:$0x121]  }
0x13b: {  	s12 =	sld [smem:$0x221]  }
0x13c: {  	s2 =	sadd.f32 s3, s2;
	_ =	sdelay $0x1  }
0x13d: {  	s3 =	sadd.f32 s2, s11  }
0x13e: {  	s2 =	sadd.f32 s12, s2  }
0x13f: {  	[smem:$0x421] =	sst s3  }
0x140: {  	[smem:$0x4A1] =	sst s2  }
0x141: {  	s2 =	sld [smem:$0xA2]  }
0x142: {  	s3 =	sld [smem:$0x1A2];
	_ =	sdelay $0x1  }
0x143: {  	s13 =	sld [smem:$0x122]  }
0x144: {  	s14 =	sld [smem:$0x222]  }
0x145: {  	s2 =	sadd.f32 s3, s2;
	_ =	sdelay $0x1  }
0x146: {  	s3 =	sadd.f32 s2, s13  }
0x147: {  	s2 =	sadd.f32 s14, s2  }
0x148: {  	[smem:$0x422] =	sst s3  }
0x149: {  	[smem:$0x4A2] =	sst s2  }
0x14a: {  	s2 =	sld [smem:$0xA3]  }
0x14b: {  	s3 =	sld [smem:$0x1A3];
	_ =	sdelay $0x1  }
0x14c: {  	s15 =	sld [smem:$0x123]  }
0x14d: {  	s16 =	sld [smem:$0x223]  }
0x14e: {  	s2 =	sadd.f32 s3, s2;
	_ =	sdelay $0x1  }
0x14f: {  	s3 =	sadd.f32 s2, s15  }
0x150: {  	s2 =	sadd.f32 s16, s2  }
0x151: {  	[smem:$0x423] =	sst s3  }
0x152: {  	[smem:$0x4A3] =	sst s2  }
0x153: {  	s2 =	sld [smem:$0xA4]  }
0x154: {  	s3 =	sld [smem:$0x1A4];
	_ =	sdelay $0x1  }
0x155: {  	s17 =	sld [smem:$0x124]  }
0x156: {  	s18 =	sld [smem:$0x224]  }
0x157: {  	s2 =	sadd.f32 s3, s2;
	_ =	sdelay $0x1  }
0x158: {  	s3 =	sadd.f32 s2, s17  }
0x159: {  	s2 =	sadd.f32 s18, s2  }
0x15a: {  	[smem:$0x424] =	sst s3  }
0x15b: {  	[smem:$0x4A4] =	sst s2  }
0x15c: {  	s2 =	sld [smem:$0xA5]  }
0x15d: {  	s3 =	sld [smem:$0x1A5];
	_ =	sdelay $0x1  }
0x15e: {  	s19 =	sld [smem:$0x125]  }
0x15f: {  	s20 =	sld [smem:$0x225]  }
0x160: {  	s2 =	sadd.f32 s3, s2;
	_ =	sdelay $0x1  }
0x161: {  	s3 =	sadd.f32 s2, s19  }
0x162: {  	s2 =	sadd.f32 s20, s2  }
0x163: {  	[smem:$0x425] =	sst s3  }
0x164: {  	[smem:$0x4A5] =	sst s2  }
0x165: {  	s2 =	sld [smem:$0xA6]  }
0x166: {  	s3 =	sld [smem:$0x1A6];
	_ =	sdelay $0x1  }
0x167: {  	s21 =	sld [smem:$0x126]  }
0x168: {  	s22 =	sld [smem:$0x226]  }
0x169: {  	s2 =	sadd.f32 s3, s2;
	_ =	sdelay $0x1  }
0x16a: {  	s3 =	sadd.f32 s2, s21  }
0x16b: {  	s2 =	sadd.f32 s22, s2  }
0x16c: {  	[smem:$0x426] =	sst s3  }
0x16d: {  	[smem:$0x4A6] =	sst s2  }
0x16e: {  	s2 =	sld [smem:$0xA7]  }
0x16f: {  	s3 =	sld [smem:$0x1A7];
	_ =	sdelay $0x1  }
0x170: {  	s23 =	sld [smem:$0x127]  }
0x171: {  	s24 =	sld [smem:$0x227]  }
0x172: {  	s2 =	sadd.f32 s3, s2;
	_ =	sdelay $0x1  }
0x173: {  	s3 =	sadd.f32 s2, s23  }
0x174: {  	s2 =	sadd.f32 s24, s2  }
0x175: {  	[smem:$0x427] =	sst s3  }
0x176: {  	[smem:$0x4A7] =	sst s2  }
0x177: {  	s2 =	sld [smem:$0xA8]  }
0x178: {  	s3 =	sld [smem:$0x1A8];
	_ =	sdelay $0x1  }
0x179: {  	s25 =	sld [smem:$0x128]  }
0x17a: {  	s26 =	sld [smem:$0x228]  }
0x17b: {  	s2 =	sadd.f32 s3, s2;
	_ =	sdelay $0x1  }
0x17c: {  	s3 =	sadd.f32 s2, s25  }
0x17d: {  	s2 =	sadd.f32 s26, s2  }
0x17e: {  	[smem:$0x428] =	sst s3  }
0x17f: {  	[smem:$0x4A8] =	sst s2  }
0x180: {  	s2 =	sld [smem:$0xA9]  }
0x181: {  	s3 =	sld [smem:$0x1A9];
	_ =	sdelay $0x1  }
0x182: {  	s28 =	sld [smem:$0x129]  }
0x183: {  	s29 =	sld [smem:$0x229]  }
0x184: {  	s2 =	sadd.f32 s3, s2;
	_ =	sdelay $0x1  }
0x185: {  	s3 =	sadd.f32 s2, s28  }
0x186: {  	s2 =	sadd.f32 s29, s2  }
0x187: {  	[smem:$0x429] =	sst s3  }
0x188: {  	[smem:$0x4A9] =	sst s2  }
0x189: {  	s2 =	sld [smem:$0xAA]  }
0x18a: {  	s3 =	sld [smem:$0x1AA];
	_ =	sdelay $0x1  }
0x18b: {  	s30 =	sld [smem:$0x12A]  }
0x18c: {  	s31 =	sld [smem:$0x22A]  }
0x18d: {  	s2 =	sadd.f32 s3, s2;
	_ =	sdelay $0x1  }
0x18e: {  	s3 =	sadd.f32 s2, s30  }
0x18f: {  	s2 =	sadd.f32 s31, s2  }
0x190: {  	[smem:$0x42A] =	sst s3  }
0x191: {  	[smem:$0x4AA] =	sst s2  }
0x192: {  	s2 =	sld [smem:$0xAB]  }
0x193: {  	s3 =	sld [smem:$0x1AB];
	_ =	sdelay $0x1  }
0x194: {  	s5 =	sld [smem:$0x12B]  }
0x195: {  	s6 =	sld [smem:$0x22B]  }
0x196: {  	s2 =	sadd.f32 s3, s2;
	_ =	sdelay $0x1  }
0x197: {  	s3 =	sadd.f32 s2, s5  }
0x198: {  	s2 =	sadd.f32 s6, s2  }
0x199: {  	[smem:$0x42B] =	sst s3  }
0x19a: {  	[smem:$0x4AB] =	sst s2  }
0x19b: {  	s2 =	sld [smem:$0xAC]  }
0x19c: {  	s3 =	sld [smem:$0x1AC];
	_ =	sdelay $0x1  }
0x19d: {  	s7 =	sld [smem:$0x12C]  }
0x19e: {  	s8 =	sld [smem:$0x22C]  }
0x19f: {  	s2 =	sadd.f32 s3, s2;
	_ =	sdelay $0x1  }
0x1a0: {  	s3 =	sadd.f32 s2, s7  }
0x1a1: {  	s2 =	sadd.f32 s8, s2  }
0x1a2: {  	[smem:$0x42C] =	sst s3  }
0x1a3: {  	[smem:$0x4AC] =	sst s2  }
0x1a4: {  	s2 =	sld [smem:$0xAD]  }
0x1a5: {  	s3 =	sld [smem:$0x1AD];
	_ =	sdelay $0x1  }
0x1a6: {  	s9 =	sld [smem:$0x12D]  }
0x1a7: {  	s10 =	sld [smem:$0x22D]  }
0x1a8: {  	s2 =	sadd.f32 s3, s2;
	_ =	sdelay $0x1  }
0x1a9: {  	s3 =	sadd.f32 s2, s9  }
0x1aa: {  	s2 =	sadd.f32 s10, s2  }
0x1ab: {  	[smem:$0x42D] =	sst s3  }
0x1ac: {  	[smem:$0x4AD] =	sst s2  }
0x1ad: {  	s2 =	sld [smem:$0xAE]  }
0x1ae: {  	s3 =	sld [smem:$0x1AE];
	_ =	sdelay $0x1  }
0x1af: {  	s11 =	sld [smem:$0x12E]  }
0x1b0: {  	s12 =	sld [smem:$0x22E]  }
0x1b1: {  	s2 =	sadd.f32 s3, s2;
	_ =	sdelay $0x1  }
0x1b2: {  	s3 =	sadd.f32 s2, s11  }
0x1b3: {  	s2 =	sadd.f32 s12, s2  }
0x1b4: {  	[smem:$0x42E] =	sst s3  }
0x1b5: {  	[smem:$0x4AE] =	sst s2  }
0x1b6: {  	s2 =	sld [smem:$0xAF]  }
0x1b7: {  	s3 =	sld [smem:$0x1AF];
	_ =	sdelay $0x1  }
0x1b8: {  	s13 =	sld [smem:$0x12F]  }
0x1b9: {  	s14 =	sld [smem:$0x22F]  }
0x1ba: {  	s2 =	sadd.f32 s3, s2;
	_ =	sdelay $0x1  }
0x1bb: {  	s3 =	sadd.f32 s2, s13  }
0x1bc: {  	s2 =	sadd.f32 s14, s2  }
0x1bd: {  	[smem:$0x42F] =	sst s3  }
0x1be: {  	[smem:$0x4AF] =	sst s2  }
0x1bf: {  	s2 =	sld [smem:$0xB0]  }
0x1c0: {  	s3 =	sld [smem:$0x1B0];
	_ =	sdelay $0x1  }
0x1c1: {  	s15 =	sld [smem:$0x130]  }
0x1c2: {  	s16 =	sld [smem:$0x230]  }
0x1c3: {  	s2 =	sadd.f32 s3, s2;
	_ =	sdelay $0x1  }
0x1c4: {  	s3 =	sadd.f32 s2, s15  }
0x1c5: {  	s2 =	sadd.f32 s16, s2  }
0x1c6: {  	[smem:$0x430] =	sst s3  }
0x1c7: {  	[smem:$0x4B0] =	sst s2  }
0x1c8: {  	s2 =	sld [smem:$0xB1]  }
0x1c9: {  	s3 =	sld [smem:$0x1B1];
	_ =	sdelay $0x1  }
0x1ca: {  	s17 =	sld [smem:$0x131]  }
0x1cb: {  	s18 =	sld [smem:$0x231]  }
0x1cc: {  	s2 =	sadd.f32 s3, s2;
	_ =	sdelay $0x1  }
0x1cd: {  	s3 =	sadd.f32 s2, s17  }
0x1ce: {  	s2 =	sadd.f32 s18, s2  }
0x1cf: {  	[smem:$0x431] =	sst s3  }
0x1d0: {  	[smem:$0x4B1] =	sst s2  }
0x1d1: {  	s2 =	sld [smem:$0xB2]  }
0x1d2: {  	s3 =	sld [smem:$0x1B2];
	_ =	sdelay $0x1  }
0x1d3: {  	s19 =	sld [smem:$0x132]  }
0x1d4: {  	s20 =	sld [smem:$0x232]  }
0x1d5: {  	s2 =	sadd.f32 s3, s2;
	_ =	sdelay $0x1  }
0x1d6: {  	s3 =	sadd.f32 s2, s19  }
0x1d7: {  	s2 =	sadd.f32 s20, s2  }
0x1d8: {  	[smem:$0x432] =	sst s3  }
0x1d9: {  	[smem:$0x4B2] =	sst s2  }
0x1da: {  	s2 =	sld [smem:$0xB3]  }
0x1db: {  	s3 =	sld [smem:$0x1B3];
	_ =	sdelay $0x1  }
0x1dc: {  	s21 =	sld [smem:$0x133]  }
0x1dd: {  	s22 =	sld [smem:$0x233]  }
0x1de: {  	s2 =	sadd.f32 s3, s2;
	_ =	sdelay $0x1  }
0x1df: {  	s3 =	sadd.f32 s2, s21  }
0x1e0: {  	s2 =	sadd.f32 s22, s2  }
0x1e1: {  	[smem:$0x433] =	sst s3  }
0x1e2: {  	[smem:$0x4B3] =	sst s2  }
0x1e3: {  	s2 =	sld [smem:$0xB4]  }
0x1e4: {  	s3 =	sld [smem:$0x1B4];
	_ =	sdelay $0x1  }
0x1e5: {  	s23 =	sld [smem:$0x134]  }
0x1e6: {  	s24 =	sld [smem:$0x234]  }
0x1e7: {  	s2 =	sadd.f32 s3, s2;
	_ =	sdelay $0x1  }
0x1e8: {  	s3 =	sadd.f32 s2, s23  }
0x1e9: {  	s2 =	sadd.f32 s24, s2  }
0x1ea: {  	[smem:$0x434] =	sst s3  }
0x1eb: {  	[smem:$0x4B4] =	sst s2  }
0x1ec: {  	s2 =	sld [smem:$0xB5]  }
0x1ed: {  	s3 =	sld [smem:$0x1B5];
	_ =	sdelay $0x1  }
0x1ee: {  	s25 =	sld [smem:$0x135]  }
0x1ef: {  	s26 =	sld [smem:$0x235]  }
0x1f0: {  	s2 =	sadd.f32 s3, s2;
	_ =	sdelay $0x1  }
0x1f1: {  	s3 =	sadd.f32 s2, s25  }
0x1f2: {  	s2 =	sadd.f32 s26, s2  }
0x1f3: {  	[smem:$0x435] =	sst s3  }
0x1f4: {  	[smem:$0x4B5] =	sst s2  }
0x1f5: {  	s2 =	sld [smem:$0xB6]  }
0x1f6: {  	s3 =	sld [smem:$0x1B6];
	_ =	sdelay $0x1  }
0x1f7: {  	s28 =	sld [smem:$0x136]  }
0x1f8: {  	s29 =	sld [smem:$0x236]  }
0x1f9: {  	s2 =	sadd.f32 s3, s2;
	_ =	sdelay $0x1  }
0x1fa: {  	s3 =	sadd.f32 s2, s28  }
0x1fb: {  	s2 =	sadd.f32 s29, s2  }
0x1fc: {  	[smem:$0x436] =	sst s3  }
0x1fd: {  	[smem:$0x4B6] =	sst s2  }
0x1fe: {  	s2 =	sld [smem:$0xB7]  }
0x1ff: {  	s3 =	sld [smem:$0x1B7];
	_ =	sdelay $0x1  }
0x200: {  	s30 =	sld [smem:$0x137]  }
0x201: {  	s31 =	sld [smem:$0x237]  }
0x202: {  	s2 =	sadd.f32 s3, s2;
	_ =	sdelay $0x1  }
0x203: {  	s3 =	sadd.f32 s2, s30  }
0x204: {  	s2 =	sadd.f32 s31, s2  }
0x205: {  	[smem:$0x437] =	sst s3  }
0x206: {  	[smem:$0x4B7] =	sst s2  }
0x207: {  	s2 =	sld [smem:$0xB8]  }
0x208: {  	s3 =	sld [smem:$0x1B8];
	_ =	sdelay $0x1  }
0x209: {  	s5 =	sld [smem:$0x138]  }
0x20a: {  	s6 =	sld [smem:$0x238]  }
0x20b: {  	s2 =	sadd.f32 s3, s2;
	_ =	sdelay $0x1  }
0x20c: {  	s3 =	sadd.f32 s2, s5  }
0x20d: {  	s2 =	sadd.f32 s6, s2  }
0x20e: {  	[smem:$0x438] =	sst s3  }
0x20f: {  	[smem:$0x4B8] =	sst s2  }
0x210: {  	s2 =	sld [smem:$0xB9]  }
0x211: {  	s3 =	sld [smem:$0x1B9];
	_ =	sdelay $0x1  }
0x212: {  	s7 =	sld [smem:$0x139]  }
0x213: {  	s8 =	sld [smem:$0x239]  }
0x214: {  	s2 =	sadd.f32 s3, s2;
	_ =	sdelay $0x1  }
0x215: {  	s3 =	sadd.f32 s2, s7  }
0x216: {  	s2 =	sadd.f32 s8, s2  }
0x217: {  	[smem:$0x439] =	sst s3  }
0x218: {  	[smem:$0x4B9] =	sst s2  }
0x219: {  	s2 =	sld [smem:$0xBA]  }
0x21a: {  	s3 =	sld [smem:$0x1BA];
	_ =	sdelay $0x1  }
0x21b: {  	s9 =	sld [smem:$0x13A]  }
0x21c: {  	s10 =	sld [smem:$0x23A]  }
0x21d: {  	s2 =	sadd.f32 s3, s2;
	_ =	sdelay $0x1  }
0x21e: {  	s3 =	sadd.f32 s2, s9  }
0x21f: {  	s2 =	sadd.f32 s10, s2  }
0x220: {  	[smem:$0x43A] =	sst s3  }
0x221: {  	[smem:$0x4BA] =	sst s2  }
0x222: {  	s2 =	sld [smem:$0xBB]  }
0x223: {  	s3 =	sld [smem:$0x1BB];
	_ =	sdelay $0x1  }
0x224: {  	s11 =	sld [smem:$0x13B]  }
0x225: {  	s12 =	sld [smem:$0x23B]  }
0x226: {  	s2 =	sadd.f32 s3, s2;
	_ =	sdelay $0x1  }
0x227: {  	s3 =	sadd.f32 s2, s11  }
0x228: {  	s2 =	sadd.f32 s12, s2  }
0x229: {  	[smem:$0x43B] =	sst s3  }
0x22a: {  	[smem:$0x4BB] =	sst s2  }
0x22b: {  	s2 =	sld [smem:$0xBC]  }
0x22c: {  	s3 =	sld [smem:$0x1BC];
	_ =	sdelay $0x1  }
0x22d: {  	s13 =	sld [smem:$0x13C]  }
0x22e: {  	s14 =	sld [smem:$0x23C]  }
0x22f: {  	s2 =	sadd.f32 s3, s2;
	_ =	sdelay $0x1  }
0x230: {  	s3 =	sadd.f32 s2, s13  }
0x231: {  	s2 =	sadd.f32 s14, s2  }
0x232: {  	[smem:$0x43C] =	sst s3  }
0x233: {  	[smem:$0x4BC] =	sst s2  }
0x234: {  	s2 =	sld [smem:$0xBD]  }
0x235: {  	s3 =	sld [smem:$0x13D]  }
0x236: {  	s15 =	sld [smem:$0x1BD];
	_ =	sdelay $0x2  }
0x237: {  	s16 =	sld [smem:$0x23D]  }
0x238: {  	s2 =	sadd.f32 s15, s2;
	_ =	sdelay $0x1  }
0x239: {  	s3 =	sadd.f32 s2, s3  }
0x23a: {  	s2 =	sadd.f32 s16, s2  }
0x23b: {  	[smem:$0x43D] =	sst s3  }
0x23c: {  	[smem:$0x4BD] =	sst s2  }
0x23d: {  	s2 =	sld [smem:$0xBE]  }
0x23e: {  	s3 =	sld [smem:$0x1BE];
	_ =	sdelay $0x1  }
0x23f: {  	s17 =	sld [smem:$0x13E]  }
0x240: {  	s18 =	sld [smem:$0x23E]  }
0x241: {  	s2 =	sadd.f32 s3, s2;
	_ =	sdelay $0x1  }
0x242: {  	s3 =	sadd.f32 s2, s17  }
0x243: {  	s2 =	sadd.f32 s18, s2  }
0x244: {  	[smem:$0x43E] =	sst s3  }
0x245: {  	[smem:$0x4BE] =	sst s2  }
0x246: {  	s2 =	sld [smem:$0xBF]  }
0x247: {  	s3 =	sld [smem:$0x1BF];
	_ =	sdelay $0x1  }
0x248: {  	s19 =	sld [smem:$0x13F]  }
0x249: {  	s20 =	sld [smem:$0x23F]  }
0x24a: {  	s2 =	sadd.f32 s3, s2;
	_ =	sdelay $0x1  }
0x24b: {  	s3 =	sadd.f32 s2, s19  }
0x24c: {  	s2 =	sadd.f32 s20, s2  }
0x24d: {  	[smem:$0x43F] =	sst s3  }
0x24e: {  	[smem:$0x4BF] =	sst s2  }
0x24f: {  	s2 =	sld [smem:$0xC0]  }
0x250: {  	s3 =	sld [smem:$0x1C0];
	_ =	sdelay $0x1  }
0x251: {  	s21 =	sld [smem:$0x140]  }
0x252: {  	s22 =	sld [smem:$0x240]  }
0x253: {  	s2 =	sadd.f32 s3, s2;
	_ =	sdelay $0x1  }
0x254: {  	s3 =	sadd.f32 s2, s21  }
0x255: {  	s2 =	sadd.f32 s22, s2  }
0x256: {  	[smem:$0x440] =	sst s3  }
0x257: {  	[smem:$0x4C0] =	sst s2  }
0x258: {  	s2 =	sld [smem:$0xC1]  }
0x259: {  	s3 =	sld [smem:$0x1C1];
	_ =	sdelay $0x1  }
0x25a: {  	s23 =	sld [smem:$0x141]  }
0x25b: {  	s24 =	sld [smem:$0x241]  }
0x25c: {  	s2 =	sadd.f32 s3, s2;
	_ =	sdelay $0x1  }
0x25d: {  	s3 =	sadd.f32 s2, s23  }
0x25e: {  	s2 =	sadd.f32 s24, s2  }
0x25f: {  	[smem:$0x441] =	sst s3  }
0x260: {  	[smem:$0x4C1] =	sst s2  }
0x261: {  	s2 =	sld [smem:$0xC2]  }
0x262: {  	s3 =	sld [smem:$0x1C2];
	_ =	sdelay $0x1  }
0x263: {  	s25 =	sld [smem:$0x142]  }
0x264: {  	s26 =	sld [smem:$0x242]  }
0x265: {  	s2 =	sadd.f32 s3, s2;
	_ =	sdelay $0x1  }
0x266: {  	s3 =	sadd.f32 s2, s25  }
0x267: {  	s2 =	sadd.f32 s26, s2  }
0x268: {  	[smem:$0x442] =	sst s3  }
0x269: {  	[smem:$0x4C2] =	sst s2  }
0x26a: {  	s2 =	sld [smem:$0xC3]  }
0x26b: {  	s3 =	sld [smem:$0x1C3];
	_ =	sdelay $0x1  }
0x26c: {  	s28 =	sld [smem:$0x143]  }
0x26d: {  	s29 =	sld [smem:$0x243]  }
0x26e: {  	s2 =	sadd.f32 s3, s2;
	_ =	sdelay $0x1  }
0x26f: {  	s3 =	sadd.f32 s2, s28  }
0x270: {  	s2 =	sadd.f32 s29, s2  }
0x271: {  	[smem:$0x443] =	sst s3  }
0x272: {  	[smem:$0x4C3] =	sst s2  }
0x273: {  	s2 =	sld [smem:$0xC4]  }
0x274: {  	s3 =	sld [smem:$0x1C4];
	_ =	sdelay $0x1  }
0x275: {  	s30 =	sld [smem:$0x144]  }
0x276: {  	s31 =	sld [smem:$0x244]  }
0x277: {  	s2 =	sadd.f32 s3, s2;
	_ =	sdelay $0x1  }
0x278: {  	s3 =	sadd.f32 s2, s30  }
0x279: {  	s2 =	sadd.f32 s31, s2  }
0x27a: {  	[smem:$0x444] =	sst s3  }
0x27b: {  	[smem:$0x4C4] =	sst s2  }
0x27c: {  	s2 =	sld [smem:$0xC5]  }
0x27d: {  	s3 =	sld [smem:$0x1C5];
	_ =	sdelay $0x1  }
0x27e: {  	s5 =	sld [smem:$0x145]  }
0x27f: {  	s6 =	sld [smem:$0x245]  }
0x280: {  	s2 =	sadd.f32 s3, s2;
	_ =	sdelay $0x1  }
0x281: {  	s3 =	sadd.f32 s2, s5  }
0x282: {  	s2 =	sadd.f32 s6, s2  }
0x283: {  	[smem:$0x445] =	sst s3  }
0x284: {  	[smem:$0x4C5] =	sst s2  }
0x285: {  	s2 =	sld [smem:$0xC6]  }
0x286: {  	s3 =	sld [smem:$0x1C6];
	_ =	sdelay $0x1  }
0x287: {  	s7 =	sld [smem:$0x146]  }
0x288: {  	s8 =	sld [smem:$0x246]  }
0x289: {  	s2 =	sadd.f32 s3, s2;
	_ =	sdelay $0x1  }
0x28a: {  	s3 =	sadd.f32 s2, s7  }
0x28b: {  	s2 =	sadd.f32 s8, s2  }
0x28c: {  	[smem:$0x446] =	sst s3  }
0x28d: {  	[smem:$0x4C6] =	sst s2  }
0x28e: {  	s2 =	sld [smem:$0xC7]  }
0x28f: {  	s3 =	sld [smem:$0x1C7];
	_ =	sdelay $0x1  }
0x290: {  	s9 =	sld [smem:$0x147]  }
0x291: {  	s10 =	sld [smem:$0x247]  }
0x292: {  	s2 =	sadd.f32 s3, s2;
	_ =	sdelay $0x1  }
0x293: {  	s3 =	sadd.f32 s2, s9  }
0x294: {  	s2 =	sadd.f32 s10, s2  }
0x295: {  	[smem:$0x447] =	sst s3  }
0x296: {  	[smem:$0x4C7] =	sst s2  }
0x297: {  	s2 =	sld [smem:$0xC8]  }
0x298: {  	s3 =	sld [smem:$0x1C8];
	_ =	sdelay $0x1  }
0x299: {  	s11 =	sld [smem:$0x148]  }
0x29a: {  	s12 =	sld [smem:$0x248]  }
0x29b: {  	s2 =	sadd.f32 s3, s2;
	_ =	sdelay $0x1  }
0x29c: {  	s3 =	sadd.f32 s2, s11  }
0x29d: {  	s2 =	sadd.f32 s12, s2  }
0x29e: {  	[smem:$0x448] =	sst s3  }
0x29f: {  	[smem:$0x4C8] =	sst s2  }
0x2a0: {  	s2 =	sld [smem:$0xC9]  }
0x2a1: {  	s3 =	sld [smem:$0x1C9];
	_ =	sdelay $0x1  }
0x2a2: {  	s13 =	sld [smem:$0x149]  }
0x2a3: {  	s14 =	sld [smem:$0x249]  }
0x2a4: {  	s2 =	sadd.f32 s3, s2;
	_ =	sdelay $0x1  }
0x2a5: {  	s3 =	sadd.f32 s2, s13  }
0x2a6: {  	s2 =	sadd.f32 s14, s2  }
0x2a7: {  	[smem:$0x449] =	sst s3  }
0x2a8: {  	[smem:$0x4C9] =	sst s2  }
0x2a9: {  	s2 =	sld [smem:$0xCA]  }
0x2aa: {  	s3 =	sld [smem:$0x1CA];
	_ =	sdelay $0x1  }
0x2ab: {  	s15 =	sld [smem:$0x14A]  }
0x2ac: {  	s16 =	sld [smem:$0x24A]  }
0x2ad: {  	s2 =	sadd.f32 s3, s2;
	_ =	sdelay $0x1  }
0x2ae: {  	s3 =	sadd.f32 s2, s15  }
0x2af: {  	s2 =	sadd.f32 s16, s2  }
0x2b0: {  	[smem:$0x44A] =	sst s3  }
0x2b1: {  	[smem:$0x4CA] =	sst s2  }
0x2b2: {  	s2 =	sld [smem:$0xCB]  }
0x2b3: {  	s3 =	sld [smem:$0x1CB];
	_ =	sdelay $0x1  }
0x2b4: {  	s17 =	sld [smem:$0x14B]  }
0x2b5: {  	s18 =	sld [smem:$0x24B]  }
0x2b6: {  	s2 =	sadd.f32 s3, s2;
	_ =	sdelay $0x1  }
0x2b7: {  	s3 =	sadd.f32 s2, s17  }
0x2b8: {  	s2 =	sadd.f32 s18, s2  }
0x2b9: {  	[smem:$0x44B] =	sst s3  }
0x2ba: {  	[smem:$0x4CB] =	sst s2  }
0x2bb: {  	s2 =	sld [smem:$0xCC]  }
0x2bc: {  	s3 =	sld [smem:$0x1CC];
	_ =	sdelay $0x1  }
0x2bd: {  	s19 =	sld [smem:$0x14C]  }
0x2be: {  	s20 =	sld [smem:$0x24C]  }
0x2bf: {  	s2 =	sadd.f32 s3, s2;
	_ =	sdelay $0x1  }
0x2c0: {  	s3 =	sadd.f32 s2, s19  }
0x2c1: {  	s2 =	sadd.f32 s20, s2  }
0x2c2: {  	[smem:$0x44C] =	sst s3  }
0x2c3: {  	[smem:$0x4CC] =	sst s2  }
0x2c4: {  	s2 =	sld [smem:$0xCD]  }
0x2c5: {  	s3 =	sld [smem:$0x1CD];
	_ =	sdelay $0x1  }
0x2c6: {  	s21 =	sld [smem:$0x14D]  }
0x2c7: {  	s22 =	sld [smem:$0x24D]  }
0x2c8: {  	s2 =	sadd.f32 s3, s2;
	_ =	sdelay $0x1  }
0x2c9: {  	s3 =	sadd.f32 s2, s21  }
0x2ca: {  	s2 =	sadd.f32 s22, s2  }
0x2cb: {  	[smem:$0x44D] =	sst s3  }
0x2cc: {  	[smem:$0x4CD] =	sst s2  }
0x2cd: {  	s2 =	sld [smem:$0xCE]  }
0x2ce: {  	s3 =	sld [smem:$0x1CE];
	_ =	sdelay $0x1  }
0x2cf: {  	s23 =	sld [smem:$0x14E]  }
0x2d0: {  	s24 =	sld [smem:$0x24E]  }
0x2d1: {  	s2 =	sadd.f32 s3, s2;
	_ =	sdelay $0x1  }
0x2d2: {  	s3 =	sadd.f32 s2, s23  }
0x2d3: {  	s2 =	sadd.f32 s24, s2  }
0x2d4: {  	[smem:$0x44E] =	sst s3  }
0x2d5: {  	[smem:$0x4CE] =	sst s2  }
0x2d6: {  	s2 =	sld [smem:$0xCF]  }
0x2d7: {  	s3 =	sld [smem:$0x1CF];
	_ =	sdelay $0x1  }
0x2d8: {  	s25 =	sld [smem:$0x14F]  }
0x2d9: {  	s26 =	sld [smem:$0x24F]  }
0x2da: {  	s2 =	sadd.f32 s3, s2;
	_ =	sdelay $0x1  }
0x2db: {  	s3 =	sadd.f32 s2, s25  }
0x2dc: {  	s2 =	sadd.f32 s26, s2  }
0x2dd: {  	[smem:$0x44F] =	sst s3  }
0x2de: {  	[smem:$0x4CF] =	sst s2  }
0x2df: {  	s2 =	sld [smem:$0xD0]  }
0x2e0: {  	s3 =	sld [smem:$0x1D0];
	_ =	sdelay $0x1  }
0x2e1: {  	s28 =	sld [smem:$0x150]  }
0x2e2: {  	s29 =	sld [smem:$0x250]  }
0x2e3: {  	s2 =	sadd.f32 s3, s2;
	_ =	sdelay $0x1  }
0x2e4: {  	s3 =	sadd.f32 s2, s28  }
0x2e5: {  	s2 =	sadd.f32 s29, s2  }
0x2e6: {  	[smem:$0x450] =	sst s3  }
0x2e7: {  	[smem:$0x4D0] =	sst s2  }
0x2e8: {  	s2 =	sld [smem:$0xD1]  }
0x2e9: {  	s3 =	sld [smem:$0x1D1];
	_ =	sdelay $0x1  }
0x2ea: {  	s30 =	sld [smem:$0x151]  }
0x2eb: {  	s31 =	sld [smem:$0x251]  }
0x2ec: {  	s2 =	sadd.f32 s3, s2;
	_ =	sdelay $0x1  }
0x2ed: {  	s3 =	sadd.f32 s2, s30  }
0x2ee: {  	s2 =	sadd.f32 s31, s2  }
0x2ef: {  	[smem:$0x451] =	sst s3  }
0x2f0: {  	[smem:$0x4D1] =	sst s2  }
0x2f1: {  	s2 =	sld [smem:$0xD2]  }
0x2f2: {  	s3 =	sld [smem:$0x1D2];
	_ =	sdelay $0x1  }
0x2f3: {  	s5 =	sld [smem:$0x152]  }
0x2f4: {  	s6 =	sld [smem:$0x252]  }
0x2f5: {  	s2 =	sadd.f32 s3, s2;
	_ =	sdelay $0x1  }
0x2f6: {  	s3 =	sadd.f32 s2, s5  }
0x2f7: {  	s2 =	sadd.f32 s6, s2  }
0x2f8: {  	[smem:$0x452] =	sst s3  }
0x2f9: {  	[smem:$0x4D2] =	sst s2  }
0x2fa: {  	s2 =	sld [smem:$0xD3]  }
0x2fb: {  	s3 =	sld [smem:$0x1D3];
	_ =	sdelay $0x1  }
0x2fc: {  	s7 =	sld [smem:$0x153]  }
0x2fd: {  	s8 =	sld [smem:$0x253]  }
0x2fe: {  	s2 =	sadd.f32 s3, s2;
	_ =	sdelay $0x1  }
0x2ff: {  	s3 =	sadd.f32 s2, s7  }
0x300: {  	s2 =	sadd.f32 s8, s2  }
0x301: {  	[smem:$0x453] =	sst s3  }
0x302: {  	[smem:$0x4D3] =	sst s2  }
0x303: {  	s2 =	sld [smem:$0xD4]  }
0x304: {  	s3 =	sld [smem:$0x1D4];
	_ =	sdelay $0x1  }
0x305: {  	s9 =	sld [smem:$0x154]  }
0x306: {  	s10 =	sld [smem:$0x254]  }
0x307: {  	s2 =	sadd.f32 s3, s2;
	_ =	sdelay $0x1  }
0x308: {  	s3 =	sadd.f32 s2, s9  }
0x309: {  	s2 =	sadd.f32 s10, s2  }
0x30a: {  	[smem:$0x454] =	sst s3  }
0x30b: {  	[smem:$0x4D4] =	sst s2  }
0x30c: {  	s2 =	sld [smem:$0xD5]  }
0x30d: {  	s3 =	sld [smem:$0x1D5];
	_ =	sdelay $0x1  }
0x30e: {  	s11 =	sld [smem:$0x155]  }
0x30f: {  	s12 =	sld [smem:$0x255]  }
0x310: {  	s2 =	sadd.f32 s3, s2;
	_ =	sdelay $0x1  }
0x311: {  	s3 =	sadd.f32 s2, s11  }
0x312: {  	s2 =	sadd.f32 s12, s2  }
0x313: {  	[smem:$0x455] =	sst s3  }
0x314: {  	[smem:$0x4D5] =	sst s2  }
0x315: {  	s2 =	sld [smem:$0xD6]  }
0x316: {  	s3 =	sld [smem:$0x1D6];
	_ =	sdelay $0x1  }
0x317: {  	s13 =	sld [smem:$0x156]  }
0x318: {  	s14 =	sld [smem:$0x256]  }
0x319: {  	s2 =	sadd.f32 s3, s2;
	_ =	sdelay $0x1  }
0x31a: {  	s3 =	sadd.f32 s2, s13  }
0x31b: {  	s2 =	sadd.f32 s14, s2  }
0x31c: {  	[smem:$0x456] =	sst s3  }
0x31d: {  	[smem:$0x4D6] =	sst s2  }
0x31e: {  	s2 =	sld [smem:$0xD7]  }
0x31f: {  	s3 =	sld [smem:$0x1D7];
	_ =	sdelay $0x1  }
0x320: {  	s15 =	sld [smem:$0x157]  }
0x321: {  	s16 =	sld [smem:$0x257]  }
0x322: {  	s2 =	sadd.f32 s3, s2;
	_ =	sdelay $0x1  }
0x323: {  	s3 =	sadd.f32 s2, s15  }
0x324: {  	s2 =	sadd.f32 s16, s2  }
0x325: {  	[smem:$0x457] =	sst s3  }
0x326: {  	[smem:$0x4D7] =	sst s2  }
0x327: {  	s2 =	sld [smem:$0xD8]  }
0x328: {  	s3 =	sld [smem:$0x1D8];
	_ =	sdelay $0x1  }
0x329: {  	s17 =	sld [smem:$0x158]  }
0x32a: {  	s18 =	sld [smem:$0x258]  }
0x32b: {  	s2 =	sadd.f32 s3, s2;
	_ =	sdelay $0x1  }
0x32c: {  	s3 =	sadd.f32 s2, s17  }
0x32d: {  	s2 =	sadd.f32 s18, s2  }
0x32e: {  	[smem:$0x458] =	sst s3  }
0x32f: {  	[smem:$0x4D8] =	sst s2  }
0x330: {  	s2 =	sld [smem:$0xD9]  }
0x331: {  	s3 =	sld [smem:$0x1D9];
	_ =	sdelay $0x1  }
0x332: {  	s19 =	sld [smem:$0x159]  }
0x333: {  	s20 =	sld [smem:$0x259]  }
0x334: {  	s2 =	sadd.f32 s3, s2;
	_ =	sdelay $0x1  }
0x335: {  	s3 =	sadd.f32 s2, s19  }
0x336: {  	s2 =	sadd.f32 s20, s2  }
0x337: {  	[smem:$0x459] =	sst s3  }
0x338: {  	[smem:$0x4D9] =	sst s2  }
0x339: {  	s2 =	sld [smem:$0xDA]  }
0x33a: {  	s3 =	sld [smem:$0x1DA];
	_ =	sdelay $0x1  }
0x33b: {  	s21 =	sld [smem:$0x15A]  }
0x33c: {  	s22 =	sld [smem:$0x25A]  }
0x33d: {  	s2 =	sadd.f32 s3, s2;
	_ =	sdelay $0x1  }
0x33e: {  	s3 =	sadd.f32 s2, s21  }
0x33f: {  	s2 =	sadd.f32 s22, s2  }
0x340: {  	[smem:$0x45A] =	sst s3  }
0x341: {  	[smem:$0x4DA] =	sst s2  }
0x342: {  	s2 =	sld [smem:$0xDB]  }
0x343: {  	s3 =	sld [smem:$0x1DB];
	_ =	sdelay $0x1  }
0x344: {  	s23 =	sld [smem:$0x15B]  }
0x345: {  	s24 =	sld [smem:$0x25B]  }
0x346: {  	s2 =	sadd.f32 s3, s2;
	_ =	sdelay $0x1  }
0x347: {  	s3 =	sadd.f32 s2, s23  }
0x348: {  	s2 =	sadd.f32 s24, s2  }
0x349: {  	[smem:$0x45B] =	sst s3  }
0x34a: {  	[smem:$0x4DB] =	sst s2  }
0x34b: {  	s2 =	sld [smem:$0xDC]  }
0x34c: {  	s3 =	sld [smem:$0x1DC];
	_ =	sdelay $0x1  }
0x34d: {  	s25 =	sld [smem:$0x15C]  }
0x34e: {  	s26 =	sld [smem:$0x25C]  }
0x34f: {  	s2 =	sadd.f32 s3, s2;
	_ =	sdelay $0x1  }
0x350: {  	s3 =	sadd.f32 s2, s25  }
0x351: {  	s2 =	sadd.f32 s26, s2  }
0x352: {  	[smem:$0x45C] =	sst s3  }
0x353: {  	[smem:$0x4DC] =	sst s2  }
0x354: {  	s2 =	sld [smem:$0xDD]  }
0x355: {  	s3 =	sld [smem:$0x1DD];
	_ =	sdelay $0x1  }
0x356: {  	s28 =	sld [smem:$0x15D]  }
0x357: {  	s29 =	sld [smem:$0x25D]  }
0x358: {  	s2 =	sadd.f32 s3, s2;
	_ =	sdelay $0x1  }
0x359: {  	s3 =	sadd.f32 s2, s28  }
0x35a: {  	s2 =	sadd.f32 s29, s2  }
0x35b: {  	[smem:$0x45D] =	sst s3  }
0x35c: {  	[smem:$0x4DD] =	sst s2  }
0x35d: {  	s2 =	sld [smem:$0xDE]  }
0x35e: {  	s3 =	sld [smem:$0x1DE];
	_ =	sdelay $0x1  }
0x35f: {  	s30 =	sld [smem:$0x15E]  }
0x360: {  	s31 =	sld [smem:$0x25E]  }
0x361: {  	s2 =	sadd.f32 s3, s2;
	_ =	sdelay $0x1  }
0x362: {  	s3 =	sadd.f32 s2, s30  }
0x363: {  	s2 =	sadd.f32 s31, s2  }
0x364: {  	[smem:$0x45E] =	sst s3  }
0x365: {  	[smem:$0x4DE] =	sst s2  }
0x366: {  	s2 =	sld [smem:$0xDF]  }
0x367: {  	s3 =	sld [smem:$0x1DF];
	_ =	sdelay $0x1  }
0x368: {  	s5 =	sld [smem:$0x15F]  }
0x369: {  	s6 =	sld [smem:$0x25F]  }
0x36a: {  	s2 =	sadd.f32 s3, s2;
	_ =	sdelay $0x1  }
0x36b: {  	s3 =	sadd.f32 s2, s5  }
0x36c: {  	s2 =	sadd.f32 s6, s2  }
0x36d: {  	[smem:$0x45F] =	sst s3  }
0x36e: {  	[smem:$0x4DF] =	sst s2  }
0x36f: {  	s2 =	sld [smem:$0xE0]  }
0x370: {  	s3 =	sld [smem:$0x1E0];
	_ =	sdelay $0x1  }
0x371: {  	s7 =	sld [smem:$0x160]  }
0x372: {  	s8 =	sld [smem:$0x260]  }
0x373: {  	s2 =	sadd.f32 s3, s2;
	_ =	sdelay $0x1  }
0x374: {  	s3 =	sadd.f32 s2, s7  }
0x375: {  	s2 =	sadd.f32 s8, s2  }
0x376: {  	[smem:$0x460] =	sst s3  }
0x377: {  	[smem:$0x4E0] =	sst s2  }
0x378: {  	s2 =	sld [smem:$0xE1]  }
0x379: {  	s3 =	sld [smem:$0x1E1];
	_ =	sdelay $0x1  }
0x37a: {  	s9 =	sld [smem:$0x161]  }
0x37b: {  	s10 =	sld [smem:$0x261]  }
0x37c: {  	s2 =	sadd.f32 s3, s2;
	_ =	sdelay $0x1  }
0x37d: {  	s3 =	sadd.f32 s2, s9  }
0x37e: {  	s2 =	sadd.f32 s10, s2  }
0x37f: {  	[smem:$0x461] =	sst s3  }
0x380: {  	[smem:$0x4E1] =	sst s2  }
0x381: {  	s2 =	sld [smem:$0xE2]  }
0x382: {  	s3 =	sld [smem:$0x1E2];
	_ =	sdelay $0x1  }
0x383: {  	s11 =	sld [smem:$0x162]  }
0x384: {  	s12 =	sld [smem:$0x262]  }
0x385: {  	s2 =	sadd.f32 s3, s2;
	_ =	sdelay $0x1  }
0x386: {  	s3 =	sadd.f32 s2, s11  }
0x387: {  	s2 =	sadd.f32 s12, s2  }
0x388: {  	[smem:$0x462] =	sst s3  }
0x389: {  	[smem:$0x4E2] =	sst s2  }
0x38a: {  	s2 =	sld [smem:$0xE3]  }
0x38b: {  	s3 =	sld [smem:$0x1E3];
	_ =	sdelay $0x1  }
0x38c: {  	s13 =	sld [smem:$0x163]  }
0x38d: {  	s14 =	sld [smem:$0x263]  }
0x38e: {  	s2 =	sadd.f32 s3, s2;
	_ =	sdelay $0x1  }
0x38f: {  	s3 =	sadd.f32 s2, s13  }
0x390: {  	s2 =	sadd.f32 s14, s2  }
0x391: {  	[smem:$0x463] =	sst s3  }
0x392: {  	[smem:$0x4E3] =	sst s2  }
0x393: {  	s2 =	sld [smem:$0xE4]  }
0x394: {  	s3 =	sld [smem:$0x1E4];
	_ =	sdelay $0x1  }
0x395: {  	s15 =	sld [smem:$0x164]  }
0x396: {  	s16 =	sld [smem:$0x264]  }
0x397: {  	s2 =	sadd.f32 s3, s2;
	_ =	sdelay $0x1  }
0x398: {  	s3 =	sadd.f32 s2, s15  }
0x399: {  	s2 =	sadd.f32 s16, s2  }
0x39a: {  	[smem:$0x464] =	sst s3  }
0x39b: {  	[smem:$0x4E4] =	sst s2  }
0x39c: {  	s2 =	sld [smem:$0xE5]  }
0x39d: {  	s3 =	sld [smem:$0x1E5];
	_ =	sdelay $0x1  }
0x39e: {  	s17 =	sld [smem:$0x165]  }
0x39f: {  	s18 =	sld [smem:$0x265]  }
0x3a0: {  	s2 =	sadd.f32 s3, s2;
	_ =	sdelay $0x1  }
0x3a1: {  	s3 =	sadd.f32 s2, s17  }
0x3a2: {  	s2 =	sadd.f32 s18, s2  }
0x3a3: {  	[smem:$0x465] =	sst s3  }
0x3a4: {  	[smem:$0x4E5] =	sst s2  }
0x3a5: {  	s2 =	sld [smem:$0xE6]  }
0x3a6: {  	s3 =	sld [smem:$0x1E6];
	_ =	sdelay $0x1  }
0x3a7: {  	s19 =	sld [smem:$0x166]  }
0x3a8: {  	s20 =	sld [smem:$0x266]  }
0x3a9: {  	s2 =	sadd.f32 s3, s2;
	_ =	sdelay $0x1  }
0x3aa: {  	s3 =	sadd.f32 s2, s19  }
0x3ab: {  	s2 =	sadd.f32 s20, s2  }
0x3ac: {  	[smem:$0x466] =	sst s3  }
0x3ad: {  	[smem:$0x4E6] =	sst s2  }
0x3ae: {  	s2 =	sld [smem:$0xE7]  }
0x3af: {  	s3 =	sld [smem:$0x1E7];
	_ =	sdelay $0x1  }
0x3b0: {  	s21 =	sld [smem:$0x167]  }
0x3b1: {  	s22 =	sld [smem:$0x267]  }
0x3b2: {  	s2 =	sadd.f32 s3, s2;
	_ =	sdelay $0x1  }
0x3b3: {  	s3 =	sadd.f32 s2, s21  }
0x3b4: {  	s2 =	sadd.f32 s22, s2  }
0x3b5: {  	[smem:$0x467] =	sst s3  }
0x3b6: {  	[smem:$0x4E7] =	sst s2  }
0x3b7: {  	s2 =	sld [smem:$0xE8]  }
0x3b8: {  	s3 =	sld [smem:$0x1E8];
	_ =	sdelay $0x1  }
0x3b9: {  	s23 =	sld [smem:$0x168]  }
0x3ba: {  	s24 =	sld [smem:$0x268]  }
0x3bb: {  	s2 =	sadd.f32 s3, s2;
	_ =	sdelay $0x1  }
0x3bc: {  	s3 =	sadd.f32 s2, s23  }
0x3bd: {  	s2 =	sadd.f32 s24, s2  }
0x3be: {  	[smem:$0x468] =	sst s3  }
0x3bf: {  	[smem:$0x4E8] =	sst s2  }
0x3c0: {  	s2 =	sld [smem:$0xE9]  }
0x3c1: {  	s3 =	sld [smem:$0x1E9];
	_ =	sdelay $0x1  }
0x3c2: {  	s25 =	sld [smem:$0x169]  }
0x3c3: {  	s26 =	sld [smem:$0x269]  }
0x3c4: {  	s2 =	sadd.f32 s3, s2;
	_ =	sdelay $0x1  }
0x3c5: {  	s3 =	sadd.f32 s2, s25  }
0x3c6: {  	s2 =	sadd.f32 s26, s2  }
0x3c7: {  	[smem:$0x469] =	sst s3  }
0x3c8: {  	[smem:$0x4E9] =	sst s2  }
0x3c9: {  	s2 =	sld [smem:$0xEA]  }
0x3ca: {  	s3 =	sld [smem:$0x1EA];
	_ =	sdelay $0x1  }
0x3cb: {  	s28 =	sld [smem:$0x16A]  }
0x3cc: {  	s29 =	sld [smem:$0x26A]  }
0x3cd: {  	s2 =	sadd.f32 s3, s2;
	_ =	sdelay $0x1  }
0x3ce: {  	s3 =	sadd.f32 s2, s28  }
0x3cf: {  	s2 =	sadd.f32 s29, s2  }
0x3d0: {  	[smem:$0x46A] =	sst s3  }
0x3d1: {  	[smem:$0x4EA] =	sst s2  }
0x3d2: {  	s2 =	sld [smem:$0xEB]  }
0x3d3: {  	s3 =	sld [smem:$0x1EB];
	_ =	sdelay $0x1  }
0x3d4: {  	s30 =	sld [smem:$0x16B]  }
0x3d5: {  	s31 =	sld [smem:$0x26B]  }
0x3d6: {  	s2 =	sadd.f32 s3, s2;
	_ =	sdelay $0x1  }
0x3d7: {  	s3 =	sadd.f32 s2, s30  }
0x3d8: {  	s2 =	sadd.f32 s31, s2  }
0x3d9: {  	[smem:$0x46B] =	sst s3  }
0x3da: {  	[smem:$0x4EB] =	sst s2  }
0x3db: {  	s2 =	sld [smem:$0xEC]  }
0x3dc: {  	s3 =	sld [smem:$0x1EC];
	_ =	sdelay $0x1  }
0x3dd: {  	s5 =	sld [smem:$0x16C]  }
0x3de: {  	s6 =	sld [smem:$0x26C]  }
0x3df: {  	s2 =	sadd.f32 s3, s2;
	_ =	sdelay $0x1  }
0x3e0: {  	s3 =	sadd.f32 s2, s5  }
0x3e1: {  	s2 =	sadd.f32 s6, s2  }
0x3e2: {  	[smem:$0x46C] =	sst s3  }
0x3e3: {  	[smem:$0x4EC] =	sst s2  }
0x3e4: {  	s2 =	sld [smem:$0xED]  }
0x3e5: {  	s3 =	sld [smem:$0x1ED];
	_ =	sdelay $0x1  }
0x3e6: {  	s7 =	sld [smem:$0x16D]  }
0x3e7: {  	s8 =	sld [smem:$0x26D]  }
0x3e8: {  	s2 =	sadd.f32 s3, s2;
	_ =	sdelay $0x1  }
0x3e9: {  	s3 =	sadd.f32 s2, s7  }
0x3ea: {  	s2 =	sadd.f32 s8, s2  }
0x3eb: {  	[smem:$0x46D] =	sst s3  }
0x3ec: {  	[smem:$0x4ED] =	sst s2  }
0x3ed: {  	s2 =	sld [smem:$0xEE]  }
0x3ee: {  	s3 =	sld [smem:$0x1EE];
	_ =	sdelay $0x1  }
0x3ef: {  	s9 =	sld [smem:$0x16E]  }
0x3f0: {  	s10 =	sld [smem:$0x26E]  }
0x3f1: {  	s2 =	sadd.f32 s3, s2;
	_ =	sdelay $0x1  }
0x3f2: {  	s3 =	sadd.f32 s2, s9  }
0x3f3: {  	s2 =	sadd.f32 s10, s2  }
0x3f4: {  	[smem:$0x46E] =	sst s3  }
0x3f5: {  	[smem:$0x4EE] =	sst s2  }
0x3f6: {  	s2 =	sld [smem:$0xEF]  }
0x3f7: {  	s3 =	sld [smem:$0x1EF];
	_ =	sdelay $0x1  }
0x3f8: {  	s11 =	sld [smem:$0x16F]  }
0x3f9: {  	s12 =	sld [smem:$0x26F]  }
0x3fa: {  	s2 =	sadd.f32 s3, s2;
	_ =	sdelay $0x1  }
0x3fb: {  	s3 =	sadd.f32 s2, s11  }
0x3fc: {  	s2 =	sadd.f32 s12, s2  }
0x3fd: {  	[smem:$0x46F] =	sst s3  }
0x3fe: {  	[smem:$0x4EF] =	sst s2  }
0x3ff: {  	s2 =	sld [smem:$0xF0]  }
0x400: {  	s3 =	sld [smem:$0x1F0];
	_ =	sdelay $0x1  }
0x401: {  	s13 =	sld [smem:$0x170]  }
0x402: {  	s14 =	sld [smem:$0x270]  }
0x403: {  	s2 =	sadd.f32 s3, s2;
	_ =	sdelay $0x1  }
0x404: {  	s3 =	sadd.f32 s2, s13  }
0x405: {  	s2 =	sadd.f32 s14, s2  }
0x406: {  	[smem:$0x470] =	sst s3  }
0x407: {  	[smem:$0x4F0] =	sst s2  }
0x408: {  	s2 =	sld [smem:$0xF1]  }
0x409: {  	s3 =	sld [smem:$0x1F1];
	_ =	sdelay $0x1  }
0x40a: {  	s15 =	sld [smem:$0x171]  }
0x40b: {  	s16 =	sld [smem:$0x271]  }
0x40c: {  	s2 =	sadd.f32 s3, s2;
	_ =	sdelay $0x1  }
0x40d: {  	s3 =	sadd.f32 s2, s15  }
0x40e: {  	s2 =	sadd.f32 s16, s2  }
0x40f: {  	[smem:$0x471] =	sst s3  }
0x410: {  	[smem:$0x4F1] =	sst s2  }
0x411: {  	s2 =	sld [smem:$0xF2]  }
0x412: {  	s3 =	sld [smem:$0x1F2];
	_ =	sdelay $0x1  }
0x413: {  	s17 =	sld [smem:$0x172]  }
0x414: {  	s18 =	sld [smem:$0x272]  }
0x415: {  	s2 =	sadd.f32 s3, s2;
	_ =	sdelay $0x1  }
0x416: {  	s3 =	sadd.f32 s2, s17  }
0x417: {  	s2 =	sadd.f32 s18, s2  }
0x418: {  	[smem:$0x472] =	sst s3  }
0x419: {  	[smem:$0x4F2] =	sst s2  }
0x41a: {  	s2 =	sld [smem:$0xF3]  }
0x41b: {  	s3 =	sld [smem:$0x1F3];
	_ =	sdelay $0x1  }
0x41c: {  	s19 =	sld [smem:$0x173]  }
0x41d: {  	s20 =	sld [smem:$0x273]  }
0x41e: {  	s2 =	sadd.f32 s3, s2;
	_ =	sdelay $0x1  }
0x41f: {  	s3 =	sadd.f32 s2, s19  }
0x420: {  	s2 =	sadd.f32 s20, s2  }
0x421: {  	[smem:$0x473] =	sst s3  }
0x422: {  	[smem:$0x4F3] =	sst s2  }
0x423: {  	s2 =	sld [smem:$0xF4]  }
0x424: {  	s3 =	sld [smem:$0x1F4];
	_ =	sdelay $0x1  }
0x425: {  	s21 =	sld [smem:$0x174]  }
0x426: {  	s22 =	sld [smem:$0x274]  }
0x427: {  	s2 =	sadd.f32 s3, s2;
	_ =	sdelay $0x1  }
0x428: {  	s3 =	sadd.f32 s2, s21  }
0x429: {  	s2 =	sadd.f32 s22, s2  }
0x42a: {  	[smem:$0x474] =	sst s3  }
0x42b: {  	[smem:$0x4F4] =	sst s2  }
0x42c: {  	s2 =	sld [smem:$0xF5]  }
0x42d: {  	s3 =	sld [smem:$0x1F5];
	_ =	sdelay $0x1  }
0x42e: {  	s23 =	sld [smem:$0x175]  }
0x42f: {  	s24 =	sld [smem:$0x275]  }
0x430: {  	s2 =	sadd.f32 s3, s2;
	_ =	sdelay $0x1  }
0x431: {  	s3 =	sadd.f32 s2, s23  }
0x432: {  	s2 =	sadd.f32 s24, s2  }
0x433: {  	[smem:$0x475] =	sst s3  }
0x434: {  	[smem:$0x4F5] =	sst s2  }
0x435: {  	s2 =	sld [smem:$0xF6]  }
0x436: {  	s3 =	sld [smem:$0x1F6];
	_ =	sdelay $0x1  }
0x437: {  	s25 =	sld [smem:$0x176]  }
0x438: {  	s26 =	sld [smem:$0x276]  }
0x439: {  	s2 =	sadd.f32 s3, s2;
	_ =	sdelay $0x1  }
0x43a: {  	s3 =	sadd.f32 s2, s25  }
0x43b: {  	s2 =	sadd.f32 s26, s2  }
0x43c: {  	[smem:$0x476] =	sst s3  }
0x43d: {  	[smem:$0x4F6] =	sst s2  }
0x43e: {  	s2 =	sld [smem:$0xF7]  }
0x43f: {  	s3 =	sld [smem:$0x1F7];
	_ =	sdelay $0x1  }
0x440: {  	s28 =	sld [smem:$0x177]  }
0x441: {  	s29 =	sld [smem:$0x277]  }
0x442: {  	s2 =	sadd.f32 s3, s2;
	_ =	sdelay $0x1  }
0x443: {  	s3 =	sadd.f32 s2, s28  }
0x444: {  	s2 =	sadd.f32 s29, s2  }
0x445: {  	[smem:$0x477] =	sst s3  }
0x446: {  	[smem:$0x4F7] =	sst s2  }
0x447: {  	s2 =	sld [smem:$0xF8]  }
0x448: {  	s3 =	sld [smem:$0x1F8];
	_ =	sdelay $0x1  }
0x449: {  	s30 =	sld [smem:$0x178]  }
0x44a: {  	s31 =	sld [smem:$0x278]  }
0x44b: {  	s2 =	sadd.f32 s3, s2;
	_ =	sdelay $0x1  }
0x44c: {  	s3 =	sadd.f32 s2, s30  }
0x44d: {  	s2 =	sadd.f32 s31, s2  }
0x44e: {  	[smem:$0x478] =	sst s3  }
0x44f: {  	[smem:$0x4F8] =	sst s2  }
0x450: {  	s2 =	sld [smem:$0xF9]  }
0x451: {  	s3 =	sld [smem:$0x1F9];
	_ =	sdelay $0x1  }
0x452: {  	s5 =	sld [smem:$0x179]  }
0x453: {  	s6 =	sld [smem:$0x279]  }
0x454: {  	s2 =	sadd.f32 s3, s2;
	_ =	sdelay $0x1  }
0x455: {  	s3 =	sadd.f32 s2, s5  }
0x456: {  	s2 =	sadd.f32 s6, s2  }
0x457: {  	[smem:$0x479] =	sst s3  }
0x458: {  	[smem:$0x4F9] =	sst s2  }
0x459: {  	s2 =	sld [smem:$0xFA]  }
0x45a: {  	s3 =	sld [smem:$0x1FA];
	_ =	sdelay $0x1  }
0x45b: {  	s7 =	sld [smem:$0x17A]  }
0x45c: {  	s8 =	sld [smem:$0x27A]  }
0x45d: {  	s2 =	sadd.f32 s3, s2;
	_ =	sdelay $0x1  }
0x45e: {  	s3 =	sadd.f32 s2, s7  }
0x45f: {  	s2 =	sadd.f32 s8, s2  }
0x460: {  	[smem:$0x47A] =	sst s3  }
0x461: {  	[smem:$0x4FA] =	sst s2  }
0x462: {  	s2 =	sld [smem:$0xFB]  }
0x463: {  	s3 =	sld [smem:$0x1FB];
	_ =	sdelay $0x1  }
0x464: {  	s9 =	sld [smem:$0x17B]  }
0x465: {  	s10 =	sld [smem:$0x27B]  }
0x466: {  	s2 =	sadd.f32 s3, s2;
	_ =	sdelay $0x1  }
0x467: {  	s3 =	sadd.f32 s2, s9  }
0x468: {  	s2 =	sadd.f32 s10, s2  }
0x469: {  	[smem:$0x47B] =	sst s3  }
0x46a: {  	[smem:$0x4FB] =	sst s2  }
0x46b: {  	s2 =	sld [smem:$0xFC]  }
0x46c: {  	s3 =	sld [smem:$0x1FC];
	_ =	sdelay $0x1  }
0x46d: {  	s11 =	sld [smem:$0x17C]  }
0x46e: {  	s12 =	sld [smem:$0x27C]  }
0x46f: {  	s2 =	sadd.f32 s3, s2;
	_ =	sdelay $0x1  }
0x470: {  	s3 =	sadd.f32 s2, s11  }
0x471: {  	s2 =	sadd.f32 s12, s2  }
0x472: {  	[smem:$0x47C] =	sst s3  }
0x473: {  	[smem:$0x4FC] =	sst s2  }
0x474: {  	s2 =	sld [smem:$0xFD]  }
0x475: {  	s3 =	sld [smem:$0x1FD];
	_ =	sdelay $0x1  }
0x476: {  	s13 =	sld [smem:$0x17D]  }
0x477: {  	s14 =	sld [smem:$0x27D]  }
0x478: {  	s2 =	sadd.f32 s3, s2;
	_ =	sdelay $0x1  }
0x479: {  	s3 =	sadd.f32 s2, s13  }
0x47a: {  	s2 =	sadd.f32 s14, s2  }
0x47b: {  	[smem:$0x47D] =	sst s3  }
0x47c: {  	[smem:$0x4FD] =	sst s2  }
0x47d: {  	s2 =	sld [smem:$0xFE]  }
0x47e: {  	s3 =	sld [smem:$0x1FE];
	_ =	sdelay $0x1  }
0x47f: {  	s15 =	sld [smem:$0x17E]  }
0x480: {  	s16 =	sld [smem:$0x27E]  }
0x481: {  	s2 =	sadd.f32 s3, s2;
	_ =	sdelay $0x1  }
0x482: {  	s3 =	sadd.f32 s2, s15  }
0x483: {  	s2 =	sadd.f32 s16, s2  }
0x484: {  	[smem:$0x47E] =	sst s3  }
0x485: {  	[smem:$0x4FE] =	sst s2  }
0x486: {  	s2 =	sld [smem:$0xFF]  }
0x487: {  	s3 =	sld [smem:$0x1FF];
	_ =	sdelay $0x1  }
0x488: {  	s17 =	sld [smem:$0x17F]  }
0x489: {  	s18 =	sld [smem:$0x27F]  }
0x48a: {  	s2 =	sadd.f32 s3, s2;
	_ =	sdelay $0x1  }
0x48b: {  	s3 =	sadd.f32 s2, s17  }
0x48c: {  	s2 =	sadd.f32 s18, s2  }
0x48d: {  	[smem:$0x47F] =	sst s3  }
0x48e: {  	[smem:$0x4FF] =	sst s2  }
0x48f: {  	s2 =	sld [smem:$0x100]  }
0x490: {  	s3 =	sld [smem:$0x200];
	_ =	sdelay $0x1  }
0x491: {  	s19 =	sld [smem:$0x180]  }
0x492: {  	s20 =	sld [smem:$0x280]  }
0x493: {  	s2 =	sadd.f32 s3, s2;
	_ =	sdelay $0x1  }
0x494: {  	s3 =	sadd.f32 s2, s19  }
0x495: {  	s2 =	sadd.f32 s20, s2  }
0x496: {  	[smem:$0x480] =	sst s3  }
0x497: {  	[smem:$0x500] =	sst s2  }
0x498: {  	s2 =	sld [smem:$0x101]  }
0x499: {  	s3 =	sld [smem:$0x201];
	_ =	sdelay $0x1  }
0x49a: {  	s21 =	sld [smem:$0x181]  }
0x49b: {  	s22 =	sld [smem:$0x281]  }
0x49c: {  	s2 =	sadd.f32 s3, s2;
	_ =	sdelay $0x1  }
0x49d: {  	s3 =	sadd.f32 s2, s21  }
0x49e: {  	s2 =	sadd.f32 s22, s2  }
0x49f: {  	[smem:$0x481] =	sst s3  }
0x4a0: {  	[smem:$0x501] =	sst s2  }
0x4a1: {  	s2 =	sld [smem:$0x102]  }
0x4a2: {  	s3 =	sld [smem:$0x202];
	_ =	sdelay $0x1  }
0x4a3: {  	s23 =	sld [smem:$0x182]  }
0x4a4: {  	s24 =	sld [smem:$0x282]  }
0x4a5: {  	s2 =	sadd.f32 s3, s2;
	_ =	sdelay $0x1  }
0x4a6: {  	s3 =	sadd.f32 s2, s23  }
0x4a7: {  	s2 =	sadd.f32 s24, s2  }
0x4a8: {  	[smem:$0x482] =	sst s3  }
0x4a9: {  	[smem:$0x502] =	sst s2  }
0x4aa: {  	s2 =	sld [smem:$0x103]  }
0x4ab: {  	s3 =	sld [smem:$0x203];
	_ =	sdelay $0x1  }
0x4ac: {  	s25 =	sld [smem:$0x183]  }
0x4ad: {  	s26 =	sld [smem:$0x283]  }
0x4ae: {  	s2 =	sadd.f32 s3, s2;
	_ =	sdelay $0x1  }
0x4af: {  	s3 =	sadd.f32 s2, s25  }
0x4b0: {  	s2 =	sadd.f32 s26, s2  }
0x4b1: {  	[smem:$0x483] =	sst s3  }
0x4b2: {  	[smem:$0x503] =	sst s2  }
0x4b3: {  	s2 =	sld [smem:$0x104]  }
0x4b4: {  	s3 =	sld [smem:$0x204];
	_ =	sdelay $0x1  }
0x4b5: {  	s28 =	sld [smem:$0x184]  }
0x4b6: {  	s29 =	sld [smem:$0x284]  }
0x4b7: {  	s2 =	sadd.f32 s3, s2;
	_ =	sdelay $0x1  }
0x4b8: {  	s3 =	sadd.f32 s2, s28  }
0x4b9: {  	s2 =	sadd.f32 s29, s2  }
0x4ba: {  	[smem:$0x484] =	sst s3  }
0x4bb: {  	[smem:$0x504] =	sst s2  }
0x4bc: {  	s2 =	sld [smem:$0x105]  }
0x4bd: {  	s3 =	sld [smem:$0x205];
	_ =	sdelay $0x1  }
0x4be: {  	s30 =	sld [smem:$0x185]  }
0x4bf: {  	s31 =	sld [smem:$0x285]  }
0x4c0: {  	s2 =	sadd.f32 s3, s2;
	_ =	sdelay $0x1  }
0x4c1: {  	s3 =	sadd.f32 s2, s30  }
0x4c2: {  	s2 =	sadd.f32 s31, s2  }
0x4c3: {  	[smem:$0x485] =	sst s3  }
0x4c4: {  	[smem:$0x505] =	sst s2  }
0x4c5: {  	s2 =	sld [smem:$0x106]  }
0x4c6: {  	s3 =	sld [smem:$0x206];
	_ =	sdelay $0x1  }
0x4c7: {  	s6 =	sld [smem:$0x186]  }
0x4c8: {  	s7 =	sld [smem:$0x286]  }
0x4c9: {  	s2 =	sadd.f32 s3, s2;
	_ =	sdelay $0x1  }
0x4ca: {  	s3 =	sadd.f32 s2, s6  }
0x4cb: {  	s2 =	sadd.f32 s7, s2  }
0x4cc: {  	[smem:$0x486] =	sst s3  }
0x4cd: {  	[smem:$0x506] =	sst s2  }
0x4ce: {  	s2 =	sld [smem:$0x107]  }
0x4cf: {  	s3 =	sld [smem:$0x207];
	_ =	sdelay $0x1  }
0x4d0: {  	s8 =	sld [smem:$0x187]  }
0x4d1: {  	s9 =	sld [smem:$0x287]  }
0x4d2: {  	s2 =	sadd.f32 s3, s2;
	_ =	sdelay $0x1  }
0x4d3: {  	s3 =	sadd.f32 s2, s8  }
0x4d4: {  	s2 =	sadd.f32 s9, s2  }
0x4d5: {  	[smem:$0x487] =	sst s3  }
0x4d6: {  	[smem:$0x507] =	sst s2  }
0x4d7: {  	s2 =	sld [smem:$0x108]  }
0x4d8: {  	s3 =	sld [smem:$0x208];
	_ =	sdelay $0x1  }
0x4d9: {  	s10 =	sld [smem:$0x188]  }
0x4da: {  	s11 =	sld [smem:$0x288]  }
0x4db: {  	s2 =	sadd.f32 s3, s2;
	_ =	sdelay $0x1  }
0x4dc: {  	s3 =	sadd.f32 s2, s10  }
0x4dd: {  	s2 =	sadd.f32 s11, s2  }
0x4de: {  	[smem:$0x488] =	sst s3  }
0x4df: {  	[smem:$0x508] =	sst s2  }
0x4e0: {  	s2 =	sld [smem:$0x109]  }
0x4e1: {  	s3 =	sld [smem:$0x209];
	_ =	sdelay $0x1  }
0x4e2: {  	s12 =	sld [smem:$0x189]  }
0x4e3: {  	s13 =	sld [smem:$0x289]  }
0x4e4: {  	s2 =	sadd.f32 s3, s2;
	_ =	sdelay $0x1  }
0x4e5: {  	s3 =	sadd.f32 s2, s12  }
0x4e6: {  	s2 =	sadd.f32 s13, s2  }
0x4e7: {  	[smem:$0x489] =	sst s3  }
0x4e8: {  	[smem:$0x509] =	sst s2  }
0x4e9: {  	s2 =	sld [smem:$0x10A]  }
0x4ea: {  	s3 =	sld [smem:$0x20A];
	_ =	sdelay $0x1  }
0x4eb: {  	s14 =	sld [smem:$0x18A]  }
0x4ec: {  	s15 =	sld [smem:$0x28A]  }
0x4ed: {  	s2 =	sadd.f32 s3, s2;
	_ =	sdelay $0x1  }
0x4ee: {  	s3 =	sadd.f32 s2, s14  }
0x4ef: {  	s2 =	sadd.f32 s15, s2  }
0x4f0: {  	[smem:$0x48A] =	sst s3  }
0x4f1: {  	[smem:$0x50A] =	sst s2  }
0x4f2: {  	s2 =	sld [smem:$0x10B]  }
0x4f3: {  	s3 =	sld [smem:$0x20B];
	_ =	sdelay $0x1  }
0x4f4: {  	s16 =	sld [smem:$0x18B]  }
0x4f5: {  	s17 =	sld [smem:$0x28B]  }
0x4f6: {  	s2 =	sadd.f32 s3, s2;
	_ =	sdelay $0x1  }
0x4f7: {  	s3 =	sadd.f32 s2, s16  }
0x4f8: {  	s2 =	sadd.f32 s17, s2  }
0x4f9: {  	[smem:$0x48B] =	sst s3  }
0x4fa: {  	[smem:$0x50B] =	sst s2  }
0x4fb: {  	s2 =	sld [smem:$0x10C]  }
0x4fc: {  	s3 =	sld [smem:$0x20C];
	_ =	sdelay $0x1  }
0x4fd: {  	s18 =	sld [smem:$0x18C]  }
0x4fe: {  	s19 =	sld [smem:$0x28C]  }
0x4ff: {  	s2 =	sadd.f32 s3, s2;
	_ =	sdelay $0x1  }
0x500: {  	s3 =	sadd.f32 s2, s18  }
0x501: {  	s2 =	sadd.f32 s19, s2  }
0x502: {  	[smem:$0x48C] =	sst s3  }
0x503: {  	[smem:$0x50C] =	sst s2  }
0x504: {  	s2 =	sld [smem:$0x10D]  }
0x505: {  	s3 =	sld [smem:$0x20D];
	_ =	sdelay $0x1  }
0x506: {  	s20 =	sld [smem:$0x18D]  }
0x507: {  	s21 =	sld [smem:$0x28D]  }
0x508: {  	s2 =	sadd.f32 s3, s2;
	_ =	sdelay $0x1  }
0x509: {  	s3 =	sadd.f32 s2, s20  }
0x50a: {  	s2 =	sadd.f32 s21, s2  }
0x50b: {  	[smem:$0x48D] =	sst s3  }
0x50c: {  	[smem:$0x50D] =	sst s2  }
0x50d: {  	s2 =	sld [smem:$0x10E]  }
0x50e: {  	s3 =	sld [smem:$0x20E];
	_ =	sdelay $0x1  }
0x50f: {  	s22 =	sld [smem:$0x18E]  }
0x510: {  	s23 =	sld [smem:$0x28E]  }
0x511: {  	s2 =	sadd.f32 s3, s2;
	_ =	sdelay $0x1  }
0x512: {  	s3 =	sadd.f32 s2, s22  }
0x513: {  	s2 =	sadd.f32 s23, s2  }
0x514: {  	[smem:$0x48E] =	sst s3  }
0x515: {  	[smem:$0x50E] =	sst s2  }
0x516: {  	s2 =	sld [smem:$0x10F]  }
0x517: {  	s3 =	sld [smem:$0x20F];
	_ =	sdelay $0x1  }
0x518: {  	s24 =	sld [smem:$0x18F]  }
0x519: {  	s25 =	sld [smem:$0x28F]  }
0x51a: {  	s2 =	sadd.f32 s3, s2;
	_ =	sdelay $0x1  }
0x51b: {  	s3 =	sadd.f32 s2, s24  }
0x51c: {  	s2 =	sadd.f32 s25, s2  }
0x51d: {  	[smem:$0x48F] =	sst s3  }
0x51e: {  	s26 =	simm.s32 $0x410;
	[smem:$0x50F] =	sst s2  }
0x51f: {  	[hbm:s0], [sflag:s1] =	dma.local [smem:s26], $0x20  }
0x520: {  	_ =	swait.ge [sflag:s1], $0x20  }
0x521: {  	[sflag:s1] =	ssyncset.done $0x0  }
0x522: {  	[sflag:s1] =	ssyncadd.s32 $0xFFFFFFE0  }
0x523: {  	_ =	strace $0x90000046  }
0x524: {  	_ =	sfence  }
0x525: {  	s28 =	sld [smem:$0x0];
	_ =	sdelay $0x1  }
0x526: {  	s29 =	srdreg.scid  }
0x527: {  	s30 =	sshll.u32 s29, $0xD;
	s31 =	sshrl.u32 s29, $0x2  }
0x528: {  	s2 =	sand.u32 $0x4000, s30;
	s1 =	sand.u32 $0x1, s29;
	s0 =	sadd.s32 s31, s28  }
0x529: {  	s1 =	sor.u32 s2, s1;
	s0 =	sshll.u32 s0, $0x11  }
0x52a: {  	s0 =	sor.u32 s0, s1  }
0x52b: {  	s0 =	sadd.s32 $0x8F2B, s0;
	(pc) =	sbr.abs _section_cstart, $3  }
0x52c: {  	[sflag:s0] =	ssyncadd.remote.s32 $0x1  }
0x52d: {  	_ =	strace $0x9FFFFFFF  }
0x52e: {  	(tm) =	ssettm $0x7FFFFFFF  }
0x52f: {  	_ =	shalt  }

</sc_bundles>
